<compile_context>
chip_gen: v7x
topology: tpu7x:2x2x1
jax: 0.10.2.dev20260603
libtpu: 0.0.44.dev20260713+nightly
codegen_flags: <defaults>
</compile_context>

<pallas_src>
import functools

import jax
import jax.numpy as jnp
from jax import lax
from jax.experimental import pallas as pl
from jax.experimental.pallas import tpu as pltpu
from jax.experimental.pallas import tpu_sc as plsc

L = 16

_WE_O = 0
_BE_O = 128
_SB = 160
_W1_O = 160
_B1_O = 224
_WG_O = 240
_BG_O = 368
_WC_O = 376
_BC_O = 408
_WR_O = 410
_BR_O = 426
_B2_O = 430
_W_LEN = 448
_N_SROW = (_W_LEN - _SB) // L


def _rnd_bf16(v):
    u = plsc.bitcast(v, jnp.int32)
    lsb = lax.shift_right_logical(u, 16) & 1
    u = u + jnp.int32(0x7FFF) + lsb
    return plsc.bitcast(u & jnp.int32(-65536), jnp.float32)


@functools.partial(jax.jit, static_argnames=("n_tokens",))
def _sc_moe(xT, wflat, n_tokens):
    mesh = plsc.VectorSubcoreMesh(
        core_axis_name="c", subcore_axis_name="s", num_cores=2, num_subcores=16)
    nw = mesh.num_cores * mesh.num_subcores
    tpw = n_tokens // nw
    assert n_tokens % (nw * L) == 0

    def body(xT_hbm, w_hbm, out_hbm, xv, wv, ov):
        wid = lax.axis_index("s") * mesh.num_cores + lax.axis_index("c")
        base = wid * tpw
        pltpu.sync_copy(w_hbm, wv)
        for d in range(4):
            pltpu.sync_copy(xT_hbm.at[d, pl.ds(base, tpw)], xv.at[d])

        wrow = [wv[pl.ds(_SB + L * k, L)] for k in range(_N_SROW)]

        def sw(i):
            j = i - _SB
            return wrow[j // L][j % L]

        w1 = [[sw(_W1_O + d * 16 + j) for j in range(16)] for d in range(4)]
        b1 = [sw(_B1_O + j) for j in range(16)]
        wg = [[sw(_WG_O + j * 8 + e) for e in range(8)] for j in range(16)]
        bg = [sw(_BG_O + e) for e in range(8)]
        wc = [[sw(_WC_O + j * 2 + c) for c in range(2)] for j in range(16)]
        bc = [sw(_BC_O + c) for c in range(2)]
        wr = [[sw(_WR_O + d * 4 + o) for o in range(4)] for d in range(4)]
        br = [sw(_BR_O + o) for o in range(4)]
        b2 = [sw(_B2_O + o) for o in range(4)]

        @plsc.parallel_loop(0, tpw // L, unroll=2)
        def group(g):
            ts = pl.ds(g * L, L)
            xs = [xv[d, ts] for d in range(4)]

            h = [xs[0] * w1[0][j] + xs[1] * w1[1][j] + xs[2] * w1[2][j]
                 + xs[3] * w1[3][j] + b1[j] for j in range(16)]
            hb = [_rnd_bf16(h[j]) for j in range(16)]

            l = []
            for e in range(8):
                acc = hb[0] * wg[0][e]
                for j in range(1, 16):
                    acc = acc + hb[j] * wg[j][e]
                l.append(acc + bg[e])
            m = l[0]
            for e in range(1, 8):
                m = jnp.maximum(m, l[e])
            idx = jnp.full((L,), 0, jnp.int32)
            for e in range(7, -1, -1):
                idx = jnp.where(l[e] == m, jnp.int32(e), idx)
            s = jnp.exp(l[0] - m)
            for e in range(1, 8):
                s = s + jnp.exp(l[e] - m)
            gate = 1.0 / s

            t0 = hb[0] * wc[0][0]
            t1 = hb[0] * wc[0][1]
            for j in range(1, 16):
                t0 = t0 + hb[j] * wc[j][0]
                t1 = t1 + hb[j] * wc[j][1]
            t0 = t0 + bc[0]
            t1 = t1 + bc[1]
            m2 = jnp.maximum(t0, t1)
            e0 = jnp.exp(t0 - m2)
            e1 = jnp.exp(t1 - m2)
            se = e0 + e1
            c1 = e1 / se
            g0 = gate * (e0 / se)

            pe = idx * 16
            pb = idx * 4 + _BE_O
            y = []
            for o in range(4):
                acc = plsc.load_gather(wv, [pb + o])
                for d in range(4):
                    w = plsc.load_gather(wv, [pe + (d * 4 + o)])
                    acc = acc + xs[d] * w
                y.append(acc)

            for o in range(4):
                r = (xs[0] * wr[0][o] + xs[1] * wr[1][o] + xs[2] * wr[2][o]
                     + xs[3] * wr[3][o] + br[o])
                ov[o, ts] = g0 * y[o] + c1 * r + b2[o]

        for d in range(4):
            pltpu.sync_copy(ov.at[d], out_hbm.at[d, pl.ds(base, tpw)])

    run = pl.kernel(
        body,
        out_type=jax.ShapeDtypeStruct((4, n_tokens), jnp.float32),
        mesh=mesh,
        scratch_types=[
            pltpu.VMEM((4, tpw), jnp.float32),
            pltpu.VMEM((_W_LEN,), jnp.float32),
            pltpu.VMEM((4, tpw), jnp.float32),
        ],
        compiler_params=pltpu.CompilerParams(needs_layout_passes=False),
    )
    return run(xT, wflat)


def _bf16r(w):
    u = jax.lax.bitcast_convert_type(w, jnp.int32)
    lsb = jax.lax.shift_right_logical(u, 16) & 1
    u = u + jnp.int32(0x7FFF) + lsb
    return jax.lax.bitcast_convert_type(u & jnp.int32(-65536), jnp.float32)


def kernel(x, W1, b1, Wg, bg, We, be, Wr, br, Wc, bc, W2, b2):
    n = x.shape[0]
    We_f = jnp.einsum("di,eij,jo->edo", W1, We, W2)
    be_f = (jnp.einsum("i,eij->ej", b1, We) + be) @ W2
    Wr_f = W1 @ Wr @ W2
    br_f = (b1 @ Wr + br) @ W2
    wflat = jnp.concatenate([
        We_f.reshape(-1), be_f.reshape(-1),
        _bf16r(W1).reshape(-1), b1,
        _bf16r(Wg).reshape(-1), bg,
        _bf16r(Wc).reshape(-1), bc,
        Wr_f.reshape(-1), br_f, b2,
        jnp.zeros((_W_LEN - 434,), jnp.float32),
    ])
    xTr = _bf16r(x.T)
    outT = _sc_moe(xTr, wflat, n)
    return outT.T

# --- scband reference (transcript-rebuilt; emitter-appended) ---
"""Pipeline reference for scband-moe-model-81226421502503 (READ-ONLY COPY).

The authoritative reference and input builder live on the scoring server;
editing this copy changes nothing except your own understanding.
"""

import jax, jax.numpy as jnp
import numpy as np

N_TOKENS = 32768
D_IN = 4
D_MODEL = 16
N_EXPERTS = 8

def setup_inputs(seed: int = 0) -> dict:
    key = jax.random.key(seed)
    ks = jax.random.split(key, 12)
    x = jax.random.normal(ks[0], (N_TOKENS, D_IN), dtype=jnp.float32)
    W1 = jax.random.normal(ks[1], (D_IN, D_MODEL), dtype=jnp.float32) * 0.5
    b1 = jnp.zeros((D_MODEL,), dtype=jnp.float32)
    Wg = jax.random.normal(ks[2], (D_MODEL, N_EXPERTS), dtype=jnp.float32) * 0.25
    bg = jnp.zeros((N_EXPERTS,), dtype=jnp.float32)
    We = jax.random.normal(ks[3], (N_EXPERTS, D_MODEL, D_MODEL), dtype=jnp.float32) * 0.25
    be = jnp.zeros((N_EXPERTS, D_MODEL), dtype=jnp.float32)
    Wr = jax.random.normal(ks[4], (D_MODEL, D_MODEL), dtype=jnp.float32) * 0.25
    br = jnp.zeros((D_MODEL,), dtype=jnp.float32)
    Wc = jax.random.normal(ks[5], (D_MODEL, 2), dtype=jnp.float32) * 0.25
    bc = jnp.zeros((2,), dtype=jnp.float32)
    W2 = jax.random.normal(ks[6], (D_MODEL, D_IN), dtype=jnp.float32) * 0.25
    b2 = jnp.zeros((D_IN,), dtype=jnp.float32)
    return {"x": x, "W1": W1, "b1": b1, "Wg": Wg, "bg": bg, "We": We, "be": be,
            "Wr": Wr, "br": br, "Wc": Wc, "bc": bc, "W2": W2, "b2": b2}

def reference(x, W1, b1, Wg, bg, We, be, Wr, br, Wc, bc, W2, b2):
    # proj1
    h = x @ W1 + b1
    # MoE with top-1 routing + residual expert (DeepSpeed PR-MoE style)
    logits = h @ Wg + bg
    probs = jax.nn.softmax(logits, axis=-1)
    idx = jnp.argmax(probs, axis=-1)                      # [N] int routing
    gate = jnp.take_along_axis(probs, idx[:, None], axis=-1)  # [N,1]
    We_tok = jnp.take(We, idx, axis=0)                    # [N, D, D] gather expert weights
    be_tok = jnp.take(be, idx, axis=0)                    # [N, D]
    y = jnp.einsum('nd,nde->ne', h, We_tok) + be_tok
    y = y * gate
    # residual (shared) expert with learned mixing coefficient
    r = h @ Wr + br
    coef = jax.nn.softmax(h @ Wc + bc, axis=-1)           # [N,2]
    comb = y * coef[:, 0:1] + r * coef[:, 1:2]
    # proj2
    out = comb @ W2 + b2
    return out

if __name__ == "__main__":
    import jax
    _d = setup_inputs()
    print(jax.jit(kernel)(*tuple(_d.values())))

</pallas_src>

<mosaic_0001>
#map = affine_map<(d0, d1) -> (0, 0)>
#map1 = affine_map<(d0, d1) -> (0)>
module attributes {stable_mosaic.version = 14 : i64} {
  func.func @body(%arg0: i32, %arg1: i32, %arg2: memref<4x32768xf32, #tpu.memory_space<hbm>>, %arg3: memref<448xf32, #tpu.memory_space<hbm>>, %arg4: memref<4x32768xf32, #tpu.memory_space<hbm>>, %arg5: memref<4x1024xf32, #tpu.memory_space<vmem>>, %arg6: memref<448xf32, #tpu.memory_space<vmem>>, %arg7: memref<4x1024xf32, #tpu.memory_space<vmem>>) attributes {dimension_semantics = [#tpu.dimension_semantics<core_parallel>, #tpu.dimension_semantics<subcore_parallel>], iteration_bounds = array<i64: 2, 16>, scalar_prefetch = 0 : i64, scratch_operands = 3 : i64, tpu.core_type = #tpu.core_type<sc_vector_subcore>, window_params = [{transform_indices = #map}, {transform_indices = #map1}, {transform_indices = #map}]} {
    %mul3A = arith.constant 2 : i32
    %mul3A_0 = arith.muli %arg1, %mul3A : i32
    %add3A = arith.addi %mul3A_0, %arg0 : i32
    %mul3A_1 = arith.constant 1024 : i32
    %mul3A_2 = arith.muli %add3A, %mul3A_1 : i32
    "tpu.region"() ({
      %run_scoped3A_601 = tpu.sem_alloc : memref<!tpu.dma_semaphore, #tpu.memory_space<semaphore_mem>>
      tpu.enqueue_dma source(%arg3 : memref<448xf32, #tpu.memory_space<hbm>>) target(%arg6 : memref<448xf32, #tpu.memory_space<vmem>>) target_semaphore(%run_scoped3A_601 : memref<!tpu.dma_semaphore, #tpu.memory_space<semaphore_mem>>)
      tpu.wait_dma2 semaphore(%run_scoped3A_601 : memref<!tpu.dma_semaphore, #tpu.memory_space<semaphore_mem>>) src(%arg3 : memref<448xf32, #tpu.memory_space<hbm>>) dst(%arg6 : memref<448xf32, #tpu.memory_space<vmem>>)
      tpu.yield
    }) : () -> ()
    %run_scoped3A = arith.constant 0 : i32
    %run_scoped3A_3 = arith.constant 0 : i32
    "tpu.region"() ({
      %run_scoped3A_601 = tpu.sem_alloc : memref<!tpu.dma_semaphore, #tpu.memory_space<semaphore_mem>>
      %dma_start3A = arith.constant 0 : i32
      %dma_start3A_602 = tpu.memref_slice %arg5[%run_scoped3A_3, %dma_start3A] : memref<4x1024xf32, #tpu.memory_space<vmem>> -> memref<1x1024xf32, #tpu.memory_space<vmem>>
      %dma_start3A_603 = tpu.memref_squeeze %dma_start3A_602 : memref<1x1024xf32, #tpu.memory_space<vmem>> -> memref<1024xf32, #tpu.memory_space<vmem>>
      %dma_start3A_604 = tpu.memref_slice %arg2[%run_scoped3A, %mul3A_2] : memref<4x32768xf32, #tpu.memory_space<hbm>> -> memref<1x1024xf32, #tpu.memory_space<hbm>>
      %dma_start3A_605 = tpu.memref_squeeze %dma_start3A_604 : memref<1x1024xf32, #tpu.memory_space<hbm>> -> memref<1024xf32, #tpu.memory_space<hbm>>
      %dma_start3A_606 = arith.constant 0 : i32
      %dma_start3A_607 = tpu.memref_slice %arg5[%run_scoped3A_3, %dma_start3A_606] : memref<4x1024xf32, #tpu.memory_space<vmem>> -> memref<1x1024xf32, #tpu.memory_space<vmem>>
      %dma_start3A_608 = tpu.memref_squeeze %dma_start3A_607 : memref<1x1024xf32, #tpu.memory_space<vmem>> -> memref<1024xf32, #tpu.memory_space<vmem>>
      %dma_start3A_609 = tpu.memref_slice %arg2[%run_scoped3A, %mul3A_2] : memref<4x32768xf32, #tpu.memory_space<hbm>> -> memref<1x1024xf32, #tpu.memory_space<hbm>>
      %dma_start3A_610 = tpu.memref_squeeze %dma_start3A_609 : memref<1x1024xf32, #tpu.memory_space<hbm>> -> memref<1024xf32, #tpu.memory_space<hbm>>
      tpu.enqueue_dma source(%dma_start3A_610 : memref<1024xf32, #tpu.memory_space<hbm>>) target(%dma_start3A_608 : memref<1024xf32, #tpu.memory_space<vmem>>) target_semaphore(%run_scoped3A_601 : memref<!tpu.dma_semaphore, #tpu.memory_space<semaphore_mem>>)
      %dma_wait3A = arith.constant 0 : i32
      %dma_wait3A_611 = tpu.memref_slice %arg5[%run_scoped3A_3, %dma_wait3A] : memref<4x1024xf32, #tpu.memory_space<vmem>> -> memref<1x1024xf32, #tpu.memory_space<vmem>>
      %dma_wait3A_612 = tpu.memref_squeeze %dma_wait3A_611 : memref<1x1024xf32, #tpu.memory_space<vmem>> -> memref<1024xf32, #tpu.memory_space<vmem>>
      %dma_wait3A_613 = tpu.memref_slice %arg2[%run_scoped3A, %mul3A_2] : memref<4x32768xf32, #tpu.memory_space<hbm>> -> memref<1x1024xf32, #tpu.memory_space<hbm>>
      %dma_wait3A_614 = tpu.memref_squeeze %dma_wait3A_613 : memref<1x1024xf32, #tpu.memory_space<hbm>> -> memref<1024xf32, #tpu.memory_space<hbm>>
      %dma_wait3A_615 = arith.constant 0 : i32
      %dma_wait3A_616 = tpu.memref_slice %arg5[%run_scoped3A_3, %dma_wait3A_615] : memref<4x1024xf32, #tpu.memory_space<vmem>> -> memref<1x1024xf32, #tpu.memory_space<vmem>>
      %dma_wait3A_617 = tpu.memref_squeeze %dma_wait3A_616 : memref<1x1024xf32, #tpu.memory_space<vmem>> -> memref<1024xf32, #tpu.memory_space<vmem>>
      %dma_wait3A_618 = tpu.memref_slice %arg2[%run_scoped3A, %mul3A_2] : memref<4x32768xf32, #tpu.memory_space<hbm>> -> memref<1x1024xf32, #tpu.memory_space<hbm>>
      %dma_wait3A_619 = tpu.memref_squeeze %dma_wait3A_618 : memref<1x1024xf32, #tpu.memory_space<hbm>> -> memref<1024xf32, #tpu.memory_space<hbm>>
      tpu.wait_dma2 semaphore(%run_scoped3A_601 : memref<!tpu.dma_semaphore, #tpu.memory_space<semaphore_mem>>) src(%dma_wait3A_619 : memref<1024xf32, #tpu.memory_space<hbm>>) dst(%dma_wait3A_617 : memref<1024xf32, #tpu.memory_space<vmem>>)
      tpu.yield
    }) : () -> ()
    %run_scoped3A_4 = arith.constant 1 : i32
    %run_scoped3A_5 = arith.constant 1 : i32
    "tpu.region"() ({
      %run_scoped3A_601 = tpu.sem_alloc : memref<!tpu.dma_semaphore, #tpu.memory_space<semaphore_mem>>
      %dma_start3A = arith.constant 0 : i32
      %dma_start3A_602 = tpu.memref_slice %arg5[%run_scoped3A_5, %dma_start3A] : memref<4x1024xf32, #tpu.memory_space<vmem>> -> memref<1x1024xf32, #tpu.memory_space<vmem>>
      %dma_start3A_603 = tpu.memref_squeeze %dma_start3A_602 : memref<1x1024xf32, #tpu.memory_space<vmem>> -> memref<1024xf32, #tpu.memory_space<vmem>>
      %dma_start3A_604 = tpu.memref_slice %arg2[%run_scoped3A_4, %mul3A_2] : memref<4x32768xf32, #tpu.memory_space<hbm>> -> memref<1x1024xf32, #tpu.memory_space<hbm>>
      %dma_start3A_605 = tpu.memref_squeeze %dma_start3A_604 : memref<1x1024xf32, #tpu.memory_space<hbm>> -> memref<1024xf32, #tpu.memory_space<hbm>>
      %dma_start3A_606 = arith.constant 0 : i32
      %dma_start3A_607 = tpu.memref_slice %arg5[%run_scoped3A_5, %dma_start3A_606] : memref<4x1024xf32, #tpu.memory_space<vmem>> -> memref<1x1024xf32, #tpu.memory_space<vmem>>
      %dma_start3A_608 = tpu.memref_squeeze %dma_start3A_607 : memref<1x1024xf32, #tpu.memory_space<vmem>> -> memref<1024xf32, #tpu.memory_space<vmem>>
      %dma_start3A_609 = tpu.memref_slice %arg2[%run_scoped3A_4, %mul3A_2] : memref<4x32768xf32, #tpu.memory_space<hbm>> -> memref<1x1024xf32, #tpu.memory_space<hbm>>
      %dma_start3A_610 = tpu.memref_squeeze %dma_start3A_609 : memref<1x1024xf32, #tpu.memory_space<hbm>> -> memref<1024xf32, #tpu.memory_space<hbm>>
      tpu.enqueue_dma source(%dma_start3A_610 : memref<1024xf32, #tpu.memory_space<hbm>>) target(%dma_start3A_608 : memref<1024xf32, #tpu.memory_space<vmem>>) target_semaphore(%run_scoped3A_601 : memref<!tpu.dma_semaphore, #tpu.memory_space<semaphore_mem>>)
      %dma_wait3A = arith.constant 0 : i32
      %dma_wait3A_611 = tpu.memref_slice %arg5[%run_scoped3A_5, %dma_wait3A] : memref<4x1024xf32, #tpu.memory_space<vmem>> -> memref<1x1024xf32, #tpu.memory_space<vmem>>
      %dma_wait3A_612 = tpu.memref_squeeze %dma_wait3A_611 : memref<1x1024xf32, #tpu.memory_space<vmem>> -> memref<1024xf32, #tpu.memory_space<vmem>>
      %dma_wait3A_613 = tpu.memref_slice %arg2[%run_scoped3A_4, %mul3A_2] : memref<4x32768xf32, #tpu.memory_space<hbm>> -> memref<1x1024xf32, #tpu.memory_space<hbm>>
      %dma_wait3A_614 = tpu.memref_squeeze %dma_wait3A_613 : memref<1x1024xf32, #tpu.memory_space<hbm>> -> memref<1024xf32, #tpu.memory_space<hbm>>
      %dma_wait3A_615 = arith.constant 0 : i32
      %dma_wait3A_616 = tpu.memref_slice %arg5[%run_scoped3A_5, %dma_wait3A_615] : memref<4x1024xf32, #tpu.memory_space<vmem>> -> memref<1x1024xf32, #tpu.memory_space<vmem>>
      %dma_wait3A_617 = tpu.memref_squeeze %dma_wait3A_616 : memref<1x1024xf32, #tpu.memory_space<vmem>> -> memref<1024xf32, #tpu.memory_space<vmem>>
      %dma_wait3A_618 = tpu.memref_slice %arg2[%run_scoped3A_4, %mul3A_2] : memref<4x32768xf32, #tpu.memory_space<hbm>> -> memref<1x1024xf32, #tpu.memory_space<hbm>>
      %dma_wait3A_619 = tpu.memref_squeeze %dma_wait3A_618 : memref<1x1024xf32, #tpu.memory_space<hbm>> -> memref<1024xf32, #tpu.memory_space<hbm>>
      tpu.wait_dma2 semaphore(%run_scoped3A_601 : memref<!tpu.dma_semaphore, #tpu.memory_space<semaphore_mem>>) src(%dma_wait3A_619 : memref<1024xf32, #tpu.memory_space<hbm>>) dst(%dma_wait3A_617 : memref<1024xf32, #tpu.memory_space<vmem>>)
      tpu.yield
    }) : () -> ()
    %run_scoped3A_6 = arith.constant 2 : i32
    %run_scoped3A_7 = arith.constant 2 : i32
    "tpu.region"() ({
      %run_scoped3A_601 = tpu.sem_alloc : memref<!tpu.dma_semaphore, #tpu.memory_space<semaphore_mem>>
      %dma_start3A = arith.constant 0 : i32
      %dma_start3A_602 = tpu.memref_slice %arg5[%run_scoped3A_7, %dma_start3A] : memref<4x1024xf32, #tpu.memory_space<vmem>> -> memref<1x1024xf32, #tpu.memory_space<vmem>>
      %dma_start3A_603 = tpu.memref_squeeze %dma_start3A_602 : memref<1x1024xf32, #tpu.memory_space<vmem>> -> memref<1024xf32, #tpu.memory_space<vmem>>
      %dma_start3A_604 = tpu.memref_slice %arg2[%run_scoped3A_6, %mul3A_2] : memref<4x32768xf32, #tpu.memory_space<hbm>> -> memref<1x1024xf32, #tpu.memory_space<hbm>>
      %dma_start3A_605 = tpu.memref_squeeze %dma_start3A_604 : memref<1x1024xf32, #tpu.memory_space<hbm>> -> memref<1024xf32, #tpu.memory_space<hbm>>
      %dma_start3A_606 = arith.constant 0 : i32
      %dma_start3A_607 = tpu.memref_slice %arg5[%run_scoped3A_7, %dma_start3A_606] : memref<4x1024xf32, #tpu.memory_space<vmem>> -> memref<1x1024xf32, #tpu.memory_space<vmem>>
      %dma_start3A_608 = tpu.memref_squeeze %dma_start3A_607 : memref<1x1024xf32, #tpu.memory_space<vmem>> -> memref<1024xf32, #tpu.memory_space<vmem>>
      %dma_start3A_609 = tpu.memref_slice %arg2[%run_scoped3A_6, %mul3A_2] : memref<4x32768xf32, #tpu.memory_space<hbm>> -> memref<1x1024xf32, #tpu.memory_space<hbm>>
      %dma_start3A_610 = tpu.memref_squeeze %dma_start3A_609 : memref<1x1024xf32, #tpu.memory_space<hbm>> -> memref<1024xf32, #tpu.memory_space<hbm>>
      tpu.enqueue_dma source(%dma_start3A_610 : memref<1024xf32, #tpu.memory_space<hbm>>) target(%dma_start3A_608 : memref<1024xf32, #tpu.memory_space<vmem>>) target_semaphore(%run_scoped3A_601 : memref<!tpu.dma_semaphore, #tpu.memory_space<semaphore_mem>>)
      %dma_wait3A = arith.constant 0 : i32
      %dma_wait3A_611 = tpu.memref_slice %arg5[%run_scoped3A_7, %dma_wait3A] : memref<4x1024xf32, #tpu.memory_space<vmem>> -> memref<1x1024xf32, #tpu.memory_space<vmem>>
      %dma_wait3A_612 = tpu.memref_squeeze %dma_wait3A_611 : memref<1x1024xf32, #tpu.memory_space<vmem>> -> memref<1024xf32, #tpu.memory_space<vmem>>
      %dma_wait3A_613 = tpu.memref_slice %arg2[%run_scoped3A_6, %mul3A_2] : memref<4x32768xf32, #tpu.memory_space<hbm>> -> memref<1x1024xf32, #tpu.memory_space<hbm>>
      %dma_wait3A_614 = tpu.memref_squeeze %dma_wait3A_613 : memref<1x1024xf32, #tpu.memory_space<hbm>> -> memref<1024xf32, #tpu.memory_space<hbm>>
      %dma_wait3A_615 = arith.constant 0 : i32
      %dma_wait3A_616 = tpu.memref_slice %arg5[%run_scoped3A_7, %dma_wait3A_615] : memref<4x1024xf32, #tpu.memory_space<vmem>> -> memref<1x1024xf32, #tpu.memory_space<vmem>>
      %dma_wait3A_617 = tpu.memref_squeeze %dma_wait3A_616 : memref<1x1024xf32, #tpu.memory_space<vmem>> -> memref<1024xf32, #tpu.memory_space<vmem>>
      %dma_wait3A_618 = tpu.memref_slice %arg2[%run_scoped3A_6, %mul3A_2] : memref<4x32768xf32, #tpu.memory_space<hbm>> -> memref<1x1024xf32, #tpu.memory_space<hbm>>
      %dma_wait3A_619 = tpu.memref_squeeze %dma_wait3A_618 : memref<1x1024xf32, #tpu.memory_space<hbm>> -> memref<1024xf32, #tpu.memory_space<hbm>>
      tpu.wait_dma2 semaphore(%run_scoped3A_601 : memref<!tpu.dma_semaphore, #tpu.memory_space<semaphore_mem>>) src(%dma_wait3A_619 : memref<1024xf32, #tpu.memory_space<hbm>>) dst(%dma_wait3A_617 : memref<1024xf32, #tpu.memory_space<vmem>>)
      tpu.yield
    }) : () -> ()
    %run_scoped3A_8 = arith.constant 3 : i32
    %run_scoped3A_9 = arith.constant 3 : i32
    "tpu.region"() ({
      %run_scoped3A_601 = tpu.sem_alloc : memref<!tpu.dma_semaphore, #tpu.memory_space<semaphore_mem>>
      %dma_start3A = arith.constant 0 : i32
      %dma_start3A_602 = tpu.memref_slice %arg5[%run_scoped3A_9, %dma_start3A] : memref<4x1024xf32, #tpu.memory_space<vmem>> -> memref<1x1024xf32, #tpu.memory_space<vmem>>
      %dma_start3A_603 = tpu.memref_squeeze %dma_start3A_602 : memref<1x1024xf32, #tpu.memory_space<vmem>> -> memref<1024xf32, #tpu.memory_space<vmem>>
      %dma_start3A_604 = tpu.memref_slice %arg2[%run_scoped3A_8, %mul3A_2] : memref<4x32768xf32, #tpu.memory_space<hbm>> -> memref<1x1024xf32, #tpu.memory_space<hbm>>
      %dma_start3A_605 = tpu.memref_squeeze %dma_start3A_604 : memref<1x1024xf32, #tpu.memory_space<hbm>> -> memref<1024xf32, #tpu.memory_space<hbm>>
      %dma_start3A_606 = arith.constant 0 : i32
      %dma_start3A_607 = tpu.memref_slice %arg5[%run_scoped3A_9, %dma_start3A_606] : memref<4x1024xf32, #tpu.memory_space<vmem>> -> memref<1x1024xf32, #tpu.memory_space<vmem>>
      %dma_start3A_608 = tpu.memref_squeeze %dma_start3A_607 : memref<1x1024xf32, #tpu.memory_space<vmem>> -> memref<1024xf32, #tpu.memory_space<vmem>>
      %dma_start3A_609 = tpu.memref_slice %arg2[%run_scoped3A_8, %mul3A_2] : memref<4x32768xf32, #tpu.memory_space<hbm>> -> memref<1x1024xf32, #tpu.memory_space<hbm>>
      %dma_start3A_610 = tpu.memref_squeeze %dma_start3A_609 : memref<1x1024xf32, #tpu.memory_space<hbm>> -> memref<1024xf32, #tpu.memory_space<hbm>>
      tpu.enqueue_dma source(%dma_start3A_610 : memref<1024xf32, #tpu.memory_space<hbm>>) target(%dma_start3A_608 : memref<1024xf32, #tpu.memory_space<vmem>>) target_semaphore(%run_scoped3A_601 : memref<!tpu.dma_semaphore, #tpu.memory_space<semaphore_mem>>)
      %dma_wait3A = arith.constant 0 : i32
      %dma_wait3A_611 = tpu.memref_slice %arg5[%run_scoped3A_9, %dma_wait3A] : memref<4x1024xf32, #tpu.memory_space<vmem>> -> memref<1x1024xf32, #tpu.memory_space<vmem>>
      %dma_wait3A_612 = tpu.memref_squeeze %dma_wait3A_611 : memref<1x1024xf32, #tpu.memory_space<vmem>> -> memref<1024xf32, #tpu.memory_space<vmem>>
      %dma_wait3A_613 = tpu.memref_slice %arg2[%run_scoped3A_8, %mul3A_2] : memref<4x32768xf32, #tpu.memory_space<hbm>> -> memref<1x1024xf32, #tpu.memory_space<hbm>>
      %dma_wait3A_614 = tpu.memref_squeeze %dma_wait3A_613 : memref<1x1024xf32, #tpu.memory_space<hbm>> -> memref<1024xf32, #tpu.memory_space<hbm>>
      %dma_wait3A_615 = arith.constant 0 : i32
      %dma_wait3A_616 = tpu.memref_slice %arg5[%run_scoped3A_9, %dma_wait3A_615] : memref<4x1024xf32, #tpu.memory_space<vmem>> -> memref<1x1024xf32, #tpu.memory_space<vmem>>
      %dma_wait3A_617 = tpu.memref_squeeze %dma_wait3A_616 : memref<1x1024xf32, #tpu.memory_space<vmem>> -> memref<1024xf32, #tpu.memory_space<vmem>>
      %dma_wait3A_618 = tpu.memref_slice %arg2[%run_scoped3A_8, %mul3A_2] : memref<4x32768xf32, #tpu.memory_space<hbm>> -> memref<1x1024xf32, #tpu.memory_space<hbm>>
      %dma_wait3A_619 = tpu.memref_squeeze %dma_wait3A_618 : memref<1x1024xf32, #tpu.memory_space<hbm>> -> memref<1024xf32, #tpu.memory_space<hbm>>
      tpu.wait_dma2 semaphore(%run_scoped3A_601 : memref<!tpu.dma_semaphore, #tpu.memory_space<semaphore_mem>>) src(%dma_wait3A_619 : memref<1024xf32, #tpu.memory_space<hbm>>) dst(%dma_wait3A_617 : memref<1024xf32, #tpu.memory_space<vmem>>)
      tpu.yield
    }) : () -> ()
    %get3A = arith.constant 160 : index
    %get3A_10 = tpu.vector_load %arg6[%get3A] {strides = array<i32>} : memref<448xf32, #tpu.memory_space<vmem>>, vector<16xf32>,
    %get3A_11 = arith.constant 176 : index
    %get3A_12 = tpu.vector_load %arg6[%get3A_11] {strides = array<i32>} : memref<448xf32, #tpu.memory_space<vmem>>, vector<16xf32>,
    %get3A_13 = arith.constant 192 : index
    %get3A_14 = tpu.vector_load %arg6[%get3A_13] {strides = array<i32>} : memref<448xf32, #tpu.memory_space<vmem>>, vector<16xf32>,
    %get3A_15 = arith.constant 208 : index
    %get3A_16 = tpu.vector_load %arg6[%get3A_15] {strides = array<i32>} : memref<448xf32, #tpu.memory_space<vmem>>, vector<16xf32>,
    %get3A_17 = arith.constant 224 : index
    %get3A_18 = tpu.vector_load %arg6[%get3A_17] {strides = array<i32>} : memref<448xf32, #tpu.memory_space<vmem>>, vector<16xf32>,
    %get3A_19 = arith.constant 240 : index
    %get3A_20 = tpu.vector_load %arg6[%get3A_19] {strides = array<i32>} : memref<448xf32, #tpu.memory_space<vmem>>, vector<16xf32>,
    %get3A_21 = arith.constant 256 : index
    %get3A_22 = tpu.vector_load %arg6[%get3A_21] {strides = array<i32>} : memref<448xf32, #tpu.memory_space<vmem>>, vector<16xf32>,
    %get3A_23 = arith.constant 272 : index
    %get3A_24 = tpu.vector_load %arg6[%get3A_23] {strides = array<i32>} : memref<448xf32, #tpu.memory_space<vmem>>, vector<16xf32>,
    %get3A_25 = arith.constant 288 : index
    %get3A_26 = tpu.vector_load %arg6[%get3A_25] {strides = array<i32>} : memref<448xf32, #tpu.memory_space<vmem>>, vector<16xf32>,
    %get3A_27 = arith.constant 304 : index
    %get3A_28 = tpu.vector_load %arg6[%get3A_27] {strides = array<i32>} : memref<448xf32, #tpu.memory_space<vmem>>, vector<16xf32>,
    %get3A_29 = arith.constant 320 : index
    %get3A_30 = tpu.vector_load %arg6[%get3A_29] {strides = array<i32>} : memref<448xf32, #tpu.memory_space<vmem>>, vector<16xf32>,
    %get3A_31 = arith.constant 336 : index
    %get3A_32 = tpu.vector_load %arg6[%get3A_31] {strides = array<i32>} : memref<448xf32, #tpu.memory_space<vmem>>, vector<16xf32>,
    %get3A_33 = arith.constant 352 : index
    %get3A_34 = tpu.vector_load %arg6[%get3A_33] {strides = array<i32>} : memref<448xf32, #tpu.memory_space<vmem>>, vector<16xf32>,
    %get3A_35 = arith.constant 368 : index
    %get3A_36 = tpu.vector_load %arg6[%get3A_35] {strides = array<i32>} : memref<448xf32, #tpu.memory_space<vmem>>, vector<16xf32>,
    %get3A_37 = arith.constant 384 : index
    %get3A_38 = tpu.vector_load %arg6[%get3A_37] {strides = array<i32>} : memref<448xf32, #tpu.memory_space<vmem>>, vector<16xf32>,
    %get3A_39 = arith.constant 400 : index
    %get3A_40 = tpu.vector_load %arg6[%get3A_39] {strides = array<i32>} : memref<448xf32, #tpu.memory_space<vmem>>, vector<16xf32>,
    %get3A_41 = arith.constant 416 : index
    %get3A_42 = tpu.vector_load %arg6[%get3A_41] {strides = array<i32>} : memref<448xf32, #tpu.memory_space<vmem>>, vector<16xf32>,
    %get3A_43 = arith.constant 432 : index
    %get3A_44 = tpu.vector_load %arg6[%get3A_43] {strides = array<i32>} : memref<448xf32, #tpu.memory_space<vmem>>, vector<16xf32>,
    %slice3A = vector.extract_strided_slice %get3A_10 {offsets = [0], sizes = [1], strides = [1]} : vector<16xf32> to vector<1xf32>
    %squeeze3A = vector.extract %slice3A[0] : f32 from vector<1xf32>
    %slice3A_45 = vector.extract_strided_slice %get3A_10 {offsets = [1], sizes = [1], strides = [1]} : vector<16xf32> to vector<1xf32>
    %squeeze3A_46 = vector.extract %slice3A_45[0] : f32 from vector<1xf32>
    %slice3A_47 = vector.extract_strided_slice %get3A_10 {offsets = [2], sizes = [1], strides = [1]} : vector<16xf32> to vector<1xf32>
    %squeeze3A_48 = vector.extract %slice3A_47[0] : f32 from vector<1xf32>
    %slice3A_49 = vector.extract_strided_slice %get3A_10 {offsets = [3], sizes = [1], strides = [1]} : vector<16xf32> to vector<1xf32>
    %squeeze3A_50 = vector.extract %slice3A_49[0] : f32 from vector<1xf32>
    %slice3A_51 = vector.extract_strided_slice %get3A_10 {offsets = [4], sizes = [1], strides = [1]} : vector<16xf32> to vector<1xf32>
    %squeeze3A_52 = vector.extract %slice3A_51[0] : f32 from vector<1xf32>
    %slice3A_53 = vector.extract_strided_slice %get3A_10 {offsets = [5], sizes = [1], strides = [1]} : vector<16xf32> to vector<1xf32>
    %squeeze3A_54 = vector.extract %slice3A_53[0] : f32 from vector<1xf32>
    %slice3A_55 = vector.extract_strided_slice %get3A_10 {offsets = [6], sizes = [1], strides = [1]} : vector<16xf32> to vector<1xf32>
    %squeeze3A_56 = vector.extract %slice3A_55[0] : f32 from vector<1xf32>
    %slice3A_57 = vector.extract_strided_slice %get3A_10 {offsets = [7], sizes = [1], strides = [1]} : vector<16xf32> to vector<1xf32>
    %squeeze3A_58 = vector.extract %slice3A_57[0] : f32 from vector<1xf32>
    %slice3A_59 = vector.extract_strided_slice %get3A_10 {offsets = [8], sizes = [1], strides = [1]} : vector<16xf32> to vector<1xf32>
    %squeeze3A_60 = vector.extract %slice3A_59[0] : f32 from vector<1xf32>
    %slice3A_61 = vector.extract_strided_slice %get3A_10 {offsets = [9], sizes = [1], strides = [1]} : vector<16xf32> to vector<1xf32>
    %squeeze3A_62 = vector.extract %slice3A_61[0] : f32 from vector<1xf32>
    %slice3A_63 = vector.extract_strided_slice %get3A_10 {offsets = [10], sizes = [1], strides = [1]} : vector<16xf32> to vector<1xf32>
    %squeeze3A_64 = vector.extract %slice3A_63[0] : f32 from vector<1xf32>
    %slice3A_65 = vector.extract_strided_slice %get3A_10 {offsets = [11], sizes = [1], strides = [1]} : vector<16xf32> to vector<1xf32>
    %squeeze3A_66 = vector.extract %slice3A_65[0] : f32 from vector<1xf32>
    %slice3A_67 = vector.extract_strided_slice %get3A_10 {offsets = [12], sizes = [1], strides = [1]} : vector<16xf32> to vector<1xf32>
    %squeeze3A_68 = vector.extract %slice3A_67[0] : f32 from vector<1xf32>
    %slice3A_69 = vector.extract_strided_slice %get3A_10 {offsets = [13], sizes = [1], strides = [1]} : vector<16xf32> to vector<1xf32>
    %squeeze3A_70 = vector.extract %slice3A_69[0] : f32 from vector<1xf32>
    %slice3A_71 = vector.extract_strided_slice %get3A_10 {offsets = [14], sizes = [1], strides = [1]} : vector<16xf32> to vector<1xf32>
    %squeeze3A_72 = vector.extract %slice3A_71[0] : f32 from vector<1xf32>
    %slice3A_73 = vector.extract_strided_slice %get3A_10 {offsets = [15], sizes = [1], strides = [1]} : vector<16xf32> to vector<1xf32>
    %squeeze3A_74 = vector.extract %slice3A_73[0] : f32 from vector<1xf32>
    %slice3A_75 = vector.extract_strided_slice %get3A_12 {offsets = [0], sizes = [1], strides = [1]} : vector<16xf32> to vector<1xf32>
    %squeeze3A_76 = vector.extract %slice3A_75[0] : f32 from vector<1xf32>
    %slice3A_77 = vector.extract_strided_slice %get3A_12 {offsets = [1], sizes = [1], strides = [1]} : vector<16xf32> to vector<1xf32>
    %squeeze3A_78 = vector.extract %slice3A_77[0] : f32 from vector<1xf32>
    %slice3A_79 = vector.extract_strided_slice %get3A_12 {offsets = [2], sizes = [1], strides = [1]} : vector<16xf32> to vector<1xf32>
    %squeeze3A_80 = vector.extract %slice3A_79[0] : f32 from vector<1xf32>
    %slice3A_81 = vector.extract_strided_slice %get3A_12 {offsets = [3], sizes = [1], strides = [1]} : vector<16xf32> to vector<1xf32>
    %squeeze3A_82 = vector.extract %slice3A_81[0] : f32 from vector<1xf32>
    %slice3A_83 = vector.extract_strided_slice %get3A_12 {offsets = [4], sizes = [1], strides = [1]} : vector<16xf32> to vector<1xf32>
    %squeeze3A_84 = vector.extract %slice3A_83[0] : f32 from vector<1xf32>
    %slice3A_85 = vector.extract_strided_slice %get3A_12 {offsets = [5], sizes = [1], strides = [1]} : vector<16xf32> to vector<1xf32>
    %squeeze3A_86 = vector.extract %slice3A_85[0] : f32 from vector<1xf32>
    %slice3A_87 = vector.extract_strided_slice %get3A_12 {offsets = [6], sizes = [1], strides = [1]} : vector<16xf32> to vector<1xf32>
    %squeeze3A_88 = vector.extract %slice3A_87[0] : f32 from vector<1xf32>
    %slice3A_89 = vector.extract_strided_slice %get3A_12 {offsets = [7], sizes = [1], strides = [1]} : vector<16xf32> to vector<1xf32>
    %squeeze3A_90 = vector.extract %slice3A_89[0] : f32 from vector<1xf32>
    %slice3A_91 = vector.extract_strided_slice %get3A_12 {offsets = [8], sizes = [1], strides = [1]} : vector<16xf32> to vector<1xf32>
    %squeeze3A_92 = vector.extract %slice3A_91[0] : f32 from vector<1xf32>
    %slice3A_93 = vector.extract_strided_slice %get3A_12 {offsets = [9], sizes = [1], strides = [1]} : vector<16xf32> to vector<1xf32>
    %squeeze3A_94 = vector.extract %slice3A_93[0] : f32 from vector<1xf32>
    %slice3A_95 = vector.extract_strided_slice %get3A_12 {offsets = [10], sizes = [1], strides = [1]} : vector<16xf32> to vector<1xf32>
    %squeeze3A_96 = vector.extract %slice3A_95[0] : f32 from vector<1xf32>
    %slice3A_97 = vector.extract_strided_slice %get3A_12 {offsets = [11], sizes = [1], strides = [1]} : vector<16xf32> to vector<1xf32>
    %squeeze3A_98 = vector.extract %slice3A_97[0] : f32 from vector<1xf32>
    %slice3A_99 = vector.extract_strided_slice %get3A_12 {offsets = [12], sizes = [1], strides = [1]} : vector<16xf32> to vector<1xf32>
    %squeeze3A_100 = vector.extract %slice3A_99[0] : f32 from vector<1xf32>
    %slice3A_101 = vector.extract_strided_slice %get3A_12 {offsets = [13], sizes = [1], strides = [1]} : vector<16xf32> to vector<1xf32>
    %squeeze3A_102 = vector.extract %slice3A_101[0] : f32 from vector<1xf32>
    %slice3A_103 = vector.extract_strided_slice %get3A_12 {offsets = [14], sizes = [1], strides = [1]} : vector<16xf32> to vector<1xf32>
    %squeeze3A_104 = vector.extract %slice3A_103[0] : f32 from vector<1xf32>
    %slice3A_105 = vector.extract_strided_slice %get3A_12 {offsets = [15], sizes = [1], strides = [1]} : vector<16xf32> to vector<1xf32>
    %squeeze3A_106 = vector.extract %slice3A_105[0] : f32 from vector<1xf32>
    %slice3A_107 = vector.extract_strided_slice %get3A_14 {offsets = [0], sizes = [1], strides = [1]} : vector<16xf32> to vector<1xf32>
    %squeeze3A_108 = vector.extract %slice3A_107[0] : f32 from vector<1xf32>
    %slice3A_109 = vector.extract_strided_slice %get3A_14 {offsets = [1], sizes = [1], strides = [1]} : vector<16xf32> to vector<1xf32>
    %squeeze3A_110 = vector.extract %slice3A_109[0] : f32 from vector<1xf32>
    %slice3A_111 = vector.extract_strided_slice %get3A_14 {offsets = [2], sizes = [1], strides = [1]} : vector<16xf32> to vector<1xf32>
    %squeeze3A_112 = vector.extract %slice3A_111[0] : f32 from vector<1xf32>
    %slice3A_113 = vector.extract_strided_slice %get3A_14 {offsets = [3], sizes = [1], strides = [1]} : vector<16xf32> to vector<1xf32>
    %squeeze3A_114 = vector.extract %slice3A_113[0] : f32 from vector<1xf32>
    %slice3A_115 = vector.extract_strided_slice %get3A_14 {offsets = [4], sizes = [1], strides = [1]} : vector<16xf32> to vector<1xf32>
    %squeeze3A_116 = vector.extract %slice3A_115[0] : f32 from vector<1xf32>
    %slice3A_117 = vector.extract_strided_slice %get3A_14 {offsets = [5], sizes = [1], strides = [1]} : vector<16xf32> to vector<1xf32>
    %squeeze3A_118 = vector.extract %slice3A_117[0] : f32 from vector<1xf32>
    %slice3A_119 = vector.extract_strided_slice %get3A_14 {offsets = [6], sizes = [1], strides = [1]} : vector<16xf32> to vector<1xf32>
    %squeeze3A_120 = vector.extract %slice3A_119[0] : f32 from vector<1xf32>
    %slice3A_121 = vector.extract_strided_slice %get3A_14 {offsets = [7], sizes = [1], strides = [1]} : vector<16xf32> to vector<1xf32>
    %squeeze3A_122 = vector.extract %slice3A_121[0] : f32 from vector<1xf32>
    %slice3A_123 = vector.extract_strided_slice %get3A_14 {offsets = [8], sizes = [1], strides = [1]} : vector<16xf32> to vector<1xf32>
    %squeeze3A_124 = vector.extract %slice3A_123[0] : f32 from vector<1xf32>
    %slice3A_125 = vector.extract_strided_slice %get3A_14 {offsets = [9], sizes = [1], strides = [1]} : vector<16xf32> to vector<1xf32>
    %squeeze3A_126 = vector.extract %slice3A_125[0] : f32 from vector<1xf32>
    %slice3A_127 = vector.extract_strided_slice %get3A_14 {offsets = [10], sizes = [1], strides = [1]} : vector<16xf32> to vector<1xf32>
    %squeeze3A_128 = vector.extract %slice3A_127[0] : f32 from vector<1xf32>
    %slice3A_129 = vector.extract_strided_slice %get3A_14 {offsets = [11], sizes = [1], strides = [1]} : vector<16xf32> to vector<1xf32>
    %squeeze3A_130 = vector.extract %slice3A_129[0] : f32 from vector<1xf32>
    %slice3A_131 = vector.extract_strided_slice %get3A_14 {offsets = [12], sizes = [1], strides = [1]} : vector<16xf32> to vector<1xf32>
    %squeeze3A_132 = vector.extract %slice3A_131[0] : f32 from vector<1xf32>
    %slice3A_133 = vector.extract_strided_slice %get3A_14 {offsets = [13], sizes = [1], strides = [1]} : vector<16xf32> to vector<1xf32>
    %squeeze3A_134 = vector.extract %slice3A_133[0] : f32 from vector<1xf32>
    %slice3A_135 = vector.extract_strided_slice %get3A_14 {offsets = [14], sizes = [1], strides = [1]} : vector<16xf32> to vector<1xf32>
    %squeeze3A_136 = vector.extract %slice3A_135[0] : f32 from vector<1xf32>
    %slice3A_137 = vector.extract_strided_slice %get3A_14 {offsets = [15], sizes = [1], strides = [1]} : vector<16xf32> to vector<1xf32>
    %squeeze3A_138 = vector.extract %slice3A_137[0] : f32 from vector<1xf32>
    %slice3A_139 = vector.extract_strided_slice %get3A_16 {offsets = [0], sizes = [1], strides = [1]} : vector<16xf32> to vector<1xf32>
    %squeeze3A_140 = vector.extract %slice3A_139[0] : f32 from vector<1xf32>
    %slice3A_141 = vector.extract_strided_slice %get3A_16 {offsets = [1], sizes = [1], strides = [1]} : vector<16xf32> to vector<1xf32>
    %squeeze3A_142 = vector.extract %slice3A_141[0] : f32 from vector<1xf32>
    %slice3A_143 = vector.extract_strided_slice %get3A_16 {offsets = [2], sizes = [1], strides = [1]} : vector<16xf32> to vector<1xf32>
    %squeeze3A_144 = vector.extract %slice3A_143[0] : f32 from vector<1xf32>
    %slice3A_145 = vector.extract_strided_slice %get3A_16 {offsets = [3], sizes = [1], strides = [1]} : vector<16xf32> to vector<1xf32>
    %squeeze3A_146 = vector.extract %slice3A_145[0] : f32 from vector<1xf32>
    %slice3A_147 = vector.extract_strided_slice %get3A_16 {offsets = [4], sizes = [1], strides = [1]} : vector<16xf32> to vector<1xf32>
    %squeeze3A_148 = vector.extract %slice3A_147[0] : f32 from vector<1xf32>
    %slice3A_149 = vector.extract_strided_slice %get3A_16 {offsets = [5], sizes = [1], strides = [1]} : vector<16xf32> to vector<1xf32>
    %squeeze3A_150 = vector.extract %slice3A_149[0] : f32 from vector<1xf32>
    %slice3A_151 = vector.extract_strided_slice %get3A_16 {offsets = [6], sizes = [1], strides = [1]} : vector<16xf32> to vector<1xf32>
    %squeeze3A_152 = vector.extract %slice3A_151[0] : f32 from vector<1xf32>
    %slice3A_153 = vector.extract_strided_slice %get3A_16 {offsets = [7], sizes = [1], strides = [1]} : vector<16xf32> to vector<1xf32>
    %squeeze3A_154 = vector.extract %slice3A_153[0] : f32 from vector<1xf32>
    %slice3A_155 = vector.extract_strided_slice %get3A_16 {offsets = [8], sizes = [1], strides = [1]} : vector<16xf32> to vector<1xf32>
    %squeeze3A_156 = vector.extract %slice3A_155[0] : f32 from vector<1xf32>
    %slice3A_157 = vector.extract_strided_slice %get3A_16 {offsets = [9], sizes = [1], strides = [1]} : vector<16xf32> to vector<1xf32>
    %squeeze3A_158 = vector.extract %slice3A_157[0] : f32 from vector<1xf32>
    %slice3A_159 = vector.extract_strided_slice %get3A_16 {offsets = [10], sizes = [1], strides = [1]} : vector<16xf32> to vector<1xf32>
    %squeeze3A_160 = vector.extract %slice3A_159[0] : f32 from vector<1xf32>
    %slice3A_161 = vector.extract_strided_slice %get3A_16 {offsets = [11], sizes = [1], strides = [1]} : vector<16xf32> to vector<1xf32>
    %squeeze3A_162 = vector.extract %slice3A_161[0] : f32 from vector<1xf32>
    %slice3A_163 = vector.extract_strided_slice %get3A_16 {offsets = [12], sizes = [1], strides = [1]} : vector<16xf32> to vector<1xf32>
    %squeeze3A_164 = vector.extract %slice3A_163[0] : f32 from vector<1xf32>
    %slice3A_165 = vector.extract_strided_slice %get3A_16 {offsets = [13], sizes = [1], strides = [1]} : vector<16xf32> to vector<1xf32>
    %squeeze3A_166 = vector.extract %slice3A_165[0] : f32 from vector<1xf32>
    %slice3A_167 = vector.extract_strided_slice %get3A_16 {offsets = [14], sizes = [1], strides = [1]} : vector<16xf32> to vector<1xf32>
    %squeeze3A_168 = vector.extract %slice3A_167[0] : f32 from vector<1xf32>
    %slice3A_169 = vector.extract_strided_slice %get3A_16 {offsets = [15], sizes = [1], strides = [1]} : vector<16xf32> to vector<1xf32>
    %squeeze3A_170 = vector.extract %slice3A_169[0] : f32 from vector<1xf32>
    %slice3A_171 = vector.extract_strided_slice %get3A_18 {offsets = [0], sizes = [1], strides = [1]} : vector<16xf32> to vector<1xf32>
    %squeeze3A_172 = vector.extract %slice3A_171[0] : f32 from vector<1xf32>
    %slice3A_173 = vector.extract_strided_slice %get3A_18 {offsets = [1], sizes = [1], strides = [1]} : vector<16xf32> to vector<1xf32>
    %squeeze3A_174 = vector.extract %slice3A_173[0] : f32 from vector<1xf32>
    %slice3A_175 = vector.extract_strided_slice %get3A_18 {offsets = [2], sizes = [1], strides = [1]} : vector<16xf32> to vector<1xf32>
    %squeeze3A_176 = vector.extract %slice3A_175[0] : f32 from vector<1xf32>
    %slice3A_177 = vector.extract_strided_slice %get3A_18 {offsets = [3], sizes = [1], strides = [1]} : vector<16xf32> to vector<1xf32>
    %squeeze3A_178 = vector.extract %slice3A_177[0] : f32 from vector<1xf32>
    %slice3A_179 = vector.extract_strided_slice %get3A_18 {offsets = [4], sizes = [1], strides = [1]} : vector<16xf32> to vector<1xf32>
    %squeeze3A_180 = vector.extract %slice3A_179[0] : f32 from vector<1xf32>
    %slice3A_181 = vector.extract_strided_slice %get3A_18 {offsets = [5], sizes = [1], strides = [1]} : vector<16xf32> to vector<1xf32>
    %squeeze3A_182 = vector.extract %slice3A_181[0] : f32 from vector<1xf32>
    %slice3A_183 = vector.extract_strided_slice %get3A_18 {offsets = [6], sizes = [1], strides = [1]} : vector<16xf32> to vector<1xf32>
    %squeeze3A_184 = vector.extract %slice3A_183[0] : f32 from vector<1xf32>
    %slice3A_185 = vector.extract_strided_slice %get3A_18 {offsets = [7], sizes = [1], strides = [1]} : vector<16xf32> to vector<1xf32>
    %squeeze3A_186 = vector.extract %slice3A_185[0] : f32 from vector<1xf32>
    %slice3A_187 = vector.extract_strided_slice %get3A_18 {offsets = [8], sizes = [1], strides = [1]} : vector<16xf32> to vector<1xf32>
    %squeeze3A_188 = vector.extract %slice3A_187[0] : f32 from vector<1xf32>
    %slice3A_189 = vector.extract_strided_slice %get3A_18 {offsets = [9], sizes = [1], strides = [1]} : vector<16xf32> to vector<1xf32>
    %squeeze3A_190 = vector.extract %slice3A_189[0] : f32 from vector<1xf32>
    %slice3A_191 = vector.extract_strided_slice %get3A_18 {offsets = [10], sizes = [1], strides = [1]} : vector<16xf32> to vector<1xf32>
    %squeeze3A_192 = vector.extract %slice3A_191[0] : f32 from vector<1xf32>
    %slice3A_193 = vector.extract_strided_slice %get3A_18 {offsets = [11], sizes = [1], strides = [1]} : vector<16xf32> to vector<1xf32>
    %squeeze3A_194 = vector.extract %slice3A_193[0] : f32 from vector<1xf32>
    %slice3A_195 = vector.extract_strided_slice %get3A_18 {offsets = [12], sizes = [1], strides = [1]} : vector<16xf32> to vector<1xf32>
    %squeeze3A_196 = vector.extract %slice3A_195[0] : f32 from vector<1xf32>
    %slice3A_197 = vector.extract_strided_slice %get3A_18 {offsets = [13], sizes = [1], strides = [1]} : vector<16xf32> to vector<1xf32>
    %squeeze3A_198 = vector.extract %slice3A_197[0] : f32 from vector<1xf32>
    %slice3A_199 = vector.extract_strided_slice %get3A_18 {offsets = [14], sizes = [1], strides = [1]} : vector<16xf32> to vector<1xf32>
    %squeeze3A_200 = vector.extract %slice3A_199[0] : f32 from vector<1xf32>
    %slice3A_201 = vector.extract_strided_slice %get3A_18 {offsets = [15], sizes = [1], strides = [1]} : vector<16xf32> to vector<1xf32>
    %squeeze3A_202 = vector.extract %slice3A_201[0] : f32 from vector<1xf32>
    %slice3A_203 = vector.extract_strided_slice %get3A_20 {offsets = [0], sizes = [1], strides = [1]} : vector<16xf32> to vector<1xf32>
    %squeeze3A_204 = vector.extract %slice3A_203[0] : f32 from vector<1xf32>
    %slice3A_205 = vector.extract_strided_slice %get3A_20 {offsets = [1], sizes = [1], strides = [1]} : vector<16xf32> to vector<1xf32>
    %squeeze3A_206 = vector.extract %slice3A_205[0] : f32 from vector<1xf32>
    %slice3A_207 = vector.extract_strided_slice %get3A_20 {offsets = [2], sizes = [1], strides = [1]} : vector<16xf32> to vector<1xf32>
    %squeeze3A_208 = vector.extract %slice3A_207[0] : f32 from vector<1xf32>
    %slice3A_209 = vector.extract_strided_slice %get3A_20 {offsets = [3], sizes = [1], strides = [1]} : vector<16xf32> to vector<1xf32>
    %squeeze3A_210 = vector.extract %slice3A_209[0] : f32 from vector<1xf32>
    %slice3A_211 = vector.extract_strided_slice %get3A_20 {offsets = [4], sizes = [1], strides = [1]} : vector<16xf32> to vector<1xf32>
    %squeeze3A_212 = vector.extract %slice3A_211[0] : f32 from vector<1xf32>
    %slice3A_213 = vector.extract_strided_slice %get3A_20 {offsets = [5], sizes = [1], strides = [1]} : vector<16xf32> to vector<1xf32>
    %squeeze3A_214 = vector.extract %slice3A_213[0] : f32 from vector<1xf32>
    %slice3A_215 = vector.extract_strided_slice %get3A_20 {offsets = [6], sizes = [1], strides = [1]} : vector<16xf32> to vector<1xf32>
    %squeeze3A_216 = vector.extract %slice3A_215[0] : f32 from vector<1xf32>
    %slice3A_217 = vector.extract_strided_slice %get3A_20 {offsets = [7], sizes = [1], strides = [1]} : vector<16xf32> to vector<1xf32>
    %squeeze3A_218 = vector.extract %slice3A_217[0] : f32 from vector<1xf32>
    %slice3A_219 = vector.extract_strided_slice %get3A_20 {offsets = [8], sizes = [1], strides = [1]} : vector<16xf32> to vector<1xf32>
    %squeeze3A_220 = vector.extract %slice3A_219[0] : f32 from vector<1xf32>
    %slice3A_221 = vector.extract_strided_slice %get3A_20 {offsets = [9], sizes = [1], strides = [1]} : vector<16xf32> to vector<1xf32>
    %squeeze3A_222 = vector.extract %slice3A_221[0] : f32 from vector<1xf32>
    %slice3A_223 = vector.extract_strided_slice %get3A_20 {offsets = [10], sizes = [1], strides = [1]} : vector<16xf32> to vector<1xf32>
    %squeeze3A_224 = vector.extract %slice3A_223[0] : f32 from vector<1xf32>
    %slice3A_225 = vector.extract_strided_slice %get3A_20 {offsets = [11], sizes = [1], strides = [1]} : vector<16xf32> to vector<1xf32>
    %squeeze3A_226 = vector.extract %slice3A_225[0] : f32 from vector<1xf32>
    %slice3A_227 = vector.extract_strided_slice %get3A_20 {offsets = [12], sizes = [1], strides = [1]} : vector<16xf32> to vector<1xf32>
    %squeeze3A_228 = vector.extract %slice3A_227[0] : f32 from vector<1xf32>
    %slice3A_229 = vector.extract_strided_slice %get3A_20 {offsets = [13], sizes = [1], strides = [1]} : vector<16xf32> to vector<1xf32>
    %squeeze3A_230 = vector.extract %slice3A_229[0] : f32 from vector<1xf32>
    %slice3A_231 = vector.extract_strided_slice %get3A_20 {offsets = [14], sizes = [1], strides = [1]} : vector<16xf32> to vector<1xf32>
    %squeeze3A_232 = vector.extract %slice3A_231[0] : f32 from vector<1xf32>
    %slice3A_233 = vector.extract_strided_slice %get3A_20 {offsets = [15], sizes = [1], strides = [1]} : vector<16xf32> to vector<1xf32>
    %squeeze3A_234 = vector.extract %slice3A_233[0] : f32 from vector<1xf32>
    %slice3A_235 = vector.extract_strided_slice %get3A_22 {offsets = [0], sizes = [1], strides = [1]} : vector<16xf32> to vector<1xf32>
    %squeeze3A_236 = vector.extract %slice3A_235[0] : f32 from vector<1xf32>
    %slice3A_237 = vector.extract_strided_slice %get3A_22 {offsets = [1], sizes = [1], strides = [1]} : vector<16xf32> to vector<1xf32>
    %squeeze3A_238 = vector.extract %slice3A_237[0] : f32 from vector<1xf32>
    %slice3A_239 = vector.extract_strided_slice %get3A_22 {offsets = [2], sizes = [1], strides = [1]} : vector<16xf32> to vector<1xf32>
    %squeeze3A_240 = vector.extract %slice3A_239[0] : f32 from vector<1xf32>
    %slice3A_241 = vector.extract_strided_slice %get3A_22 {offsets = [3], sizes = [1], strides = [1]} : vector<16xf32> to vector<1xf32>
    %squeeze3A_242 = vector.extract %slice3A_241[0] : f32 from vector<1xf32>
    %slice3A_243 = vector.extract_strided_slice %get3A_22 {offsets = [4], sizes = [1], strides = [1]} : vector<16xf32> to vector<1xf32>
    %squeeze3A_244 = vector.extract %slice3A_243[0] : f32 from vector<1xf32>
    %slice3A_245 = vector.extract_strided_slice %get3A_22 {offsets = [5], sizes = [1], strides = [1]} : vector<16xf32> to vector<1xf32>
    %squeeze3A_246 = vector.extract %slice3A_245[0] : f32 from vector<1xf32>
    %slice3A_247 = vector.extract_strided_slice %get3A_22 {offsets = [6], sizes = [1], strides = [1]} : vector<16xf32> to vector<1xf32>
    %squeeze3A_248 = vector.extract %slice3A_247[0] : f32 from vector<1xf32>
    %slice3A_249 = vector.extract_strided_slice %get3A_22 {offsets = [7], sizes = [1], strides = [1]} : vector<16xf32> to vector<1xf32>
    %squeeze3A_250 = vector.extract %slice3A_249[0] : f32 from vector<1xf32>
    %slice3A_251 = vector.extract_strided_slice %get3A_22 {offsets = [8], sizes = [1], strides = [1]} : vector<16xf32> to vector<1xf32>
    %squeeze3A_252 = vector.extract %slice3A_251[0] : f32 from vector<1xf32>
    %slice3A_253 = vector.extract_strided_slice %get3A_22 {offsets = [9], sizes = [1], strides = [1]} : vector<16xf32> to vector<1xf32>
    %squeeze3A_254 = vector.extract %slice3A_253[0] : f32 from vector<1xf32>
    %slice3A_255 = vector.extract_strided_slice %get3A_22 {offsets = [10], sizes = [1], strides = [1]} : vector<16xf32> to vector<1xf32>
    %squeeze3A_256 = vector.extract %slice3A_255[0] : f32 from vector<1xf32>
    %slice3A_257 = vector.extract_strided_slice %get3A_22 {offsets = [11], sizes = [1], strides = [1]} : vector<16xf32> to vector<1xf32>
    %squeeze3A_258 = vector.extract %slice3A_257[0] : f32 from vector<1xf32>
    %slice3A_259 = vector.extract_strided_slice %get3A_22 {offsets = [12], sizes = [1], strides = [1]} : vector<16xf32> to vector<1xf32>
    %squeeze3A_260 = vector.extract %slice3A_259[0] : f32 from vector<1xf32>
    %slice3A_261 = vector.extract_strided_slice %get3A_22 {offsets = [13], sizes = [1], strides = [1]} : vector<16xf32> to vector<1xf32>
    %squeeze3A_262 = vector.extract %slice3A_261[0] : f32 from vector<1xf32>
    %slice3A_263 = vector.extract_strided_slice %get3A_22 {offsets = [14], sizes = [1], strides = [1]} : vector<16xf32> to vector<1xf32>
    %squeeze3A_264 = vector.extract %slice3A_263[0] : f32 from vector<1xf32>
    %slice3A_265 = vector.extract_strided_slice %get3A_22 {offsets = [15], sizes = [1], strides = [1]} : vector<16xf32> to vector<1xf32>
    %squeeze3A_266 = vector.extract %slice3A_265[0] : f32 from vector<1xf32>
    %slice3A_267 = vector.extract_strided_slice %get3A_24 {offsets = [0], sizes = [1], strides = [1]} : vector<16xf32> to vector<1xf32>
    %squeeze3A_268 = vector.extract %slice3A_267[0] : f32 from vector<1xf32>
    %slice3A_269 = vector.extract_strided_slice %get3A_24 {offsets = [1], sizes = [1], strides = [1]} : vector<16xf32> to vector<1xf32>
    %squeeze3A_270 = vector.extract %slice3A_269[0] : f32 from vector<1xf32>
    %slice3A_271 = vector.extract_strided_slice %get3A_24 {offsets = [2], sizes = [1], strides = [1]} : vector<16xf32> to vector<1xf32>
    %squeeze3A_272 = vector.extract %slice3A_271[0] : f32 from vector<1xf32>
    %slice3A_273 = vector.extract_strided_slice %get3A_24 {offsets = [3], sizes = [1], strides = [1]} : vector<16xf32> to vector<1xf32>
    %squeeze3A_274 = vector.extract %slice3A_273[0] : f32 from vector<1xf32>
    %slice3A_275 = vector.extract_strided_slice %get3A_24 {offsets = [4], sizes = [1], strides = [1]} : vector<16xf32> to vector<1xf32>
    %squeeze3A_276 = vector.extract %slice3A_275[0] : f32 from vector<1xf32>
    %slice3A_277 = vector.extract_strided_slice %get3A_24 {offsets = [5], sizes = [1], strides = [1]} : vector<16xf32> to vector<1xf32>
    %squeeze3A_278 = vector.extract %slice3A_277[0] : f32 from vector<1xf32>
    %slice3A_279 = vector.extract_strided_slice %get3A_24 {offsets = [6], sizes = [1], strides = [1]} : vector<16xf32> to vector<1xf32>
    %squeeze3A_280 = vector.extract %slice3A_279[0] : f32 from vector<1xf32>
    %slice3A_281 = vector.extract_strided_slice %get3A_24 {offsets = [7], sizes = [1], strides = [1]} : vector<16xf32> to vector<1xf32>
    %squeeze3A_282 = vector.extract %slice3A_281[0] : f32 from vector<1xf32>
    %slice3A_283 = vector.extract_strided_slice %get3A_24 {offsets = [8], sizes = [1], strides = [1]} : vector<16xf32> to vector<1xf32>
    %squeeze3A_284 = vector.extract %slice3A_283[0] : f32 from vector<1xf32>
    %slice3A_285 = vector.extract_strided_slice %get3A_24 {offsets = [9], sizes = [1], strides = [1]} : vector<16xf32> to vector<1xf32>
    %squeeze3A_286 = vector.extract %slice3A_285[0] : f32 from vector<1xf32>
    %slice3A_287 = vector.extract_strided_slice %get3A_24 {offsets = [10], sizes = [1], strides = [1]} : vector<16xf32> to vector<1xf32>
    %squeeze3A_288 = vector.extract %slice3A_287[0] : f32 from vector<1xf32>
    %slice3A_289 = vector.extract_strided_slice %get3A_24 {offsets = [11], sizes = [1], strides = [1]} : vector<16xf32> to vector<1xf32>
    %squeeze3A_290 = vector.extract %slice3A_289[0] : f32 from vector<1xf32>
    %slice3A_291 = vector.extract_strided_slice %get3A_24 {offsets = [12], sizes = [1], strides = [1]} : vector<16xf32> to vector<1xf32>
    %squeeze3A_292 = vector.extract %slice3A_291[0] : f32 from vector<1xf32>
    %slice3A_293 = vector.extract_strided_slice %get3A_24 {offsets = [13], sizes = [1], strides = [1]} : vector<16xf32> to vector<1xf32>
    %squeeze3A_294 = vector.extract %slice3A_293[0] : f32 from vector<1xf32>
    %slice3A_295 = vector.extract_strided_slice %get3A_24 {offsets = [14], sizes = [1], strides = [1]} : vector<16xf32> to vector<1xf32>
    %squeeze3A_296 = vector.extract %slice3A_295[0] : f32 from vector<1xf32>
    %slice3A_297 = vector.extract_strided_slice %get3A_24 {offsets = [15], sizes = [1], strides = [1]} : vector<16xf32> to vector<1xf32>
    %squeeze3A_298 = vector.extract %slice3A_297[0] : f32 from vector<1xf32>
    %slice3A_299 = vector.extract_strided_slice %get3A_26 {offsets = [0], sizes = [1], strides = [1]} : vector<16xf32> to vector<1xf32>
    %squeeze3A_300 = vector.extract %slice3A_299[0] : f32 from vector<1xf32>
    %slice3A_301 = vector.extract_strided_slice %get3A_26 {offsets = [1], sizes = [1], strides = [1]} : vector<16xf32> to vector<1xf32>
    %squeeze3A_302 = vector.extract %slice3A_301[0] : f32 from vector<1xf32>
    %slice3A_303 = vector.extract_strided_slice %get3A_26 {offsets = [2], sizes = [1], strides = [1]} : vector<16xf32> to vector<1xf32>
    %squeeze3A_304 = vector.extract %slice3A_303[0] : f32 from vector<1xf32>
    %slice3A_305 = vector.extract_strided_slice %get3A_26 {offsets = [3], sizes = [1], strides = [1]} : vector<16xf32> to vector<1xf32>
    %squeeze3A_306 = vector.extract %slice3A_305[0] : f32 from vector<1xf32>
    %slice3A_307 = vector.extract_strided_slice %get3A_26 {offsets = [4], sizes = [1], strides = [1]} : vector<16xf32> to vector<1xf32>
    %squeeze3A_308 = vector.extract %slice3A_307[0] : f32 from vector<1xf32>
    %slice3A_309 = vector.extract_strided_slice %get3A_26 {offsets = [5], sizes = [1], strides = [1]} : vector<16xf32> to vector<1xf32>
    %squeeze3A_310 = vector.extract %slice3A_309[0] : f32 from vector<1xf32>
    %slice3A_311 = vector.extract_strided_slice %get3A_26 {offsets = [6], sizes = [1], strides = [1]} : vector<16xf32> to vector<1xf32>
    %squeeze3A_312 = vector.extract %slice3A_311[0] : f32 from vector<1xf32>
    %slice3A_313 = vector.extract_strided_slice %get3A_26 {offsets = [7], sizes = [1], strides = [1]} : vector<16xf32> to vector<1xf32>
    %squeeze3A_314 = vector.extract %slice3A_313[0] : f32 from vector<1xf32>
    %slice3A_315 = vector.extract_strided_slice %get3A_26 {offsets = [8], sizes = [1], strides = [1]} : vector<16xf32> to vector<1xf32>
    %squeeze3A_316 = vector.extract %slice3A_315[0] : f32 from vector<1xf32>
    %slice3A_317 = vector.extract_strided_slice %get3A_26 {offsets = [9], sizes = [1], strides = [1]} : vector<16xf32> to vector<1xf32>
    %squeeze3A_318 = vector.extract %slice3A_317[0] : f32 from vector<1xf32>
    %slice3A_319 = vector.extract_strided_slice %get3A_26 {offsets = [10], sizes = [1], strides = [1]} : vector<16xf32> to vector<1xf32>
    %squeeze3A_320 = vector.extract %slice3A_319[0] : f32 from vector<1xf32>
    %slice3A_321 = vector.extract_strided_slice %get3A_26 {offsets = [11], sizes = [1], strides = [1]} : vector<16xf32> to vector<1xf32>
    %squeeze3A_322 = vector.extract %slice3A_321[0] : f32 from vector<1xf32>
    %slice3A_323 = vector.extract_strided_slice %get3A_26 {offsets = [12], sizes = [1], strides = [1]} : vector<16xf32> to vector<1xf32>
    %squeeze3A_324 = vector.extract %slice3A_323[0] : f32 from vector<1xf32>
    %slice3A_325 = vector.extract_strided_slice %get3A_26 {offsets = [13], sizes = [1], strides = [1]} : vector<16xf32> to vector<1xf32>
    %squeeze3A_326 = vector.extract %slice3A_325[0] : f32 from vector<1xf32>
    %slice3A_327 = vector.extract_strided_slice %get3A_26 {offsets = [14], sizes = [1], strides = [1]} : vector<16xf32> to vector<1xf32>
    %squeeze3A_328 = vector.extract %slice3A_327[0] : f32 from vector<1xf32>
    %slice3A_329 = vector.extract_strided_slice %get3A_26 {offsets = [15], sizes = [1], strides = [1]} : vector<16xf32> to vector<1xf32>
    %squeeze3A_330 = vector.extract %slice3A_329[0] : f32 from vector<1xf32>
    %slice3A_331 = vector.extract_strided_slice %get3A_28 {offsets = [0], sizes = [1], strides = [1]} : vector<16xf32> to vector<1xf32>
    %squeeze3A_332 = vector.extract %slice3A_331[0] : f32 from vector<1xf32>
    %slice3A_333 = vector.extract_strided_slice %get3A_28 {offsets = [1], sizes = [1], strides = [1]} : vector<16xf32> to vector<1xf32>
    %squeeze3A_334 = vector.extract %slice3A_333[0] : f32 from vector<1xf32>
    %slice3A_335 = vector.extract_strided_slice %get3A_28 {offsets = [2], sizes = [1], strides = [1]} : vector<16xf32> to vector<1xf32>
    %squeeze3A_336 = vector.extract %slice3A_335[0] : f32 from vector<1xf32>
    %slice3A_337 = vector.extract_strided_slice %get3A_28 {offsets = [3], sizes = [1], strides = [1]} : vector<16xf32> to vector<1xf32>
    %squeeze3A_338 = vector.extract %slice3A_337[0] : f32 from vector<1xf32>
    %slice3A_339 = vector.extract_strided_slice %get3A_28 {offsets = [4], sizes = [1], strides = [1]} : vector<16xf32> to vector<1xf32>
    %squeeze3A_340 = vector.extract %slice3A_339[0] : f32 from vector<1xf32>
    %slice3A_341 = vector.extract_strided_slice %get3A_28 {offsets = [5], sizes = [1], strides = [1]} : vector<16xf32> to vector<1xf32>
    %squeeze3A_342 = vector.extract %slice3A_341[0] : f32 from vector<1xf32>
    %slice3A_343 = vector.extract_strided_slice %get3A_28 {offsets = [6], sizes = [1], strides = [1]} : vector<16xf32> to vector<1xf32>
    %squeeze3A_344 = vector.extract %slice3A_343[0] : f32 from vector<1xf32>
    %slice3A_345 = vector.extract_strided_slice %get3A_28 {offsets = [7], sizes = [1], strides = [1]} : vector<16xf32> to vector<1xf32>
    %squeeze3A_346 = vector.extract %slice3A_345[0] : f32 from vector<1xf32>
    %slice3A_347 = vector.extract_strided_slice %get3A_28 {offsets = [8], sizes = [1], strides = [1]} : vector<16xf32> to vector<1xf32>
    %squeeze3A_348 = vector.extract %slice3A_347[0] : f32 from vector<1xf32>
    %slice3A_349 = vector.extract_strided_slice %get3A_28 {offsets = [9], sizes = [1], strides = [1]} : vector<16xf32> to vector<1xf32>
    %squeeze3A_350 = vector.extract %slice3A_349[0] : f32 from vector<1xf32>
    %slice3A_351 = vector.extract_strided_slice %get3A_28 {offsets = [10], sizes = [1], strides = [1]} : vector<16xf32> to vector<1xf32>
    %squeeze3A_352 = vector.extract %slice3A_351[0] : f32 from vector<1xf32>
    %slice3A_353 = vector.extract_strided_slice %get3A_28 {offsets = [11], sizes = [1], strides = [1]} : vector<16xf32> to vector<1xf32>
    %squeeze3A_354 = vector.extract %slice3A_353[0] : f32 from vector<1xf32>
    %slice3A_355 = vector.extract_strided_slice %get3A_28 {offsets = [12], sizes = [1], strides = [1]} : vector<16xf32> to vector<1xf32>
    %squeeze3A_356 = vector.extract %slice3A_355[0] : f32 from vector<1xf32>
    %slice3A_357 = vector.extract_strided_slice %get3A_28 {offsets = [13], sizes = [1], strides = [1]} : vector<16xf32> to vector<1xf32>
    %squeeze3A_358 = vector.extract %slice3A_357[0] : f32 from vector<1xf32>
    %slice3A_359 = vector.extract_strided_slice %get3A_28 {offsets = [14], sizes = [1], strides = [1]} : vector<16xf32> to vector<1xf32>
    %squeeze3A_360 = vector.extract %slice3A_359[0] : f32 from vector<1xf32>
    %slice3A_361 = vector.extract_strided_slice %get3A_28 {offsets = [15], sizes = [1], strides = [1]} : vector<16xf32> to vector<1xf32>
    %squeeze3A_362 = vector.extract %slice3A_361[0] : f32 from vector<1xf32>
    %slice3A_363 = vector.extract_strided_slice %get3A_30 {offsets = [0], sizes = [1], strides = [1]} : vector<16xf32> to vector<1xf32>
    %squeeze3A_364 = vector.extract %slice3A_363[0] : f32 from vector<1xf32>
    %slice3A_365 = vector.extract_strided_slice %get3A_30 {offsets = [1], sizes = [1], strides = [1]} : vector<16xf32> to vector<1xf32>
    %squeeze3A_366 = vector.extract %slice3A_365[0] : f32 from vector<1xf32>
    %slice3A_367 = vector.extract_strided_slice %get3A_30 {offsets = [2], sizes = [1], strides = [1]} : vector<16xf32> to vector<1xf32>
    %squeeze3A_368 = vector.extract %slice3A_367[0] : f32 from vector<1xf32>
    %slice3A_369 = vector.extract_strided_slice %get3A_30 {offsets = [3], sizes = [1], strides = [1]} : vector<16xf32> to vector<1xf32>
    %squeeze3A_370 = vector.extract %slice3A_369[0] : f32 from vector<1xf32>
    %slice3A_371 = vector.extract_strided_slice %get3A_30 {offsets = [4], sizes = [1], strides = [1]} : vector<16xf32> to vector<1xf32>
    %squeeze3A_372 = vector.extract %slice3A_371[0] : f32 from vector<1xf32>
    %slice3A_373 = vector.extract_strided_slice %get3A_30 {offsets = [5], sizes = [1], strides = [1]} : vector<16xf32> to vector<1xf32>
    %squeeze3A_374 = vector.extract %slice3A_373[0] : f32 from vector<1xf32>
    %slice3A_375 = vector.extract_strided_slice %get3A_30 {offsets = [6], sizes = [1], strides = [1]} : vector<16xf32> to vector<1xf32>
    %squeeze3A_376 = vector.extract %slice3A_375[0] : f32 from vector<1xf32>
    %slice3A_377 = vector.extract_strided_slice %get3A_30 {offsets = [7], sizes = [1], strides = [1]} : vector<16xf32> to vector<1xf32>
    %squeeze3A_378 = vector.extract %slice3A_377[0] : f32 from vector<1xf32>
    %slice3A_379 = vector.extract_strided_slice %get3A_30 {offsets = [8], sizes = [1], strides = [1]} : vector<16xf32> to vector<1xf32>
    %squeeze3A_380 = vector.extract %slice3A_379[0] : f32 from vector<1xf32>
    %slice3A_381 = vector.extract_strided_slice %get3A_30 {offsets = [9], sizes = [1], strides = [1]} : vector<16xf32> to vector<1xf32>
    %squeeze3A_382 = vector.extract %slice3A_381[0] : f32 from vector<1xf32>
    %slice3A_383 = vector.extract_strided_slice %get3A_30 {offsets = [10], sizes = [1], strides = [1]} : vector<16xf32> to vector<1xf32>
    %squeeze3A_384 = vector.extract %slice3A_383[0] : f32 from vector<1xf32>
    %slice3A_385 = vector.extract_strided_slice %get3A_30 {offsets = [11], sizes = [1], strides = [1]} : vector<16xf32> to vector<1xf32>
    %squeeze3A_386 = vector.extract %slice3A_385[0] : f32 from vector<1xf32>
    %slice3A_387 = vector.extract_strided_slice %get3A_30 {offsets = [12], sizes = [1], strides = [1]} : vector<16xf32> to vector<1xf32>
    %squeeze3A_388 = vector.extract %slice3A_387[0] : f32 from vector<1xf32>
    %slice3A_389 = vector.extract_strided_slice %get3A_30 {offsets = [13], sizes = [1], strides = [1]} : vector<16xf32> to vector<1xf32>
    %squeeze3A_390 = vector.extract %slice3A_389[0] : f32 from vector<1xf32>
    %slice3A_391 = vector.extract_strided_slice %get3A_30 {offsets = [14], sizes = [1], strides = [1]} : vector<16xf32> to vector<1xf32>
    %squeeze3A_392 = vector.extract %slice3A_391[0] : f32 from vector<1xf32>
    %slice3A_393 = vector.extract_strided_slice %get3A_30 {offsets = [15], sizes = [1], strides = [1]} : vector<16xf32> to vector<1xf32>
    %squeeze3A_394 = vector.extract %slice3A_393[0] : f32 from vector<1xf32>
    %slice3A_395 = vector.extract_strided_slice %get3A_32 {offsets = [0], sizes = [1], strides = [1]} : vector<16xf32> to vector<1xf32>
    %squeeze3A_396 = vector.extract %slice3A_395[0] : f32 from vector<1xf32>
    %slice3A_397 = vector.extract_strided_slice %get3A_32 {offsets = [1], sizes = [1], strides = [1]} : vector<16xf32> to vector<1xf32>
    %squeeze3A_398 = vector.extract %slice3A_397[0] : f32 from vector<1xf32>
    %slice3A_399 = vector.extract_strided_slice %get3A_32 {offsets = [2], sizes = [1], strides = [1]} : vector<16xf32> to vector<1xf32>
    %squeeze3A_400 = vector.extract %slice3A_399[0] : f32 from vector<1xf32>
    %slice3A_401 = vector.extract_strided_slice %get3A_32 {offsets = [3], sizes = [1], strides = [1]} : vector<16xf32> to vector<1xf32>
    %squeeze3A_402 = vector.extract %slice3A_401[0] : f32 from vector<1xf32>
    %slice3A_403 = vector.extract_strided_slice %get3A_32 {offsets = [4], sizes = [1], strides = [1]} : vector<16xf32> to vector<1xf32>
    %squeeze3A_404 = vector.extract %slice3A_403[0] : f32 from vector<1xf32>
    %slice3A_405 = vector.extract_strided_slice %get3A_32 {offsets = [5], sizes = [1], strides = [1]} : vector<16xf32> to vector<1xf32>
    %squeeze3A_406 = vector.extract %slice3A_405[0] : f32 from vector<1xf32>
    %slice3A_407 = vector.extract_strided_slice %get3A_32 {offsets = [6], sizes = [1], strides = [1]} : vector<16xf32> to vector<1xf32>
    %squeeze3A_408 = vector.extract %slice3A_407[0] : f32 from vector<1xf32>
    %slice3A_409 = vector.extract_strided_slice %get3A_32 {offsets = [7], sizes = [1], strides = [1]} : vector<16xf32> to vector<1xf32>
    %squeeze3A_410 = vector.extract %slice3A_409[0] : f32 from vector<1xf32>
    %slice3A_411 = vector.extract_strided_slice %get3A_32 {offsets = [8], sizes = [1], strides = [1]} : vector<16xf32> to vector<1xf32>
    %squeeze3A_412 = vector.extract %slice3A_411[0] : f32 from vector<1xf32>
    %slice3A_413 = vector.extract_strided_slice %get3A_32 {offsets = [9], sizes = [1], strides = [1]} : vector<16xf32> to vector<1xf32>
    %squeeze3A_414 = vector.extract %slice3A_413[0] : f32 from vector<1xf32>
    %slice3A_415 = vector.extract_strided_slice %get3A_32 {offsets = [10], sizes = [1], strides = [1]} : vector<16xf32> to vector<1xf32>
    %squeeze3A_416 = vector.extract %slice3A_415[0] : f32 from vector<1xf32>
    %slice3A_417 = vector.extract_strided_slice %get3A_32 {offsets = [11], sizes = [1], strides = [1]} : vector<16xf32> to vector<1xf32>
    %squeeze3A_418 = vector.extract %slice3A_417[0] : f32 from vector<1xf32>
    %slice3A_419 = vector.extract_strided_slice %get3A_32 {offsets = [12], sizes = [1], strides = [1]} : vector<16xf32> to vector<1xf32>
    %squeeze3A_420 = vector.extract %slice3A_419[0] : f32 from vector<1xf32>
    %slice3A_421 = vector.extract_strided_slice %get3A_32 {offsets = [13], sizes = [1], strides = [1]} : vector<16xf32> to vector<1xf32>
    %squeeze3A_422 = vector.extract %slice3A_421[0] : f32 from vector<1xf32>
    %slice3A_423 = vector.extract_strided_slice %get3A_32 {offsets = [14], sizes = [1], strides = [1]} : vector<16xf32> to vector<1xf32>
    %squeeze3A_424 = vector.extract %slice3A_423[0] : f32 from vector<1xf32>
    %slice3A_425 = vector.extract_strided_slice %get3A_32 {offsets = [15], sizes = [1], strides = [1]} : vector<16xf32> to vector<1xf32>
    %squeeze3A_426 = vector.extract %slice3A_425[0] : f32 from vector<1xf32>
    %slice3A_427 = vector.extract_strided_slice %get3A_34 {offsets = [0], sizes = [1], strides = [1]} : vector<16xf32> to vector<1xf32>
    %squeeze3A_428 = vector.extract %slice3A_427[0] : f32 from vector<1xf32>
    %slice3A_429 = vector.extract_strided_slice %get3A_34 {offsets = [1], sizes = [1], strides = [1]} : vector<16xf32> to vector<1xf32>
    %squeeze3A_430 = vector.extract %slice3A_429[0] : f32 from vector<1xf32>
    %slice3A_431 = vector.extract_strided_slice %get3A_34 {offsets = [2], sizes = [1], strides = [1]} : vector<16xf32> to vector<1xf32>
    %squeeze3A_432 = vector.extract %slice3A_431[0] : f32 from vector<1xf32>
    %slice3A_433 = vector.extract_strided_slice %get3A_34 {offsets = [3], sizes = [1], strides = [1]} : vector<16xf32> to vector<1xf32>
    %squeeze3A_434 = vector.extract %slice3A_433[0] : f32 from vector<1xf32>
    %slice3A_435 = vector.extract_strided_slice %get3A_34 {offsets = [4], sizes = [1], strides = [1]} : vector<16xf32> to vector<1xf32>
    %squeeze3A_436 = vector.extract %slice3A_435[0] : f32 from vector<1xf32>
    %slice3A_437 = vector.extract_strided_slice %get3A_34 {offsets = [5], sizes = [1], strides = [1]} : vector<16xf32> to vector<1xf32>
    %squeeze3A_438 = vector.extract %slice3A_437[0] : f32 from vector<1xf32>
    %slice3A_439 = vector.extract_strided_slice %get3A_34 {offsets = [6], sizes = [1], strides = [1]} : vector<16xf32> to vector<1xf32>
    %squeeze3A_440 = vector.extract %slice3A_439[0] : f32 from vector<1xf32>
    %slice3A_441 = vector.extract_strided_slice %get3A_34 {offsets = [7], sizes = [1], strides = [1]} : vector<16xf32> to vector<1xf32>
    %squeeze3A_442 = vector.extract %slice3A_441[0] : f32 from vector<1xf32>
    %slice3A_443 = vector.extract_strided_slice %get3A_34 {offsets = [8], sizes = [1], strides = [1]} : vector<16xf32> to vector<1xf32>
    %squeeze3A_444 = vector.extract %slice3A_443[0] : f32 from vector<1xf32>
    %slice3A_445 = vector.extract_strided_slice %get3A_34 {offsets = [9], sizes = [1], strides = [1]} : vector<16xf32> to vector<1xf32>
    %squeeze3A_446 = vector.extract %slice3A_445[0] : f32 from vector<1xf32>
    %slice3A_447 = vector.extract_strided_slice %get3A_34 {offsets = [10], sizes = [1], strides = [1]} : vector<16xf32> to vector<1xf32>
    %squeeze3A_448 = vector.extract %slice3A_447[0] : f32 from vector<1xf32>
    %slice3A_449 = vector.extract_strided_slice %get3A_34 {offsets = [11], sizes = [1], strides = [1]} : vector<16xf32> to vector<1xf32>
    %squeeze3A_450 = vector.extract %slice3A_449[0] : f32 from vector<1xf32>
    %slice3A_451 = vector.extract_strided_slice %get3A_34 {offsets = [12], sizes = [1], strides = [1]} : vector<16xf32> to vector<1xf32>
    %squeeze3A_452 = vector.extract %slice3A_451[0] : f32 from vector<1xf32>
    %slice3A_453 = vector.extract_strided_slice %get3A_34 {offsets = [13], sizes = [1], strides = [1]} : vector<16xf32> to vector<1xf32>
    %squeeze3A_454 = vector.extract %slice3A_453[0] : f32 from vector<1xf32>
    %slice3A_455 = vector.extract_strided_slice %get3A_34 {offsets = [14], sizes = [1], strides = [1]} : vector<16xf32> to vector<1xf32>
    %squeeze3A_456 = vector.extract %slice3A_455[0] : f32 from vector<1xf32>
    %slice3A_457 = vector.extract_strided_slice %get3A_34 {offsets = [15], sizes = [1], strides = [1]} : vector<16xf32> to vector<1xf32>
    %squeeze3A_458 = vector.extract %slice3A_457[0] : f32 from vector<1xf32>
    %slice3A_459 = vector.extract_strided_slice %get3A_36 {offsets = [0], sizes = [1], strides = [1]} : vector<16xf32> to vector<1xf32>
    %squeeze3A_460 = vector.extract %slice3A_459[0] : f32 from vector<1xf32>
    %slice3A_461 = vector.extract_strided_slice %get3A_36 {offsets = [1], sizes = [1], strides = [1]} : vector<16xf32> to vector<1xf32>
    %squeeze3A_462 = vector.extract %slice3A_461[0] : f32 from vector<1xf32>
    %slice3A_463 = vector.extract_strided_slice %get3A_36 {offsets = [2], sizes = [1], strides = [1]} : vector<16xf32> to vector<1xf32>
    %squeeze3A_464 = vector.extract %slice3A_463[0] : f32 from vector<1xf32>
    %slice3A_465 = vector.extract_strided_slice %get3A_36 {offsets = [3], sizes = [1], strides = [1]} : vector<16xf32> to vector<1xf32>
    %squeeze3A_466 = vector.extract %slice3A_465[0] : f32 from vector<1xf32>
    %slice3A_467 = vector.extract_strided_slice %get3A_36 {offsets = [4], sizes = [1], strides = [1]} : vector<16xf32> to vector<1xf32>
    %squeeze3A_468 = vector.extract %slice3A_467[0] : f32 from vector<1xf32>
    %slice3A_469 = vector.extract_strided_slice %get3A_36 {offsets = [5], sizes = [1], strides = [1]} : vector<16xf32> to vector<1xf32>
    %squeeze3A_470 = vector.extract %slice3A_469[0] : f32 from vector<1xf32>
    %slice3A_471 = vector.extract_strided_slice %get3A_36 {offsets = [6], sizes = [1], strides = [1]} : vector<16xf32> to vector<1xf32>
    %squeeze3A_472 = vector.extract %slice3A_471[0] : f32 from vector<1xf32>
    %slice3A_473 = vector.extract_strided_slice %get3A_36 {offsets = [7], sizes = [1], strides = [1]} : vector<16xf32> to vector<1xf32>
    %squeeze3A_474 = vector.extract %slice3A_473[0] : f32 from vector<1xf32>
    %slice3A_475 = vector.extract_strided_slice %get3A_36 {offsets = [8], sizes = [1], strides = [1]} : vector<16xf32> to vector<1xf32>
    %squeeze3A_476 = vector.extract %slice3A_475[0] : f32 from vector<1xf32>
    %slice3A_477 = vector.extract_strided_slice %get3A_36 {offsets = [9], sizes = [1], strides = [1]} : vector<16xf32> to vector<1xf32>
    %squeeze3A_478 = vector.extract %slice3A_477[0] : f32 from vector<1xf32>
    %slice3A_479 = vector.extract_strided_slice %get3A_36 {offsets = [10], sizes = [1], strides = [1]} : vector<16xf32> to vector<1xf32>
    %squeeze3A_480 = vector.extract %slice3A_479[0] : f32 from vector<1xf32>
    %slice3A_481 = vector.extract_strided_slice %get3A_36 {offsets = [11], sizes = [1], strides = [1]} : vector<16xf32> to vector<1xf32>
    %squeeze3A_482 = vector.extract %slice3A_481[0] : f32 from vector<1xf32>
    %slice3A_483 = vector.extract_strided_slice %get3A_36 {offsets = [12], sizes = [1], strides = [1]} : vector<16xf32> to vector<1xf32>
    %squeeze3A_484 = vector.extract %slice3A_483[0] : f32 from vector<1xf32>
    %slice3A_485 = vector.extract_strided_slice %get3A_36 {offsets = [13], sizes = [1], strides = [1]} : vector<16xf32> to vector<1xf32>
    %squeeze3A_486 = vector.extract %slice3A_485[0] : f32 from vector<1xf32>
    %slice3A_487 = vector.extract_strided_slice %get3A_36 {offsets = [14], sizes = [1], strides = [1]} : vector<16xf32> to vector<1xf32>
    %squeeze3A_488 = vector.extract %slice3A_487[0] : f32 from vector<1xf32>
    %slice3A_489 = vector.extract_strided_slice %get3A_36 {offsets = [15], sizes = [1], strides = [1]} : vector<16xf32> to vector<1xf32>
    %squeeze3A_490 = vector.extract %slice3A_489[0] : f32 from vector<1xf32>
    %slice3A_491 = vector.extract_strided_slice %get3A_38 {offsets = [0], sizes = [1], strides = [1]} : vector<16xf32> to vector<1xf32>
    %squeeze3A_492 = vector.extract %slice3A_491[0] : f32 from vector<1xf32>
    %slice3A_493 = vector.extract_strided_slice %get3A_38 {offsets = [1], sizes = [1], strides = [1]} : vector<16xf32> to vector<1xf32>
    %squeeze3A_494 = vector.extract %slice3A_493[0] : f32 from vector<1xf32>
    %slice3A_495 = vector.extract_strided_slice %get3A_38 {offsets = [2], sizes = [1], strides = [1]} : vector<16xf32> to vector<1xf32>
    %squeeze3A_496 = vector.extract %slice3A_495[0] : f32 from vector<1xf32>
    %slice3A_497 = vector.extract_strided_slice %get3A_38 {offsets = [3], sizes = [1], strides = [1]} : vector<16xf32> to vector<1xf32>
    %squeeze3A_498 = vector.extract %slice3A_497[0] : f32 from vector<1xf32>
    %slice3A_499 = vector.extract_strided_slice %get3A_38 {offsets = [4], sizes = [1], strides = [1]} : vector<16xf32> to vector<1xf32>
    %squeeze3A_500 = vector.extract %slice3A_499[0] : f32 from vector<1xf32>
    %slice3A_501 = vector.extract_strided_slice %get3A_38 {offsets = [5], sizes = [1], strides = [1]} : vector<16xf32> to vector<1xf32>
    %squeeze3A_502 = vector.extract %slice3A_501[0] : f32 from vector<1xf32>
    %slice3A_503 = vector.extract_strided_slice %get3A_38 {offsets = [6], sizes = [1], strides = [1]} : vector<16xf32> to vector<1xf32>
    %squeeze3A_504 = vector.extract %slice3A_503[0] : f32 from vector<1xf32>
    %slice3A_505 = vector.extract_strided_slice %get3A_38 {offsets = [7], sizes = [1], strides = [1]} : vector<16xf32> to vector<1xf32>
    %squeeze3A_506 = vector.extract %slice3A_505[0] : f32 from vector<1xf32>
    %slice3A_507 = vector.extract_strided_slice %get3A_38 {offsets = [8], sizes = [1], strides = [1]} : vector<16xf32> to vector<1xf32>
    %squeeze3A_508 = vector.extract %slice3A_507[0] : f32 from vector<1xf32>
    %slice3A_509 = vector.extract_strided_slice %get3A_38 {offsets = [9], sizes = [1], strides = [1]} : vector<16xf32> to vector<1xf32>
    %squeeze3A_510 = vector.extract %slice3A_509[0] : f32 from vector<1xf32>
    %slice3A_511 = vector.extract_strided_slice %get3A_38 {offsets = [10], sizes = [1], strides = [1]} : vector<16xf32> to vector<1xf32>
    %squeeze3A_512 = vector.extract %slice3A_511[0] : f32 from vector<1xf32>
    %slice3A_513 = vector.extract_strided_slice %get3A_38 {offsets = [11], sizes = [1], strides = [1]} : vector<16xf32> to vector<1xf32>
    %squeeze3A_514 = vector.extract %slice3A_513[0] : f32 from vector<1xf32>
    %slice3A_515 = vector.extract_strided_slice %get3A_38 {offsets = [12], sizes = [1], strides = [1]} : vector<16xf32> to vector<1xf32>
    %squeeze3A_516 = vector.extract %slice3A_515[0] : f32 from vector<1xf32>
    %slice3A_517 = vector.extract_strided_slice %get3A_38 {offsets = [13], sizes = [1], strides = [1]} : vector<16xf32> to vector<1xf32>
    %squeeze3A_518 = vector.extract %slice3A_517[0] : f32 from vector<1xf32>
    %slice3A_519 = vector.extract_strided_slice %get3A_38 {offsets = [14], sizes = [1], strides = [1]} : vector<16xf32> to vector<1xf32>
    %squeeze3A_520 = vector.extract %slice3A_519[0] : f32 from vector<1xf32>
    %slice3A_521 = vector.extract_strided_slice %get3A_38 {offsets = [15], sizes = [1], strides = [1]} : vector<16xf32> to vector<1xf32>
    %squeeze3A_522 = vector.extract %slice3A_521[0] : f32 from vector<1xf32>
    %slice3A_523 = vector.extract_strided_slice %get3A_40 {offsets = [0], sizes = [1], strides = [1]} : vector<16xf32> to vector<1xf32>
    %squeeze3A_524 = vector.extract %slice3A_523[0] : f32 from vector<1xf32>
    %slice3A_525 = vector.extract_strided_slice %get3A_40 {offsets = [1], sizes = [1], strides = [1]} : vector<16xf32> to vector<1xf32>
    %squeeze3A_526 = vector.extract %slice3A_525[0] : f32 from vector<1xf32>
    %slice3A_527 = vector.extract_strided_slice %get3A_40 {offsets = [2], sizes = [1], strides = [1]} : vector<16xf32> to vector<1xf32>
    %squeeze3A_528 = vector.extract %slice3A_527[0] : f32 from vector<1xf32>
    %slice3A_529 = vector.extract_strided_slice %get3A_40 {offsets = [3], sizes = [1], strides = [1]} : vector<16xf32> to vector<1xf32>
    %squeeze3A_530 = vector.extract %slice3A_529[0] : f32 from vector<1xf32>
    %slice3A_531 = vector.extract_strided_slice %get3A_40 {offsets = [4], sizes = [1], strides = [1]} : vector<16xf32> to vector<1xf32>
    %squeeze3A_532 = vector.extract %slice3A_531[0] : f32 from vector<1xf32>
    %slice3A_533 = vector.extract_strided_slice %get3A_40 {offsets = [5], sizes = [1], strides = [1]} : vector<16xf32> to vector<1xf32>
    %squeeze3A_534 = vector.extract %slice3A_533[0] : f32 from vector<1xf32>
    %slice3A_535 = vector.extract_strided_slice %get3A_40 {offsets = [6], sizes = [1], strides = [1]} : vector<16xf32> to vector<1xf32>
    %squeeze3A_536 = vector.extract %slice3A_535[0] : f32 from vector<1xf32>
    %slice3A_537 = vector.extract_strided_slice %get3A_40 {offsets = [7], sizes = [1], strides = [1]} : vector<16xf32> to vector<1xf32>
    %squeeze3A_538 = vector.extract %slice3A_537[0] : f32 from vector<1xf32>
    %slice3A_539 = vector.extract_strided_slice %get3A_40 {offsets = [8], sizes = [1], strides = [1]} : vector<16xf32> to vector<1xf32>
    %squeeze3A_540 = vector.extract %slice3A_539[0] : f32 from vector<1xf32>
    %slice3A_541 = vector.extract_strided_slice %get3A_40 {offsets = [9], sizes = [1], strides = [1]} : vector<16xf32> to vector<1xf32>
    %squeeze3A_542 = vector.extract %slice3A_541[0] : f32 from vector<1xf32>
    %slice3A_543 = vector.extract_strided_slice %get3A_40 {offsets = [10], sizes = [1], strides = [1]} : vector<16xf32> to vector<1xf32>
    %squeeze3A_544 = vector.extract %slice3A_543[0] : f32 from vector<1xf32>
    %slice3A_545 = vector.extract_strided_slice %get3A_40 {offsets = [11], sizes = [1], strides = [1]} : vector<16xf32> to vector<1xf32>
    %squeeze3A_546 = vector.extract %slice3A_545[0] : f32 from vector<1xf32>
    %slice3A_547 = vector.extract_strided_slice %get3A_40 {offsets = [12], sizes = [1], strides = [1]} : vector<16xf32> to vector<1xf32>
    %squeeze3A_548 = vector.extract %slice3A_547[0] : f32 from vector<1xf32>
    %slice3A_549 = vector.extract_strided_slice %get3A_40 {offsets = [13], sizes = [1], strides = [1]} : vector<16xf32> to vector<1xf32>
    %squeeze3A_550 = vector.extract %slice3A_549[0] : f32 from vector<1xf32>
    %slice3A_551 = vector.extract_strided_slice %get3A_40 {offsets = [14], sizes = [1], strides = [1]} : vector<16xf32> to vector<1xf32>
    %squeeze3A_552 = vector.extract %slice3A_551[0] : f32 from vector<1xf32>
    %slice3A_553 = vector.extract_strided_slice %get3A_40 {offsets = [15], sizes = [1], strides = [1]} : vector<16xf32> to vector<1xf32>
    %squeeze3A_554 = vector.extract %slice3A_553[0] : f32 from vector<1xf32>
    %slice3A_555 = vector.extract_strided_slice %get3A_42 {offsets = [0], sizes = [1], strides = [1]} : vector<16xf32> to vector<1xf32>
    %squeeze3A_556 = vector.extract %slice3A_555[0] : f32 from vector<1xf32>
    %slice3A_557 = vector.extract_strided_slice %get3A_42 {offsets = [1], sizes = [1], strides = [1]} : vector<16xf32> to vector<1xf32>
    %squeeze3A_558 = vector.extract %slice3A_557[0] : f32 from vector<1xf32>
    %slice3A_559 = vector.extract_strided_slice %get3A_42 {offsets = [2], sizes = [1], strides = [1]} : vector<16xf32> to vector<1xf32>
    %squeeze3A_560 = vector.extract %slice3A_559[0] : f32 from vector<1xf32>
    %slice3A_561 = vector.extract_strided_slice %get3A_42 {offsets = [3], sizes = [1], strides = [1]} : vector<16xf32> to vector<1xf32>
    %squeeze3A_562 = vector.extract %slice3A_561[0] : f32 from vector<1xf32>
    %slice3A_563 = vector.extract_strided_slice %get3A_42 {offsets = [4], sizes = [1], strides = [1]} : vector<16xf32> to vector<1xf32>
    %squeeze3A_564 = vector.extract %slice3A_563[0] : f32 from vector<1xf32>
    %slice3A_565 = vector.extract_strided_slice %get3A_42 {offsets = [5], sizes = [1], strides = [1]} : vector<16xf32> to vector<1xf32>
    %squeeze3A_566 = vector.extract %slice3A_565[0] : f32 from vector<1xf32>
    %slice3A_567 = vector.extract_strided_slice %get3A_42 {offsets = [6], sizes = [1], strides = [1]} : vector<16xf32> to vector<1xf32>
    %squeeze3A_568 = vector.extract %slice3A_567[0] : f32 from vector<1xf32>
    %slice3A_569 = vector.extract_strided_slice %get3A_42 {offsets = [7], sizes = [1], strides = [1]} : vector<16xf32> to vector<1xf32>
    %squeeze3A_570 = vector.extract %slice3A_569[0] : f32 from vector<1xf32>
    %slice3A_571 = vector.extract_strided_slice %get3A_42 {offsets = [8], sizes = [1], strides = [1]} : vector<16xf32> to vector<1xf32>
    %squeeze3A_572 = vector.extract %slice3A_571[0] : f32 from vector<1xf32>
    %slice3A_573 = vector.extract_strided_slice %get3A_42 {offsets = [9], sizes = [1], strides = [1]} : vector<16xf32> to vector<1xf32>
    %squeeze3A_574 = vector.extract %slice3A_573[0] : f32 from vector<1xf32>
    %slice3A_575 = vector.extract_strided_slice %get3A_42 {offsets = [10], sizes = [1], strides = [1]} : vector<16xf32> to vector<1xf32>
    %squeeze3A_576 = vector.extract %slice3A_575[0] : f32 from vector<1xf32>
    %slice3A_577 = vector.extract_strided_slice %get3A_42 {offsets = [11], sizes = [1], strides = [1]} : vector<16xf32> to vector<1xf32>
    %squeeze3A_578 = vector.extract %slice3A_577[0] : f32 from vector<1xf32>
    %slice3A_579 = vector.extract_strided_slice %get3A_42 {offsets = [12], sizes = [1], strides = [1]} : vector<16xf32> to vector<1xf32>
    %squeeze3A_580 = vector.extract %slice3A_579[0] : f32 from vector<1xf32>
    %slice3A_581 = vector.extract_strided_slice %get3A_42 {offsets = [13], sizes = [1], strides = [1]} : vector<16xf32> to vector<1xf32>
    %squeeze3A_582 = vector.extract %slice3A_581[0] : f32 from vector<1xf32>
    %slice3A_583 = vector.extract_strided_slice %get3A_42 {offsets = [14], sizes = [1], strides = [1]} : vector<16xf32> to vector<1xf32>
    %squeeze3A_584 = vector.extract %slice3A_583[0] : f32 from vector<1xf32>
    %slice3A_585 = vector.extract_strided_slice %get3A_42 {offsets = [15], sizes = [1], strides = [1]} : vector<16xf32> to vector<1xf32>
    %squeeze3A_586 = vector.extract %slice3A_585[0] : f32 from vector<1xf32>
    %slice3A_587 = vector.extract_strided_slice %get3A_44 {offsets = [0], sizes = [1], strides = [1]} : vector<16xf32> to vector<1xf32>
    %squeeze3A_588 = vector.extract %slice3A_587[0] : f32 from vector<1xf32>
    %slice3A_589 = vector.extract_strided_slice %get3A_44 {offsets = [1], sizes = [1], strides = [1]} : vector<16xf32> to vector<1xf32>
    %squeeze3A_590 = vector.extract %slice3A_589[0] : f32 from vector<1xf32>
    %parallel_loop3A = arith.constant 0 : i32
    %parallel_loop3A_591 = arith.constant 64 : i32
    %parallel_loop3A_592 = arith.constant 1 : i32
    scf.for %parallel_loop3A_601 = %parallel_loop3A to %parallel_loop3A_591 step %parallel_loop3A_592  : i32 {
      %parallel_loop3A_602 = arith.constant 16 : i32
      %parallel_loop3A_603 = arith.muli %parallel_loop3A_601, %parallel_loop3A_602 : i32
      %parallel_loop3A_604 = arith.constant 0 : i32
      %parallel_loop3A_605 = arith.index_cast %parallel_loop3A_604 : i32 to index
      %parallel_loop3A_606 = arith.index_cast %parallel_loop3A_603 : i32 to index
      %parallel_loop3A_607 = tpu.vector_load %arg5[%parallel_loop3A_605, %parallel_loop3A_606] {strides = array<i32>} : memref<4x1024xf32, #tpu.memory_space<vmem>>, vector<16xf32>,
      %parallel_loop3A_608 = arith.constant 1 : i32
      %parallel_loop3A_609 = arith.index_cast %parallel_loop3A_608 : i32 to index
      %parallel_loop3A_610 = arith.index_cast %parallel_loop3A_603 : i32 to index
      %parallel_loop3A_611 = tpu.vector_load %arg5[%parallel_loop3A_609, %parallel_loop3A_610] {strides = array<i32>} : memref<4x1024xf32, #tpu.memory_space<vmem>>, vector<16xf32>,
      %parallel_loop3A_612 = arith.constant 2 : i32
      %parallel_loop3A_613 = arith.index_cast %parallel_loop3A_612 : i32 to index
      %parallel_loop3A_614 = arith.index_cast %parallel_loop3A_603 : i32 to index
      %parallel_loop3A_615 = tpu.vector_load %arg5[%parallel_loop3A_613, %parallel_loop3A_614] {strides = array<i32>} : memref<4x1024xf32, #tpu.memory_space<vmem>>, vector<16xf32>,
      %parallel_loop3A_616 = arith.constant 3 : i32
      %parallel_loop3A_617 = arith.index_cast %parallel_loop3A_616 : i32 to index
      %parallel_loop3A_618 = arith.index_cast %parallel_loop3A_603 : i32 to index
      %parallel_loop3A_619 = tpu.vector_load %arg5[%parallel_loop3A_617, %parallel_loop3A_618] {strides = array<i32>} : memref<4x1024xf32, #tpu.memory_space<vmem>>, vector<16xf32>,
      %parallel_loop3A_620 = vector.broadcast %squeeze3A : f32 to vector<16xf32>
      %parallel_loop3A_621 = arith.mulf %parallel_loop3A_607, %parallel_loop3A_620 : vector<16xf32>
      %parallel_loop3A_622 = vector.broadcast %squeeze3A_76 : f32 to vector<16xf32>
      %parallel_loop3A_623 = arith.mulf %parallel_loop3A_611, %parallel_loop3A_622 : vector<16xf32>
      %parallel_loop3A_624 = arith.addf %parallel_loop3A_621, %parallel_loop3A_623 : vector<16xf32>
      %parallel_loop3A_625 = vector.broadcast %squeeze3A_108 : f32 to vector<16xf32>
      %parallel_loop3A_626 = arith.mulf %parallel_loop3A_615, %parallel_loop3A_625 : vector<16xf32>
      %parallel_loop3A_627 = arith.addf %parallel_loop3A_624, %parallel_loop3A_626 : vector<16xf32>
      %parallel_loop3A_628 = vector.broadcast %squeeze3A_140 : f32 to vector<16xf32>
      %parallel_loop3A_629 = arith.mulf %parallel_loop3A_619, %parallel_loop3A_628 : vector<16xf32>
      %parallel_loop3A_630 = arith.addf %parallel_loop3A_627, %parallel_loop3A_629 : vector<16xf32>
      %parallel_loop3A_631 = vector.broadcast %squeeze3A_172 : f32 to vector<16xf32>
      %parallel_loop3A_632 = arith.addf %parallel_loop3A_630, %parallel_loop3A_631 : vector<16xf32>
      %parallel_loop3A_633 = vector.broadcast %squeeze3A_46 : f32 to vector<16xf32>
      %parallel_loop3A_634 = arith.mulf %parallel_loop3A_607, %parallel_loop3A_633 : vector<16xf32>
      %parallel_loop3A_635 = vector.broadcast %squeeze3A_78 : f32 to vector<16xf32>
      %parallel_loop3A_636 = arith.mulf %parallel_loop3A_611, %parallel_loop3A_635 : vector<16xf32>
      %parallel_loop3A_637 = arith.addf %parallel_loop3A_634, %parallel_loop3A_636 : vector<16xf32>
      %parallel_loop3A_638 = vector.broadcast %squeeze3A_110 : f32 to vector<16xf32>
      %parallel_loop3A_639 = arith.mulf %parallel_loop3A_615, %parallel_loop3A_638 : vector<16xf32>
      %parallel_loop3A_640 = arith.addf %parallel_loop3A_637, %parallel_loop3A_639 : vector<16xf32>
      %parallel_loop3A_641 = vector.broadcast %squeeze3A_142 : f32 to vector<16xf32>
      %parallel_loop3A_642 = arith.mulf %parallel_loop3A_619, %parallel_loop3A_641 : vector<16xf32>
      %parallel_loop3A_643 = arith.addf %parallel_loop3A_640, %parallel_loop3A_642 : vector<16xf32>
      %parallel_loop3A_644 = vector.broadcast %squeeze3A_174 : f32 to vector<16xf32>
      %parallel_loop3A_645 = arith.addf %parallel_loop3A_643, %parallel_loop3A_644 : vector<16xf32>
      %parallel_loop3A_646 = vector.broadcast %squeeze3A_48 : f32 to vector<16xf32>
      %parallel_loop3A_647 = arith.mulf %parallel_loop3A_607, %parallel_loop3A_646 : vector<16xf32>
      %parallel_loop3A_648 = vector.broadcast %squeeze3A_80 : f32 to vector<16xf32>
      %parallel_loop3A_649 = arith.mulf %parallel_loop3A_611, %parallel_loop3A_648 : vector<16xf32>
      %parallel_loop3A_650 = arith.addf %parallel_loop3A_647, %parallel_loop3A_649 : vector<16xf32>
      %parallel_loop3A_651 = vector.broadcast %squeeze3A_112 : f32 to vector<16xf32>
      %parallel_loop3A_652 = arith.mulf %parallel_loop3A_615, %parallel_loop3A_651 : vector<16xf32>
      %parallel_loop3A_653 = arith.addf %parallel_loop3A_650, %parallel_loop3A_652 : vector<16xf32>
      %parallel_loop3A_654 = vector.broadcast %squeeze3A_144 : f32 to vector<16xf32>
      %parallel_loop3A_655 = arith.mulf %parallel_loop3A_619, %parallel_loop3A_654 : vector<16xf32>
      %parallel_loop3A_656 = arith.addf %parallel_loop3A_653, %parallel_loop3A_655 : vector<16xf32>
      %parallel_loop3A_657 = vector.broadcast %squeeze3A_176 : f32 to vector<16xf32>
      %parallel_loop3A_658 = arith.addf %parallel_loop3A_656, %parallel_loop3A_657 : vector<16xf32>
      %parallel_loop3A_659 = vector.broadcast %squeeze3A_50 : f32 to vector<16xf32>
      %parallel_loop3A_660 = arith.mulf %parallel_loop3A_607, %parallel_loop3A_659 : vector<16xf32>
      %parallel_loop3A_661 = vector.broadcast %squeeze3A_82 : f32 to vector<16xf32>
      %parallel_loop3A_662 = arith.mulf %parallel_loop3A_611, %parallel_loop3A_661 : vector<16xf32>
      %parallel_loop3A_663 = arith.addf %parallel_loop3A_660, %parallel_loop3A_662 : vector<16xf32>
      %parallel_loop3A_664 = vector.broadcast %squeeze3A_114 : f32 to vector<16xf32>
      %parallel_loop3A_665 = arith.mulf %parallel_loop3A_615, %parallel_loop3A_664 : vector<16xf32>
      %parallel_loop3A_666 = arith.addf %parallel_loop3A_663, %parallel_loop3A_665 : vector<16xf32>
      %parallel_loop3A_667 = vector.broadcast %squeeze3A_146 : f32 to vector<16xf32>
      %parallel_loop3A_668 = arith.mulf %parallel_loop3A_619, %parallel_loop3A_667 : vector<16xf32>
      %parallel_loop3A_669 = arith.addf %parallel_loop3A_666, %parallel_loop3A_668 : vector<16xf32>
      %parallel_loop3A_670 = vector.broadcast %squeeze3A_178 : f32 to vector<16xf32>
      %parallel_loop3A_671 = arith.addf %parallel_loop3A_669, %parallel_loop3A_670 : vector<16xf32>
      %parallel_loop3A_672 = vector.broadcast %squeeze3A_52 : f32 to vector<16xf32>
      %parallel_loop3A_673 = arith.mulf %parallel_loop3A_607, %parallel_loop3A_672 : vector<16xf32>
      %parallel_loop3A_674 = vector.broadcast %squeeze3A_84 : f32 to vector<16xf32>
      %parallel_loop3A_675 = arith.mulf %parallel_loop3A_611, %parallel_loop3A_674 : vector<16xf32>
      %parallel_loop3A_676 = arith.addf %parallel_loop3A_673, %parallel_loop3A_675 : vector<16xf32>
      %parallel_loop3A_677 = vector.broadcast %squeeze3A_116 : f32 to vector<16xf32>
      %parallel_loop3A_678 = arith.mulf %parallel_loop3A_615, %parallel_loop3A_677 : vector<16xf32>
      %parallel_loop3A_679 = arith.addf %parallel_loop3A_676, %parallel_loop3A_678 : vector<16xf32>
      %parallel_loop3A_680 = vector.broadcast %squeeze3A_148 : f32 to vector<16xf32>
      %parallel_loop3A_681 = arith.mulf %parallel_loop3A_619, %parallel_loop3A_680 : vector<16xf32>
      %parallel_loop3A_682 = arith.addf %parallel_loop3A_679, %parallel_loop3A_681 : vector<16xf32>
      %parallel_loop3A_683 = vector.broadcast %squeeze3A_180 : f32 to vector<16xf32>
      %parallel_loop3A_684 = arith.addf %parallel_loop3A_682, %parallel_loop3A_683 : vector<16xf32>
      %parallel_loop3A_685 = vector.broadcast %squeeze3A_54 : f32 to vector<16xf32>
      %parallel_loop3A_686 = arith.mulf %parallel_loop3A_607, %parallel_loop3A_685 : vector<16xf32>
      %parallel_loop3A_687 = vector.broadcast %squeeze3A_86 : f32 to vector<16xf32>
      %parallel_loop3A_688 = arith.mulf %parallel_loop3A_611, %parallel_loop3A_687 : vector<16xf32>
      %parallel_loop3A_689 = arith.addf %parallel_loop3A_686, %parallel_loop3A_688 : vector<16xf32>
      %parallel_loop3A_690 = vector.broadcast %squeeze3A_118 : f32 to vector<16xf32>
      %parallel_loop3A_691 = arith.mulf %parallel_loop3A_615, %parallel_loop3A_690 : vector<16xf32>
      %parallel_loop3A_692 = arith.addf %parallel_loop3A_689, %parallel_loop3A_691 : vector<16xf32>
      %parallel_loop3A_693 = vector.broadcast %squeeze3A_150 : f32 to vector<16xf32>
      %parallel_loop3A_694 = arith.mulf %parallel_loop3A_619, %parallel_loop3A_693 : vector<16xf32>
      %parallel_loop3A_695 = arith.addf %parallel_loop3A_692, %parallel_loop3A_694 : vector<16xf32>
      %parallel_loop3A_696 = vector.broadcast %squeeze3A_182 : f32 to vector<16xf32>
      %parallel_loop3A_697 = arith.addf %parallel_loop3A_695, %parallel_loop3A_696 : vector<16xf32>
      %parallel_loop3A_698 = vector.broadcast %squeeze3A_56 : f32 to vector<16xf32>
      %parallel_loop3A_699 = arith.mulf %parallel_loop3A_607, %parallel_loop3A_698 : vector<16xf32>
      %parallel_loop3A_700 = vector.broadcast %squeeze3A_88 : f32 to vector<16xf32>
      %parallel_loop3A_701 = arith.mulf %parallel_loop3A_611, %parallel_loop3A_700 : vector<16xf32>
      %parallel_loop3A_702 = arith.addf %parallel_loop3A_699, %parallel_loop3A_701 : vector<16xf32>
      %parallel_loop3A_703 = vector.broadcast %squeeze3A_120 : f32 to vector<16xf32>
      %parallel_loop3A_704 = arith.mulf %parallel_loop3A_615, %parallel_loop3A_703 : vector<16xf32>
      %parallel_loop3A_705 = arith.addf %parallel_loop3A_702, %parallel_loop3A_704 : vector<16xf32>
      %parallel_loop3A_706 = vector.broadcast %squeeze3A_152 : f32 to vector<16xf32>
      %parallel_loop3A_707 = arith.mulf %parallel_loop3A_619, %parallel_loop3A_706 : vector<16xf32>
      %parallel_loop3A_708 = arith.addf %parallel_loop3A_705, %parallel_loop3A_707 : vector<16xf32>
      %parallel_loop3A_709 = vector.broadcast %squeeze3A_184 : f32 to vector<16xf32>
      %parallel_loop3A_710 = arith.addf %parallel_loop3A_708, %parallel_loop3A_709 : vector<16xf32>
      %parallel_loop3A_711 = vector.broadcast %squeeze3A_58 : f32 to vector<16xf32>
      %parallel_loop3A_712 = arith.mulf %parallel_loop3A_607, %parallel_loop3A_711 : vector<16xf32>
      %parallel_loop3A_713 = vector.broadcast %squeeze3A_90 : f32 to vector<16xf32>
      %parallel_loop3A_714 = arith.mulf %parallel_loop3A_611, %parallel_loop3A_713 : vector<16xf32>
      %parallel_loop3A_715 = arith.addf %parallel_loop3A_712, %parallel_loop3A_714 : vector<16xf32>
      %parallel_loop3A_716 = vector.broadcast %squeeze3A_122 : f32 to vector<16xf32>
      %parallel_loop3A_717 = arith.mulf %parallel_loop3A_615, %parallel_loop3A_716 : vector<16xf32>
      %parallel_loop3A_718 = arith.addf %parallel_loop3A_715, %parallel_loop3A_717 : vector<16xf32>
      %parallel_loop3A_719 = vector.broadcast %squeeze3A_154 : f32 to vector<16xf32>
      %parallel_loop3A_720 = arith.mulf %parallel_loop3A_619, %parallel_loop3A_719 : vector<16xf32>
      %parallel_loop3A_721 = arith.addf %parallel_loop3A_718, %parallel_loop3A_720 : vector<16xf32>
      %parallel_loop3A_722 = vector.broadcast %squeeze3A_186 : f32 to vector<16xf32>
      %parallel_loop3A_723 = arith.addf %parallel_loop3A_721, %parallel_loop3A_722 : vector<16xf32>
      %parallel_loop3A_724 = vector.broadcast %squeeze3A_60 : f32 to vector<16xf32>
      %parallel_loop3A_725 = arith.mulf %parallel_loop3A_607, %parallel_loop3A_724 : vector<16xf32>
      %parallel_loop3A_726 = vector.broadcast %squeeze3A_92 : f32 to vector<16xf32>
      %parallel_loop3A_727 = arith.mulf %parallel_loop3A_611, %parallel_loop3A_726 : vector<16xf32>
      %parallel_loop3A_728 = arith.addf %parallel_loop3A_725, %parallel_loop3A_727 : vector<16xf32>
      %parallel_loop3A_729 = vector.broadcast %squeeze3A_124 : f32 to vector<16xf32>
      %parallel_loop3A_730 = arith.mulf %parallel_loop3A_615, %parallel_loop3A_729 : vector<16xf32>
      %parallel_loop3A_731 = arith.addf %parallel_loop3A_728, %parallel_loop3A_730 : vector<16xf32>
      %parallel_loop3A_732 = vector.broadcast %squeeze3A_156 : f32 to vector<16xf32>
      %parallel_loop3A_733 = arith.mulf %parallel_loop3A_619, %parallel_loop3A_732 : vector<16xf32>
      %parallel_loop3A_734 = arith.addf %parallel_loop3A_731, %parallel_loop3A_733 : vector<16xf32>
      %parallel_loop3A_735 = vector.broadcast %squeeze3A_188 : f32 to vector<16xf32>
      %parallel_loop3A_736 = arith.addf %parallel_loop3A_734, %parallel_loop3A_735 : vector<16xf32>
      %parallel_loop3A_737 = vector.broadcast %squeeze3A_62 : f32 to vector<16xf32>
      %parallel_loop3A_738 = arith.mulf %parallel_loop3A_607, %parallel_loop3A_737 : vector<16xf32>
      %parallel_loop3A_739 = vector.broadcast %squeeze3A_94 : f32 to vector<16xf32>
      %parallel_loop3A_740 = arith.mulf %parallel_loop3A_611, %parallel_loop3A_739 : vector<16xf32>
      %parallel_loop3A_741 = arith.addf %parallel_loop3A_738, %parallel_loop3A_740 : vector<16xf32>
      %parallel_loop3A_742 = vector.broadcast %squeeze3A_126 : f32 to vector<16xf32>
      %parallel_loop3A_743 = arith.mulf %parallel_loop3A_615, %parallel_loop3A_742 : vector<16xf32>
      %parallel_loop3A_744 = arith.addf %parallel_loop3A_741, %parallel_loop3A_743 : vector<16xf32>
      %parallel_loop3A_745 = vector.broadcast %squeeze3A_158 : f32 to vector<16xf32>
      %parallel_loop3A_746 = arith.mulf %parallel_loop3A_619, %parallel_loop3A_745 : vector<16xf32>
      %parallel_loop3A_747 = arith.addf %parallel_loop3A_744, %parallel_loop3A_746 : vector<16xf32>
      %parallel_loop3A_748 = vector.broadcast %squeeze3A_190 : f32 to vector<16xf32>
      %parallel_loop3A_749 = arith.addf %parallel_loop3A_747, %parallel_loop3A_748 : vector<16xf32>
      %parallel_loop3A_750 = vector.broadcast %squeeze3A_64 : f32 to vector<16xf32>
      %parallel_loop3A_751 = arith.mulf %parallel_loop3A_607, %parallel_loop3A_750 : vector<16xf32>
      %parallel_loop3A_752 = vector.broadcast %squeeze3A_96 : f32 to vector<16xf32>
      %parallel_loop3A_753 = arith.mulf %parallel_loop3A_611, %parallel_loop3A_752 : vector<16xf32>
      %parallel_loop3A_754 = arith.addf %parallel_loop3A_751, %parallel_loop3A_753 : vector<16xf32>
      %parallel_loop3A_755 = vector.broadcast %squeeze3A_128 : f32 to vector<16xf32>
      %parallel_loop3A_756 = arith.mulf %parallel_loop3A_615, %parallel_loop3A_755 : vector<16xf32>
      %parallel_loop3A_757 = arith.addf %parallel_loop3A_754, %parallel_loop3A_756 : vector<16xf32>
      %parallel_loop3A_758 = vector.broadcast %squeeze3A_160 : f32 to vector<16xf32>
      %parallel_loop3A_759 = arith.mulf %parallel_loop3A_619, %parallel_loop3A_758 : vector<16xf32>
      %parallel_loop3A_760 = arith.addf %parallel_loop3A_757, %parallel_loop3A_759 : vector<16xf32>
      %parallel_loop3A_761 = vector.broadcast %squeeze3A_192 : f32 to vector<16xf32>
      %parallel_loop3A_762 = arith.addf %parallel_loop3A_760, %parallel_loop3A_761 : vector<16xf32>
      %parallel_loop3A_763 = vector.broadcast %squeeze3A_66 : f32 to vector<16xf32>
      %parallel_loop3A_764 = arith.mulf %parallel_loop3A_607, %parallel_loop3A_763 : vector<16xf32>
      %parallel_loop3A_765 = vector.broadcast %squeeze3A_98 : f32 to vector<16xf32>
      %parallel_loop3A_766 = arith.mulf %parallel_loop3A_611, %parallel_loop3A_765 : vector<16xf32>
      %parallel_loop3A_767 = arith.addf %parallel_loop3A_764, %parallel_loop3A_766 : vector<16xf32>
      %parallel_loop3A_768 = vector.broadcast %squeeze3A_130 : f32 to vector<16xf32>
      %parallel_loop3A_769 = arith.mulf %parallel_loop3A_615, %parallel_loop3A_768 : vector<16xf32>
      %parallel_loop3A_770 = arith.addf %parallel_loop3A_767, %parallel_loop3A_769 : vector<16xf32>
      %parallel_loop3A_771 = vector.broadcast %squeeze3A_162 : f32 to vector<16xf32>
      %parallel_loop3A_772 = arith.mulf %parallel_loop3A_619, %parallel_loop3A_771 : vector<16xf32>
      %parallel_loop3A_773 = arith.addf %parallel_loop3A_770, %parallel_loop3A_772 : vector<16xf32>
      %parallel_loop3A_774 = vector.broadcast %squeeze3A_194 : f32 to vector<16xf32>
      %parallel_loop3A_775 = arith.addf %parallel_loop3A_773, %parallel_loop3A_774 : vector<16xf32>
      %parallel_loop3A_776 = vector.broadcast %squeeze3A_68 : f32 to vector<16xf32>
      %parallel_loop3A_777 = arith.mulf %parallel_loop3A_607, %parallel_loop3A_776 : vector<16xf32>
      %parallel_loop3A_778 = vector.broadcast %squeeze3A_100 : f32 to vector<16xf32>
      %parallel_loop3A_779 = arith.mulf %parallel_loop3A_611, %parallel_loop3A_778 : vector<16xf32>
      %parallel_loop3A_780 = arith.addf %parallel_loop3A_777, %parallel_loop3A_779 : vector<16xf32>
      %parallel_loop3A_781 = vector.broadcast %squeeze3A_132 : f32 to vector<16xf32>
      %parallel_loop3A_782 = arith.mulf %parallel_loop3A_615, %parallel_loop3A_781 : vector<16xf32>
      %parallel_loop3A_783 = arith.addf %parallel_loop3A_780, %parallel_loop3A_782 : vector<16xf32>
      %parallel_loop3A_784 = vector.broadcast %squeeze3A_164 : f32 to vector<16xf32>
      %parallel_loop3A_785 = arith.mulf %parallel_loop3A_619, %parallel_loop3A_784 : vector<16xf32>
      %parallel_loop3A_786 = arith.addf %parallel_loop3A_783, %parallel_loop3A_785 : vector<16xf32>
      %parallel_loop3A_787 = vector.broadcast %squeeze3A_196 : f32 to vector<16xf32>
      %parallel_loop3A_788 = arith.addf %parallel_loop3A_786, %parallel_loop3A_787 : vector<16xf32>
      %parallel_loop3A_789 = vector.broadcast %squeeze3A_70 : f32 to vector<16xf32>
      %parallel_loop3A_790 = arith.mulf %parallel_loop3A_607, %parallel_loop3A_789 : vector<16xf32>
      %parallel_loop3A_791 = vector.broadcast %squeeze3A_102 : f32 to vector<16xf32>
      %parallel_loop3A_792 = arith.mulf %parallel_loop3A_611, %parallel_loop3A_791 : vector<16xf32>
      %parallel_loop3A_793 = arith.addf %parallel_loop3A_790, %parallel_loop3A_792 : vector<16xf32>
      %parallel_loop3A_794 = vector.broadcast %squeeze3A_134 : f32 to vector<16xf32>
      %parallel_loop3A_795 = arith.mulf %parallel_loop3A_615, %parallel_loop3A_794 : vector<16xf32>
      %parallel_loop3A_796 = arith.addf %parallel_loop3A_793, %parallel_loop3A_795 : vector<16xf32>
      %parallel_loop3A_797 = vector.broadcast %squeeze3A_166 : f32 to vector<16xf32>
      %parallel_loop3A_798 = arith.mulf %parallel_loop3A_619, %parallel_loop3A_797 : vector<16xf32>
      %parallel_loop3A_799 = arith.addf %parallel_loop3A_796, %parallel_loop3A_798 : vector<16xf32>
      %parallel_loop3A_800 = vector.broadcast %squeeze3A_198 : f32 to vector<16xf32>
      %parallel_loop3A_801 = arith.addf %parallel_loop3A_799, %parallel_loop3A_800 : vector<16xf32>
      %parallel_loop3A_802 = vector.broadcast %squeeze3A_72 : f32 to vector<16xf32>
      %parallel_loop3A_803 = arith.mulf %parallel_loop3A_607, %parallel_loop3A_802 : vector<16xf32>
      %parallel_loop3A_804 = vector.broadcast %squeeze3A_104 : f32 to vector<16xf32>
      %parallel_loop3A_805 = arith.mulf %parallel_loop3A_611, %parallel_loop3A_804 : vector<16xf32>
      %parallel_loop3A_806 = arith.addf %parallel_loop3A_803, %parallel_loop3A_805 : vector<16xf32>
      %parallel_loop3A_807 = vector.broadcast %squeeze3A_136 : f32 to vector<16xf32>
      %parallel_loop3A_808 = arith.mulf %parallel_loop3A_615, %parallel_loop3A_807 : vector<16xf32>
      %parallel_loop3A_809 = arith.addf %parallel_loop3A_806, %parallel_loop3A_808 : vector<16xf32>
      %parallel_loop3A_810 = vector.broadcast %squeeze3A_168 : f32 to vector<16xf32>
      %parallel_loop3A_811 = arith.mulf %parallel_loop3A_619, %parallel_loop3A_810 : vector<16xf32>
      %parallel_loop3A_812 = arith.addf %parallel_loop3A_809, %parallel_loop3A_811 : vector<16xf32>
      %parallel_loop3A_813 = vector.broadcast %squeeze3A_200 : f32 to vector<16xf32>
      %parallel_loop3A_814 = arith.addf %parallel_loop3A_812, %parallel_loop3A_813 : vector<16xf32>
      %parallel_loop3A_815 = vector.broadcast %squeeze3A_74 : f32 to vector<16xf32>
      %parallel_loop3A_816 = arith.mulf %parallel_loop3A_607, %parallel_loop3A_815 : vector<16xf32>
      %parallel_loop3A_817 = vector.broadcast %squeeze3A_106 : f32 to vector<16xf32>
      %parallel_loop3A_818 = arith.mulf %parallel_loop3A_611, %parallel_loop3A_817 : vector<16xf32>
      %parallel_loop3A_819 = arith.addf %parallel_loop3A_816, %parallel_loop3A_818 : vector<16xf32>
      %parallel_loop3A_820 = vector.broadcast %squeeze3A_138 : f32 to vector<16xf32>
      %parallel_loop3A_821 = arith.mulf %parallel_loop3A_615, %parallel_loop3A_820 : vector<16xf32>
      %parallel_loop3A_822 = arith.addf %parallel_loop3A_819, %parallel_loop3A_821 : vector<16xf32>
      %parallel_loop3A_823 = vector.broadcast %squeeze3A_170 : f32 to vector<16xf32>
      %parallel_loop3A_824 = arith.mulf %parallel_loop3A_619, %parallel_loop3A_823 : vector<16xf32>
      %parallel_loop3A_825 = arith.addf %parallel_loop3A_822, %parallel_loop3A_824 : vector<16xf32>
      %parallel_loop3A_826 = vector.broadcast %squeeze3A_202 : f32 to vector<16xf32>
      %parallel_loop3A_827 = arith.addf %parallel_loop3A_825, %parallel_loop3A_826 : vector<16xf32>
      %parallel_loop3A_828 = vector.bitcast %parallel_loop3A_632 : vector<16xf32> to vector<16xi32>
      %parallel_loop3A_829 = arith.constant 16 : i32
      %parallel_loop3A_830 = vector.broadcast %parallel_loop3A_829 : i32 to vector<16xi32>
      %parallel_loop3A_831 = arith.shrui %parallel_loop3A_828, %parallel_loop3A_830 : vector<16xi32>
      %parallel_loop3A_832 = arith.constant 1 : i32
      %parallel_loop3A_833 = vector.broadcast %parallel_loop3A_832 : i32 to vector<16xi32>
      %parallel_loop3A_834 = arith.andi %parallel_loop3A_831, %parallel_loop3A_833 : vector<16xi32>
      %parallel_loop3A_835 = arith.constant 32767 : i32
      %parallel_loop3A_836 = vector.broadcast %parallel_loop3A_835 : i32 to vector<16xi32>
      %parallel_loop3A_837 = arith.addi %parallel_loop3A_828, %parallel_loop3A_836 : vector<16xi32>
      %parallel_loop3A_838 = arith.addi %parallel_loop3A_837, %parallel_loop3A_834 : vector<16xi32>
      %parallel_loop3A_839 = arith.constant -65536 : i32
      %parallel_loop3A_840 = vector.broadcast %parallel_loop3A_839 : i32 to vector<16xi32>
      %parallel_loop3A_841 = arith.andi %parallel_loop3A_838, %parallel_loop3A_840 : vector<16xi32>
      %parallel_loop3A_842 = vector.bitcast %parallel_loop3A_841 : vector<16xi32> to vector<16xf32>
      %parallel_loop3A_843 = vector.bitcast %parallel_loop3A_645 : vector<16xf32> to vector<16xi32>
      %parallel_loop3A_844 = arith.constant 16 : i32
      %parallel_loop3A_845 = vector.broadcast %parallel_loop3A_844 : i32 to vector<16xi32>
      %parallel_loop3A_846 = arith.shrui %parallel_loop3A_843, %parallel_loop3A_845 : vector<16xi32>
      %parallel_loop3A_847 = arith.constant 1 : i32
      %parallel_loop3A_848 = vector.broadcast %parallel_loop3A_847 : i32 to vector<16xi32>
      %parallel_loop3A_849 = arith.andi %parallel_loop3A_846, %parallel_loop3A_848 : vector<16xi32>
      %parallel_loop3A_850 = arith.constant 32767 : i32
      %parallel_loop3A_851 = vector.broadcast %parallel_loop3A_850 : i32 to vector<16xi32>
      %parallel_loop3A_852 = arith.addi %parallel_loop3A_843, %parallel_loop3A_851 : vector<16xi32>
      %parallel_loop3A_853 = arith.addi %parallel_loop3A_852, %parallel_loop3A_849 : vector<16xi32>
      %parallel_loop3A_854 = arith.constant -65536 : i32
      %parallel_loop3A_855 = vector.broadcast %parallel_loop3A_854 : i32 to vector<16xi32>
      %parallel_loop3A_856 = arith.andi %parallel_loop3A_853, %parallel_loop3A_855 : vector<16xi32>
      %parallel_loop3A_857 = vector.bitcast %parallel_loop3A_856 : vector<16xi32> to vector<16xf32>
      %parallel_loop3A_858 = vector.bitcast %parallel_loop3A_658 : vector<16xf32> to vector<16xi32>
      %parallel_loop3A_859 = arith.constant 16 : i32
      %parallel_loop3A_860 = vector.broadcast %parallel_loop3A_859 : i32 to vector<16xi32>
      %parallel_loop3A_861 = arith.shrui %parallel_loop3A_858, %parallel_loop3A_860 : vector<16xi32>
      %parallel_loop3A_862 = arith.constant 1 : i32
      %parallel_loop3A_863 = vector.broadcast %parallel_loop3A_862 : i32 to vector<16xi32>
      %parallel_loop3A_864 = arith.andi %parallel_loop3A_861, %parallel_loop3A_863 : vector<16xi32>
      %parallel_loop3A_865 = arith.constant 32767 : i32
      %parallel_loop3A_866 = vector.broadcast %parallel_loop3A_865 : i32 to vector<16xi32>
      %parallel_loop3A_867 = arith.addi %parallel_loop3A_858, %parallel_loop3A_866 : vector<16xi32>
      %parallel_loop3A_868 = arith.addi %parallel_loop3A_867, %parallel_loop3A_864 : vector<16xi32>
      %parallel_loop3A_869 = arith.constant -65536 : i32
      %parallel_loop3A_870 = vector.broadcast %parallel_loop3A_869 : i32 to vector<16xi32>
      %parallel_loop3A_871 = arith.andi %parallel_loop3A_868, %parallel_loop3A_870 : vector<16xi32>
      %parallel_loop3A_872 = vector.bitcast %parallel_loop3A_871 : vector<16xi32> to vector<16xf32>
      %parallel_loop3A_873 = vector.bitcast %parallel_loop3A_671 : vector<16xf32> to vector<16xi32>
      %parallel_loop3A_874 = arith.constant 16 : i32
      %parallel_loop3A_875 = vector.broadcast %parallel_loop3A_874 : i32 to vector<16xi32>
      %parallel_loop3A_876 = arith.shrui %parallel_loop3A_873, %parallel_loop3A_875 : vector<16xi32>
      %parallel_loop3A_877 = arith.constant 1 : i32
      %parallel_loop3A_878 = vector.broadcast %parallel_loop3A_877 : i32 to vector<16xi32>
      %parallel_loop3A_879 = arith.andi %parallel_loop3A_876, %parallel_loop3A_878 : vector<16xi32>
      %parallel_loop3A_880 = arith.constant 32767 : i32
      %parallel_loop3A_881 = vector.broadcast %parallel_loop3A_880 : i32 to vector<16xi32>
      %parallel_loop3A_882 = arith.addi %parallel_loop3A_873, %parallel_loop3A_881 : vector<16xi32>
      %parallel_loop3A_883 = arith.addi %parallel_loop3A_882, %parallel_loop3A_879 : vector<16xi32>
      %parallel_loop3A_884 = arith.constant -65536 : i32
      %parallel_loop3A_885 = vector.broadcast %parallel_loop3A_884 : i32 to vector<16xi32>
      %parallel_loop3A_886 = arith.andi %parallel_loop3A_883, %parallel_loop3A_885 : vector<16xi32>
      %parallel_loop3A_887 = vector.bitcast %parallel_loop3A_886 : vector<16xi32> to vector<16xf32>
      %parallel_loop3A_888 = vector.bitcast %parallel_loop3A_684 : vector<16xf32> to vector<16xi32>
      %parallel_loop3A_889 = arith.constant 16 : i32
      %parallel_loop3A_890 = vector.broadcast %parallel_loop3A_889 : i32 to vector<16xi32>
      %parallel_loop3A_891 = arith.shrui %parallel_loop3A_888, %parallel_loop3A_890 : vector<16xi32>
      %parallel_loop3A_892 = arith.constant 1 : i32
      %parallel_loop3A_893 = vector.broadcast %parallel_loop3A_892 : i32 to vector<16xi32>
      %parallel_loop3A_894 = arith.andi %parallel_loop3A_891, %parallel_loop3A_893 : vector<16xi32>
      %parallel_loop3A_895 = arith.constant 32767 : i32
      %parallel_loop3A_896 = vector.broadcast %parallel_loop3A_895 : i32 to vector<16xi32>
      %parallel_loop3A_897 = arith.addi %parallel_loop3A_888, %parallel_loop3A_896 : vector<16xi32>
      %parallel_loop3A_898 = arith.addi %parallel_loop3A_897, %parallel_loop3A_894 : vector<16xi32>
      %parallel_loop3A_899 = arith.constant -65536 : i32
      %parallel_loop3A_900 = vector.broadcast %parallel_loop3A_899 : i32 to vector<16xi32>
      %parallel_loop3A_901 = arith.andi %parallel_loop3A_898, %parallel_loop3A_900 : vector<16xi32>
      %parallel_loop3A_902 = vector.bitcast %parallel_loop3A_901 : vector<16xi32> to vector<16xf32>
      %parallel_loop3A_903 = vector.bitcast %parallel_loop3A_697 : vector<16xf32> to vector<16xi32>
      %parallel_loop3A_904 = arith.constant 16 : i32
      %parallel_loop3A_905 = vector.broadcast %parallel_loop3A_904 : i32 to vector<16xi32>
      %parallel_loop3A_906 = arith.shrui %parallel_loop3A_903, %parallel_loop3A_905 : vector<16xi32>
      %parallel_loop3A_907 = arith.constant 1 : i32
      %parallel_loop3A_908 = vector.broadcast %parallel_loop3A_907 : i32 to vector<16xi32>
      %parallel_loop3A_909 = arith.andi %parallel_loop3A_906, %parallel_loop3A_908 : vector<16xi32>
      %parallel_loop3A_910 = arith.constant 32767 : i32
      %parallel_loop3A_911 = vector.broadcast %parallel_loop3A_910 : i32 to vector<16xi32>
      %parallel_loop3A_912 = arith.addi %parallel_loop3A_903, %parallel_loop3A_911 : vector<16xi32>
      %parallel_loop3A_913 = arith.addi %parallel_loop3A_912, %parallel_loop3A_909 : vector<16xi32>
      %parallel_loop3A_914 = arith.constant -65536 : i32
      %parallel_loop3A_915 = vector.broadcast %parallel_loop3A_914 : i32 to vector<16xi32>
      %parallel_loop3A_916 = arith.andi %parallel_loop3A_913, %parallel_loop3A_915 : vector<16xi32>
      %parallel_loop3A_917 = vector.bitcast %parallel_loop3A_916 : vector<16xi32> to vector<16xf32>
      %parallel_loop3A_918 = vector.bitcast %parallel_loop3A_710 : vector<16xf32> to vector<16xi32>
      %parallel_loop3A_919 = arith.constant 16 : i32
      %parallel_loop3A_920 = vector.broadcast %parallel_loop3A_919 : i32 to vector<16xi32>
      %parallel_loop3A_921 = arith.shrui %parallel_loop3A_918, %parallel_loop3A_920 : vector<16xi32>
      %parallel_loop3A_922 = arith.constant 1 : i32
      %parallel_loop3A_923 = vector.broadcast %parallel_loop3A_922 : i32 to vector<16xi32>
      %parallel_loop3A_924 = arith.andi %parallel_loop3A_921, %parallel_loop3A_923 : vector<16xi32>
      %parallel_loop3A_925 = arith.constant 32767 : i32
      %parallel_loop3A_926 = vector.broadcast %parallel_loop3A_925 : i32 to vector<16xi32>
      %parallel_loop3A_927 = arith.addi %parallel_loop3A_918, %parallel_loop3A_926 : vector<16xi32>
      %parallel_loop3A_928 = arith.addi %parallel_loop3A_927, %parallel_loop3A_924 : vector<16xi32>
      %parallel_loop3A_929 = arith.constant -65536 : i32
      %parallel_loop3A_930 = vector.broadcast %parallel_loop3A_929 : i32 to vector<16xi32>
      %parallel_loop3A_931 = arith.andi %parallel_loop3A_928, %parallel_loop3A_930 : vector<16xi32>
      %parallel_loop3A_932 = vector.bitcast %parallel_loop3A_931 : vector<16xi32> to vector<16xf32>
      %parallel_loop3A_933 = vector.bitcast %parallel_loop3A_723 : vector<16xf32> to vector<16xi32>
      %parallel_loop3A_934 = arith.constant 16 : i32
      %parallel_loop3A_935 = vector.broadcast %parallel_loop3A_934 : i32 to vector<16xi32>
      %parallel_loop3A_936 = arith.shrui %parallel_loop3A_933, %parallel_loop3A_935 : vector<16xi32>
      %parallel_loop3A_937 = arith.constant 1 : i32
      %parallel_loop3A_938 = vector.broadcast %parallel_loop3A_937 : i32 to vector<16xi32>
      %parallel_loop3A_939 = arith.andi %parallel_loop3A_936, %parallel_loop3A_938 : vector<16xi32>
      %parallel_loop3A_940 = arith.constant 32767 : i32
      %parallel_loop3A_941 = vector.broadcast %parallel_loop3A_940 : i32 to vector<16xi32>
      %parallel_loop3A_942 = arith.addi %parallel_loop3A_933, %parallel_loop3A_941 : vector<16xi32>
      %parallel_loop3A_943 = arith.addi %parallel_loop3A_942, %parallel_loop3A_939 : vector<16xi32>
      %parallel_loop3A_944 = arith.constant -65536 : i32
      %parallel_loop3A_945 = vector.broadcast %parallel_loop3A_944 : i32 to vector<16xi32>
      %parallel_loop3A_946 = arith.andi %parallel_loop3A_943, %parallel_loop3A_945 : vector<16xi32>
      %parallel_loop3A_947 = vector.bitcast %parallel_loop3A_946 : vector<16xi32> to vector<16xf32>
      %parallel_loop3A_948 = vector.bitcast %parallel_loop3A_736 : vector<16xf32> to vector<16xi32>
      %parallel_loop3A_949 = arith.constant 16 : i32
      %parallel_loop3A_950 = vector.broadcast %parallel_loop3A_949 : i32 to vector<16xi32>
      %parallel_loop3A_951 = arith.shrui %parallel_loop3A_948, %parallel_loop3A_950 : vector<16xi32>
      %parallel_loop3A_952 = arith.constant 1 : i32
      %parallel_loop3A_953 = vector.broadcast %parallel_loop3A_952 : i32 to vector<16xi32>
      %parallel_loop3A_954 = arith.andi %parallel_loop3A_951, %parallel_loop3A_953 : vector<16xi32>
      %parallel_loop3A_955 = arith.constant 32767 : i32
      %parallel_loop3A_956 = vector.broadcast %parallel_loop3A_955 : i32 to vector<16xi32>
      %parallel_loop3A_957 = arith.addi %parallel_loop3A_948, %parallel_loop3A_956 : vector<16xi32>
      %parallel_loop3A_958 = arith.addi %parallel_loop3A_957, %parallel_loop3A_954 : vector<16xi32>
      %parallel_loop3A_959 = arith.constant -65536 : i32
      %parallel_loop3A_960 = vector.broadcast %parallel_loop3A_959 : i32 to vector<16xi32>
      %parallel_loop3A_961 = arith.andi %parallel_loop3A_958, %parallel_loop3A_960 : vector<16xi32>
      %parallel_loop3A_962 = vector.bitcast %parallel_loop3A_961 : vector<16xi32> to vector<16xf32>
      %parallel_loop3A_963 = vector.bitcast %parallel_loop3A_749 : vector<16xf32> to vector<16xi32>
      %parallel_loop3A_964 = arith.constant 16 : i32
      %parallel_loop3A_965 = vector.broadcast %parallel_loop3A_964 : i32 to vector<16xi32>
      %parallel_loop3A_966 = arith.shrui %parallel_loop3A_963, %parallel_loop3A_965 : vector<16xi32>
      %parallel_loop3A_967 = arith.constant 1 : i32
      %parallel_loop3A_968 = vector.broadcast %parallel_loop3A_967 : i32 to vector<16xi32>
      %parallel_loop3A_969 = arith.andi %parallel_loop3A_966, %parallel_loop3A_968 : vector<16xi32>
      %parallel_loop3A_970 = arith.constant 32767 : i32
      %parallel_loop3A_971 = vector.broadcast %parallel_loop3A_970 : i32 to vector<16xi32>
      %parallel_loop3A_972 = arith.addi %parallel_loop3A_963, %parallel_loop3A_971 : vector<16xi32>
      %parallel_loop3A_973 = arith.addi %parallel_loop3A_972, %parallel_loop3A_969 : vector<16xi32>
      %parallel_loop3A_974 = arith.constant -65536 : i32
      %parallel_loop3A_975 = vector.broadcast %parallel_loop3A_974 : i32 to vector<16xi32>
      %parallel_loop3A_976 = arith.andi %parallel_loop3A_973, %parallel_loop3A_975 : vector<16xi32>
      %parallel_loop3A_977 = vector.bitcast %parallel_loop3A_976 : vector<16xi32> to vector<16xf32>
      %parallel_loop3A_978 = vector.bitcast %parallel_loop3A_762 : vector<16xf32> to vector<16xi32>
      %parallel_loop3A_979 = arith.constant 16 : i32
      %parallel_loop3A_980 = vector.broadcast %parallel_loop3A_979 : i32 to vector<16xi32>
      %parallel_loop3A_981 = arith.shrui %parallel_loop3A_978, %parallel_loop3A_980 : vector<16xi32>
      %parallel_loop3A_982 = arith.constant 1 : i32
      %parallel_loop3A_983 = vector.broadcast %parallel_loop3A_982 : i32 to vector<16xi32>
      %parallel_loop3A_984 = arith.andi %parallel_loop3A_981, %parallel_loop3A_983 : vector<16xi32>
      %parallel_loop3A_985 = arith.constant 32767 : i32
      %parallel_loop3A_986 = vector.broadcast %parallel_loop3A_985 : i32 to vector<16xi32>
      %parallel_loop3A_987 = arith.addi %parallel_loop3A_978, %parallel_loop3A_986 : vector<16xi32>
      %parallel_loop3A_988 = arith.addi %parallel_loop3A_987, %parallel_loop3A_984 : vector<16xi32>
      %parallel_loop3A_989 = arith.constant -65536 : i32
      %parallel_loop3A_990 = vector.broadcast %parallel_loop3A_989 : i32 to vector<16xi32>
      %parallel_loop3A_991 = arith.andi %parallel_loop3A_988, %parallel_loop3A_990 : vector<16xi32>
      %parallel_loop3A_992 = vector.bitcast %parallel_loop3A_991 : vector<16xi32> to vector<16xf32>
      %parallel_loop3A_993 = vector.bitcast %parallel_loop3A_775 : vector<16xf32> to vector<16xi32>
      %parallel_loop3A_994 = arith.constant 16 : i32
      %parallel_loop3A_995 = vector.broadcast %parallel_loop3A_994 : i32 to vector<16xi32>
      %parallel_loop3A_996 = arith.shrui %parallel_loop3A_993, %parallel_loop3A_995 : vector<16xi32>
      %parallel_loop3A_997 = arith.constant 1 : i32
      %parallel_loop3A_998 = vector.broadcast %parallel_loop3A_997 : i32 to vector<16xi32>
      %parallel_loop3A_999 = arith.andi %parallel_loop3A_996, %parallel_loop3A_998 : vector<16xi32>
      %parallel_loop3A_1000 = arith.constant 32767 : i32
      %parallel_loop3A_1001 = vector.broadcast %parallel_loop3A_1000 : i32 to vector<16xi32>
      %parallel_loop3A_1002 = arith.addi %parallel_loop3A_993, %parallel_loop3A_1001 : vector<16xi32>
      %parallel_loop3A_1003 = arith.addi %parallel_loop3A_1002, %parallel_loop3A_999 : vector<16xi32>
      %parallel_loop3A_1004 = arith.constant -65536 : i32
      %parallel_loop3A_1005 = vector.broadcast %parallel_loop3A_1004 : i32 to vector<16xi32>
      %parallel_loop3A_1006 = arith.andi %parallel_loop3A_1003, %parallel_loop3A_1005 : vector<16xi32>
      %parallel_loop3A_1007 = vector.bitcast %parallel_loop3A_1006 : vector<16xi32> to vector<16xf32>
      %parallel_loop3A_1008 = vector.bitcast %parallel_loop3A_788 : vector<16xf32> to vector<16xi32>
      %parallel_loop3A_1009 = arith.constant 16 : i32
      %parallel_loop3A_1010 = vector.broadcast %parallel_loop3A_1009 : i32 to vector<16xi32>
      %parallel_loop3A_1011 = arith.shrui %parallel_loop3A_1008, %parallel_loop3A_1010 : vector<16xi32>
      %parallel_loop3A_1012 = arith.constant 1 : i32
      %parallel_loop3A_1013 = vector.broadcast %parallel_loop3A_1012 : i32 to vector<16xi32>
      %parallel_loop3A_1014 = arith.andi %parallel_loop3A_1011, %parallel_loop3A_1013 : vector<16xi32>
      %parallel_loop3A_1015 = arith.constant 32767 : i32
      %parallel_loop3A_1016 = vector.broadcast %parallel_loop3A_1015 : i32 to vector<16xi32>
      %parallel_loop3A_1017 = arith.addi %parallel_loop3A_1008, %parallel_loop3A_1016 : vector<16xi32>
      %parallel_loop3A_1018 = arith.addi %parallel_loop3A_1017, %parallel_loop3A_1014 : vector<16xi32>
      %parallel_loop3A_1019 = arith.constant -65536 : i32
      %parallel_loop3A_1020 = vector.broadcast %parallel_loop3A_1019 : i32 to vector<16xi32>
      %parallel_loop3A_1021 = arith.andi %parallel_loop3A_1018, %parallel_loop3A_1020 : vector<16xi32>
      %parallel_loop3A_1022 = vector.bitcast %parallel_loop3A_1021 : vector<16xi32> to vector<16xf32>
      %parallel_loop3A_1023 = vector.bitcast %parallel_loop3A_801 : vector<16xf32> to vector<16xi32>
      %parallel_loop3A_1024 = arith.constant 16 : i32
      %parallel_loop3A_1025 = vector.broadcast %parallel_loop3A_1024 : i32 to vector<16xi32>
      %parallel_loop3A_1026 = arith.shrui %parallel_loop3A_1023, %parallel_loop3A_1025 : vector<16xi32>
      %parallel_loop3A_1027 = arith.constant 1 : i32
      %parallel_loop3A_1028 = vector.broadcast %parallel_loop3A_1027 : i32 to vector<16xi32>
      %parallel_loop3A_1029 = arith.andi %parallel_loop3A_1026, %parallel_loop3A_1028 : vector<16xi32>
      %parallel_loop3A_1030 = arith.constant 32767 : i32
      %parallel_loop3A_1031 = vector.broadcast %parallel_loop3A_1030 : i32 to vector<16xi32>
      %parallel_loop3A_1032 = arith.addi %parallel_loop3A_1023, %parallel_loop3A_1031 : vector<16xi32>
      %parallel_loop3A_1033 = arith.addi %parallel_loop3A_1032, %parallel_loop3A_1029 : vector<16xi32>
      %parallel_loop3A_1034 = arith.constant -65536 : i32
      %parallel_loop3A_1035 = vector.broadcast %parallel_loop3A_1034 : i32 to vector<16xi32>
      %parallel_loop3A_1036 = arith.andi %parallel_loop3A_1033, %parallel_loop3A_1035 : vector<16xi32>
      %parallel_loop3A_1037 = vector.bitcast %parallel_loop3A_1036 : vector<16xi32> to vector<16xf32>
      %parallel_loop3A_1038 = vector.bitcast %parallel_loop3A_814 : vector<16xf32> to vector<16xi32>
      %parallel_loop3A_1039 = arith.constant 16 : i32
      %parallel_loop3A_1040 = vector.broadcast %parallel_loop3A_1039 : i32 to vector<16xi32>
      %parallel_loop3A_1041 = arith.shrui %parallel_loop3A_1038, %parallel_loop3A_1040 : vector<16xi32>
      %parallel_loop3A_1042 = arith.constant 1 : i32
      %parallel_loop3A_1043 = vector.broadcast %parallel_loop3A_1042 : i32 to vector<16xi32>
      %parallel_loop3A_1044 = arith.andi %parallel_loop3A_1041, %parallel_loop3A_1043 : vector<16xi32>
      %parallel_loop3A_1045 = arith.constant 32767 : i32
      %parallel_loop3A_1046 = vector.broadcast %parallel_loop3A_1045 : i32 to vector<16xi32>
      %parallel_loop3A_1047 = arith.addi %parallel_loop3A_1038, %parallel_loop3A_1046 : vector<16xi32>
      %parallel_loop3A_1048 = arith.addi %parallel_loop3A_1047, %parallel_loop3A_1044 : vector<16xi32>
      %parallel_loop3A_1049 = arith.constant -65536 : i32
      %parallel_loop3A_1050 = vector.broadcast %parallel_loop3A_1049 : i32 to vector<16xi32>
      %parallel_loop3A_1051 = arith.andi %parallel_loop3A_1048, %parallel_loop3A_1050 : vector<16xi32>
      %parallel_loop3A_1052 = vector.bitcast %parallel_loop3A_1051 : vector<16xi32> to vector<16xf32>
      %parallel_loop3A_1053 = vector.bitcast %parallel_loop3A_827 : vector<16xf32> to vector<16xi32>
      %parallel_loop3A_1054 = arith.constant 16 : i32
      %parallel_loop3A_1055 = vector.broadcast %parallel_loop3A_1054 : i32 to vector<16xi32>
      %parallel_loop3A_1056 = arith.shrui %parallel_loop3A_1053, %parallel_loop3A_1055 : vector<16xi32>
      %parallel_loop3A_1057 = arith.constant 1 : i32
      %parallel_loop3A_1058 = vector.broadcast %parallel_loop3A_1057 : i32 to vector<16xi32>
      %parallel_loop3A_1059 = arith.andi %parallel_loop3A_1056, %parallel_loop3A_1058 : vector<16xi32>
      %parallel_loop3A_1060 = arith.constant 32767 : i32
      %parallel_loop3A_1061 = vector.broadcast %parallel_loop3A_1060 : i32 to vector<16xi32>
      %parallel_loop3A_1062 = arith.addi %parallel_loop3A_1053, %parallel_loop3A_1061 : vector<16xi32>
      %parallel_loop3A_1063 = arith.addi %parallel_loop3A_1062, %parallel_loop3A_1059 : vector<16xi32>
      %parallel_loop3A_1064 = arith.constant -65536 : i32
      %parallel_loop3A_1065 = vector.broadcast %parallel_loop3A_1064 : i32 to vector<16xi32>
      %parallel_loop3A_1066 = arith.andi %parallel_loop3A_1063, %parallel_loop3A_1065 : vector<16xi32>
      %parallel_loop3A_1067 = vector.bitcast %parallel_loop3A_1066 : vector<16xi32> to vector<16xf32>
      %parallel_loop3A_1068 = vector.broadcast %squeeze3A_204 : f32 to vector<16xf32>
      %parallel_loop3A_1069 = arith.mulf %parallel_loop3A_842, %parallel_loop3A_1068 : vector<16xf32>
      %parallel_loop3A_1070 = vector.broadcast %squeeze3A_220 : f32 to vector<16xf32>
      %parallel_loop3A_1071 = arith.mulf %parallel_loop3A_857, %parallel_loop3A_1070 : vector<16xf32>
      %parallel_loop3A_1072 = arith.addf %parallel_loop3A_1069, %parallel_loop3A_1071 : vector<16xf32>
      %parallel_loop3A_1073 = vector.broadcast %squeeze3A_236 : f32 to vector<16xf32>
      %parallel_loop3A_1074 = arith.mulf %parallel_loop3A_872, %parallel_loop3A_1073 : vector<16xf32>
      %parallel_loop3A_1075 = arith.addf %parallel_loop3A_1072, %parallel_loop3A_1074 : vector<16xf32>
      %parallel_loop3A_1076 = vector.broadcast %squeeze3A_252 : f32 to vector<16xf32>
      %parallel_loop3A_1077 = arith.mulf %parallel_loop3A_887, %parallel_loop3A_1076 : vector<16xf32>
      %parallel_loop3A_1078 = arith.addf %parallel_loop3A_1075, %parallel_loop3A_1077 : vector<16xf32>
      %parallel_loop3A_1079 = vector.broadcast %squeeze3A_268 : f32 to vector<16xf32>
      %parallel_loop3A_1080 = arith.mulf %parallel_loop3A_902, %parallel_loop3A_1079 : vector<16xf32>
      %parallel_loop3A_1081 = arith.addf %parallel_loop3A_1078, %parallel_loop3A_1080 : vector<16xf32>
      %parallel_loop3A_1082 = vector.broadcast %squeeze3A_284 : f32 to vector<16xf32>
      %parallel_loop3A_1083 = arith.mulf %parallel_loop3A_917, %parallel_loop3A_1082 : vector<16xf32>
      %parallel_loop3A_1084 = arith.addf %parallel_loop3A_1081, %parallel_loop3A_1083 : vector<16xf32>
      %parallel_loop3A_1085 = vector.broadcast %squeeze3A_300 : f32 to vector<16xf32>
      %parallel_loop3A_1086 = arith.mulf %parallel_loop3A_932, %parallel_loop3A_1085 : vector<16xf32>
      %parallel_loop3A_1087 = arith.addf %parallel_loop3A_1084, %parallel_loop3A_1086 : vector<16xf32>
      %parallel_loop3A_1088 = vector.broadcast %squeeze3A_316 : f32 to vector<16xf32>
      %parallel_loop3A_1089 = arith.mulf %parallel_loop3A_947, %parallel_loop3A_1088 : vector<16xf32>
      %parallel_loop3A_1090 = arith.addf %parallel_loop3A_1087, %parallel_loop3A_1089 : vector<16xf32>
      %parallel_loop3A_1091 = vector.broadcast %squeeze3A_332 : f32 to vector<16xf32>
      %parallel_loop3A_1092 = arith.mulf %parallel_loop3A_962, %parallel_loop3A_1091 : vector<16xf32>
      %parallel_loop3A_1093 = arith.addf %parallel_loop3A_1090, %parallel_loop3A_1092 : vector<16xf32>
      %parallel_loop3A_1094 = vector.broadcast %squeeze3A_348 : f32 to vector<16xf32>
      %parallel_loop3A_1095 = arith.mulf %parallel_loop3A_977, %parallel_loop3A_1094 : vector<16xf32>
      %parallel_loop3A_1096 = arith.addf %parallel_loop3A_1093, %parallel_loop3A_1095 : vector<16xf32>
      %parallel_loop3A_1097 = vector.broadcast %squeeze3A_364 : f32 to vector<16xf32>
      %parallel_loop3A_1098 = arith.mulf %parallel_loop3A_992, %parallel_loop3A_1097 : vector<16xf32>
      %parallel_loop3A_1099 = arith.addf %parallel_loop3A_1096, %parallel_loop3A_1098 : vector<16xf32>
      %parallel_loop3A_1100 = vector.broadcast %squeeze3A_380 : f32 to vector<16xf32>
      %parallel_loop3A_1101 = arith.mulf %parallel_loop3A_1007, %parallel_loop3A_1100 : vector<16xf32>
      %parallel_loop3A_1102 = arith.addf %parallel_loop3A_1099, %parallel_loop3A_1101 : vector<16xf32>
      %parallel_loop3A_1103 = vector.broadcast %squeeze3A_396 : f32 to vector<16xf32>
      %parallel_loop3A_1104 = arith.mulf %parallel_loop3A_1022, %parallel_loop3A_1103 : vector<16xf32>
      %parallel_loop3A_1105 = arith.addf %parallel_loop3A_1102, %parallel_loop3A_1104 : vector<16xf32>
      %parallel_loop3A_1106 = vector.broadcast %squeeze3A_412 : f32 to vector<16xf32>
      %parallel_loop3A_1107 = arith.mulf %parallel_loop3A_1037, %parallel_loop3A_1106 : vector<16xf32>
      %parallel_loop3A_1108 = arith.addf %parallel_loop3A_1105, %parallel_loop3A_1107 : vector<16xf32>
      %parallel_loop3A_1109 = vector.broadcast %squeeze3A_428 : f32 to vector<16xf32>
      %parallel_loop3A_1110 = arith.mulf %parallel_loop3A_1052, %parallel_loop3A_1109 : vector<16xf32>
      %parallel_loop3A_1111 = arith.addf %parallel_loop3A_1108, %parallel_loop3A_1110 : vector<16xf32>
      %parallel_loop3A_1112 = vector.broadcast %squeeze3A_444 : f32 to vector<16xf32>
      %parallel_loop3A_1113 = arith.mulf %parallel_loop3A_1067, %parallel_loop3A_1112 : vector<16xf32>
      %parallel_loop3A_1114 = arith.addf %parallel_loop3A_1111, %parallel_loop3A_1113 : vector<16xf32>
      %parallel_loop3A_1115 = vector.broadcast %squeeze3A_460 : f32 to vector<16xf32>
      %parallel_loop3A_1116 = arith.addf %parallel_loop3A_1114, %parallel_loop3A_1115 : vector<16xf32>
      %parallel_loop3A_1117 = vector.broadcast %squeeze3A_206 : f32 to vector<16xf32>
      %parallel_loop3A_1118 = arith.mulf %parallel_loop3A_842, %parallel_loop3A_1117 : vector<16xf32>
      %parallel_loop3A_1119 = vector.broadcast %squeeze3A_222 : f32 to vector<16xf32>
      %parallel_loop3A_1120 = arith.mulf %parallel_loop3A_857, %parallel_loop3A_1119 : vector<16xf32>
      %parallel_loop3A_1121 = arith.addf %parallel_loop3A_1118, %parallel_loop3A_1120 : vector<16xf32>
      %parallel_loop3A_1122 = vector.broadcast %squeeze3A_238 : f32 to vector<16xf32>
      %parallel_loop3A_1123 = arith.mulf %parallel_loop3A_872, %parallel_loop3A_1122 : vector<16xf32>
      %parallel_loop3A_1124 = arith.addf %parallel_loop3A_1121, %parallel_loop3A_1123 : vector<16xf32>
      %parallel_loop3A_1125 = vector.broadcast %squeeze3A_254 : f32 to vector<16xf32>
      %parallel_loop3A_1126 = arith.mulf %parallel_loop3A_887, %parallel_loop3A_1125 : vector<16xf32>
      %parallel_loop3A_1127 = arith.addf %parallel_loop3A_1124, %parallel_loop3A_1126 : vector<16xf32>
      %parallel_loop3A_1128 = vector.broadcast %squeeze3A_270 : f32 to vector<16xf32>
      %parallel_loop3A_1129 = arith.mulf %parallel_loop3A_902, %parallel_loop3A_1128 : vector<16xf32>
      %parallel_loop3A_1130 = arith.addf %parallel_loop3A_1127, %parallel_loop3A_1129 : vector<16xf32>
      %parallel_loop3A_1131 = vector.broadcast %squeeze3A_286 : f32 to vector<16xf32>
      %parallel_loop3A_1132 = arith.mulf %parallel_loop3A_917, %parallel_loop3A_1131 : vector<16xf32>
      %parallel_loop3A_1133 = arith.addf %parallel_loop3A_1130, %parallel_loop3A_1132 : vector<16xf32>
      %parallel_loop3A_1134 = vector.broadcast %squeeze3A_302 : f32 to vector<16xf32>
      %parallel_loop3A_1135 = arith.mulf %parallel_loop3A_932, %parallel_loop3A_1134 : vector<16xf32>
      %parallel_loop3A_1136 = arith.addf %parallel_loop3A_1133, %parallel_loop3A_1135 : vector<16xf32>
      %parallel_loop3A_1137 = vector.broadcast %squeeze3A_318 : f32 to vector<16xf32>
      %parallel_loop3A_1138 = arith.mulf %parallel_loop3A_947, %parallel_loop3A_1137 : vector<16xf32>
      %parallel_loop3A_1139 = arith.addf %parallel_loop3A_1136, %parallel_loop3A_1138 : vector<16xf32>
      %parallel_loop3A_1140 = vector.broadcast %squeeze3A_334 : f32 to vector<16xf32>
      %parallel_loop3A_1141 = arith.mulf %parallel_loop3A_962, %parallel_loop3A_1140 : vector<16xf32>
      %parallel_loop3A_1142 = arith.addf %parallel_loop3A_1139, %parallel_loop3A_1141 : vector<16xf32>
      %parallel_loop3A_1143 = vector.broadcast %squeeze3A_350 : f32 to vector<16xf32>
      %parallel_loop3A_1144 = arith.mulf %parallel_loop3A_977, %parallel_loop3A_1143 : vector<16xf32>
      %parallel_loop3A_1145 = arith.addf %parallel_loop3A_1142, %parallel_loop3A_1144 : vector<16xf32>
      %parallel_loop3A_1146 = vector.broadcast %squeeze3A_366 : f32 to vector<16xf32>
      %parallel_loop3A_1147 = arith.mulf %parallel_loop3A_992, %parallel_loop3A_1146 : vector<16xf32>
      %parallel_loop3A_1148 = arith.addf %parallel_loop3A_1145, %parallel_loop3A_1147 : vector<16xf32>
      %parallel_loop3A_1149 = vector.broadcast %squeeze3A_382 : f32 to vector<16xf32>
      %parallel_loop3A_1150 = arith.mulf %parallel_loop3A_1007, %parallel_loop3A_1149 : vector<16xf32>
      %parallel_loop3A_1151 = arith.addf %parallel_loop3A_1148, %parallel_loop3A_1150 : vector<16xf32>
      %parallel_loop3A_1152 = vector.broadcast %squeeze3A_398 : f32 to vector<16xf32>
      %parallel_loop3A_1153 = arith.mulf %parallel_loop3A_1022, %parallel_loop3A_1152 : vector<16xf32>
      %parallel_loop3A_1154 = arith.addf %parallel_loop3A_1151, %parallel_loop3A_1153 : vector<16xf32>
      %parallel_loop3A_1155 = vector.broadcast %squeeze3A_414 : f32 to vector<16xf32>
      %parallel_loop3A_1156 = arith.mulf %parallel_loop3A_1037, %parallel_loop3A_1155 : vector<16xf32>
      %parallel_loop3A_1157 = arith.addf %parallel_loop3A_1154, %parallel_loop3A_1156 : vector<16xf32>
      %parallel_loop3A_1158 = vector.broadcast %squeeze3A_430 : f32 to vector<16xf32>
      %parallel_loop3A_1159 = arith.mulf %parallel_loop3A_1052, %parallel_loop3A_1158 : vector<16xf32>
      %parallel_loop3A_1160 = arith.addf %parallel_loop3A_1157, %parallel_loop3A_1159 : vector<16xf32>
      %parallel_loop3A_1161 = vector.broadcast %squeeze3A_446 : f32 to vector<16xf32>
      %parallel_loop3A_1162 = arith.mulf %parallel_loop3A_1067, %parallel_loop3A_1161 : vector<16xf32>
      %parallel_loop3A_1163 = arith.addf %parallel_loop3A_1160, %parallel_loop3A_1162 : vector<16xf32>
      %parallel_loop3A_1164 = vector.broadcast %squeeze3A_462 : f32 to vector<16xf32>
      %parallel_loop3A_1165 = arith.addf %parallel_loop3A_1163, %parallel_loop3A_1164 : vector<16xf32>
      %parallel_loop3A_1166 = vector.broadcast %squeeze3A_208 : f32 to vector<16xf32>
      %parallel_loop3A_1167 = arith.mulf %parallel_loop3A_842, %parallel_loop3A_1166 : vector<16xf32>
      %parallel_loop3A_1168 = vector.broadcast %squeeze3A_224 : f32 to vector<16xf32>
      %parallel_loop3A_1169 = arith.mulf %parallel_loop3A_857, %parallel_loop3A_1168 : vector<16xf32>
      %parallel_loop3A_1170 = arith.addf %parallel_loop3A_1167, %parallel_loop3A_1169 : vector<16xf32>
      %parallel_loop3A_1171 = vector.broadcast %squeeze3A_240 : f32 to vector<16xf32>
      %parallel_loop3A_1172 = arith.mulf %parallel_loop3A_872, %parallel_loop3A_1171 : vector<16xf32>
      %parallel_loop3A_1173 = arith.addf %parallel_loop3A_1170, %parallel_loop3A_1172 : vector<16xf32>
      %parallel_loop3A_1174 = vector.broadcast %squeeze3A_256 : f32 to vector<16xf32>
      %parallel_loop3A_1175 = arith.mulf %parallel_loop3A_887, %parallel_loop3A_1174 : vector<16xf32>
      %parallel_loop3A_1176 = arith.addf %parallel_loop3A_1173, %parallel_loop3A_1175 : vector<16xf32>
      %parallel_loop3A_1177 = vector.broadcast %squeeze3A_272 : f32 to vector<16xf32>
      %parallel_loop3A_1178 = arith.mulf %parallel_loop3A_902, %parallel_loop3A_1177 : vector<16xf32>
      %parallel_loop3A_1179 = arith.addf %parallel_loop3A_1176, %parallel_loop3A_1178 : vector<16xf32>
      %parallel_loop3A_1180 = vector.broadcast %squeeze3A_288 : f32 to vector<16xf32>
      %parallel_loop3A_1181 = arith.mulf %parallel_loop3A_917, %parallel_loop3A_1180 : vector<16xf32>
      %parallel_loop3A_1182 = arith.addf %parallel_loop3A_1179, %parallel_loop3A_1181 : vector<16xf32>
      %parallel_loop3A_1183 = vector.broadcast %squeeze3A_304 : f32 to vector<16xf32>
      %parallel_loop3A_1184 = arith.mulf %parallel_loop3A_932, %parallel_loop3A_1183 : vector<16xf32>
      %parallel_loop3A_1185 = arith.addf %parallel_loop3A_1182, %parallel_loop3A_1184 : vector<16xf32>
      %parallel_loop3A_1186 = vector.broadcast %squeeze3A_320 : f32 to vector<16xf32>
      %parallel_loop3A_1187 = arith.mulf %parallel_loop3A_947, %parallel_loop3A_1186 : vector<16xf32>
      %parallel_loop3A_1188 = arith.addf %parallel_loop3A_1185, %parallel_loop3A_1187 : vector<16xf32>
      %parallel_loop3A_1189 = vector.broadcast %squeeze3A_336 : f32 to vector<16xf32>
      %parallel_loop3A_1190 = arith.mulf %parallel_loop3A_962, %parallel_loop3A_1189 : vector<16xf32>
      %parallel_loop3A_1191 = arith.addf %parallel_loop3A_1188, %parallel_loop3A_1190 : vector<16xf32>
      %parallel_loop3A_1192 = vector.broadcast %squeeze3A_352 : f32 to vector<16xf32>
      %parallel_loop3A_1193 = arith.mulf %parallel_loop3A_977, %parallel_loop3A_1192 : vector<16xf32>
      %parallel_loop3A_1194 = arith.addf %parallel_loop3A_1191, %parallel_loop3A_1193 : vector<16xf32>
      %parallel_loop3A_1195 = vector.broadcast %squeeze3A_368 : f32 to vector<16xf32>
      %parallel_loop3A_1196 = arith.mulf %parallel_loop3A_992, %parallel_loop3A_1195 : vector<16xf32>
      %parallel_loop3A_1197 = arith.addf %parallel_loop3A_1194, %parallel_loop3A_1196 : vector<16xf32>
      %parallel_loop3A_1198 = vector.broadcast %squeeze3A_384 : f32 to vector<16xf32>
      %parallel_loop3A_1199 = arith.mulf %parallel_loop3A_1007, %parallel_loop3A_1198 : vector<16xf32>
      %parallel_loop3A_1200 = arith.addf %parallel_loop3A_1197, %parallel_loop3A_1199 : vector<16xf32>
      %parallel_loop3A_1201 = vector.broadcast %squeeze3A_400 : f32 to vector<16xf32>
      %parallel_loop3A_1202 = arith.mulf %parallel_loop3A_1022, %parallel_loop3A_1201 : vector<16xf32>
      %parallel_loop3A_1203 = arith.addf %parallel_loop3A_1200, %parallel_loop3A_1202 : vector<16xf32>
      %parallel_loop3A_1204 = vector.broadcast %squeeze3A_416 : f32 to vector<16xf32>
      %parallel_loop3A_1205 = arith.mulf %parallel_loop3A_1037, %parallel_loop3A_1204 : vector<16xf32>
      %parallel_loop3A_1206 = arith.addf %parallel_loop3A_1203, %parallel_loop3A_1205 : vector<16xf32>
      %parallel_loop3A_1207 = vector.broadcast %squeeze3A_432 : f32 to vector<16xf32>
      %parallel_loop3A_1208 = arith.mulf %parallel_loop3A_1052, %parallel_loop3A_1207 : vector<16xf32>
      %parallel_loop3A_1209 = arith.addf %parallel_loop3A_1206, %parallel_loop3A_1208 : vector<16xf32>
      %parallel_loop3A_1210 = vector.broadcast %squeeze3A_448 : f32 to vector<16xf32>
      %parallel_loop3A_1211 = arith.mulf %parallel_loop3A_1067, %parallel_loop3A_1210 : vector<16xf32>
      %parallel_loop3A_1212 = arith.addf %parallel_loop3A_1209, %parallel_loop3A_1211 : vector<16xf32>
      %parallel_loop3A_1213 = vector.broadcast %squeeze3A_464 : f32 to vector<16xf32>
      %parallel_loop3A_1214 = arith.addf %parallel_loop3A_1212, %parallel_loop3A_1213 : vector<16xf32>
      %parallel_loop3A_1215 = vector.broadcast %squeeze3A_210 : f32 to vector<16xf32>
      %parallel_loop3A_1216 = arith.mulf %parallel_loop3A_842, %parallel_loop3A_1215 : vector<16xf32>
      %parallel_loop3A_1217 = vector.broadcast %squeeze3A_226 : f32 to vector<16xf32>
      %parallel_loop3A_1218 = arith.mulf %parallel_loop3A_857, %parallel_loop3A_1217 : vector<16xf32>
      %parallel_loop3A_1219 = arith.addf %parallel_loop3A_1216, %parallel_loop3A_1218 : vector<16xf32>
      %parallel_loop3A_1220 = vector.broadcast %squeeze3A_242 : f32 to vector<16xf32>
      %parallel_loop3A_1221 = arith.mulf %parallel_loop3A_872, %parallel_loop3A_1220 : vector<16xf32>
      %parallel_loop3A_1222 = arith.addf %parallel_loop3A_1219, %parallel_loop3A_1221 : vector<16xf32>
      %parallel_loop3A_1223 = vector.broadcast %squeeze3A_258 : f32 to vector<16xf32>
      %parallel_loop3A_1224 = arith.mulf %parallel_loop3A_887, %parallel_loop3A_1223 : vector<16xf32>
      %parallel_loop3A_1225 = arith.addf %parallel_loop3A_1222, %parallel_loop3A_1224 : vector<16xf32>
      %parallel_loop3A_1226 = vector.broadcast %squeeze3A_274 : f32 to vector<16xf32>
      %parallel_loop3A_1227 = arith.mulf %parallel_loop3A_902, %parallel_loop3A_1226 : vector<16xf32>
      %parallel_loop3A_1228 = arith.addf %parallel_loop3A_1225, %parallel_loop3A_1227 : vector<16xf32>
      %parallel_loop3A_1229 = vector.broadcast %squeeze3A_290 : f32 to vector<16xf32>
      %parallel_loop3A_1230 = arith.mulf %parallel_loop3A_917, %parallel_loop3A_1229 : vector<16xf32>
      %parallel_loop3A_1231 = arith.addf %parallel_loop3A_1228, %parallel_loop3A_1230 : vector<16xf32>
      %parallel_loop3A_1232 = vector.broadcast %squeeze3A_306 : f32 to vector<16xf32>
      %parallel_loop3A_1233 = arith.mulf %parallel_loop3A_932, %parallel_loop3A_1232 : vector<16xf32>
      %parallel_loop3A_1234 = arith.addf %parallel_loop3A_1231, %parallel_loop3A_1233 : vector<16xf32>
      %parallel_loop3A_1235 = vector.broadcast %squeeze3A_322 : f32 to vector<16xf32>
      %parallel_loop3A_1236 = arith.mulf %parallel_loop3A_947, %parallel_loop3A_1235 : vector<16xf32>
      %parallel_loop3A_1237 = arith.addf %parallel_loop3A_1234, %parallel_loop3A_1236 : vector<16xf32>
      %parallel_loop3A_1238 = vector.broadcast %squeeze3A_338 : f32 to vector<16xf32>
      %parallel_loop3A_1239 = arith.mulf %parallel_loop3A_962, %parallel_loop3A_1238 : vector<16xf32>
      %parallel_loop3A_1240 = arith.addf %parallel_loop3A_1237, %parallel_loop3A_1239 : vector<16xf32>
      %parallel_loop3A_1241 = vector.broadcast %squeeze3A_354 : f32 to vector<16xf32>
      %parallel_loop3A_1242 = arith.mulf %parallel_loop3A_977, %parallel_loop3A_1241 : vector<16xf32>
      %parallel_loop3A_1243 = arith.addf %parallel_loop3A_1240, %parallel_loop3A_1242 : vector<16xf32>
      %parallel_loop3A_1244 = vector.broadcast %squeeze3A_370 : f32 to vector<16xf32>
      %parallel_loop3A_1245 = arith.mulf %parallel_loop3A_992, %parallel_loop3A_1244 : vector<16xf32>
      %parallel_loop3A_1246 = arith.addf %parallel_loop3A_1243, %parallel_loop3A_1245 : vector<16xf32>
      %parallel_loop3A_1247 = vector.broadcast %squeeze3A_386 : f32 to vector<16xf32>
      %parallel_loop3A_1248 = arith.mulf %parallel_loop3A_1007, %parallel_loop3A_1247 : vector<16xf32>
      %parallel_loop3A_1249 = arith.addf %parallel_loop3A_1246, %parallel_loop3A_1248 : vector<16xf32>
      %parallel_loop3A_1250 = vector.broadcast %squeeze3A_402 : f32 to vector<16xf32>
      %parallel_loop3A_1251 = arith.mulf %parallel_loop3A_1022, %parallel_loop3A_1250 : vector<16xf32>
      %parallel_loop3A_1252 = arith.addf %parallel_loop3A_1249, %parallel_loop3A_1251 : vector<16xf32>
      %parallel_loop3A_1253 = vector.broadcast %squeeze3A_418 : f32 to vector<16xf32>
      %parallel_loop3A_1254 = arith.mulf %parallel_loop3A_1037, %parallel_loop3A_1253 : vector<16xf32>
      %parallel_loop3A_1255 = arith.addf %parallel_loop3A_1252, %parallel_loop3A_1254 : vector<16xf32>
      %parallel_loop3A_1256 = vector.broadcast %squeeze3A_434 : f32 to vector<16xf32>
      %parallel_loop3A_1257 = arith.mulf %parallel_loop3A_1052, %parallel_loop3A_1256 : vector<16xf32>
      %parallel_loop3A_1258 = arith.addf %parallel_loop3A_1255, %parallel_loop3A_1257 : vector<16xf32>
      %parallel_loop3A_1259 = vector.broadcast %squeeze3A_450 : f32 to vector<16xf32>
      %parallel_loop3A_1260 = arith.mulf %parallel_loop3A_1067, %parallel_loop3A_1259 : vector<16xf32>
      %parallel_loop3A_1261 = arith.addf %parallel_loop3A_1258, %parallel_loop3A_1260 : vector<16xf32>
      %parallel_loop3A_1262 = vector.broadcast %squeeze3A_466 : f32 to vector<16xf32>
      %parallel_loop3A_1263 = arith.addf %parallel_loop3A_1261, %parallel_loop3A_1262 : vector<16xf32>
      %parallel_loop3A_1264 = vector.broadcast %squeeze3A_212 : f32 to vector<16xf32>
      %parallel_loop3A_1265 = arith.mulf %parallel_loop3A_842, %parallel_loop3A_1264 : vector<16xf32>
      %parallel_loop3A_1266 = vector.broadcast %squeeze3A_228 : f32 to vector<16xf32>
      %parallel_loop3A_1267 = arith.mulf %parallel_loop3A_857, %parallel_loop3A_1266 : vector<16xf32>
      %parallel_loop3A_1268 = arith.addf %parallel_loop3A_1265, %parallel_loop3A_1267 : vector<16xf32>
      %parallel_loop3A_1269 = vector.broadcast %squeeze3A_244 : f32 to vector<16xf32>
      %parallel_loop3A_1270 = arith.mulf %parallel_loop3A_872, %parallel_loop3A_1269 : vector<16xf32>
      %parallel_loop3A_1271 = arith.addf %parallel_loop3A_1268, %parallel_loop3A_1270 : vector<16xf32>
      %parallel_loop3A_1272 = vector.broadcast %squeeze3A_260 : f32 to vector<16xf32>
      %parallel_loop3A_1273 = arith.mulf %parallel_loop3A_887, %parallel_loop3A_1272 : vector<16xf32>
      %parallel_loop3A_1274 = arith.addf %parallel_loop3A_1271, %parallel_loop3A_1273 : vector<16xf32>
      %parallel_loop3A_1275 = vector.broadcast %squeeze3A_276 : f32 to vector<16xf32>
      %parallel_loop3A_1276 = arith.mulf %parallel_loop3A_902, %parallel_loop3A_1275 : vector<16xf32>
      %parallel_loop3A_1277 = arith.addf %parallel_loop3A_1274, %parallel_loop3A_1276 : vector<16xf32>
      %parallel_loop3A_1278 = vector.broadcast %squeeze3A_292 : f32 to vector<16xf32>
      %parallel_loop3A_1279 = arith.mulf %parallel_loop3A_917, %parallel_loop3A_1278 : vector<16xf32>
      %parallel_loop3A_1280 = arith.addf %parallel_loop3A_1277, %parallel_loop3A_1279 : vector<16xf32>
      %parallel_loop3A_1281 = vector.broadcast %squeeze3A_308 : f32 to vector<16xf32>
      %parallel_loop3A_1282 = arith.mulf %parallel_loop3A_932, %parallel_loop3A_1281 : vector<16xf32>
      %parallel_loop3A_1283 = arith.addf %parallel_loop3A_1280, %parallel_loop3A_1282 : vector<16xf32>
      %parallel_loop3A_1284 = vector.broadcast %squeeze3A_324 : f32 to vector<16xf32>
      %parallel_loop3A_1285 = arith.mulf %parallel_loop3A_947, %parallel_loop3A_1284 : vector<16xf32>
      %parallel_loop3A_1286 = arith.addf %parallel_loop3A_1283, %parallel_loop3A_1285 : vector<16xf32>
      %parallel_loop3A_1287 = vector.broadcast %squeeze3A_340 : f32 to vector<16xf32>
      %parallel_loop3A_1288 = arith.mulf %parallel_loop3A_962, %parallel_loop3A_1287 : vector<16xf32>
      %parallel_loop3A_1289 = arith.addf %parallel_loop3A_1286, %parallel_loop3A_1288 : vector<16xf32>
      %parallel_loop3A_1290 = vector.broadcast %squeeze3A_356 : f32 to vector<16xf32>
      %parallel_loop3A_1291 = arith.mulf %parallel_loop3A_977, %parallel_loop3A_1290 : vector<16xf32>
      %parallel_loop3A_1292 = arith.addf %parallel_loop3A_1289, %parallel_loop3A_1291 : vector<16xf32>
      %parallel_loop3A_1293 = vector.broadcast %squeeze3A_372 : f32 to vector<16xf32>
      %parallel_loop3A_1294 = arith.mulf %parallel_loop3A_992, %parallel_loop3A_1293 : vector<16xf32>
      %parallel_loop3A_1295 = arith.addf %parallel_loop3A_1292, %parallel_loop3A_1294 : vector<16xf32>
      %parallel_loop3A_1296 = vector.broadcast %squeeze3A_388 : f32 to vector<16xf32>
      %parallel_loop3A_1297 = arith.mulf %parallel_loop3A_1007, %parallel_loop3A_1296 : vector<16xf32>
      %parallel_loop3A_1298 = arith.addf %parallel_loop3A_1295, %parallel_loop3A_1297 : vector<16xf32>
      %parallel_loop3A_1299 = vector.broadcast %squeeze3A_404 : f32 to vector<16xf32>
      %parallel_loop3A_1300 = arith.mulf %parallel_loop3A_1022, %parallel_loop3A_1299 : vector<16xf32>
      %parallel_loop3A_1301 = arith.addf %parallel_loop3A_1298, %parallel_loop3A_1300 : vector<16xf32>
      %parallel_loop3A_1302 = vector.broadcast %squeeze3A_420 : f32 to vector<16xf32>
      %parallel_loop3A_1303 = arith.mulf %parallel_loop3A_1037, %parallel_loop3A_1302 : vector<16xf32>
      %parallel_loop3A_1304 = arith.addf %parallel_loop3A_1301, %parallel_loop3A_1303 : vector<16xf32>
      %parallel_loop3A_1305 = vector.broadcast %squeeze3A_436 : f32 to vector<16xf32>
      %parallel_loop3A_1306 = arith.mulf %parallel_loop3A_1052, %parallel_loop3A_1305 : vector<16xf32>
      %parallel_loop3A_1307 = arith.addf %parallel_loop3A_1304, %parallel_loop3A_1306 : vector<16xf32>
      %parallel_loop3A_1308 = vector.broadcast %squeeze3A_452 : f32 to vector<16xf32>
      %parallel_loop3A_1309 = arith.mulf %parallel_loop3A_1067, %parallel_loop3A_1308 : vector<16xf32>
      %parallel_loop3A_1310 = arith.addf %parallel_loop3A_1307, %parallel_loop3A_1309 : vector<16xf32>
      %parallel_loop3A_1311 = vector.broadcast %squeeze3A_468 : f32 to vector<16xf32>
      %parallel_loop3A_1312 = arith.addf %parallel_loop3A_1310, %parallel_loop3A_1311 : vector<16xf32>
      %parallel_loop3A_1313 = vector.broadcast %squeeze3A_214 : f32 to vector<16xf32>
      %parallel_loop3A_1314 = arith.mulf %parallel_loop3A_842, %parallel_loop3A_1313 : vector<16xf32>
      %parallel_loop3A_1315 = vector.broadcast %squeeze3A_230 : f32 to vector<16xf32>
      %parallel_loop3A_1316 = arith.mulf %parallel_loop3A_857, %parallel_loop3A_1315 : vector<16xf32>
      %parallel_loop3A_1317 = arith.addf %parallel_loop3A_1314, %parallel_loop3A_1316 : vector<16xf32>
      %parallel_loop3A_1318 = vector.broadcast %squeeze3A_246 : f32 to vector<16xf32>
      %parallel_loop3A_1319 = arith.mulf %parallel_loop3A_872, %parallel_loop3A_1318 : vector<16xf32>
      %parallel_loop3A_1320 = arith.addf %parallel_loop3A_1317, %parallel_loop3A_1319 : vector<16xf32>
      %parallel_loop3A_1321 = vector.broadcast %squeeze3A_262 : f32 to vector<16xf32>
      %parallel_loop3A_1322 = arith.mulf %parallel_loop3A_887, %parallel_loop3A_1321 : vector<16xf32>
      %parallel_loop3A_1323 = arith.addf %parallel_loop3A_1320, %parallel_loop3A_1322 : vector<16xf32>
      %parallel_loop3A_1324 = vector.broadcast %squeeze3A_278 : f32 to vector<16xf32>
      %parallel_loop3A_1325 = arith.mulf %parallel_loop3A_902, %parallel_loop3A_1324 : vector<16xf32>
      %parallel_loop3A_1326 = arith.addf %parallel_loop3A_1323, %parallel_loop3A_1325 : vector<16xf32>
      %parallel_loop3A_1327 = vector.broadcast %squeeze3A_294 : f32 to vector<16xf32>
      %parallel_loop3A_1328 = arith.mulf %parallel_loop3A_917, %parallel_loop3A_1327 : vector<16xf32>
      %parallel_loop3A_1329 = arith.addf %parallel_loop3A_1326, %parallel_loop3A_1328 : vector<16xf32>
      %parallel_loop3A_1330 = vector.broadcast %squeeze3A_310 : f32 to vector<16xf32>
      %parallel_loop3A_1331 = arith.mulf %parallel_loop3A_932, %parallel_loop3A_1330 : vector<16xf32>
      %parallel_loop3A_1332 = arith.addf %parallel_loop3A_1329, %parallel_loop3A_1331 : vector<16xf32>
      %parallel_loop3A_1333 = vector.broadcast %squeeze3A_326 : f32 to vector<16xf32>
      %parallel_loop3A_1334 = arith.mulf %parallel_loop3A_947, %parallel_loop3A_1333 : vector<16xf32>
      %parallel_loop3A_1335 = arith.addf %parallel_loop3A_1332, %parallel_loop3A_1334 : vector<16xf32>
      %parallel_loop3A_1336 = vector.broadcast %squeeze3A_342 : f32 to vector<16xf32>
      %parallel_loop3A_1337 = arith.mulf %parallel_loop3A_962, %parallel_loop3A_1336 : vector<16xf32>
      %parallel_loop3A_1338 = arith.addf %parallel_loop3A_1335, %parallel_loop3A_1337 : vector<16xf32>
      %parallel_loop3A_1339 = vector.broadcast %squeeze3A_358 : f32 to vector<16xf32>
      %parallel_loop3A_1340 = arith.mulf %parallel_loop3A_977, %parallel_loop3A_1339 : vector<16xf32>
      %parallel_loop3A_1341 = arith.addf %parallel_loop3A_1338, %parallel_loop3A_1340 : vector<16xf32>
      %parallel_loop3A_1342 = vector.broadcast %squeeze3A_374 : f32 to vector<16xf32>
      %parallel_loop3A_1343 = arith.mulf %parallel_loop3A_992, %parallel_loop3A_1342 : vector<16xf32>
      %parallel_loop3A_1344 = arith.addf %parallel_loop3A_1341, %parallel_loop3A_1343 : vector<16xf32>
      %parallel_loop3A_1345 = vector.broadcast %squeeze3A_390 : f32 to vector<16xf32>
      %parallel_loop3A_1346 = arith.mulf %parallel_loop3A_1007, %parallel_loop3A_1345 : vector<16xf32>
      %parallel_loop3A_1347 = arith.addf %parallel_loop3A_1344, %parallel_loop3A_1346 : vector<16xf32>
      %parallel_loop3A_1348 = vector.broadcast %squeeze3A_406 : f32 to vector<16xf32>
      %parallel_loop3A_1349 = arith.mulf %parallel_loop3A_1022, %parallel_loop3A_1348 : vector<16xf32>
      %parallel_loop3A_1350 = arith.addf %parallel_loop3A_1347, %parallel_loop3A_1349 : vector<16xf32>
      %parallel_loop3A_1351 = vector.broadcast %squeeze3A_422 : f32 to vector<16xf32>
      %parallel_loop3A_1352 = arith.mulf %parallel_loop3A_1037, %parallel_loop3A_1351 : vector<16xf32>
      %parallel_loop3A_1353 = arith.addf %parallel_loop3A_1350, %parallel_loop3A_1352 : vector<16xf32>
      %parallel_loop3A_1354 = vector.broadcast %squeeze3A_438 : f32 to vector<16xf32>
      %parallel_loop3A_1355 = arith.mulf %parallel_loop3A_1052, %parallel_loop3A_1354 : vector<16xf32>
      %parallel_loop3A_1356 = arith.addf %parallel_loop3A_1353, %parallel_loop3A_1355 : vector<16xf32>
      %parallel_loop3A_1357 = vector.broadcast %squeeze3A_454 : f32 to vector<16xf32>
      %parallel_loop3A_1358 = arith.mulf %parallel_loop3A_1067, %parallel_loop3A_1357 : vector<16xf32>
      %parallel_loop3A_1359 = arith.addf %parallel_loop3A_1356, %parallel_loop3A_1358 : vector<16xf32>
      %parallel_loop3A_1360 = vector.broadcast %squeeze3A_470 : f32 to vector<16xf32>
      %parallel_loop3A_1361 = arith.addf %parallel_loop3A_1359, %parallel_loop3A_1360 : vector<16xf32>
      %parallel_loop3A_1362 = vector.broadcast %squeeze3A_216 : f32 to vector<16xf32>
      %parallel_loop3A_1363 = arith.mulf %parallel_loop3A_842, %parallel_loop3A_1362 : vector<16xf32>
      %parallel_loop3A_1364 = vector.broadcast %squeeze3A_232 : f32 to vector<16xf32>
      %parallel_loop3A_1365 = arith.mulf %parallel_loop3A_857, %parallel_loop3A_1364 : vector<16xf32>
      %parallel_loop3A_1366 = arith.addf %parallel_loop3A_1363, %parallel_loop3A_1365 : vector<16xf32>
      %parallel_loop3A_1367 = vector.broadcast %squeeze3A_248 : f32 to vector<16xf32>
      %parallel_loop3A_1368 = arith.mulf %parallel_loop3A_872, %parallel_loop3A_1367 : vector<16xf32>
      %parallel_loop3A_1369 = arith.addf %parallel_loop3A_1366, %parallel_loop3A_1368 : vector<16xf32>
      %parallel_loop3A_1370 = vector.broadcast %squeeze3A_264 : f32 to vector<16xf32>
      %parallel_loop3A_1371 = arith.mulf %parallel_loop3A_887, %parallel_loop3A_1370 : vector<16xf32>
      %parallel_loop3A_1372 = arith.addf %parallel_loop3A_1369, %parallel_loop3A_1371 : vector<16xf32>
      %parallel_loop3A_1373 = vector.broadcast %squeeze3A_280 : f32 to vector<16xf32>
      %parallel_loop3A_1374 = arith.mulf %parallel_loop3A_902, %parallel_loop3A_1373 : vector<16xf32>
      %parallel_loop3A_1375 = arith.addf %parallel_loop3A_1372, %parallel_loop3A_1374 : vector<16xf32>
      %parallel_loop3A_1376 = vector.broadcast %squeeze3A_296 : f32 to vector<16xf32>
      %parallel_loop3A_1377 = arith.mulf %parallel_loop3A_917, %parallel_loop3A_1376 : vector<16xf32>
      %parallel_loop3A_1378 = arith.addf %parallel_loop3A_1375, %parallel_loop3A_1377 : vector<16xf32>
      %parallel_loop3A_1379 = vector.broadcast %squeeze3A_312 : f32 to vector<16xf32>
      %parallel_loop3A_1380 = arith.mulf %parallel_loop3A_932, %parallel_loop3A_1379 : vector<16xf32>
      %parallel_loop3A_1381 = arith.addf %parallel_loop3A_1378, %parallel_loop3A_1380 : vector<16xf32>
      %parallel_loop3A_1382 = vector.broadcast %squeeze3A_328 : f32 to vector<16xf32>
      %parallel_loop3A_1383 = arith.mulf %parallel_loop3A_947, %parallel_loop3A_1382 : vector<16xf32>
      %parallel_loop3A_1384 = arith.addf %parallel_loop3A_1381, %parallel_loop3A_1383 : vector<16xf32>
      %parallel_loop3A_1385 = vector.broadcast %squeeze3A_344 : f32 to vector<16xf32>
      %parallel_loop3A_1386 = arith.mulf %parallel_loop3A_962, %parallel_loop3A_1385 : vector<16xf32>
      %parallel_loop3A_1387 = arith.addf %parallel_loop3A_1384, %parallel_loop3A_1386 : vector<16xf32>
      %parallel_loop3A_1388 = vector.broadcast %squeeze3A_360 : f32 to vector<16xf32>
      %parallel_loop3A_1389 = arith.mulf %parallel_loop3A_977, %parallel_loop3A_1388 : vector<16xf32>
      %parallel_loop3A_1390 = arith.addf %parallel_loop3A_1387, %parallel_loop3A_1389 : vector<16xf32>
      %parallel_loop3A_1391 = vector.broadcast %squeeze3A_376 : f32 to vector<16xf32>
      %parallel_loop3A_1392 = arith.mulf %parallel_loop3A_992, %parallel_loop3A_1391 : vector<16xf32>
      %parallel_loop3A_1393 = arith.addf %parallel_loop3A_1390, %parallel_loop3A_1392 : vector<16xf32>
      %parallel_loop3A_1394 = vector.broadcast %squeeze3A_392 : f32 to vector<16xf32>
      %parallel_loop3A_1395 = arith.mulf %parallel_loop3A_1007, %parallel_loop3A_1394 : vector<16xf32>
      %parallel_loop3A_1396 = arith.addf %parallel_loop3A_1393, %parallel_loop3A_1395 : vector<16xf32>
      %parallel_loop3A_1397 = vector.broadcast %squeeze3A_408 : f32 to vector<16xf32>
      %parallel_loop3A_1398 = arith.mulf %parallel_loop3A_1022, %parallel_loop3A_1397 : vector<16xf32>
      %parallel_loop3A_1399 = arith.addf %parallel_loop3A_1396, %parallel_loop3A_1398 : vector<16xf32>
      %parallel_loop3A_1400 = vector.broadcast %squeeze3A_424 : f32 to vector<16xf32>
      %parallel_loop3A_1401 = arith.mulf %parallel_loop3A_1037, %parallel_loop3A_1400 : vector<16xf32>
      %parallel_loop3A_1402 = arith.addf %parallel_loop3A_1399, %parallel_loop3A_1401 : vector<16xf32>
      %parallel_loop3A_1403 = vector.broadcast %squeeze3A_440 : f32 to vector<16xf32>
      %parallel_loop3A_1404 = arith.mulf %parallel_loop3A_1052, %parallel_loop3A_1403 : vector<16xf32>
      %parallel_loop3A_1405 = arith.addf %parallel_loop3A_1402, %parallel_loop3A_1404 : vector<16xf32>
      %parallel_loop3A_1406 = vector.broadcast %squeeze3A_456 : f32 to vector<16xf32>
      %parallel_loop3A_1407 = arith.mulf %parallel_loop3A_1067, %parallel_loop3A_1406 : vector<16xf32>
      %parallel_loop3A_1408 = arith.addf %parallel_loop3A_1405, %parallel_loop3A_1407 : vector<16xf32>
      %parallel_loop3A_1409 = vector.broadcast %squeeze3A_472 : f32 to vector<16xf32>
      %parallel_loop3A_1410 = arith.addf %parallel_loop3A_1408, %parallel_loop3A_1409 : vector<16xf32>
      %parallel_loop3A_1411 = vector.broadcast %squeeze3A_218 : f32 to vector<16xf32>
      %parallel_loop3A_1412 = arith.mulf %parallel_loop3A_842, %parallel_loop3A_1411 : vector<16xf32>
      %parallel_loop3A_1413 = vector.broadcast %squeeze3A_234 : f32 to vector<16xf32>
      %parallel_loop3A_1414 = arith.mulf %parallel_loop3A_857, %parallel_loop3A_1413 : vector<16xf32>
      %parallel_loop3A_1415 = arith.addf %parallel_loop3A_1412, %parallel_loop3A_1414 : vector<16xf32>
      %parallel_loop3A_1416 = vector.broadcast %squeeze3A_250 : f32 to vector<16xf32>
      %parallel_loop3A_1417 = arith.mulf %parallel_loop3A_872, %parallel_loop3A_1416 : vector<16xf32>
      %parallel_loop3A_1418 = arith.addf %parallel_loop3A_1415, %parallel_loop3A_1417 : vector<16xf32>
      %parallel_loop3A_1419 = vector.broadcast %squeeze3A_266 : f32 to vector<16xf32>
      %parallel_loop3A_1420 = arith.mulf %parallel_loop3A_887, %parallel_loop3A_1419 : vector<16xf32>
      %parallel_loop3A_1421 = arith.addf %parallel_loop3A_1418, %parallel_loop3A_1420 : vector<16xf32>
      %parallel_loop3A_1422 = vector.broadcast %squeeze3A_282 : f32 to vector<16xf32>
      %parallel_loop3A_1423 = arith.mulf %parallel_loop3A_902, %parallel_loop3A_1422 : vector<16xf32>
      %parallel_loop3A_1424 = arith.addf %parallel_loop3A_1421, %parallel_loop3A_1423 : vector<16xf32>
      %parallel_loop3A_1425 = vector.broadcast %squeeze3A_298 : f32 to vector<16xf32>
      %parallel_loop3A_1426 = arith.mulf %parallel_loop3A_917, %parallel_loop3A_1425 : vector<16xf32>
      %parallel_loop3A_1427 = arith.addf %parallel_loop3A_1424, %parallel_loop3A_1426 : vector<16xf32>
      %parallel_loop3A_1428 = vector.broadcast %squeeze3A_314 : f32 to vector<16xf32>
      %parallel_loop3A_1429 = arith.mulf %parallel_loop3A_932, %parallel_loop3A_1428 : vector<16xf32>
      %parallel_loop3A_1430 = arith.addf %parallel_loop3A_1427, %parallel_loop3A_1429 : vector<16xf32>
      %parallel_loop3A_1431 = vector.broadcast %squeeze3A_330 : f32 to vector<16xf32>
      %parallel_loop3A_1432 = arith.mulf %parallel_loop3A_947, %parallel_loop3A_1431 : vector<16xf32>
      %parallel_loop3A_1433 = arith.addf %parallel_loop3A_1430, %parallel_loop3A_1432 : vector<16xf32>
      %parallel_loop3A_1434 = vector.broadcast %squeeze3A_346 : f32 to vector<16xf32>
      %parallel_loop3A_1435 = arith.mulf %parallel_loop3A_962, %parallel_loop3A_1434 : vector<16xf32>
      %parallel_loop3A_1436 = arith.addf %parallel_loop3A_1433, %parallel_loop3A_1435 : vector<16xf32>
      %parallel_loop3A_1437 = vector.broadcast %squeeze3A_362 : f32 to vector<16xf32>
      %parallel_loop3A_1438 = arith.mulf %parallel_loop3A_977, %parallel_loop3A_1437 : vector<16xf32>
      %parallel_loop3A_1439 = arith.addf %parallel_loop3A_1436, %parallel_loop3A_1438 : vector<16xf32>
      %parallel_loop3A_1440 = vector.broadcast %squeeze3A_378 : f32 to vector<16xf32>
      %parallel_loop3A_1441 = arith.mulf %parallel_loop3A_992, %parallel_loop3A_1440 : vector<16xf32>
      %parallel_loop3A_1442 = arith.addf %parallel_loop3A_1439, %parallel_loop3A_1441 : vector<16xf32>
      %parallel_loop3A_1443 = vector.broadcast %squeeze3A_394 : f32 to vector<16xf32>
      %parallel_loop3A_1444 = arith.mulf %parallel_loop3A_1007, %parallel_loop3A_1443 : vector<16xf32>
      %parallel_loop3A_1445 = arith.addf %parallel_loop3A_1442, %parallel_loop3A_1444 : vector<16xf32>
      %parallel_loop3A_1446 = vector.broadcast %squeeze3A_410 : f32 to vector<16xf32>
      %parallel_loop3A_1447 = arith.mulf %parallel_loop3A_1022, %parallel_loop3A_1446 : vector<16xf32>
      %parallel_loop3A_1448 = arith.addf %parallel_loop3A_1445, %parallel_loop3A_1447 : vector<16xf32>
      %parallel_loop3A_1449 = vector.broadcast %squeeze3A_426 : f32 to vector<16xf32>
      %parallel_loop3A_1450 = arith.mulf %parallel_loop3A_1037, %parallel_loop3A_1449 : vector<16xf32>
      %parallel_loop3A_1451 = arith.addf %parallel_loop3A_1448, %parallel_loop3A_1450 : vector<16xf32>
      %parallel_loop3A_1452 = vector.broadcast %squeeze3A_442 : f32 to vector<16xf32>
      %parallel_loop3A_1453 = arith.mulf %parallel_loop3A_1052, %parallel_loop3A_1452 : vector<16xf32>
      %parallel_loop3A_1454 = arith.addf %parallel_loop3A_1451, %parallel_loop3A_1453 : vector<16xf32>
      %parallel_loop3A_1455 = vector.broadcast %squeeze3A_458 : f32 to vector<16xf32>
      %parallel_loop3A_1456 = arith.mulf %parallel_loop3A_1067, %parallel_loop3A_1455 : vector<16xf32>
      %parallel_loop3A_1457 = arith.addf %parallel_loop3A_1454, %parallel_loop3A_1456 : vector<16xf32>
      %parallel_loop3A_1458 = vector.broadcast %squeeze3A_474 : f32 to vector<16xf32>
      %parallel_loop3A_1459 = arith.addf %parallel_loop3A_1457, %parallel_loop3A_1458 : vector<16xf32>
      %parallel_loop3A_1460 = arith.maximumf %parallel_loop3A_1116, %parallel_loop3A_1165 : vector<16xf32>
      %parallel_loop3A_1461 = arith.maximumf %parallel_loop3A_1460, %parallel_loop3A_1214 : vector<16xf32>
      %parallel_loop3A_1462 = arith.maximumf %parallel_loop3A_1461, %parallel_loop3A_1263 : vector<16xf32>
      %parallel_loop3A_1463 = arith.maximumf %parallel_loop3A_1462, %parallel_loop3A_1312 : vector<16xf32>
      %parallel_loop3A_1464 = arith.maximumf %parallel_loop3A_1463, %parallel_loop3A_1361 : vector<16xf32>
      %parallel_loop3A_1465 = arith.maximumf %parallel_loop3A_1464, %parallel_loop3A_1410 : vector<16xf32>
      %parallel_loop3A_1466 = arith.maximumf %parallel_loop3A_1465, %parallel_loop3A_1459 : vector<16xf32>
      %parallel_loop3A_1467 = arith.constant 0 : i32
      %parallel_loop3A_1468 = vector.broadcast %parallel_loop3A_1467 : i32 to vector<16xi32>
      %parallel_loop3A_1469 = arith.cmpf oeq, %parallel_loop3A_1459, %parallel_loop3A_1466 : vector<16xf32>
      %parallel_loop3A_1470 = arith.constant 7 : i32
      %parallel_loop3A_1471 = vector.broadcast %parallel_loop3A_1470 : i32 to vector<16xi32>
      %parallel_loop3A_1472 = arith.select %parallel_loop3A_1469, %parallel_loop3A_1471, %parallel_loop3A_1468 : vector<16xi1>, vector<16xi32>
      %parallel_loop3A_1473 = arith.cmpf oeq, %parallel_loop3A_1410, %parallel_loop3A_1466 : vector<16xf32>
      %parallel_loop3A_1474 = arith.constant 6 : i32
      %parallel_loop3A_1475 = vector.broadcast %parallel_loop3A_1474 : i32 to vector<16xi32>
      %parallel_loop3A_1476 = arith.select %parallel_loop3A_1473, %parallel_loop3A_1475, %parallel_loop3A_1472 : vector<16xi1>, vector<16xi32>
      %parallel_loop3A_1477 = arith.cmpf oeq, %parallel_loop3A_1361, %parallel_loop3A_1466 : vector<16xf32>
      %parallel_loop3A_1478 = arith.constant 5 : i32
      %parallel_loop3A_1479 = vector.broadcast %parallel_loop3A_1478 : i32 to vector<16xi32>
      %parallel_loop3A_1480 = arith.select %parallel_loop3A_1477, %parallel_loop3A_1479, %parallel_loop3A_1476 : vector<16xi1>, vector<16xi32>
      %parallel_loop3A_1481 = arith.cmpf oeq, %parallel_loop3A_1312, %parallel_loop3A_1466 : vector<16xf32>
      %parallel_loop3A_1482 = arith.constant 4 : i32
      %parallel_loop3A_1483 = vector.broadcast %parallel_loop3A_1482 : i32 to vector<16xi32>
      %parallel_loop3A_1484 = arith.select %parallel_loop3A_1481, %parallel_loop3A_1483, %parallel_loop3A_1480 : vector<16xi1>, vector<16xi32>
      %parallel_loop3A_1485 = arith.cmpf oeq, %parallel_loop3A_1263, %parallel_loop3A_1466 : vector<16xf32>
      %parallel_loop3A_1486 = arith.constant 3 : i32
      %parallel_loop3A_1487 = vector.broadcast %parallel_loop3A_1486 : i32 to vector<16xi32>
      %parallel_loop3A_1488 = arith.select %parallel_loop3A_1485, %parallel_loop3A_1487, %parallel_loop3A_1484 : vector<16xi1>, vector<16xi32>
      %parallel_loop3A_1489 = arith.cmpf oeq, %parallel_loop3A_1214, %parallel_loop3A_1466 : vector<16xf32>
      %parallel_loop3A_1490 = arith.constant 2 : i32
      %parallel_loop3A_1491 = vector.broadcast %parallel_loop3A_1490 : i32 to vector<16xi32>
      %parallel_loop3A_1492 = arith.select %parallel_loop3A_1489, %parallel_loop3A_1491, %parallel_loop3A_1488 : vector<16xi1>, vector<16xi32>
      %parallel_loop3A_1493 = arith.cmpf oeq, %parallel_loop3A_1165, %parallel_loop3A_1466 : vector<16xf32>
      %parallel_loop3A_1494 = arith.constant 1 : i32
      %parallel_loop3A_1495 = vector.broadcast %parallel_loop3A_1494 : i32 to vector<16xi32>
      %parallel_loop3A_1496 = arith.select %parallel_loop3A_1493, %parallel_loop3A_1495, %parallel_loop3A_1492 : vector<16xi1>, vector<16xi32>
      %parallel_loop3A_1497 = arith.cmpf oeq, %parallel_loop3A_1116, %parallel_loop3A_1466 : vector<16xf32>
      %parallel_loop3A_1498 = arith.constant 0 : i32
      %parallel_loop3A_1499 = vector.broadcast %parallel_loop3A_1498 : i32 to vector<16xi32>
      %parallel_loop3A_1500 = arith.select %parallel_loop3A_1497, %parallel_loop3A_1499, %parallel_loop3A_1496 : vector<16xi1>, vector<16xi32>
      %parallel_loop3A_1501 = arith.subf %parallel_loop3A_1116, %parallel_loop3A_1466 : vector<16xf32>
      %parallel_loop3A_1502 = math.exp %parallel_loop3A_1501 : vector<16xf32>
      %parallel_loop3A_1503 = arith.subf %parallel_loop3A_1165, %parallel_loop3A_1466 : vector<16xf32>
      %parallel_loop3A_1504 = math.exp %parallel_loop3A_1503 : vector<16xf32>
      %parallel_loop3A_1505 = arith.addf %parallel_loop3A_1502, %parallel_loop3A_1504 : vector<16xf32>
      %parallel_loop3A_1506 = arith.subf %parallel_loop3A_1214, %parallel_loop3A_1466 : vector<16xf32>
      %parallel_loop3A_1507 = math.exp %parallel_loop3A_1506 : vector<16xf32>
      %parallel_loop3A_1508 = arith.addf %parallel_loop3A_1505, %parallel_loop3A_1507 : vector<16xf32>
      %parallel_loop3A_1509 = arith.subf %parallel_loop3A_1263, %parallel_loop3A_1466 : vector<16xf32>
      %parallel_loop3A_1510 = math.exp %parallel_loop3A_1509 : vector<16xf32>
      %parallel_loop3A_1511 = arith.addf %parallel_loop3A_1508, %parallel_loop3A_1510 : vector<16xf32>
      %parallel_loop3A_1512 = arith.subf %parallel_loop3A_1312, %parallel_loop3A_1466 : vector<16xf32>
      %parallel_loop3A_1513 = math.exp %parallel_loop3A_1512 : vector<16xf32>
      %parallel_loop3A_1514 = arith.addf %parallel_loop3A_1511, %parallel_loop3A_1513 : vector<16xf32>
      %parallel_loop3A_1515 = arith.subf %parallel_loop3A_1361, %parallel_loop3A_1466 : vector<16xf32>
      %parallel_loop3A_1516 = math.exp %parallel_loop3A_1515 : vector<16xf32>
      %parallel_loop3A_1517 = arith.addf %parallel_loop3A_1514, %parallel_loop3A_1516 : vector<16xf32>
      %parallel_loop3A_1518 = arith.subf %parallel_loop3A_1410, %parallel_loop3A_1466 : vector<16xf32>
      %parallel_loop3A_1519 = math.exp %parallel_loop3A_1518 : vector<16xf32>
      %parallel_loop3A_1520 = arith.addf %parallel_loop3A_1517, %parallel_loop3A_1519 : vector<16xf32>
      %parallel_loop3A_1521 = arith.subf %parallel_loop3A_1459, %parallel_loop3A_1466 : vector<16xf32>
      %parallel_loop3A_1522 = math.exp %parallel_loop3A_1521 : vector<16xf32>
      %parallel_loop3A_1523 = arith.addf %parallel_loop3A_1520, %parallel_loop3A_1522 : vector<16xf32>
      %parallel_loop3A_1524 = arith.constant 1.000000e+00 : f32
      %parallel_loop3A_1525 = vector.broadcast %parallel_loop3A_1524 : f32 to vector<16xf32>
      %parallel_loop3A_1526 = arith.divf %parallel_loop3A_1525, %parallel_loop3A_1523 : vector<16xf32>
      %parallel_loop3A_1527 = vector.broadcast %squeeze3A_476 : f32 to vector<16xf32>
      %parallel_loop3A_1528 = arith.mulf %parallel_loop3A_842, %parallel_loop3A_1527 : vector<16xf32>
      %parallel_loop3A_1529 = vector.broadcast %squeeze3A_478 : f32 to vector<16xf32>
      %parallel_loop3A_1530 = arith.mulf %parallel_loop3A_842, %parallel_loop3A_1529 : vector<16xf32>
      %parallel_loop3A_1531 = vector.broadcast %squeeze3A_480 : f32 to vector<16xf32>
      %parallel_loop3A_1532 = arith.mulf %parallel_loop3A_857, %parallel_loop3A_1531 : vector<16xf32>
      %parallel_loop3A_1533 = arith.addf %parallel_loop3A_1528, %parallel_loop3A_1532 : vector<16xf32>
      %parallel_loop3A_1534 = vector.broadcast %squeeze3A_482 : f32 to vector<16xf32>
      %parallel_loop3A_1535 = arith.mulf %parallel_loop3A_857, %parallel_loop3A_1534 : vector<16xf32>
      %parallel_loop3A_1536 = arith.addf %parallel_loop3A_1530, %parallel_loop3A_1535 : vector<16xf32>
      %parallel_loop3A_1537 = vector.broadcast %squeeze3A_484 : f32 to vector<16xf32>
      %parallel_loop3A_1538 = arith.mulf %parallel_loop3A_872, %parallel_loop3A_1537 : vector<16xf32>
      %parallel_loop3A_1539 = arith.addf %parallel_loop3A_1533, %parallel_loop3A_1538 : vector<16xf32>
      %parallel_loop3A_1540 = vector.broadcast %squeeze3A_486 : f32 to vector<16xf32>
      %parallel_loop3A_1541 = arith.mulf %parallel_loop3A_872, %parallel_loop3A_1540 : vector<16xf32>
      %parallel_loop3A_1542 = arith.addf %parallel_loop3A_1536, %parallel_loop3A_1541 : vector<16xf32>
      %parallel_loop3A_1543 = vector.broadcast %squeeze3A_488 : f32 to vector<16xf32>
      %parallel_loop3A_1544 = arith.mulf %parallel_loop3A_887, %parallel_loop3A_1543 : vector<16xf32>
      %parallel_loop3A_1545 = arith.addf %parallel_loop3A_1539, %parallel_loop3A_1544 : vector<16xf32>
      %parallel_loop3A_1546 = vector.broadcast %squeeze3A_490 : f32 to vector<16xf32>
      %parallel_loop3A_1547 = arith.mulf %parallel_loop3A_887, %parallel_loop3A_1546 : vector<16xf32>
      %parallel_loop3A_1548 = arith.addf %parallel_loop3A_1542, %parallel_loop3A_1547 : vector<16xf32>
      %parallel_loop3A_1549 = vector.broadcast %squeeze3A_492 : f32 to vector<16xf32>
      %parallel_loop3A_1550 = arith.mulf %parallel_loop3A_902, %parallel_loop3A_1549 : vector<16xf32>
      %parallel_loop3A_1551 = arith.addf %parallel_loop3A_1545, %parallel_loop3A_1550 : vector<16xf32>
      %parallel_loop3A_1552 = vector.broadcast %squeeze3A_494 : f32 to vector<16xf32>
      %parallel_loop3A_1553 = arith.mulf %parallel_loop3A_902, %parallel_loop3A_1552 : vector<16xf32>
      %parallel_loop3A_1554 = arith.addf %parallel_loop3A_1548, %parallel_loop3A_1553 : vector<16xf32>
      %parallel_loop3A_1555 = vector.broadcast %squeeze3A_496 : f32 to vector<16xf32>
      %parallel_loop3A_1556 = arith.mulf %parallel_loop3A_917, %parallel_loop3A_1555 : vector<16xf32>
      %parallel_loop3A_1557 = arith.addf %parallel_loop3A_1551, %parallel_loop3A_1556 : vector<16xf32>
      %parallel_loop3A_1558 = vector.broadcast %squeeze3A_498 : f32 to vector<16xf32>
      %parallel_loop3A_1559 = arith.mulf %parallel_loop3A_917, %parallel_loop3A_1558 : vector<16xf32>
      %parallel_loop3A_1560 = arith.addf %parallel_loop3A_1554, %parallel_loop3A_1559 : vector<16xf32>
      %parallel_loop3A_1561 = vector.broadcast %squeeze3A_500 : f32 to vector<16xf32>
      %parallel_loop3A_1562 = arith.mulf %parallel_loop3A_932, %parallel_loop3A_1561 : vector<16xf32>
      %parallel_loop3A_1563 = arith.addf %parallel_loop3A_1557, %parallel_loop3A_1562 : vector<16xf32>
      %parallel_loop3A_1564 = vector.broadcast %squeeze3A_502 : f32 to vector<16xf32>
      %parallel_loop3A_1565 = arith.mulf %parallel_loop3A_932, %parallel_loop3A_1564 : vector<16xf32>
      %parallel_loop3A_1566 = arith.addf %parallel_loop3A_1560, %parallel_loop3A_1565 : vector<16xf32>
      %parallel_loop3A_1567 = vector.broadcast %squeeze3A_504 : f32 to vector<16xf32>
      %parallel_loop3A_1568 = arith.mulf %parallel_loop3A_947, %parallel_loop3A_1567 : vector<16xf32>
      %parallel_loop3A_1569 = arith.addf %parallel_loop3A_1563, %parallel_loop3A_1568 : vector<16xf32>
      %parallel_loop3A_1570 = vector.broadcast %squeeze3A_506 : f32 to vector<16xf32>
      %parallel_loop3A_1571 = arith.mulf %parallel_loop3A_947, %parallel_loop3A_1570 : vector<16xf32>
      %parallel_loop3A_1572 = arith.addf %parallel_loop3A_1566, %parallel_loop3A_1571 : vector<16xf32>
      %parallel_loop3A_1573 = vector.broadcast %squeeze3A_508 : f32 to vector<16xf32>
      %parallel_loop3A_1574 = arith.mulf %parallel_loop3A_962, %parallel_loop3A_1573 : vector<16xf32>
      %parallel_loop3A_1575 = arith.addf %parallel_loop3A_1569, %parallel_loop3A_1574 : vector<16xf32>
      %parallel_loop3A_1576 = vector.broadcast %squeeze3A_510 : f32 to vector<16xf32>
      %parallel_loop3A_1577 = arith.mulf %parallel_loop3A_962, %parallel_loop3A_1576 : vector<16xf32>
      %parallel_loop3A_1578 = arith.addf %parallel_loop3A_1572, %parallel_loop3A_1577 : vector<16xf32>
      %parallel_loop3A_1579 = vector.broadcast %squeeze3A_512 : f32 to vector<16xf32>
      %parallel_loop3A_1580 = arith.mulf %parallel_loop3A_977, %parallel_loop3A_1579 : vector<16xf32>
      %parallel_loop3A_1581 = arith.addf %parallel_loop3A_1575, %parallel_loop3A_1580 : vector<16xf32>
      %parallel_loop3A_1582 = vector.broadcast %squeeze3A_514 : f32 to vector<16xf32>
      %parallel_loop3A_1583 = arith.mulf %parallel_loop3A_977, %parallel_loop3A_1582 : vector<16xf32>
      %parallel_loop3A_1584 = arith.addf %parallel_loop3A_1578, %parallel_loop3A_1583 : vector<16xf32>
      %parallel_loop3A_1585 = vector.broadcast %squeeze3A_516 : f32 to vector<16xf32>
      %parallel_loop3A_1586 = arith.mulf %parallel_loop3A_992, %parallel_loop3A_1585 : vector<16xf32>
      %parallel_loop3A_1587 = arith.addf %parallel_loop3A_1581, %parallel_loop3A_1586 : vector<16xf32>
      %parallel_loop3A_1588 = vector.broadcast %squeeze3A_518 : f32 to vector<16xf32>
      %parallel_loop3A_1589 = arith.mulf %parallel_loop3A_992, %parallel_loop3A_1588 : vector<16xf32>
      %parallel_loop3A_1590 = arith.addf %parallel_loop3A_1584, %parallel_loop3A_1589 : vector<16xf32>
      %parallel_loop3A_1591 = vector.broadcast %squeeze3A_520 : f32 to vector<16xf32>
      %parallel_loop3A_1592 = arith.mulf %parallel_loop3A_1007, %parallel_loop3A_1591 : vector<16xf32>
      %parallel_loop3A_1593 = arith.addf %parallel_loop3A_1587, %parallel_loop3A_1592 : vector<16xf32>
      %parallel_loop3A_1594 = vector.broadcast %squeeze3A_522 : f32 to vector<16xf32>
      %parallel_loop3A_1595 = arith.mulf %parallel_loop3A_1007, %parallel_loop3A_1594 : vector<16xf32>
      %parallel_loop3A_1596 = arith.addf %parallel_loop3A_1590, %parallel_loop3A_1595 : vector<16xf32>
      %parallel_loop3A_1597 = vector.broadcast %squeeze3A_524 : f32 to vector<16xf32>
      %parallel_loop3A_1598 = arith.mulf %parallel_loop3A_1022, %parallel_loop3A_1597 : vector<16xf32>
      %parallel_loop3A_1599 = arith.addf %parallel_loop3A_1593, %parallel_loop3A_1598 : vector<16xf32>
      %parallel_loop3A_1600 = vector.broadcast %squeeze3A_526 : f32 to vector<16xf32>
      %parallel_loop3A_1601 = arith.mulf %parallel_loop3A_1022, %parallel_loop3A_1600 : vector<16xf32>
      %parallel_loop3A_1602 = arith.addf %parallel_loop3A_1596, %parallel_loop3A_1601 : vector<16xf32>
      %parallel_loop3A_1603 = vector.broadcast %squeeze3A_528 : f32 to vector<16xf32>
      %parallel_loop3A_1604 = arith.mulf %parallel_loop3A_1037, %parallel_loop3A_1603 : vector<16xf32>
      %parallel_loop3A_1605 = arith.addf %parallel_loop3A_1599, %parallel_loop3A_1604 : vector<16xf32>
      %parallel_loop3A_1606 = vector.broadcast %squeeze3A_530 : f32 to vector<16xf32>
      %parallel_loop3A_1607 = arith.mulf %parallel_loop3A_1037, %parallel_loop3A_1606 : vector<16xf32>
      %parallel_loop3A_1608 = arith.addf %parallel_loop3A_1602, %parallel_loop3A_1607 : vector<16xf32>
      %parallel_loop3A_1609 = vector.broadcast %squeeze3A_532 : f32 to vector<16xf32>
      %parallel_loop3A_1610 = arith.mulf %parallel_loop3A_1052, %parallel_loop3A_1609 : vector<16xf32>
      %parallel_loop3A_1611 = arith.addf %parallel_loop3A_1605, %parallel_loop3A_1610 : vector<16xf32>
      %parallel_loop3A_1612 = vector.broadcast %squeeze3A_534 : f32 to vector<16xf32>
      %parallel_loop3A_1613 = arith.mulf %parallel_loop3A_1052, %parallel_loop3A_1612 : vector<16xf32>
      %parallel_loop3A_1614 = arith.addf %parallel_loop3A_1608, %parallel_loop3A_1613 : vector<16xf32>
      %parallel_loop3A_1615 = vector.broadcast %squeeze3A_536 : f32 to vector<16xf32>
      %parallel_loop3A_1616 = arith.mulf %parallel_loop3A_1067, %parallel_loop3A_1615 : vector<16xf32>
      %parallel_loop3A_1617 = arith.addf %parallel_loop3A_1611, %parallel_loop3A_1616 : vector<16xf32>
      %parallel_loop3A_1618 = vector.broadcast %squeeze3A_538 : f32 to vector<16xf32>
      %parallel_loop3A_1619 = arith.mulf %parallel_loop3A_1067, %parallel_loop3A_1618 : vector<16xf32>
      %parallel_loop3A_1620 = arith.addf %parallel_loop3A_1614, %parallel_loop3A_1619 : vector<16xf32>
      %parallel_loop3A_1621 = vector.broadcast %squeeze3A_540 : f32 to vector<16xf32>
      %parallel_loop3A_1622 = arith.addf %parallel_loop3A_1617, %parallel_loop3A_1621 : vector<16xf32>
      %parallel_loop3A_1623 = vector.broadcast %squeeze3A_542 : f32 to vector<16xf32>
      %parallel_loop3A_1624 = arith.addf %parallel_loop3A_1620, %parallel_loop3A_1623 : vector<16xf32>
      %parallel_loop3A_1625 = arith.maximumf %parallel_loop3A_1622, %parallel_loop3A_1624 : vector<16xf32>
      %parallel_loop3A_1626 = arith.subf %parallel_loop3A_1622, %parallel_loop3A_1625 : vector<16xf32>
      %parallel_loop3A_1627 = math.exp %parallel_loop3A_1626 : vector<16xf32>
      %parallel_loop3A_1628 = arith.subf %parallel_loop3A_1624, %parallel_loop3A_1625 : vector<16xf32>
      %parallel_loop3A_1629 = math.exp %parallel_loop3A_1628 : vector<16xf32>
      %parallel_loop3A_1630 = arith.addf %parallel_loop3A_1627, %parallel_loop3A_1629 : vector<16xf32>
      %parallel_loop3A_1631 = arith.divf %parallel_loop3A_1629, %parallel_loop3A_1630 : vector<16xf32>
      %parallel_loop3A_1632 = arith.divf %parallel_loop3A_1627, %parallel_loop3A_1630 : vector<16xf32>
      %parallel_loop3A_1633 = arith.mulf %parallel_loop3A_1526, %parallel_loop3A_1632 : vector<16xf32>
      %parallel_loop3A_1634 = arith.constant 16 : i32
      %parallel_loop3A_1635 = vector.broadcast %parallel_loop3A_1634 : i32 to vector<16xi32>
      %parallel_loop3A_1636 = arith.muli %parallel_loop3A_1500, %parallel_loop3A_1635 : vector<16xi32>
      %parallel_loop3A_1637 = arith.constant 4 : i32
      %parallel_loop3A_1638 = vector.broadcast %parallel_loop3A_1637 : i32 to vector<16xi32>
      %parallel_loop3A_1639 = arith.muli %parallel_loop3A_1500, %parallel_loop3A_1638 : vector<16xi32>
      %parallel_loop3A_1640 = arith.constant 128 : i32
      %parallel_loop3A_1641 = vector.broadcast %parallel_loop3A_1640 : i32 to vector<16xi32>
      %parallel_loop3A_1642 = arith.addi %parallel_loop3A_1639, %parallel_loop3A_1641 : vector<16xi32>
      %parallel_loop3A_1643 = arith.constant 0 : i32
      %parallel_loop3A_1644 = vector.broadcast %parallel_loop3A_1643 : i32 to vector<16xi32>
      %parallel_loop3A_1645 = arith.addi %parallel_loop3A_1642, %parallel_loop3A_1644 : vector<16xi32>
      %parallel_loop3A_1646 = tpu.vector_load_idx %arg6[%parallel_loop3A_1645] : memref<448xf32, #tpu.memory_space<vmem>>[vector<16xi32>], vector<16xf32>,
      %parallel_loop3A_1647 = arith.constant 0 : i32
      %parallel_loop3A_1648 = vector.broadcast %parallel_loop3A_1647 : i32 to vector<16xi32>
      %parallel_loop3A_1649 = arith.addi %parallel_loop3A_1636, %parallel_loop3A_1648 : vector<16xi32>
      %parallel_loop3A_1650 = tpu.vector_load_idx %arg6[%parallel_loop3A_1649] : memref<448xf32, #tpu.memory_space<vmem>>[vector<16xi32>], vector<16xf32>,
      %parallel_loop3A_1651 = arith.mulf %parallel_loop3A_607, %parallel_loop3A_1650 : vector<16xf32>
      %parallel_loop3A_1652 = arith.addf %parallel_loop3A_1646, %parallel_loop3A_1651 : vector<16xf32>
      %parallel_loop3A_1653 = arith.constant 4 : i32
      %parallel_loop3A_1654 = vector.broadcast %parallel_loop3A_1653 : i32 to vector<16xi32>
      %parallel_loop3A_1655 = arith.addi %parallel_loop3A_1636, %parallel_loop3A_1654 : vector<16xi32>
      %parallel_loop3A_1656 = tpu.vector_load_idx %arg6[%parallel_loop3A_1655] : memref<448xf32, #tpu.memory_space<vmem>>[vector<16xi32>], vector<16xf32>,
      %parallel_loop3A_1657 = arith.mulf %parallel_loop3A_611, %parallel_loop3A_1656 : vector<16xf32>
      %parallel_loop3A_1658 = arith.addf %parallel_loop3A_1652, %parallel_loop3A_1657 : vector<16xf32>
      %parallel_loop3A_1659 = arith.constant 8 : i32
      %parallel_loop3A_1660 = vector.broadcast %parallel_loop3A_1659 : i32 to vector<16xi32>
      %parallel_loop3A_1661 = arith.addi %parallel_loop3A_1636, %parallel_loop3A_1660 : vector<16xi32>
      %parallel_loop3A_1662 = tpu.vector_load_idx %arg6[%parallel_loop3A_1661] : memref<448xf32, #tpu.memory_space<vmem>>[vector<16xi32>], vector<16xf32>,
      %parallel_loop3A_1663 = arith.mulf %parallel_loop3A_615, %parallel_loop3A_1662 : vector<16xf32>
      %parallel_loop3A_1664 = arith.addf %parallel_loop3A_1658, %parallel_loop3A_1663 : vector<16xf32>
      %parallel_loop3A_1665 = arith.constant 12 : i32
      %parallel_loop3A_1666 = vector.broadcast %parallel_loop3A_1665 : i32 to vector<16xi32>
      %parallel_loop3A_1667 = arith.addi %parallel_loop3A_1636, %parallel_loop3A_1666 : vector<16xi32>
      %parallel_loop3A_1668 = tpu.vector_load_idx %arg6[%parallel_loop3A_1667] : memref<448xf32, #tpu.memory_space<vmem>>[vector<16xi32>], vector<16xf32>,
      %parallel_loop3A_1669 = arith.mulf %parallel_loop3A_619, %parallel_loop3A_1668 : vector<16xf32>
      %parallel_loop3A_1670 = arith.addf %parallel_loop3A_1664, %parallel_loop3A_1669 : vector<16xf32>
      %parallel_loop3A_1671 = arith.constant 1 : i32
      %parallel_loop3A_1672 = vector.broadcast %parallel_loop3A_1671 : i32 to vector<16xi32>
      %parallel_loop3A_1673 = arith.addi %parallel_loop3A_1642, %parallel_loop3A_1672 : vector<16xi32>
      %parallel_loop3A_1674 = tpu.vector_load_idx %arg6[%parallel_loop3A_1673] : memref<448xf32, #tpu.memory_space<vmem>>[vector<16xi32>], vector<16xf32>,
      %parallel_loop3A_1675 = arith.constant 1 : i32
      %parallel_loop3A_1676 = vector.broadcast %parallel_loop3A_1675 : i32 to vector<16xi32>
      %parallel_loop3A_1677 = arith.addi %parallel_loop3A_1636, %parallel_loop3A_1676 : vector<16xi32>
      %parallel_loop3A_1678 = tpu.vector_load_idx %arg6[%parallel_loop3A_1677] : memref<448xf32, #tpu.memory_space<vmem>>[vector<16xi32>], vector<16xf32>,
      %parallel_loop3A_1679 = arith.mulf %parallel_loop3A_607, %parallel_loop3A_1678 : vector<16xf32>
      %parallel_loop3A_1680 = arith.addf %parallel_loop3A_1674, %parallel_loop3A_1679 : vector<16xf32>
      %parallel_loop3A_1681 = arith.constant 5 : i32
      %parallel_loop3A_1682 = vector.broadcast %parallel_loop3A_1681 : i32 to vector<16xi32>
      %parallel_loop3A_1683 = arith.addi %parallel_loop3A_1636, %parallel_loop3A_1682 : vector<16xi32>
      %parallel_loop3A_1684 = tpu.vector_load_idx %arg6[%parallel_loop3A_1683] : memref<448xf32, #tpu.memory_space<vmem>>[vector<16xi32>], vector<16xf32>,
      %parallel_loop3A_1685 = arith.mulf %parallel_loop3A_611, %parallel_loop3A_1684 : vector<16xf32>
      %parallel_loop3A_1686 = arith.addf %parallel_loop3A_1680, %parallel_loop3A_1685 : vector<16xf32>
      %parallel_loop3A_1687 = arith.constant 9 : i32
      %parallel_loop3A_1688 = vector.broadcast %parallel_loop3A_1687 : i32 to vector<16xi32>
      %parallel_loop3A_1689 = arith.addi %parallel_loop3A_1636, %parallel_loop3A_1688 : vector<16xi32>
      %parallel_loop3A_1690 = tpu.vector_load_idx %arg6[%parallel_loop3A_1689] : memref<448xf32, #tpu.memory_space<vmem>>[vector<16xi32>], vector<16xf32>,
      %parallel_loop3A_1691 = arith.mulf %parallel_loop3A_615, %parallel_loop3A_1690 : vector<16xf32>
      %parallel_loop3A_1692 = arith.addf %parallel_loop3A_1686, %parallel_loop3A_1691 : vector<16xf32>
      %parallel_loop3A_1693 = arith.constant 13 : i32
      %parallel_loop3A_1694 = vector.broadcast %parallel_loop3A_1693 : i32 to vector<16xi32>
      %parallel_loop3A_1695 = arith.addi %parallel_loop3A_1636, %parallel_loop3A_1694 : vector<16xi32>
      %parallel_loop3A_1696 = tpu.vector_load_idx %arg6[%parallel_loop3A_1695] : memref<448xf32, #tpu.memory_space<vmem>>[vector<16xi32>], vector<16xf32>,
      %parallel_loop3A_1697 = arith.mulf %parallel_loop3A_619, %parallel_loop3A_1696 : vector<16xf32>
      %parallel_loop3A_1698 = arith.addf %parallel_loop3A_1692, %parallel_loop3A_1697 : vector<16xf32>
      %parallel_loop3A_1699 = arith.constant 2 : i32
      %parallel_loop3A_1700 = vector.broadcast %parallel_loop3A_1699 : i32 to vector<16xi32>
      %parallel_loop3A_1701 = arith.addi %parallel_loop3A_1642, %parallel_loop3A_1700 : vector<16xi32>
      %parallel_loop3A_1702 = tpu.vector_load_idx %arg6[%parallel_loop3A_1701] : memref<448xf32, #tpu.memory_space<vmem>>[vector<16xi32>], vector<16xf32>,
      %parallel_loop3A_1703 = arith.constant 2 : i32
      %parallel_loop3A_1704 = vector.broadcast %parallel_loop3A_1703 : i32 to vector<16xi32>
      %parallel_loop3A_1705 = arith.addi %parallel_loop3A_1636, %parallel_loop3A_1704 : vector<16xi32>
      %parallel_loop3A_1706 = tpu.vector_load_idx %arg6[%parallel_loop3A_1705] : memref<448xf32, #tpu.memory_space<vmem>>[vector<16xi32>], vector<16xf32>,
      %parallel_loop3A_1707 = arith.mulf %parallel_loop3A_607, %parallel_loop3A_1706 : vector<16xf32>
      %parallel_loop3A_1708 = arith.addf %parallel_loop3A_1702, %parallel_loop3A_1707 : vector<16xf32>
      %parallel_loop3A_1709 = arith.constant 6 : i32
      %parallel_loop3A_1710 = vector.broadcast %parallel_loop3A_1709 : i32 to vector<16xi32>
      %parallel_loop3A_1711 = arith.addi %parallel_loop3A_1636, %parallel_loop3A_1710 : vector<16xi32>
      %parallel_loop3A_1712 = tpu.vector_load_idx %arg6[%parallel_loop3A_1711] : memref<448xf32, #tpu.memory_space<vmem>>[vector<16xi32>], vector<16xf32>,
      %parallel_loop3A_1713 = arith.mulf %parallel_loop3A_611, %parallel_loop3A_1712 : vector<16xf32>
      %parallel_loop3A_1714 = arith.addf %parallel_loop3A_1708, %parallel_loop3A_1713 : vector<16xf32>
      %parallel_loop3A_1715 = arith.constant 10 : i32
      %parallel_loop3A_1716 = vector.broadcast %parallel_loop3A_1715 : i32 to vector<16xi32>
      %parallel_loop3A_1717 = arith.addi %parallel_loop3A_1636, %parallel_loop3A_1716 : vector<16xi32>
      %parallel_loop3A_1718 = tpu.vector_load_idx %arg6[%parallel_loop3A_1717] : memref<448xf32, #tpu.memory_space<vmem>>[vector<16xi32>], vector<16xf32>,
      %parallel_loop3A_1719 = arith.mulf %parallel_loop3A_615, %parallel_loop3A_1718 : vector<16xf32>
      %parallel_loop3A_1720 = arith.addf %parallel_loop3A_1714, %parallel_loop3A_1719 : vector<16xf32>
      %parallel_loop3A_1721 = arith.constant 14 : i32
      %parallel_loop3A_1722 = vector.broadcast %parallel_loop3A_1721 : i32 to vector<16xi32>
      %parallel_loop3A_1723 = arith.addi %parallel_loop3A_1636, %parallel_loop3A_1722 : vector<16xi32>
      %parallel_loop3A_1724 = tpu.vector_load_idx %arg6[%parallel_loop3A_1723] : memref<448xf32, #tpu.memory_space<vmem>>[vector<16xi32>], vector<16xf32>,
      %parallel_loop3A_1725 = arith.mulf %parallel_loop3A_619, %parallel_loop3A_1724 : vector<16xf32>
      %parallel_loop3A_1726 = arith.addf %parallel_loop3A_1720, %parallel_loop3A_1725 : vector<16xf32>
      %parallel_loop3A_1727 = arith.constant 3 : i32
      %parallel_loop3A_1728 = vector.broadcast %parallel_loop3A_1727 : i32 to vector<16xi32>
      %parallel_loop3A_1729 = arith.addi %parallel_loop3A_1642, %parallel_loop3A_1728 : vector<16xi32>
      %parallel_loop3A_1730 = tpu.vector_load_idx %arg6[%parallel_loop3A_1729] : memref<448xf32, #tpu.memory_space<vmem>>[vector<16xi32>], vector<16xf32>,
      %parallel_loop3A_1731 = arith.constant 3 : i32
      %parallel_loop3A_1732 = vector.broadcast %parallel_loop3A_1731 : i32 to vector<16xi32>
      %parallel_loop3A_1733 = arith.addi %parallel_loop3A_1636, %parallel_loop3A_1732 : vector<16xi32>
      %parallel_loop3A_1734 = tpu.vector_load_idx %arg6[%parallel_loop3A_1733] : memref<448xf32, #tpu.memory_space<vmem>>[vector<16xi32>], vector<16xf32>,
      %parallel_loop3A_1735 = arith.mulf %parallel_loop3A_607, %parallel_loop3A_1734 : vector<16xf32>
      %parallel_loop3A_1736 = arith.addf %parallel_loop3A_1730, %parallel_loop3A_1735 : vector<16xf32>
      %parallel_loop3A_1737 = arith.constant 7 : i32
      %parallel_loop3A_1738 = vector.broadcast %parallel_loop3A_1737 : i32 to vector<16xi32>
      %parallel_loop3A_1739 = arith.addi %parallel_loop3A_1636, %parallel_loop3A_1738 : vector<16xi32>
      %parallel_loop3A_1740 = tpu.vector_load_idx %arg6[%parallel_loop3A_1739] : memref<448xf32, #tpu.memory_space<vmem>>[vector<16xi32>], vector<16xf32>,
      %parallel_loop3A_1741 = arith.mulf %parallel_loop3A_611, %parallel_loop3A_1740 : vector<16xf32>
      %parallel_loop3A_1742 = arith.addf %parallel_loop3A_1736, %parallel_loop3A_1741 : vector<16xf32>
      %parallel_loop3A_1743 = arith.constant 11 : i32
      %parallel_loop3A_1744 = vector.broadcast %parallel_loop3A_1743 : i32 to vector<16xi32>
      %parallel_loop3A_1745 = arith.addi %parallel_loop3A_1636, %parallel_loop3A_1744 : vector<16xi32>
      %parallel_loop3A_1746 = tpu.vector_load_idx %arg6[%parallel_loop3A_1745] : memref<448xf32, #tpu.memory_space<vmem>>[vector<16xi32>], vector<16xf32>,
      %parallel_loop3A_1747 = arith.mulf %parallel_loop3A_615, %parallel_loop3A_1746 : vector<16xf32>
      %parallel_loop3A_1748 = arith.addf %parallel_loop3A_1742, %parallel_loop3A_1747 : vector<16xf32>
      %parallel_loop3A_1749 = arith.constant 15 : i32
      %parallel_loop3A_1750 = vector.broadcast %parallel_loop3A_1749 : i32 to vector<16xi32>
      %parallel_loop3A_1751 = arith.addi %parallel_loop3A_1636, %parallel_loop3A_1750 : vector<16xi32>
      %parallel_loop3A_1752 = tpu.vector_load_idx %arg6[%parallel_loop3A_1751] : memref<448xf32, #tpu.memory_space<vmem>>[vector<16xi32>], vector<16xf32>,
      %parallel_loop3A_1753 = arith.mulf %parallel_loop3A_619, %parallel_loop3A_1752 : vector<16xf32>
      %parallel_loop3A_1754 = arith.addf %parallel_loop3A_1748, %parallel_loop3A_1753 : vector<16xf32>
      %parallel_loop3A_1755 = vector.broadcast %squeeze3A_544 : f32 to vector<16xf32>
      %parallel_loop3A_1756 = arith.mulf %parallel_loop3A_607, %parallel_loop3A_1755 : vector<16xf32>
      %parallel_loop3A_1757 = vector.broadcast %squeeze3A_552 : f32 to vector<16xf32>
      %parallel_loop3A_1758 = arith.mulf %parallel_loop3A_611, %parallel_loop3A_1757 : vector<16xf32>
      %parallel_loop3A_1759 = arith.addf %parallel_loop3A_1756, %parallel_loop3A_1758 : vector<16xf32>
      %parallel_loop3A_1760 = vector.broadcast %squeeze3A_560 : f32 to vector<16xf32>
      %parallel_loop3A_1761 = arith.mulf %parallel_loop3A_615, %parallel_loop3A_1760 : vector<16xf32>
      %parallel_loop3A_1762 = arith.addf %parallel_loop3A_1759, %parallel_loop3A_1761 : vector<16xf32>
      %parallel_loop3A_1763 = vector.broadcast %squeeze3A_568 : f32 to vector<16xf32>
      %parallel_loop3A_1764 = arith.mulf %parallel_loop3A_619, %parallel_loop3A_1763 : vector<16xf32>
      %parallel_loop3A_1765 = arith.addf %parallel_loop3A_1762, %parallel_loop3A_1764 : vector<16xf32>
      %parallel_loop3A_1766 = vector.broadcast %squeeze3A_576 : f32 to vector<16xf32>
      %parallel_loop3A_1767 = arith.addf %parallel_loop3A_1765, %parallel_loop3A_1766 : vector<16xf32>
      %parallel_loop3A_1768 = arith.mulf %parallel_loop3A_1633, %parallel_loop3A_1670 : vector<16xf32>
      %parallel_loop3A_1769 = arith.mulf %parallel_loop3A_1631, %parallel_loop3A_1767 : vector<16xf32>
      %parallel_loop3A_1770 = arith.addf %parallel_loop3A_1768, %parallel_loop3A_1769 : vector<16xf32>
      %parallel_loop3A_1771 = vector.broadcast %squeeze3A_584 : f32 to vector<16xf32>
      %parallel_loop3A_1772 = arith.addf %parallel_loop3A_1770, %parallel_loop3A_1771 : vector<16xf32>
      %parallel_loop3A_1773 = arith.constant 0 : i32
      %parallel_loop3A_1774 = arith.index_cast %parallel_loop3A_1773 : i32 to index
      %parallel_loop3A_1775 = arith.index_cast %parallel_loop3A_603 : i32 to index
      %parallel_loop3A_1776 = tpu.vector_load %arg7[%parallel_loop3A_1774, %parallel_loop3A_1775] {strides = array<i32>} : memref<4x1024xf32, #tpu.memory_space<vmem>>, vector<16xf32>,
      tpu.vector_store %arg7[%parallel_loop3A_1774, %parallel_loop3A_1775], %parallel_loop3A_1772 {strides = array<i32>} : memref<4x1024xf32, #tpu.memory_space<vmem>>, vector<16xf32>,
      %parallel_loop3A_1777 = vector.broadcast %squeeze3A_546 : f32 to vector<16xf32>
      %parallel_loop3A_1778 = arith.mulf %parallel_loop3A_607, %parallel_loop3A_1777 : vector<16xf32>
      %parallel_loop3A_1779 = vector.broadcast %squeeze3A_554 : f32 to vector<16xf32>
      %parallel_loop3A_1780 = arith.mulf %parallel_loop3A_611, %parallel_loop3A_1779 : vector<16xf32>
      %parallel_loop3A_1781 = arith.addf %parallel_loop3A_1778, %parallel_loop3A_1780 : vector<16xf32>
      %parallel_loop3A_1782 = vector.broadcast %squeeze3A_562 : f32 to vector<16xf32>
      %parallel_loop3A_1783 = arith.mulf %parallel_loop3A_615, %parallel_loop3A_1782 : vector<16xf32>
      %parallel_loop3A_1784 = arith.addf %parallel_loop3A_1781, %parallel_loop3A_1783 : vector<16xf32>
      %parallel_loop3A_1785 = vector.broadcast %squeeze3A_570 : f32 to vector<16xf32>
      %parallel_loop3A_1786 = arith.mulf %parallel_loop3A_619, %parallel_loop3A_1785 : vector<16xf32>
      %parallel_loop3A_1787 = arith.addf %parallel_loop3A_1784, %parallel_loop3A_1786 : vector<16xf32>
      %parallel_loop3A_1788 = vector.broadcast %squeeze3A_578 : f32 to vector<16xf32>
      %parallel_loop3A_1789 = arith.addf %parallel_loop3A_1787, %parallel_loop3A_1788 : vector<16xf32>
      %parallel_loop3A_1790 = arith.mulf %parallel_loop3A_1633, %parallel_loop3A_1698 : vector<16xf32>
      %parallel_loop3A_1791 = arith.mulf %parallel_loop3A_1631, %parallel_loop3A_1789 : vector<16xf32>
      %parallel_loop3A_1792 = arith.addf %parallel_loop3A_1790, %parallel_loop3A_1791 : vector<16xf32>
      %parallel_loop3A_1793 = vector.broadcast %squeeze3A_586 : f32 to vector<16xf32>
      %parallel_loop3A_1794 = arith.addf %parallel_loop3A_1792, %parallel_loop3A_1793 : vector<16xf32>
      %parallel_loop3A_1795 = arith.constant 1 : i32
      %parallel_loop3A_1796 = arith.index_cast %parallel_loop3A_1795 : i32 to index
      %parallel_loop3A_1797 = arith.index_cast %parallel_loop3A_603 : i32 to index
      %parallel_loop3A_1798 = tpu.vector_load %arg7[%parallel_loop3A_1796, %parallel_loop3A_1797] {strides = array<i32>} : memref<4x1024xf32, #tpu.memory_space<vmem>>, vector<16xf32>,
      tpu.vector_store %arg7[%parallel_loop3A_1796, %parallel_loop3A_1797], %parallel_loop3A_1794 {strides = array<i32>} : memref<4x1024xf32, #tpu.memory_space<vmem>>, vector<16xf32>,
      %parallel_loop3A_1799 = vector.broadcast %squeeze3A_548 : f32 to vector<16xf32>
      %parallel_loop3A_1800 = arith.mulf %parallel_loop3A_607, %parallel_loop3A_1799 : vector<16xf32>
      %parallel_loop3A_1801 = vector.broadcast %squeeze3A_556 : f32 to vector<16xf32>
      %parallel_loop3A_1802 = arith.mulf %parallel_loop3A_611, %parallel_loop3A_1801 : vector<16xf32>
      %parallel_loop3A_1803 = arith.addf %parallel_loop3A_1800, %parallel_loop3A_1802 : vector<16xf32>
      %parallel_loop3A_1804 = vector.broadcast %squeeze3A_564 : f32 to vector<16xf32>
      %parallel_loop3A_1805 = arith.mulf %parallel_loop3A_615, %parallel_loop3A_1804 : vector<16xf32>
      %parallel_loop3A_1806 = arith.addf %parallel_loop3A_1803, %parallel_loop3A_1805 : vector<16xf32>
      %parallel_loop3A_1807 = vector.broadcast %squeeze3A_572 : f32 to vector<16xf32>
      %parallel_loop3A_1808 = arith.mulf %parallel_loop3A_619, %parallel_loop3A_1807 : vector<16xf32>
      %parallel_loop3A_1809 = arith.addf %parallel_loop3A_1806, %parallel_loop3A_1808 : vector<16xf32>
      %parallel_loop3A_1810 = vector.broadcast %squeeze3A_580 : f32 to vector<16xf32>
      %parallel_loop3A_1811 = arith.addf %parallel_loop3A_1809, %parallel_loop3A_1810 : vector<16xf32>
      %parallel_loop3A_1812 = arith.mulf %parallel_loop3A_1633, %parallel_loop3A_1726 : vector<16xf32>
      %parallel_loop3A_1813 = arith.mulf %parallel_loop3A_1631, %parallel_loop3A_1811 : vector<16xf32>
      %parallel_loop3A_1814 = arith.addf %parallel_loop3A_1812, %parallel_loop3A_1813 : vector<16xf32>
      %parallel_loop3A_1815 = vector.broadcast %squeeze3A_588 : f32 to vector<16xf32>
      %parallel_loop3A_1816 = arith.addf %parallel_loop3A_1814, %parallel_loop3A_1815 : vector<16xf32>
      %parallel_loop3A_1817 = arith.constant 2 : i32
      %parallel_loop3A_1818 = arith.index_cast %parallel_loop3A_1817 : i32 to index
      %parallel_loop3A_1819 = arith.index_cast %parallel_loop3A_603 : i32 to index
      %parallel_loop3A_1820 = tpu.vector_load %arg7[%parallel_loop3A_1818, %parallel_loop3A_1819] {strides = array<i32>} : memref<4x1024xf32, #tpu.memory_space<vmem>>, vector<16xf32>,
      tpu.vector_store %arg7[%parallel_loop3A_1818, %parallel_loop3A_1819], %parallel_loop3A_1816 {strides = array<i32>} : memref<4x1024xf32, #tpu.memory_space<vmem>>, vector<16xf32>,
      %parallel_loop3A_1821 = vector.broadcast %squeeze3A_550 : f32 to vector<16xf32>
      %parallel_loop3A_1822 = arith.mulf %parallel_loop3A_607, %parallel_loop3A_1821 : vector<16xf32>
      %parallel_loop3A_1823 = vector.broadcast %squeeze3A_558 : f32 to vector<16xf32>
      %parallel_loop3A_1824 = arith.mulf %parallel_loop3A_611, %parallel_loop3A_1823 : vector<16xf32>
      %parallel_loop3A_1825 = arith.addf %parallel_loop3A_1822, %parallel_loop3A_1824 : vector<16xf32>
      %parallel_loop3A_1826 = vector.broadcast %squeeze3A_566 : f32 to vector<16xf32>
      %parallel_loop3A_1827 = arith.mulf %parallel_loop3A_615, %parallel_loop3A_1826 : vector<16xf32>
      %parallel_loop3A_1828 = arith.addf %parallel_loop3A_1825, %parallel_loop3A_1827 : vector<16xf32>
      %parallel_loop3A_1829 = vector.broadcast %squeeze3A_574 : f32 to vector<16xf32>
      %parallel_loop3A_1830 = arith.mulf %parallel_loop3A_619, %parallel_loop3A_1829 : vector<16xf32>
      %parallel_loop3A_1831 = arith.addf %parallel_loop3A_1828, %parallel_loop3A_1830 : vector<16xf32>
      %parallel_loop3A_1832 = vector.broadcast %squeeze3A_582 : f32 to vector<16xf32>
      %parallel_loop3A_1833 = arith.addf %parallel_loop3A_1831, %parallel_loop3A_1832 : vector<16xf32>
      %parallel_loop3A_1834 = arith.mulf %parallel_loop3A_1633, %parallel_loop3A_1754 : vector<16xf32>
      %parallel_loop3A_1835 = arith.mulf %parallel_loop3A_1631, %parallel_loop3A_1833 : vector<16xf32>
      %parallel_loop3A_1836 = arith.addf %parallel_loop3A_1834, %parallel_loop3A_1835 : vector<16xf32>
      %parallel_loop3A_1837 = vector.broadcast %squeeze3A_590 : f32 to vector<16xf32>
      %parallel_loop3A_1838 = arith.addf %parallel_loop3A_1836, %parallel_loop3A_1837 : vector<16xf32>
      %parallel_loop3A_1839 = arith.constant 3 : i32
      %parallel_loop3A_1840 = arith.index_cast %parallel_loop3A_1839 : i32 to index
      %parallel_loop3A_1841 = arith.index_cast %parallel_loop3A_603 : i32 to index
      %parallel_loop3A_1842 = tpu.vector_load %arg7[%parallel_loop3A_1840, %parallel_loop3A_1841] {strides = array<i32>} : memref<4x1024xf32, #tpu.memory_space<vmem>>, vector<16xf32>,
      tpu.vector_store %arg7[%parallel_loop3A_1840, %parallel_loop3A_1841], %parallel_loop3A_1838 {strides = array<i32>} : memref<4x1024xf32, #tpu.memory_space<vmem>>, vector<16xf32>,
    } {sc.loop_unroll_factor = 2 : i64, sc.parallel_access}
    %run_scoped3A_593 = arith.constant 0 : i32
    %run_scoped3A_594 = arith.constant 0 : i32
    "tpu.region"() ({
      %run_scoped3A_601 = tpu.sem_alloc : memref<!tpu.dma_semaphore, #tpu.memory_space<semaphore_mem>>
      %dma_start3A = arith.constant 0 : i32
      %dma_start3A_602 = tpu.memref_slice %arg7[%run_scoped3A_593, %dma_start3A] : memref<4x1024xf32, #tpu.memory_space<vmem>> -> memref<1x1024xf32, #tpu.memory_space<vmem>>
      %dma_start3A_603 = tpu.memref_squeeze %dma_start3A_602 : memref<1x1024xf32, #tpu.memory_space<vmem>> -> memref<1024xf32, #tpu.memory_space<vmem>>
      %dma_start3A_604 = tpu.memref_slice %arg4[%run_scoped3A_594, %mul3A_2] : memref<4x32768xf32, #tpu.memory_space<hbm>> -> memref<1x1024xf32, #tpu.memory_space<hbm>>
      %dma_start3A_605 = tpu.memref_squeeze %dma_start3A_604 : memref<1x1024xf32, #tpu.memory_space<hbm>> -> memref<1024xf32, #tpu.memory_space<hbm>>
      %dma_start3A_606 = tpu.memref_slice %arg4[%run_scoped3A_594, %mul3A_2] : memref<4x32768xf32, #tpu.memory_space<hbm>> -> memref<1x1024xf32, #tpu.memory_space<hbm>>
      %dma_start3A_607 = tpu.memref_squeeze %dma_start3A_606 : memref<1x1024xf32, #tpu.memory_space<hbm>> -> memref<1024xf32, #tpu.memory_space<hbm>>
      %dma_start3A_608 = arith.constant 0 : i32
      %dma_start3A_609 = tpu.memref_slice %arg7[%run_scoped3A_593, %dma_start3A_608] : memref<4x1024xf32, #tpu.memory_space<vmem>> -> memref<1x1024xf32, #tpu.memory_space<vmem>>
      %dma_start3A_610 = tpu.memref_squeeze %dma_start3A_609 : memref<1x1024xf32, #tpu.memory_space<vmem>> -> memref<1024xf32, #tpu.memory_space<vmem>>
      tpu.enqueue_dma source(%dma_start3A_610 : memref<1024xf32, #tpu.memory_space<vmem>>) target(%dma_start3A_607 : memref<1024xf32, #tpu.memory_space<hbm>>) target_semaphore(%run_scoped3A_601 : memref<!tpu.dma_semaphore, #tpu.memory_space<semaphore_mem>>)
      %dma_wait3A = arith.constant 0 : i32
      %dma_wait3A_611 = tpu.memref_slice %arg7[%run_scoped3A_593, %dma_wait3A] : memref<4x1024xf32, #tpu.memory_space<vmem>> -> memref<1x1024xf32, #tpu.memory_space<vmem>>
      %dma_wait3A_612 = tpu.memref_squeeze %dma_wait3A_611 : memref<1x1024xf32, #tpu.memory_space<vmem>> -> memref<1024xf32, #tpu.memory_space<vmem>>
      %dma_wait3A_613 = tpu.memref_slice %arg4[%run_scoped3A_594, %mul3A_2] : memref<4x32768xf32, #tpu.memory_space<hbm>> -> memref<1x1024xf32, #tpu.memory_space<hbm>>
      %dma_wait3A_614 = tpu.memref_squeeze %dma_wait3A_613 : memref<1x1024xf32, #tpu.memory_space<hbm>> -> memref<1024xf32, #tpu.memory_space<hbm>>
      %dma_wait3A_615 = tpu.memref_slice %arg4[%run_scoped3A_594, %mul3A_2] : memref<4x32768xf32, #tpu.memory_space<hbm>> -> memref<1x1024xf32, #tpu.memory_space<hbm>>
      %dma_wait3A_616 = tpu.memref_squeeze %dma_wait3A_615 : memref<1x1024xf32, #tpu.memory_space<hbm>> -> memref<1024xf32, #tpu.memory_space<hbm>>
      %dma_wait3A_617 = arith.constant 0 : i32
      %dma_wait3A_618 = tpu.memref_slice %arg7[%run_scoped3A_593, %dma_wait3A_617] : memref<4x1024xf32, #tpu.memory_space<vmem>> -> memref<1x1024xf32, #tpu.memory_space<vmem>>
      %dma_wait3A_619 = tpu.memref_squeeze %dma_wait3A_618 : memref<1x1024xf32, #tpu.memory_space<vmem>> -> memref<1024xf32, #tpu.memory_space<vmem>>
      tpu.wait_dma2 semaphore(%run_scoped3A_601 : memref<!tpu.dma_semaphore, #tpu.memory_space<semaphore_mem>>) src(%dma_wait3A_619 : memref<1024xf32, #tpu.memory_space<vmem>>) dst(%dma_wait3A_616 : memref<1024xf32, #tpu.memory_space<hbm>>)
      tpu.yield
    }) : () -> ()
    %run_scoped3A_595 = arith.constant 1 : i32
    %run_scoped3A_596 = arith.constant 1 : i32
    "tpu.region"() ({
      %run_scoped3A_601 = tpu.sem_alloc : memref<!tpu.dma_semaphore, #tpu.memory_space<semaphore_mem>>
      %dma_start3A = arith.constant 0 : i32
      %dma_start3A_602 = tpu.memref_slice %arg7[%run_scoped3A_595, %dma_start3A] : memref<4x1024xf32, #tpu.memory_space<vmem>> -> memref<1x1024xf32, #tpu.memory_space<vmem>>
      %dma_start3A_603 = tpu.memref_squeeze %dma_start3A_602 : memref<1x1024xf32, #tpu.memory_space<vmem>> -> memref<1024xf32, #tpu.memory_space<vmem>>
      %dma_start3A_604 = tpu.memref_slice %arg4[%run_scoped3A_596, %mul3A_2] : memref<4x32768xf32, #tpu.memory_space<hbm>> -> memref<1x1024xf32, #tpu.memory_space<hbm>>
      %dma_start3A_605 = tpu.memref_squeeze %dma_start3A_604 : memref<1x1024xf32, #tpu.memory_space<hbm>> -> memref<1024xf32, #tpu.memory_space<hbm>>
      %dma_start3A_606 = tpu.memref_slice %arg4[%run_scoped3A_596, %mul3A_2] : memref<4x32768xf32, #tpu.memory_space<hbm>> -> memref<1x1024xf32, #tpu.memory_space<hbm>>
      %dma_start3A_607 = tpu.memref_squeeze %dma_start3A_606 : memref<1x1024xf32, #tpu.memory_space<hbm>> -> memref<1024xf32, #tpu.memory_space<hbm>>
      %dma_start3A_608 = arith.constant 0 : i32
      %dma_start3A_609 = tpu.memref_slice %arg7[%run_scoped3A_595, %dma_start3A_608] : memref<4x1024xf32, #tpu.memory_space<vmem>> -> memref<1x1024xf32, #tpu.memory_space<vmem>>
      %dma_start3A_610 = tpu.memref_squeeze %dma_start3A_609 : memref<1x1024xf32, #tpu.memory_space<vmem>> -> memref<1024xf32, #tpu.memory_space<vmem>>
      tpu.enqueue_dma source(%dma_start3A_610 : memref<1024xf32, #tpu.memory_space<vmem>>) target(%dma_start3A_607 : memref<1024xf32, #tpu.memory_space<hbm>>) target_semaphore(%run_scoped3A_601 : memref<!tpu.dma_semaphore, #tpu.memory_space<semaphore_mem>>)
      %dma_wait3A = arith.constant 0 : i32
      %dma_wait3A_611 = tpu.memref_slice %arg7[%run_scoped3A_595, %dma_wait3A] : memref<4x1024xf32, #tpu.memory_space<vmem>> -> memref<1x1024xf32, #tpu.memory_space<vmem>>
      %dma_wait3A_612 = tpu.memref_squeeze %dma_wait3A_611 : memref<1x1024xf32, #tpu.memory_space<vmem>> -> memref<1024xf32, #tpu.memory_space<vmem>>
      %dma_wait3A_613 = tpu.memref_slice %arg4[%run_scoped3A_596, %mul3A_2] : memref<4x32768xf32, #tpu.memory_space<hbm>> -> memref<1x1024xf32, #tpu.memory_space<hbm>>
      %dma_wait3A_614 = tpu.memref_squeeze %dma_wait3A_613 : memref<1x1024xf32, #tpu.memory_space<hbm>> -> memref<1024xf32, #tpu.memory_space<hbm>>
      %dma_wait3A_615 = tpu.memref_slice %arg4[%run_scoped3A_596, %mul3A_2] : memref<4x32768xf32, #tpu.memory_space<hbm>> -> memref<1x1024xf32, #tpu.memory_space<hbm>>
      %dma_wait3A_616 = tpu.memref_squeeze %dma_wait3A_615 : memref<1x1024xf32, #tpu.memory_space<hbm>> -> memref<1024xf32, #tpu.memory_space<hbm>>
      %dma_wait3A_617 = arith.constant 0 : i32
      %dma_wait3A_618 = tpu.memref_slice %arg7[%run_scoped3A_595, %dma_wait3A_617] : memref<4x1024xf32, #tpu.memory_space<vmem>> -> memref<1x1024xf32, #tpu.memory_space<vmem>>
      %dma_wait3A_619 = tpu.memref_squeeze %dma_wait3A_618 : memref<1x1024xf32, #tpu.memory_space<vmem>> -> memref<1024xf32, #tpu.memory_space<vmem>>
      tpu.wait_dma2 semaphore(%run_scoped3A_601 : memref<!tpu.dma_semaphore, #tpu.memory_space<semaphore_mem>>) src(%dma_wait3A_619 : memref<1024xf32, #tpu.memory_space<vmem>>) dst(%dma_wait3A_616 : memref<1024xf32, #tpu.memory_space<hbm>>)
      tpu.yield
    }) : () -> ()
    %run_scoped3A_597 = arith.constant 2 : i32
    %run_scoped3A_598 = arith.constant 2 : i32
    "tpu.region"() ({
      %run_scoped3A_601 = tpu.sem_alloc : memref<!tpu.dma_semaphore, #tpu.memory_space<semaphore_mem>>
      %dma_start3A = arith.constant 0 : i32
      %dma_start3A_602 = tpu.memref_slice %arg7[%run_scoped3A_597, %dma_start3A] : memref<4x1024xf32, #tpu.memory_space<vmem>> -> memref<1x1024xf32, #tpu.memory_space<vmem>>
      %dma_start3A_603 = tpu.memref_squeeze %dma_start3A_602 : memref<1x1024xf32, #tpu.memory_space<vmem>> -> memref<1024xf32, #tpu.memory_space<vmem>>
      %dma_start3A_604 = tpu.memref_slice %arg4[%run_scoped3A_598, %mul3A_2] : memref<4x32768xf32, #tpu.memory_space<hbm>> -> memref<1x1024xf32, #tpu.memory_space<hbm>>
      %dma_start3A_605 = tpu.memref_squeeze %dma_start3A_604 : memref<1x1024xf32, #tpu.memory_space<hbm>> -> memref<1024xf32, #tpu.memory_space<hbm>>
      %dma_start3A_606 = tpu.memref_slice %arg4[%run_scoped3A_598, %mul3A_2] : memref<4x32768xf32, #tpu.memory_space<hbm>> -> memref<1x1024xf32, #tpu.memory_space<hbm>>
      %dma_start3A_607 = tpu.memref_squeeze %dma_start3A_606 : memref<1x1024xf32, #tpu.memory_space<hbm>> -> memref<1024xf32, #tpu.memory_space<hbm>>
      %dma_start3A_608 = arith.constant 0 : i32
      %dma_start3A_609 = tpu.memref_slice %arg7[%run_scoped3A_597, %dma_start3A_608] : memref<4x1024xf32, #tpu.memory_space<vmem>> -> memref<1x1024xf32, #tpu.memory_space<vmem>>
      %dma_start3A_610 = tpu.memref_squeeze %dma_start3A_609 : memref<1x1024xf32, #tpu.memory_space<vmem>> -> memref<1024xf32, #tpu.memory_space<vmem>>
      tpu.enqueue_dma source(%dma_start3A_610 : memref<1024xf32, #tpu.memory_space<vmem>>) target(%dma_start3A_607 : memref<1024xf32, #tpu.memory_space<hbm>>) target_semaphore(%run_scoped3A_601 : memref<!tpu.dma_semaphore, #tpu.memory_space<semaphore_mem>>)
      %dma_wait3A = arith.constant 0 : i32
      %dma_wait3A_611 = tpu.memref_slice %arg7[%run_scoped3A_597, %dma_wait3A] : memref<4x1024xf32, #tpu.memory_space<vmem>> -> memref<1x1024xf32, #tpu.memory_space<vmem>>
      %dma_wait3A_612 = tpu.memref_squeeze %dma_wait3A_611 : memref<1x1024xf32, #tpu.memory_space<vmem>> -> memref<1024xf32, #tpu.memory_space<vmem>>
      %dma_wait3A_613 = tpu.memref_slice %arg4[%run_scoped3A_598, %mul3A_2] : memref<4x32768xf32, #tpu.memory_space<hbm>> -> memref<1x1024xf32, #tpu.memory_space<hbm>>
      %dma_wait3A_614 = tpu.memref_squeeze %dma_wait3A_613 : memref<1x1024xf32, #tpu.memory_space<hbm>> -> memref<1024xf32, #tpu.memory_space<hbm>>
      %dma_wait3A_615 = tpu.memref_slice %arg4[%run_scoped3A_598, %mul3A_2] : memref<4x32768xf32, #tpu.memory_space<hbm>> -> memref<1x1024xf32, #tpu.memory_space<hbm>>
      %dma_wait3A_616 = tpu.memref_squeeze %dma_wait3A_615 : memref<1x1024xf32, #tpu.memory_space<hbm>> -> memref<1024xf32, #tpu.memory_space<hbm>>
      %dma_wait3A_617 = arith.constant 0 : i32
      %dma_wait3A_618 = tpu.memref_slice %arg7[%run_scoped3A_597, %dma_wait3A_617] : memref<4x1024xf32, #tpu.memory_space<vmem>> -> memref<1x1024xf32, #tpu.memory_space<vmem>>
      %dma_wait3A_619 = tpu.memref_squeeze %dma_wait3A_618 : memref<1x1024xf32, #tpu.memory_space<vmem>> -> memref<1024xf32, #tpu.memory_space<vmem>>
      tpu.wait_dma2 semaphore(%run_scoped3A_601 : memref<!tpu.dma_semaphore, #tpu.memory_space<semaphore_mem>>) src(%dma_wait3A_619 : memref<1024xf32, #tpu.memory_space<vmem>>) dst(%dma_wait3A_616 : memref<1024xf32, #tpu.memory_space<hbm>>)
      tpu.yield
    }) : () -> ()
    %run_scoped3A_599 = arith.constant 3 : i32
    %run_scoped3A_600 = arith.constant 3 : i32
    "tpu.region"() ({
      %run_scoped3A_601 = tpu.sem_alloc : memref<!tpu.dma_semaphore, #tpu.memory_space<semaphore_mem>>
      %dma_start3A = arith.constant 0 : i32
      %dma_start3A_602 = tpu.memref_slice %arg7[%run_scoped3A_599, %dma_start3A] : memref<4x1024xf32, #tpu.memory_space<vmem>> -> memref<1x1024xf32, #tpu.memory_space<vmem>>
      %dma_start3A_603 = tpu.memref_squeeze %dma_start3A_602 : memref<1x1024xf32, #tpu.memory_space<vmem>> -> memref<1024xf32, #tpu.memory_space<vmem>>
      %dma_start3A_604 = tpu.memref_slice %arg4[%run_scoped3A_600, %mul3A_2] : memref<4x32768xf32, #tpu.memory_space<hbm>> -> memref<1x1024xf32, #tpu.memory_space<hbm>>
      %dma_start3A_605 = tpu.memref_squeeze %dma_start3A_604 : memref<1x1024xf32, #tpu.memory_space<hbm>> -> memref<1024xf32, #tpu.memory_space<hbm>>
      %dma_start3A_606 = tpu.memref_slice %arg4[%run_scoped3A_600, %mul3A_2] : memref<4x32768xf32, #tpu.memory_space<hbm>> -> memref<1x1024xf32, #tpu.memory_space<hbm>>
      %dma_start3A_607 = tpu.memref_squeeze %dma_start3A_606 : memref<1x1024xf32, #tpu.memory_space<hbm>> -> memref<1024xf32, #tpu.memory_space<hbm>>
      %dma_start3A_608 = arith.constant 0 : i32
      %dma_start3A_609 = tpu.memref_slice %arg7[%run_scoped3A_599, %dma_start3A_608] : memref<4x1024xf32, #tpu.memory_space<vmem>> -> memref<1x1024xf32, #tpu.memory_space<vmem>>
      %dma_start3A_610 = tpu.memref_squeeze %dma_start3A_609 : memref<1x1024xf32, #tpu.memory_space<vmem>> -> memref<1024xf32, #tpu.memory_space<vmem>>
      tpu.enqueue_dma source(%dma_start3A_610 : memref<1024xf32, #tpu.memory_space<vmem>>) target(%dma_start3A_607 : memref<1024xf32, #tpu.memory_space<hbm>>) target_semaphore(%run_scoped3A_601 : memref<!tpu.dma_semaphore, #tpu.memory_space<semaphore_mem>>)
      %dma_wait3A = arith.constant 0 : i32
      %dma_wait3A_611 = tpu.memref_slice %arg7[%run_scoped3A_599, %dma_wait3A] : memref<4x1024xf32, #tpu.memory_space<vmem>> -> memref<1x1024xf32, #tpu.memory_space<vmem>>
      %dma_wait3A_612 = tpu.memref_squeeze %dma_wait3A_611 : memref<1x1024xf32, #tpu.memory_space<vmem>> -> memref<1024xf32, #tpu.memory_space<vmem>>
      %dma_wait3A_613 = tpu.memref_slice %arg4[%run_scoped3A_600, %mul3A_2] : memref<4x32768xf32, #tpu.memory_space<hbm>> -> memref<1x1024xf32, #tpu.memory_space<hbm>>
      %dma_wait3A_614 = tpu.memref_squeeze %dma_wait3A_613 : memref<1x1024xf32, #tpu.memory_space<hbm>> -> memref<1024xf32, #tpu.memory_space<hbm>>
      %dma_wait3A_615 = tpu.memref_slice %arg4[%run_scoped3A_600, %mul3A_2] : memref<4x32768xf32, #tpu.memory_space<hbm>> -> memref<1x1024xf32, #tpu.memory_space<hbm>>
      %dma_wait3A_616 = tpu.memref_squeeze %dma_wait3A_615 : memref<1x1024xf32, #tpu.memory_space<hbm>> -> memref<1024xf32, #tpu.memory_space<hbm>>
      %dma_wait3A_617 = arith.constant 0 : i32
      %dma_wait3A_618 = tpu.memref_slice %arg7[%run_scoped3A_599, %dma_wait3A_617] : memref<4x1024xf32, #tpu.memory_space<vmem>> -> memref<1x1024xf32, #tpu.memory_space<vmem>>
      %dma_wait3A_619 = tpu.memref_squeeze %dma_wait3A_618 : memref<1x1024xf32, #tpu.memory_space<vmem>> -> memref<1024xf32, #tpu.memory_space<vmem>>
      tpu.wait_dma2 semaphore(%run_scoped3A_601 : memref<!tpu.dma_semaphore, #tpu.memory_space<semaphore_mem>>) src(%dma_wait3A_619 : memref<1024xf32, #tpu.memory_space<vmem>>) dst(%dma_wait3A_616 : memref<1024xf32, #tpu.memory_space<hbm>>)
      tpu.yield
    }) : () -> ()
    return
  }
}

</mosaic_0001>

<sc_bundles>
// kernel: _sc_moe.3.cloned.1.call-start
scs
__scs_entry_jumppad:
0x0: {  	(pc) =	sbr.rel $0x88, $3  }
0x1: {  	(tag) =	ssettag $0x0;
	lr =	simm.s32 $0x1  }
0x2: {  	[smem:$0x3F9F] =	sst lr;
	_ =	strace $0xD0000000  }
0x3: {  	_ = 	snop  }
0x4: {  	_ = 	snop  }
0x5: {  	_ = 	snop  }
0x6: {  	_ = 	snop  }
0x7: {  	_ = 	snop  }
__scs_overlays_trampoline_lowered:
0x8: {  	[smem:$0x3FAE] =	sst s0  }
0x9: {  	[smem:$0x3FAF] =	sst s1  }
0xa: {  	[smem:$0x3FB0] =	sst s2  }
0xb: {  	[smem:$0x3FB1] =	sst s3  }
0xc: {  	[smem:$0x3FB2] =	sst s4  }
0xd: {  	[smem:$0x3FB3] =	sst s5  }
0xe: {  	[smem:$0x3FB4] =	sst s6  }
0xf: {  	[smem:$0x3FB5] =	sst s7  }
0x10: {  	[smem:$0x3FB6] =	sst s8  }
0x11: {  	[smem:$0x3FB7] =	sst s9;
	s0 =	simm.s32 @!p0 $0x0  }
0x12: {  	s1 =	sld [smem:$0x3F9D];
	s0 =	simm.s32 @p0 $0x1  }
0x13: {  	[smem:$0x3FB8] =	sst s0;
	s0 =	simm.s32 @!p1 $0x0  }
0x14: {  	s2 =	sld [smem:$0x3F9C];
	s0 =	simm.s32 @p1 $0x1  }
0x15: {  	[smem:$0x3FB9] =	sst s0;
	s0 =	simm.s32 @!p2 $0x0  }
0x16: {  	s3 =	sld [smem:$0x3FDB];
	s0 =	simm.s32 @p2 $0x1  }
0x17: {  	s4 =	simm.s32 $0x1BF5;
	[smem:$0x3FBB] =	sst s0  }
0x18: {  	s0 =	sld [smem:$0x3F9E];
	_ =	swait.ge [sflag:s4], $0x0  }
0x19: {  	s7 =	sld [smem:$0x3F9F]  }
0x1a: {  	s8 =	sadd.s32 $0xFFFFE003, lr  }
0x1b: {  	s9 =	sadd.s32 $0xFFFFFEF7, lr;
	s5 =	simm.s32 $0xFFFFFFFF;
	p2 =	slt.u32 s8, $0xFFFFF086  }
0x1c: {  	p1 =	slt.u32 s9, $0xF7A;
	s5 =	simm.s32 @!p2 $0x0  }
0x1d: {  	s5 =	simm.s32 @p1 $0x1;
	p0 =	seq.s32 s7, s2  }
0x1e: {  	s7 =	smul.u32 @!p0 $0xF7A, s2;
	p2 =	seq.s32 @!p0 s5, $0x0  }
0x1f: {  	s9 =	smul.u32 $0xF7A, s1;
	s8 =	simm.s32 @!p0 $0x1BF5;
	p2 =	por !p2, p0  }
0x20: {  	[sflag:s8] =	ssyncset.s32 @!p0 $0xFFFFF086;
	s6 =	sadd.s32 @!p0 s3, s7;
	s7 =	simm.s32 @!p0 $0x108  }
0x21: {  	s3 =	sadd.s32 s3, s9;
	s6 =	sadd.s32 @!p0 $0x88, s6;
	s7 =	simm.s32 @p2 $0x1082  }
0x22: {  	[simem:s7], [sflag:s8] =	dma.local @!p0 [hbm:s6], $0xF7A  }
0x23: {  	s9 =	sor.u32 $0xD0000000, s2;
	s6 =	simm.s32 $0x108;
	_ =	swait.ge @!p0 [sflag:s8], $0x0  }
0x24: {  	s3 =	sadd.s32 $0x88, s3;
	s6 =	simm.s32 @!p1 $0x1082;
	[sflag:s4] =	ssyncset.s32 $0xFFFFF086  }
0x25: {  	[simem:s6], [sflag:s4] =	dma.local [hbm:s3], $0xF7A  }
0x26: {  	[smem:$0x3F9F] =	sst s1;
	(tag) =	ssettag s2;
	_ =	strace s9  }
0x27: {  	s1 =	sld [smem:$0x3FAF]  }
0x28: {  	s2 =	sld [smem:$0x3FB0]  }
0x29: {  	s4 =	sld [smem:$0x3FB2]  }
0x2a: {  	p0 =	seq.s32 s5, $0x0;
	s5 =	sld [smem:$0x3FB3]  }
0x2b: {  	s6 =	sld [smem:$0x3FB4]  }
0x2c: {  	s7 =	sld [smem:$0x3FB5]  }
0x2d: {  	s3 =	simm.s32 $0x108;
	s8 =	sld [smem:$0x3FB6]  }
0x2e: {  	s3 =	simm.s32 @!p0 $0x1082;
	s9 =	sld [smem:$0x3FB7]  }
0x2f: {  	lr =	sadd.s32 s0, s3;
	s0 =	sld [smem:$0x3FAE]  }
0x30: {  	s3 =	sld [smem:$0x3FB1]  }
0x31: {  	[smem:$0x3FBA] =	sst s10  }
0x32: {  	s10 =	sld [smem:$0x3FB8];
	_ =	sdelay $0x3  }
0x33: {  	p0 =	seq.s32 s10, $0x1;
	s10 =	sld [smem:$0x3FBA];
	_ =	sdelay $0x3  }
0x34: {  	[smem:$0x3FBA] =	sst s10  }
0x35: {  	s10 =	sld [smem:$0x3FB9];
	_ =	sdelay $0x3  }
0x36: {  	p1 =	seq.s32 s10, $0x1;
	s10 =	sld [smem:$0x3FBA];
	_ =	sdelay $0x3  }
0x37: {  	[smem:$0x3FBA] =	sst s10  }
0x38: {  	s10 =	sld [smem:$0x3FBB]  }
0x39: {  	_ = 	snop;
	(pc) =	sbr.ind lr, $3  }
0x3a: {  	_ = 	snop  }
0x3b: {  	_ = 	snop  }
0x3c: {  	p2 =	seq.s32 s10, $0x1;
	s10 =	sld [smem:$0x3FBA]  }
0x3d: {  	_ =	shalt  }
0x3e: {  	_ =	shalt  }
0x3f: {  	_ =	shalt  }
0x40: {  	_ =	shalt  }
0x41: {  	_ =	shalt  }
0x42: {  	_ =	shalt  }
0x43: {  	_ =	shalt  }
0x44: {  	_ =	shalt  }
0x45: {  	_ =	shalt  }
0x46: {  	_ =	shalt  }
0x47: {  	_ =	shalt  }
0x48: {  	_ =	shalt  }
0x49: {  	_ =	shalt  }
0x4a: {  	_ =	shalt  }
0x4b: {  	_ =	shalt  }
0x4c: {  	_ =	shalt  }
0x4d: {  	_ =	shalt  }
0x4e: {  	_ =	shalt  }
0x4f: {  	_ =	shalt  }
0x50: {  	_ =	shalt  }
0x51: {  	_ =	shalt  }
0x52: {  	_ =	shalt  }
0x53: {  	_ =	shalt  }
0x54: {  	_ =	shalt  }
0x55: {  	_ =	shalt  }
0x56: {  	_ =	shalt  }
0x57: {  	_ =	shalt  }
0x58: {  	_ =	shalt  }
0x59: {  	_ =	shalt  }
0x5a: {  	_ =	shalt  }
0x5b: {  	_ =	shalt  }
0x5c: {  	_ =	shalt  }
0x5d: {  	_ =	shalt  }
0x5e: {  	_ =	shalt  }
0x5f: {  	_ =	shalt  }
0x60: {  	_ =	shalt  }
0x61: {  	_ =	shalt  }
0x62: {  	_ =	shalt  }
0x63: {  	_ =	shalt  }
0x64: {  	_ =	shalt  }
0x65: {  	_ =	shalt  }
0x66: {  	_ =	shalt  }
0x67: {  	_ =	shalt  }
0x68: {  	_ =	shalt  }
0x69: {  	_ =	shalt  }
0x6a: {  	_ =	shalt  }
0x6b: {  	_ =	shalt  }
0x6c: {  	_ =	shalt  }
0x6d: {  	_ =	shalt  }
0x6e: {  	_ =	shalt  }
0x6f: {  	_ =	shalt  }
0x70: {  	_ =	shalt  }
0x71: {  	_ =	shalt  }
0x72: {  	_ =	shalt  }
0x73: {  	_ =	shalt  }
0x74: {  	_ =	shalt  }
0x75: {  	_ =	shalt  }
0x76: {  	_ =	shalt  }
0x77: {  	_ =	shalt  }
0x78: {  	_ =	shalt  }
0x79: {  	_ =	shalt  }
0x7a: {  	_ =	shalt  }
0x7b: {  	_ =	shalt  }
0x7c: {  	_ =	shalt  }
0x7d: {  	_ =	shalt  }
0x7e: {  	_ =	shalt  }
0x7f: {  	_ =	shalt  }
0x80: {  	_ =	shalt  }
0x81: {  	_ =	shalt  }
0x82: {  	_ =	shalt  }
0x83: {  	_ =	shalt  }
0x84: {  	_ =	shalt  }
0x85: {  	_ =	shalt  }
0x86: {  	_ =	shalt  }
0x87: {  	_ =	shalt  }
.Lfunc_end0:
.L_simem_size_0:
called_computation_lowered:
.L_overlay_start_0:
0x88: {  	s2 =	sld [smem:$0x3FD9]  }
0x89: {  	s3 =	sld [smem:$0x3FFE];
	_ =	sdelay $0x1  }
0x8a: {  	s1 =	srdreg.scid  }
0x8b: {  	s0 =	sand.u32 $0x1, s1  }
0x8c: {  	s18 =	sshll.u32 s0, $0xA;
	s2 =	sadd.s32 s3, s2  }
0x8d: {  	s2 =	sadd.s32 s2, s18  }
0x8e: {  	[smem:$0x3FC6] =	sst s2  }
0x8f: {  	_ = 	snop  }
0x90: {  	s2 =	sld [smem:$0x3FC9]  }
0x91: {  	s19 =	sld [smem:$0x3FC8]  }
0x92: {  	s4 =	sld [smem:$0x3FD0];
	(tm) =	ssettm $0x1  }
0x93: {  	s5 =	sld [smem:$0x3FFB];
	_ =	sdelay $0x3  }
0x94: {  	_ =	strace s5  }
0x95: {  	s5 =	sld [smem:$0x3FFC];
	_ =	sdelay $0x3  }
0x96: {  	_ =	strace s5  }
0x97: {  	s5 =	sld [smem:$0x3FFD];
	_ =	sdelay $0x3  }
0x98: {  	_ =	strace s5  }
0x99: {  	_ =	strace $0x8FFFFFFF  }
0x9a: {  	s20 =	sld [smem:$0x3FDB];
	_ =	sdelay $0x1  }
0x9b: {  	s6 =	simm.s32 $_scs_section_size  }
0x9c: {  	s7 =	simm.s32 $_size__tile_overlayer_lowered;
	s8 =	simm.s32 $_tile_overlayer_lowered  }
0x9d: {  	s23 =	simm.s32 $0x1BFF;
	s22 =	sshll.u32 s8, $0x1;
	s5 =	sadd.s32 s6, s20  }
0x9e: {  	s9 =	simm.s32 $0x0;
	s21 =	sshll.u32 s7, $0x1;
	s7 =	sadd.s32 s22, s5  }
0x9f: {  	[timem:s9], [sflag:s23] =	dma.local [hbm:s7], s21  }
0xa0: {  	_ =	swait.ge [sflag:s23], s21  }
0xa1: {  	s6 =	ssub.s32 $0x0, s21;
	[sflag:s23] =	ssyncset.done $0x0  }
0xa2: {  	[sflag:s23] =	ssyncadd.s32 s6;
	_ =	sdelay $0x1  }
0xa3: {  	s24 =	simm.s32 $0x1B8B  }
0xa4: {  	_ =	swait.ge [sflag:s24], $0x1  }
0xa5: {  	[sflag:s24] =	ssyncset.done $0x0  }
0xa6: {  	s25 =	simm.s32 $0x1B8E;
	[sflag:s24] =	ssyncadd.s32 $0xFFFFFFFF  }
0xa7: {  	s26 =	simm.s32 $execute0_lowered;
	[smem:$0x3FD2] =	sst s25  }
0xa8: {  	s6 =	sshll.u32 s26, $0x1;
	_ =	strace $0x80000046;
	[dreg:$0x1] =	wrdreg $0xFFFFFFFF  }
0xa9: {  	s28 =	simm.s32 $_size_execute0_lowered;
	s5 =	sadd.s32 s5, s6;
	[dreg:$0x0] =	wrdreg $0x0  }
0xaa: {  	s6 =	sshll.u32 s28, $0x1;
	[dreg:$0x2] =	wrdreg s5  }
0xab: {  	[dreg:$0x3] =	wrdreg s6  }
0xac: {  	[dreg:$0x4] =	wrdreg $0xC0  }
0xad: {  	_ =	task [dreg:s9], $0x5FFFF  }
0xae: {  	[dreg:$0x1] =	wrdreg $0xFFFFFFFF  }
0xaf: {  	[dreg:$0x0] =	wrdreg $0x60  }
0xb0: {  	[dreg:$0x2] =	wrdreg s2  }
0xb1: {  	[dreg:$0x3] =	wrdreg s19  }
0xb2: {  	[dreg:$0x4] =	wrdreg s4  }
0xb3: {  	[dreg:$0x5] =	wrdreg $0x9  }
0xb4: {  	_ =	task.clear_ibuf [dreg:s9], $0x6FFFF;
	_ =	strace $0x90000046  }
0xb5: {  	s29 =	simm.s32 $0x9;
	_ =	strace $0x80000048  }
0xb6: {  	_ =	swait.ge [sflag:s29], $0x1  }
0xb7: {  	[sflag:s29] =	ssyncadd.s32 $0xFFFFFFFF  }
0xb8: {  	_ =	strace $0x90000048  }
0xb9: {  	_ =	sfence  }
0xba: {  	s30 =	sld [smem:$0x0];
	_ =	sdelay $0x2  }
0xbb: {  	s31 =	sshll.u32 s1, $0xD;
	s1 =	sshrl.u32 s1, $0x2  }
0xbc: {  	s3 =	sand.u32 $0x4000, s31;
	s1 =	sadd.s32 s1, s30  }
0xbd: {  	s0 =	sor.u32 s3, s0;
	s1 =	sshll.u32 s1, $0x11  }
0xbe: {  	s0 =	sor.u32 s1, s0  }
0xbf: {  	s0 =	sadd.s32 $0x8F2B, s0  }
0xc0: {  	[sflag:s0] =	ssyncadd.remote.s32 $0x1  }
0xc1: {  	_ =	sfence.sel $0xFFFF  }
0xc2: {  	[dreg:$0x0] =	wrdreg $0xFFFFFFFF;
	(pc) =	sbr.abs _section_cstart, $3  }
0xc3: {  	[dreg:$0x1] =	wrdreg $0xFFFFFFFF  }
0xc4: {  	_ =	task.clear_ibuf [dreg:s9], $0x2FFFF;
	_ =	strace $0x9FFFFFFF  }
0xc5: {  	(tm) =	ssettm $0x7FFFFFFF  }
tec
execute0_lowered:
.L_overlay_start_1:
0x0: {  	(tag) =	ssettag $0x1  }
0x1: {  	s0 =	rddreg [dreg:$0x0]  }
0x2: {  	s1 =	rddreg [dreg:$0x2];
	s2 =	srdreg.scid;
	s3 =	simm.s32 $0x0  }
0x3: {  	s5 =	stileid.u32;
	s13 =	simm.s32 $0x1000;
	s14 =	simm.s32 $0x1  }
0x4: {  	s31 =	simm.s32 $0x1580;
	s16 =	simm.s32 $0x1D80;
	s18 =	simm.s32 $0x1F80  }
0x5: {  	s20 =	simm.s32 $0x2180;
	s22 =	simm.s32 $0x0;
	s2 =	sand.u32 $0x1, s2  }
0x6: {  	s5 =	sshll.u32 s5, $0xA;
	s4 =	ssub.s32 $0x2, s2;
	s2 =	sshll.u32 s2, $0x9  }
0x7: {  	[smem:$0x7FF] =	sst s3;
	s6 =	sshrl.u32 s4, $0x1;
	s2 =	sor.u32 s2, s5  }
0x8: {  	_ =	strace $0x80000047;
	s12 =	ssub.s32 s4, s6;
	s4 =	sadd.s32 s0, s2  }
0x9: {  	s9 =	sor.u32 $0x10, s2;
	s10 =	sor.u32 $0x20, s2;
	s11 =	sor.u32 $0x30, s2  }
0xa: {  	s8 =	sadd.s32 s1, s2;
	s2 =	simm.s32 $0x1980;
	s5 =	sadd.s32 s0, s9  }
0xb: {  	s6 =	sadd.s32 s0, s10;
	s7 =	sadd.s32 s0, s11;
	s9 =	sadd.s32 s1, s9  }
0xc: {  	s10 =	sadd.s32 s1, s10;
	s11 =	sadd.s32 s1, s11;
	s12 =	smax.u32 s12, $0x1  }
0xd: {  	s15 =	sadd.s32 $0x40, s4;
	s17 =	sadd.s32 $0x80, s4;
	s19 =	sadd.s32 $0xC0, s4  }
0xe: {  	s21 =	sadd.s32 $0x100, s4;
	s0 =	simm.s32 $0x1780;
	s1 =	simm.s32 $0x1B80  }
.LBB2_1:
0xf: {  	s23 =	rddreg [dreg:$0x1]  }
0x10: {  	[tilespmem:s13], [sflag:$0x1] =	stream.linear.gather [hbm4b:s23+s3], $0x200, $0x38;
	[tilespmem:$0x2200] =	vst v63  }
0x11: {  	_ =	swait.ge [sflag:s14], $0x200  }
0x12: {  	[sflag:s14] =	ssyncset.done $0x0  }
0x13: {  	[sflag:s14] =	ssyncadd.s32 $0xFFFFFE00  }
0x14: {  	[tilespmem:s3], [sflag:$0x1] =	stream.linear.gather [hbm4b:s4+s3], $0x80, $0x38;
	[tilespmem:$0x2200] =	vst v63  }
0x15: {  	s28 =	simm.s32 $0x200  }
0x16: {  	[tilespmem:s28], [sflag:$0x1] =	stream.linear.gather [hbm4b:s15+s3], $0x80, $0x38;
	[tilespmem:$0x2200] =	vst v63  }
0x17: {  	s29 =	simm.s32 $0x400  }
0x18: {  	[tilespmem:s29], [sflag:$0x1] =	stream.linear.gather [hbm4b:s17+s3], $0x80, $0x38;
	[tilespmem:$0x2200] =	vst v63  }
0x19: {  	s30 =	simm.s32 $0x600  }
0x1a: {  	[tilespmem:s30], [sflag:$0x1] =	stream.linear.gather [hbm4b:s19+s3], $0x80, $0x38;
	[tilespmem:$0x2200] =	vst v63  }
0x1b: {  	s24 =	simm.s32 $0x800  }
0x1c: {  	[tilespmem:s24], [sflag:$0x1] =	stream.linear.gather [hbm4b:s21+s3], $0x80, $0x38;
	[tilespmem:$0x2200] =	vst v63  }
0x1d: {  	s25 =	sadd.s32 $0x140, s4;
	s24 =	simm.s32 $0xA00  }
0x1e: {  	[tilespmem:s24], [sflag:$0x1] =	stream.linear.gather [hbm4b:s25+s3], $0x80, $0x38;
	[tilespmem:$0x2200] =	vst v63  }
0x1f: {  	s26 =	sadd.s32 $0x180, s4;
	s28 =	simm.s32 $0xC00  }
0x20: {  	[tilespmem:s28], [sflag:$0x1] =	stream.linear.gather [hbm4b:s26+s3], $0x80, $0x38;
	[tilespmem:$0x2200] =	vst v63  }
0x21: {  	s29 =	sadd.s32 $0x1C0, s4;
	s30 =	simm.s32 $0xE00  }
0x22: {  	[tilespmem:s30], [sflag:$0x1] =	stream.linear.gather [hbm4b:s29+s3], $0x80, $0x38;
	[tilespmem:$0x2200] =	vst v63  }
0x23: {  	_ =	swait.ge [sflag:s14], $0x400  }
0x24: {  	[sflag:s14] =	ssyncset.done $0x0  }
0x25: {  	s25 =	simm.s32 $0x80;
	[sflag:s14] =	ssyncadd.s32 $0xFFFFFC00  }
0x26: {  	[tilespmem:s25], [sflag:$0x1] =	stream.linear.gather [hbm4b:s5+s3], $0x80, $0x38;
	[tilespmem:$0x2200] =	vst v63  }
0x27: {  	s26 =	sadd.s32 $0x40, s5;
	s28 =	simm.s32 $0x280  }
0x28: {  	[tilespmem:s28], [sflag:$0x1] =	stream.linear.gather [hbm4b:s26+s3], $0x80, $0x38;
	[tilespmem:$0x2200] =	vst v63  }
0x29: {  	s29 =	sadd.s32 $0x80, s5;
	s30 =	simm.s32 $0x480  }
0x2a: {  	[tilespmem:s30], [sflag:$0x1] =	stream.linear.gather [hbm4b:s29+s3], $0x80, $0x38;
	[tilespmem:$0x2200] =	vst v63  }
0x2b: {  	s24 =	sadd.s32 $0xC0, s5;
	s25 =	simm.s32 $0x680  }
0x2c: {  	[tilespmem:s25], [sflag:$0x1] =	stream.linear.gather [hbm4b:s24+s3], $0x80, $0x38;
	[tilespmem:$0x2200] =	vst v63  }
0x2d: {  	s26 =	sadd.s32 $0x100, s5;
	s28 =	simm.s32 $0x880  }
0x2e: {  	[tilespmem:s28], [sflag:$0x1] =	stream.linear.gather [hbm4b:s26+s3], $0x80, $0x38;
	[tilespmem:$0x2200] =	vst v63  }
0x2f: {  	s29 =	sadd.s32 $0x140, s5;
	s30 =	simm.s32 $0xA80  }
0x30: {  	[tilespmem:s30], [sflag:$0x1] =	stream.linear.gather [hbm4b:s29+s3], $0x80, $0x38;
	[tilespmem:$0x2200] =	vst v63  }
0x31: {  	s25 =	sadd.s32 $0x180, s5;
	s26 =	simm.s32 $0xC80  }
0x32: {  	[tilespmem:s26], [sflag:$0x1] =	stream.linear.gather [hbm4b:s25+s3], $0x80, $0x38;
	[tilespmem:$0x2200] =	vst v63  }
0x33: {  	s28 =	sadd.s32 $0x1C0, s5;
	s29 =	simm.s32 $0xE80  }
0x34: {  	[tilespmem:s29], [sflag:$0x1] =	stream.linear.gather [hbm4b:s28+s3], $0x80, $0x38;
	[tilespmem:$0x2200] =	vst v63  }
0x35: {  	_ =	swait.ge [sflag:s14], $0x400  }
0x36: {  	[sflag:s14] =	ssyncset.done $0x0  }
0x37: {  	s30 =	simm.s32 $0x100;
	[sflag:s14] =	ssyncadd.s32 $0xFFFFFC00  }
0x38: {  	[tilespmem:s30], [sflag:$0x1] =	stream.linear.gather [hbm4b:s6+s3], $0x80, $0x38;
	[tilespmem:$0x2200] =	vst v63  }
0x39: {  	s24 =	sadd.s32 $0x40, s6;
	s25 =	simm.s32 $0x300  }
0x3a: {  	[tilespmem:s25], [sflag:$0x1] =	stream.linear.gather [hbm4b:s24+s3], $0x80, $0x38;
	[tilespmem:$0x2200] =	vst v63  }
0x3b: {  	s26 =	sadd.s32 $0x80, s6;
	s28 =	simm.s32 $0x500  }
0x3c: {  	[tilespmem:s28], [sflag:$0x1] =	stream.linear.gather [hbm4b:s26+s3], $0x80, $0x38;
	[tilespmem:$0x2200] =	vst v63  }
0x3d: {  	s29 =	sadd.s32 $0xC0, s6;
	s30 =	simm.s32 $0x700  }
0x3e: {  	[tilespmem:s30], [sflag:$0x1] =	stream.linear.gather [hbm4b:s29+s3], $0x80, $0x38;
	[tilespmem:$0x2200] =	vst v63  }
0x3f: {  	s24 =	sadd.s32 $0x100, s6;
	s25 =	simm.s32 $0x900  }
0x40: {  	[tilespmem:s25], [sflag:$0x1] =	stream.linear.gather [hbm4b:s24+s3], $0x80, $0x38;
	[tilespmem:$0x2200] =	vst v63  }
0x41: {  	s26 =	sadd.s32 $0x140, s6;
	s28 =	simm.s32 $0xB00  }
0x42: {  	[tilespmem:s28], [sflag:$0x1] =	stream.linear.gather [hbm4b:s26+s3], $0x80, $0x38;
	[tilespmem:$0x2200] =	vst v63  }
0x43: {  	s29 =	sadd.s32 $0x180, s6;
	s30 =	simm.s32 $0xD00  }
0x44: {  	[tilespmem:s30], [sflag:$0x1] =	stream.linear.gather [hbm4b:s29+s3], $0x80, $0x38;
	[tilespmem:$0x2200] =	vst v63  }
0x45: {  	s25 =	sadd.s32 $0x1C0, s6;
	s26 =	simm.s32 $0xF00  }
0x46: {  	[tilespmem:s26], [sflag:$0x1] =	stream.linear.gather [hbm4b:s25+s3], $0x80, $0x38;
	[tilespmem:$0x2200] =	vst v63  }
0x47: {  	_ =	swait.ge [sflag:s14], $0x400  }
0x48: {  	[sflag:s14] =	ssyncset.done $0x0  }
0x49: {  	s28 =	simm.s32 $0x180;
	[sflag:s14] =	ssyncadd.s32 $0xFFFFFC00  }
0x4a: {  	[tilespmem:s28], [sflag:$0x1] =	stream.linear.gather [hbm4b:s7+s3], $0x80, $0x38;
	[tilespmem:$0x2200] =	vst v63  }
0x4b: {  	s29 =	sadd.s32 $0x40, s7;
	s30 =	simm.s32 $0x380  }
0x4c: {  	[tilespmem:s30], [sflag:$0x1] =	stream.linear.gather [hbm4b:s29+s3], $0x80, $0x38;
	[tilespmem:$0x2200] =	vst v63  }
0x4d: {  	s24 =	sadd.s32 $0x80, s7;
	s25 =	simm.s32 $0x580  }
0x4e: {  	[tilespmem:s25], [sflag:$0x1] =	stream.linear.gather [hbm4b:s24+s3], $0x80, $0x38;
	[tilespmem:$0x2200] =	vst v63  }
0x4f: {  	s26 =	sadd.s32 $0xC0, s7;
	s28 =	simm.s32 $0x780  }
0x50: {  	[tilespmem:s28], [sflag:$0x1] =	stream.linear.gather [hbm4b:s26+s3], $0x80, $0x38;
	[tilespmem:$0x2200] =	vst v63  }
0x51: {  	s29 =	sadd.s32 $0x100, s7;
	s30 =	simm.s32 $0x980  }
0x52: {  	[tilespmem:s30], [sflag:$0x1] =	stream.linear.gather [hbm4b:s29+s3], $0x80, $0x38;
	[tilespmem:$0x2200] =	vst v63  }
0x53: {  	s24 =	sadd.s32 $0x140, s7;
	s25 =	simm.s32 $0xB80  }
0x54: {  	[tilespmem:s25], [sflag:$0x1] =	stream.linear.gather [hbm4b:s24+s3], $0x80, $0x38;
	[tilespmem:$0x2200] =	vst v63  }
0x55: {  	s26 =	sadd.s32 $0x180, s7;
	s28 =	simm.s32 $0xD80  }
0x56: {  	[tilespmem:s28], [sflag:$0x1] =	stream.linear.gather [hbm4b:s26+s3], $0x80, $0x38;
	[tilespmem:$0x2200] =	vst v63  }
0x57: {  	s29 =	sadd.s32 $0x1C0, s7;
	s30 =	simm.s32 $0xF80  }
0x58: {  	[tilespmem:s30], [sflag:$0x1] =	stream.linear.gather [hbm4b:s29+s3], $0x80, $0x38;
	[tilespmem:$0x2200] =	vst v63  }
0x59: {  	_ =	swait.ge [sflag:s14], $0x400  }
0x5a: {  	[sflag:s14] =	ssyncset.done $0x0  }
0x5b: {  	[sflag:s14] =	ssyncadd.s32 $0xFFFFFC00  }
0x5c: {  	v0 =	vld [tilespmem:$0x10A0]  }
0x5d: {  	v1 =	vld [tilespmem:$0x10B0]  }
0x5e: {  	v2 =	vld [tilespmem:$0x10C0]  }
0x5f: {  	v3 =	vld [tilespmem:$0x10D0];
	_ =	sdelay $0x1  }
0x60: {  	v4 =	vbroadcast v0, $0x0  }
0x61: {  	v28 =	vbroadcast v1, $0x0  }
0x62: {  	v29 =	vbroadcast v2, $0x0;
	[tilespmem:$0x1EEE0] =	vst v4  }
0x63: {  	v30 =	vbroadcast v3, $0x0;
	[tilespmem:$0x1EEF0] =	vst v28  }
0x64: {  	v31 =	vbroadcast v0, $0x1;
	[tilespmem:$0x1EF00] =	vst v29  }
0x65: {  	v32 =	vbroadcast v1, $0x1;
	[tilespmem:$0x1EF10] =	vst v30  }
0x66: {  	v33 =	vbroadcast v2, $0x1;
	[tilespmem:$0x1EF20] =	vst v31  }
0x67: {  	v34 =	vbroadcast v3, $0x1;
	[tilespmem:$0x1EF30] =	vst v32  }
0x68: {  	v35 =	vbroadcast v0, $0x2;
	[tilespmem:$0x1EF40] =	vst v33  }
0x69: {  	v36 =	vbroadcast v1, $0x2;
	[tilespmem:$0x1EF50] =	vst v34  }
0x6a: {  	v37 =	vbroadcast v2, $0x2;
	[tilespmem:$0x1EF60] =	vst v35  }
0x6b: {  	v38 =	vbroadcast v3, $0x2;
	[tilespmem:$0x1EF70] =	vst v36  }
0x6c: {  	v39 =	vbroadcast v0, $0x3;
	[tilespmem:$0x1EF80] =	vst v37  }
0x6d: {  	v40 =	vbroadcast v1, $0x3;
	[tilespmem:$0x1EF90] =	vst v38  }
0x6e: {  	v41 =	vbroadcast v2, $0x3;
	[tilespmem:$0x1EFA0] =	vst v39  }
0x6f: {  	v42 =	vbroadcast v3, $0x3;
	[tilespmem:$0x1EFB0] =	vst v40  }
0x70: {  	v43 =	vbroadcast v0, $0x4;
	[tilespmem:$0x1EFC0] =	vst v41  }
0x71: {  	v44 =	vbroadcast v1, $0x4;
	[tilespmem:$0x1EFD0] =	vst v42  }
0x72: {  	v45 =	vbroadcast v2, $0x4;
	[tilespmem:$0x1EFE0] =	vst v43  }
0x73: {  	v46 =	vbroadcast v3, $0x4;
	[tilespmem:$0x1EFF0] =	vst v44  }
0x74: {  	v47 =	vbroadcast v0, $0x5;
	[tilespmem:$0x1F000] =	vst v45  }
0x75: {  	v48 =	vbroadcast v1, $0x5;
	[tilespmem:$0x1F010] =	vst v46  }
0x76: {  	v49 =	vbroadcast v2, $0x5;
	[tilespmem:$0x1F020] =	vst v47  }
0x77: {  	v50 =	vbroadcast v3, $0x5;
	[tilespmem:$0x1F030] =	vst v48  }
0x78: {  	v51 =	vbroadcast v0, $0x6;
	[tilespmem:$0x1F040] =	vst v49  }
0x79: {  	v52 =	vbroadcast v1, $0x6;
	[tilespmem:$0x1F050] =	vst v50  }
0x7a: {  	v53 =	vbroadcast v2, $0x6;
	[tilespmem:$0x1F060] =	vst v51  }
0x7b: {  	v54 =	vbroadcast v3, $0x6;
	[tilespmem:$0x1F070] =	vst v52  }
0x7c: {  	v55 =	vbroadcast v0, $0x7;
	[tilespmem:$0x1F080] =	vst v53  }
0x7d: {  	v56 =	vbroadcast v1, $0x7;
	[tilespmem:$0x1F090] =	vst v54  }
0x7e: {  	v57 =	vbroadcast v2, $0x7;
	[tilespmem:$0x1F0A0] =	vst v55  }
0x7f: {  	v58 =	vbroadcast v3, $0x7;
	[tilespmem:$0x1F0B0] =	vst v56  }
0x80: {  	v59 =	vbroadcast v0, $0x8;
	[tilespmem:$0x1F0C0] =	vst v57  }
0x81: {  	v60 =	vbroadcast v1, $0x8;
	[tilespmem:$0x1F0D0] =	vst v58  }
0x82: {  	v61 =	vbroadcast v2, $0x8;
	[tilespmem:$0x1F0E0] =	vst v59  }
0x83: {  	v62 =	vbroadcast v3, $0x8;
	[tilespmem:$0x1F0F0] =	vst v60  }
0x84: {  	v63 =	vbroadcast v0, $0x9;
	[tilespmem:$0x1F100] =	vst v61  }
0x85: {  	v8 =	vbroadcast v1, $0x9;
	[tilespmem:$0x1F110] =	vst v62  }
0x86: {  	v9 =	vbroadcast v2, $0x9;
	[tilespmem:$0x1F120] =	vst v63  }
0x87: {  	v10 =	vbroadcast v3, $0x9;
	[tilespmem:$0x1F130] =	vst v8  }
0x88: {  	v11 =	vbroadcast v0, $0xA;
	[tilespmem:$0x1F140] =	vst v9  }
0x89: {  	v12 =	vbroadcast v1, $0xA;
	[tilespmem:$0x1F150] =	vst v10  }
0x8a: {  	v13 =	vbroadcast v2, $0xA;
	[tilespmem:$0x1F160] =	vst v11  }
0x8b: {  	v14 =	vbroadcast v3, $0xA;
	[tilespmem:$0x1F170] =	vst v12  }
0x8c: {  	v15 =	vbroadcast v0, $0xB;
	[tilespmem:$0x1F180] =	vst v13  }
0x8d: {  	v16 =	vbroadcast v1, $0xB;
	[tilespmem:$0x1F190] =	vst v14  }
0x8e: {  	v17 =	vbroadcast v2, $0xB;
	[tilespmem:$0x1F1A0] =	vst v15  }
0x8f: {  	v18 =	vbroadcast v3, $0xB;
	[tilespmem:$0x1F1B0] =	vst v16  }
0x90: {  	v19 =	vbroadcast v0, $0xC;
	[tilespmem:$0x1F1C0] =	vst v17  }
0x91: {  	v20 =	vbroadcast v1, $0xC;
	[tilespmem:$0x1F1D0] =	vst v18  }
0x92: {  	v21 =	vbroadcast v2, $0xC;
	[tilespmem:$0x1F1E0] =	vst v19  }
0x93: {  	v22 =	vbroadcast v3, $0xC;
	[tilespmem:$0x1F1F0] =	vst v20  }
0x94: {  	v23 =	vbroadcast v0, $0xD;
	[tilespmem:$0x1F200] =	vst v21  }
0x95: {  	v24 =	vbroadcast v1, $0xD;
	[tilespmem:$0x1F210] =	vst v22  }
0x96: {  	v5 =	vbroadcast v2, $0xD;
	[tilespmem:$0x1F220] =	vst v23  }
0x97: {  	v26 =	vbroadcast v3, $0xD;
	[tilespmem:$0x1F230] =	vst v24  }
0x98: {  	v27 =	vbroadcast v0, $0xE;
	[tilespmem:$0x1F240] =	vst v5  }
0x99: {  	v0 =	vbroadcast v0, $0xF;
	[tilespmem:$0x1F250] =	vst v26  }
0x9a: {  	[tilespmem:$0x1F260] =	vst v27;
	v28 =	vbroadcast v1, $0xE  }
0x9b: {  	v25 =	vld [tilespmem:$0x10E0];
	v29 =	vbroadcast v2, $0xE;
	[tilespmem:$0x1F290] =	vst v0  }
0x9c: {  	v30 =	vbroadcast v1, $0xF;
	[tilespmem:$0x1F270] =	vst v28  }
0x9d: {  	v31 =	vbroadcast v2, $0xF;
	[tilespmem:$0x1F280] =	vst v29  }
0x9e: {  	v32 =	vbroadcast v3, $0xE;
	[tilespmem:$0x1F2A0] =	vst v30  }
0x9f: {  	v33 =	vbroadcast v3, $0xF;
	[tilespmem:$0x1F2B0] =	vst v31  }
0xa0: {  	v34 =	vbroadcast v25, $0x0;
	[tilespmem:$0x1F2C0] =	vst v32  }
0xa1: {  	v35 =	vbroadcast v25, $0x1;
	[tilespmem:$0x1F2D0] =	vst v33  }
0xa2: {  	v36 =	vbroadcast v25, $0x2;
	[tilespmem:$0x1F2E0] =	vst v34  }
0xa3: {  	v37 =	vbroadcast v25, $0x3;
	[tilespmem:$0x1F2F0] =	vst v35  }
0xa4: {  	v38 =	vbroadcast v25, $0x4;
	[tilespmem:$0x1F300] =	vst v36  }
0xa5: {  	v39 =	vbroadcast v25, $0x5;
	[tilespmem:$0x1F310] =	vst v37  }
0xa6: {  	v41 =	vbroadcast v25, $0x6;
	[tilespmem:$0x1F320] =	vst v38  }
0xa7: {  	v42 =	vbroadcast v25, $0x7;
	[tilespmem:$0x1F330] =	vst v39  }
0xa8: {  	v43 =	vbroadcast v25, $0x8;
	[tilespmem:$0x1F340] =	vst v41  }
0xa9: {  	v44 =	vbroadcast v25, $0x9;
	[tilespmem:$0x1F350] =	vst v42  }
0xaa: {  	v45 =	vbroadcast v25, $0xA;
	[tilespmem:$0x1F360] =	vst v43  }
0xab: {  	v40 =	vld [tilespmem:$0x10F0];
	v46 =	vbroadcast v25, $0xB;
	[tilespmem:$0x1F370] =	vst v44  }
0xac: {  	v47 =	vbroadcast v25, $0xC;
	[tilespmem:$0x1F380] =	vst v45  }
0xad: {  	v48 =	vbroadcast v25, $0xD;
	[tilespmem:$0x1F390] =	vst v46  }
0xae: {  	v49 =	vbroadcast v25, $0xE;
	[tilespmem:$0x1F3A0] =	vst v47  }
0xaf: {  	v50 =	vbroadcast v25, $0xF;
	[tilespmem:$0x1F3B0] =	vst v48  }
0xb0: {  	[tilespmem:$0x1F3C0] =	vst v49;
	v51 =	vbroadcast v40, $0x0  }
0xb1: {  	[tilespmem:$0x1F3D0] =	vst v50;
	v52 =	vbroadcast v40, $0x8  }
0xb2: {  	v53 =	vbroadcast v40, $0x1;
	[tilespmem:$0x1F3E0] =	vst v51  }
0xb3: {  	v54 =	vbroadcast v40, $0x9;
	[tilespmem:$0x1F3F0] =	vst v52  }
0xb4: {  	v55 =	vbroadcast v40, $0x2;
	[tilespmem:$0x1F400] =	vst v53  }
0xb5: {  	v56 =	vbroadcast v40, $0xA;
	[tilespmem:$0x1F410] =	vst v54  }
0xb6: {  	v58 =	vbroadcast v40, $0x3;
	[tilespmem:$0x1F420] =	vst v55  }
0xb7: {  	v59 =	vbroadcast v40, $0xB;
	[tilespmem:$0x1F430] =	vst v56  }
0xb8: {  	v60 =	vbroadcast v40, $0x4;
	[tilespmem:$0x1F440] =	vst v58  }
0xb9: {  	v61 =	vbroadcast v40, $0xC;
	[tilespmem:$0x1F450] =	vst v59  }
0xba: {  	v62 =	vbroadcast v40, $0x5;
	[tilespmem:$0x1F460] =	vst v60  }
0xbb: {  	v57 =	vld [tilespmem:$0x1100];
	v63 =	vbroadcast v40, $0xD;
	[tilespmem:$0x1F470] =	vst v61  }
0xbc: {  	v4 =	vbroadcast v40, $0x6;
	[tilespmem:$0x1F480] =	vst v62  }
0xbd: {  	v5 =	vbroadcast v40, $0xE;
	[tilespmem:$0x1F490] =	vst v63  }
0xbe: {  	v6 =	vbroadcast v40, $0x7;
	[tilespmem:$0x1F4A0] =	vst v4  }
0xbf: {  	v0 =	vbroadcast v40, $0xF;
	[tilespmem:$0x1F4B0] =	vst v5  }
0xc0: {  	v7 =	vbroadcast v57, $0x0;
	[tilespmem:$0x1F4C0] =	vst v6  }
0xc1: {  	v8 =	vbroadcast v57, $0x8;
	[tilespmem:$0x1F4D0] =	vst v0  }
0xc2: {  	v9 =	vbroadcast v57, $0x1;
	[tilespmem:$0x1F4E0] =	vst v7  }
0xc3: {  	v10 =	vbroadcast v57, $0x9;
	[tilespmem:$0x1F4F0] =	vst v8  }
0xc4: {  	v11 =	vbroadcast v57, $0x2;
	[tilespmem:$0x1F500] =	vst v9  }
0xc5: {  	v12 =	vbroadcast v57, $0xA;
	[tilespmem:$0x1F510] =	vst v10  }
0xc6: {  	v14 =	vbroadcast v57, $0x3;
	[tilespmem:$0x1F520] =	vst v11  }
0xc7: {  	v15 =	vbroadcast v57, $0xB;
	[tilespmem:$0x1F530] =	vst v12  }
0xc8: {  	v16 =	vbroadcast v57, $0x4;
	[tilespmem:$0x1F540] =	vst v14  }
0xc9: {  	v17 =	vbroadcast v57, $0xC;
	[tilespmem:$0x1F550] =	vst v15  }
0xca: {  	v18 =	vbroadcast v57, $0x5;
	[tilespmem:$0x1F560] =	vst v16  }
0xcb: {  	v13 =	vld [tilespmem:$0x1110];
	v19 =	vbroadcast v57, $0xD;
	[tilespmem:$0x1F570] =	vst v17  }
0xcc: {  	v20 =	vbroadcast v57, $0x6;
	[tilespmem:$0x1F580] =	vst v18  }
0xcd: {  	v21 =	vbroadcast v57, $0xE;
	[tilespmem:$0x1F590] =	vst v19  }
0xce: {  	v22 =	vbroadcast v57, $0x7;
	[tilespmem:$0x1F5A0] =	vst v20  }
0xcf: {  	v1 =	vbroadcast v57, $0xF;
	[tilespmem:$0x1F5B0] =	vst v21  }
0xd0: {  	v23 =	vbroadcast v13, $0x0;
	[tilespmem:$0x1F5C0] =	vst v22  }
0xd1: {  	v24 =	vbroadcast v13, $0x8;
	[tilespmem:$0x1F5D0] =	vst v1  }
0xd2: {  	v25 =	vbroadcast v13, $0x1;
	[tilespmem:$0x1F5E0] =	vst v23  }
0xd3: {  	v26 =	vbroadcast v13, $0x9;
	[tilespmem:$0x1F5F0] =	vst v24  }
0xd4: {  	v27 =	vbroadcast v13, $0x2;
	[tilespmem:$0x1F600] =	vst v25  }
0xd5: {  	v28 =	vbroadcast v13, $0xA;
	[tilespmem:$0x1F610] =	vst v26  }
0xd6: {  	v30 =	vbroadcast v13, $0x3;
	[tilespmem:$0x1F620] =	vst v27  }
0xd7: {  	v31 =	vbroadcast v13, $0xB;
	[tilespmem:$0x1F630] =	vst v28  }
0xd8: {  	v32 =	vbroadcast v13, $0x4;
	[tilespmem:$0x1F640] =	vst v30  }
0xd9: {  	v33 =	vbroadcast v13, $0xC;
	[tilespmem:$0x1F650] =	vst v31  }
0xda: {  	v34 =	vbroadcast v13, $0x5;
	[tilespmem:$0x1F660] =	vst v32  }
0xdb: {  	v29 =	vld [tilespmem:$0x1120];
	v35 =	vbroadcast v13, $0xD;
	[tilespmem:$0x1F670] =	vst v33  }
0xdc: {  	v36 =	vbroadcast v13, $0x6;
	[tilespmem:$0x1F680] =	vst v34  }
0xdd: {  	v37 =	vbroadcast v13, $0xE;
	[tilespmem:$0x1F690] =	vst v35  }
0xde: {  	v38 =	vbroadcast v13, $0x7;
	[tilespmem:$0x1F6A0] =	vst v36  }
0xdf: {  	[tilespmem:$0x1F6B0] =	vst v37;
	v0 =	vbroadcast v13, $0xF  }
0xe0: {  	[tilespmem:$0x1F6C0] =	vst v38;
	v39 =	vbroadcast v29, $0x0  }
0xe1: {  	v40 =	vbroadcast v29, $0x8;
	[tilespmem:$0x1F6D0] =	vst v0  }
0xe2: {  	v41 =	vbroadcast v29, $0x1;
	[tilespmem:$0x1F6E0] =	vst v39  }
0xe3: {  	v42 =	vbroadcast v29, $0x9;
	[tilespmem:$0x1F6F0] =	vst v40  }
0xe4: {  	v43 =	vbroadcast v29, $0x2;
	[tilespmem:$0x1F700] =	vst v41  }
0xe5: {  	v44 =	vbroadcast v29, $0xA;
	[tilespmem:$0x1F710] =	vst v42  }
0xe6: {  	v46 =	vbroadcast v29, $0x3;
	[tilespmem:$0x1F720] =	vst v43  }
0xe7: {  	v47 =	vbroadcast v29, $0xB;
	[tilespmem:$0x1F730] =	vst v44  }
0xe8: {  	v48 =	vbroadcast v29, $0x4;
	[tilespmem:$0x1F740] =	vst v46  }
0xe9: {  	v49 =	vbroadcast v29, $0xC;
	[tilespmem:$0x1F750] =	vst v47  }
0xea: {  	v50 =	vbroadcast v29, $0x5;
	[tilespmem:$0x1F760] =	vst v48  }
0xeb: {  	v45 =	vld [tilespmem:$0x1130];
	v51 =	vbroadcast v29, $0xD;
	[tilespmem:$0x1F770] =	vst v49  }
0xec: {  	v52 =	vbroadcast v29, $0x6;
	[tilespmem:$0x1F780] =	vst v50  }
0xed: {  	v53 =	vbroadcast v29, $0xE;
	[tilespmem:$0x1F790] =	vst v51  }
0xee: {  	v54 =	vbroadcast v29, $0x7;
	[tilespmem:$0x1F7A0] =	vst v52  }
0xef: {  	v1 =	vbroadcast v29, $0xF;
	[tilespmem:$0x1F7B0] =	vst v53  }
0xf0: {  	v55 =	vbroadcast v45, $0x0;
	[tilespmem:$0x1F7C0] =	vst v54  }
0xf1: {  	v56 =	vbroadcast v45, $0x8;
	[tilespmem:$0x1F7D0] =	vst v1  }
0xf2: {  	v57 =	vbroadcast v45, $0x1;
	[tilespmem:$0x1F7E0] =	vst v55  }
0xf3: {  	v58 =	vbroadcast v45, $0x9;
	[tilespmem:$0x1F7F0] =	vst v56  }
0xf4: {  	v59 =	vbroadcast v45, $0x2;
	[tilespmem:$0x1F800] =	vst v57  }
0xf5: {  	v60 =	vbroadcast v45, $0xA;
	[tilespmem:$0x1F810] =	vst v58  }
0xf6: {  	v62 =	vbroadcast v45, $0x3;
	[tilespmem:$0x1F820] =	vst v59  }
0xf7: {  	v63 =	vbroadcast v45, $0xB;
	[tilespmem:$0x1F830] =	vst v60  }
0xf8: {  	v4 =	vbroadcast v45, $0x4;
	[tilespmem:$0x1F840] =	vst v62  }
0xf9: {  	v5 =	vbroadcast v45, $0xC;
	[tilespmem:$0x1F850] =	vst v63  }
0xfa: {  	v6 =	vbroadcast v45, $0x5;
	[tilespmem:$0x1F860] =	vst v4  }
0xfb: {  	v61 =	vld [tilespmem:$0x1140];
	v7 =	vbroadcast v45, $0xD;
	[tilespmem:$0x1F870] =	vst v5  }
0xfc: {  	v8 =	vbroadcast v45, $0x6;
	[tilespmem:$0x1F880] =	vst v6  }
0xfd: {  	v9 =	vbroadcast v45, $0xE;
	[tilespmem:$0x1F890] =	vst v7  }
0xfe: {  	v10 =	vbroadcast v45, $0x7;
	[tilespmem:$0x1F8A0] =	vst v8  }
0xff: {  	[tilespmem:$0x1F8B0] =	vst v9;
	v0 =	vbroadcast v45, $0xF  }
0x100: {  	[tilespmem:$0x1F8C0] =	vst v10;
	v11 =	vbroadcast v61, $0x0  }
0x101: {  	[tilespmem:$0x1F8D0] =	vst v0;
	v12 =	vbroadcast v61, $0x8  }
0x102: {  	v13 =	vbroadcast v61, $0x1;
	[tilespmem:$0x1F8E0] =	vst v11  }
0x103: {  	v14 =	vbroadcast v61, $0x9;
	[tilespmem:$0x1F8F0] =	vst v12  }
0x104: {  	v15 =	vbroadcast v61, $0x2;
	[tilespmem:$0x1F900] =	vst v13  }
0x105: {  	v16 =	vbroadcast v61, $0xA;
	[tilespmem:$0x1F910] =	vst v14  }
0x106: {  	v18 =	vbroadcast v61, $0x3;
	[tilespmem:$0x1F920] =	vst v15  }
0x107: {  	v19 =	vbroadcast v61, $0xB;
	[tilespmem:$0x1F930] =	vst v16  }
0x108: {  	v20 =	vbroadcast v61, $0x4;
	[tilespmem:$0x1F940] =	vst v18  }
0x109: {  	v21 =	vbroadcast v61, $0xC;
	[tilespmem:$0x1F950] =	vst v19  }
0x10a: {  	v22 =	vbroadcast v61, $0x5;
	[tilespmem:$0x1F960] =	vst v20  }
0x10b: {  	v17 =	vld [tilespmem:$0x1150];
	v23 =	vbroadcast v61, $0xD;
	[tilespmem:$0x1F970] =	vst v21  }
0x10c: {  	v24 =	vbroadcast v61, $0x6;
	[tilespmem:$0x1F980] =	vst v22  }
0x10d: {  	v25 =	vbroadcast v61, $0xE;
	[tilespmem:$0x1F990] =	vst v23  }
0x10e: {  	v26 =	vbroadcast v61, $0x7;
	[tilespmem:$0x1F9A0] =	vst v24  }
0x10f: {  	v1 =	vbroadcast v61, $0xF;
	[tilespmem:$0x1F9B0] =	vst v25  }
0x110: {  	v27 =	vbroadcast v17, $0x0;
	[tilespmem:$0x1F9C0] =	vst v26  }
0x111: {  	v28 =	vbroadcast v17, $0x8;
	[tilespmem:$0x1F9D0] =	vst v1  }
0x112: {  	v29 =	vbroadcast v17, $0x1;
	[tilespmem:$0x1F9E0] =	vst v27  }
0x113: {  	v30 =	vbroadcast v17, $0x9;
	[tilespmem:$0x1F9F0] =	vst v28  }
0x114: {  	v31 =	vbroadcast v17, $0x2;
	[tilespmem:$0x1FA00] =	vst v29  }
0x115: {  	v32 =	vbroadcast v17, $0xA;
	[tilespmem:$0x1FA10] =	vst v30  }
0x116: {  	v34 =	vbroadcast v17, $0x3;
	[tilespmem:$0x1FA20] =	vst v31  }
0x117: {  	v35 =	vbroadcast v17, $0xB;
	[tilespmem:$0x1FA30] =	vst v32  }
0x118: {  	v36 =	vbroadcast v17, $0x4;
	[tilespmem:$0x1FA40] =	vst v34  }
0x119: {  	v37 =	vbroadcast v17, $0xC;
	[tilespmem:$0x1FA50] =	vst v35  }
0x11a: {  	v38 =	vbroadcast v17, $0x5;
	[tilespmem:$0x1FA60] =	vst v36  }
0x11b: {  	v33 =	vld [tilespmem:$0x1160];
	v39 =	vbroadcast v17, $0xD;
	[tilespmem:$0x1FA70] =	vst v37  }
0x11c: {  	v40 =	vbroadcast v17, $0x6;
	[tilespmem:$0x1FA80] =	vst v38  }
0x11d: {  	v41 =	vbroadcast v17, $0xE;
	[tilespmem:$0x1FA90] =	vst v39  }
0x11e: {  	v42 =	vbroadcast v17, $0x7;
	[tilespmem:$0x1FAA0] =	vst v40  }
0x11f: {  	v0 =	vbroadcast v17, $0xF;
	[tilespmem:$0x1FAB0] =	vst v41  }
0x120: {  	v43 =	vbroadcast v33, $0x0;
	[tilespmem:$0x1FAC0] =	vst v42  }
0x121: {  	v44 =	vbroadcast v33, $0x8;
	[tilespmem:$0x1FAD0] =	vst v0  }
0x122: {  	v45 =	vbroadcast v33, $0x1;
	[tilespmem:$0x1FAE0] =	vst v43  }
0x123: {  	v46 =	vbroadcast v33, $0x9;
	[tilespmem:$0x1FAF0] =	vst v44  }
0x124: {  	v47 =	vbroadcast v33, $0x2;
	[tilespmem:$0x1FB00] =	vst v45  }
0x125: {  	v48 =	vbroadcast v33, $0xA;
	[tilespmem:$0x1FB10] =	vst v46  }
0x126: {  	v50 =	vbroadcast v33, $0x3;
	[tilespmem:$0x1FB20] =	vst v47  }
0x127: {  	v51 =	vbroadcast v33, $0xB;
	[tilespmem:$0x1FB30] =	vst v48  }
0x128: {  	v52 =	vbroadcast v33, $0x4;
	[tilespmem:$0x1FB40] =	vst v50  }
0x129: {  	v53 =	vbroadcast v33, $0xC;
	[tilespmem:$0x1FB50] =	vst v51  }
0x12a: {  	v54 =	vbroadcast v33, $0x5;
	[tilespmem:$0x1FB60] =	vst v52  }
0x12b: {  	v49 =	vld [tilespmem:$0x1170];
	v55 =	vbroadcast v33, $0xD;
	[tilespmem:$0x1FB70] =	vst v53  }
0x12c: {  	v56 =	vbroadcast v33, $0x6;
	[tilespmem:$0x1FB80] =	vst v54  }
0x12d: {  	v57 =	vbroadcast v33, $0xE;
	[tilespmem:$0x1FB90] =	vst v55  }
0x12e: {  	v58 =	vbroadcast v33, $0x7;
	[tilespmem:$0x1FBA0] =	vst v56  }
0x12f: {  	[tilespmem:$0x1FBB0] =	vst v57;
	v1 =	vbroadcast v33, $0xF  }
0x130: {  	[tilespmem:$0x1FBC0] =	vst v58;
	v59 =	vbroadcast v49, $0x0  }
0x131: {  	v60 =	vbroadcast v49, $0x1;
	[tilespmem:$0x1FBD0] =	vst v1  }
0x132: {  	v61 =	vbroadcast v49, $0x2;
	[tilespmem:$0x1FBE0] =	vst v59  }
0x133: {  	v62 =	vbroadcast v49, $0x3;
	[tilespmem:$0x1FBF0] =	vst v60  }
0x134: {  	v63 =	vbroadcast v49, $0x4;
	[tilespmem:$0x1FC00] =	vst v61  }
0x135: {  	v4 =	vbroadcast v49, $0x5;
	[tilespmem:$0x1FC10] =	vst v62  }
0x136: {  	v6 =	vbroadcast v49, $0x6;
	[tilespmem:$0x1FC20] =	vst v63  }
0x137: {  	v7 =	vbroadcast v49, $0x7;
	[tilespmem:$0x1FC30] =	vst v4  }
0x138: {  	v8 =	vbroadcast v49, $0x8;
	[tilespmem:$0x1FC40] =	vst v6  }
0x139: {  	v9 =	vbroadcast v49, $0x9;
	[tilespmem:$0x1FC50] =	vst v7  }
0x13a: {  	v10 =	vbroadcast v49, $0xA;
	[tilespmem:$0x1FC60] =	vst v8  }
0x13b: {  	v5 =	vld [tilespmem:$0x1180];
	v11 =	vbroadcast v49, $0xB;
	[tilespmem:$0x1FC70] =	vst v9  }
0x13c: {  	v12 =	vbroadcast v49, $0xC;
	[tilespmem:$0x1FC80] =	vst v10  }
0x13d: {  	v13 =	vbroadcast v49, $0xD;
	[tilespmem:$0x1FC90] =	vst v11  }
0x13e: {  	v14 =	vbroadcast v49, $0xE;
	[tilespmem:$0x1FCA0] =	vst v12  }
0x13f: {  	v0 =	vbroadcast v49, $0xF;
	[tilespmem:$0x1FCB0] =	vst v13  }
0x140: {  	v15 =	vbroadcast v5, $0x0;
	[tilespmem:$0x1FCC0] =	vst v14  }
0x141: {  	v16 =	vbroadcast v5, $0x1;
	[tilespmem:$0x1FCD0] =	vst v0  }
0x142: {  	v17 =	vbroadcast v5, $0x2;
	[tilespmem:$0x1FCE0] =	vst v15  }
0x143: {  	v18 =	vbroadcast v5, $0x3;
	[tilespmem:$0x1FCF0] =	vst v16  }
0x144: {  	v19 =	vbroadcast v5, $0x4;
	[tilespmem:$0x1FD00] =	vst v17  }
0x145: {  	v20 =	vbroadcast v5, $0x5;
	[tilespmem:$0x1FD10] =	vst v18  }
0x146: {  	v22 =	vbroadcast v5, $0x6;
	[tilespmem:$0x1FD20] =	vst v19  }
0x147: {  	v23 =	vbroadcast v5, $0x7;
	[tilespmem:$0x1FD30] =	vst v20  }
0x148: {  	v24 =	vbroadcast v5, $0x8;
	[tilespmem:$0x1FD40] =	vst v22  }
0x149: {  	v25 =	vbroadcast v5, $0x9;
	[tilespmem:$0x1FD50] =	vst v23  }
0x14a: {  	v26 =	vbroadcast v5, $0xA;
	[tilespmem:$0x1FD60] =	vst v24  }
0x14b: {  	v21 =	vld [tilespmem:$0x1190];
	v27 =	vbroadcast v5, $0xB;
	[tilespmem:$0x1FD70] =	vst v25  }
0x14c: {  	v28 =	vbroadcast v5, $0xC;
	[tilespmem:$0x1FD80] =	vst v26  }
0x14d: {  	v29 =	vbroadcast v5, $0xD;
	[tilespmem:$0x1FD90] =	vst v27  }
0x14e: {  	v30 =	vbroadcast v5, $0xE;
	[tilespmem:$0x1FDA0] =	vst v28  }
0x14f: {  	[tilespmem:$0x1FDB0] =	vst v29;
	v1 =	vbroadcast v5, $0xF  }
0x150: {  	[tilespmem:$0x1FDC0] =	vst v30;
	v31 =	vbroadcast v21, $0x0  }
0x151: {  	[tilespmem:$0x1FDD0] =	vst v1;
	v32 =	vbroadcast v21, $0x1  }
0x152: {  	v33 =	vbroadcast v21, $0x2;
	[tilespmem:$0x1FDE0] =	vst v31  }
0x153: {  	v34 =	vbroadcast v21, $0x3;
	[tilespmem:$0x1FDF0] =	vst v32  }
0x154: {  	v35 =	vbroadcast v21, $0x4;
	[tilespmem:$0x1FE00] =	vst v33  }
0x155: {  	v36 =	vbroadcast v21, $0x5;
	[tilespmem:$0x1FE10] =	vst v34  }
0x156: {  	v37 =	vbroadcast v21, $0x6;
	[tilespmem:$0x1FE20] =	vst v35  }
0x157: {  	v38 =	vbroadcast v21, $0x7;
	[tilespmem:$0x1FE30] =	vst v36  }
0x158: {  	v39 =	vbroadcast v21, $0x8;
	[tilespmem:$0x1FE40] =	vst v37  }
0x159: {  	v40 =	vbroadcast v21, $0x9;
	[tilespmem:$0x1FE50] =	vst v38  }
0x15a: {  	v41 =	vbroadcast v21, $0xA;
	[tilespmem:$0x1FE60] =	vst v39  }
0x15b: {  	v16 =	vld [tilespmem:$0x11A0];
	v42 =	vbroadcast v21, $0xE;
	[tilespmem:$0x1FE70] =	vst v40  }
0x15c: {  	v43 =	vbroadcast v21, $0xB;
	[tilespmem:$0x1FE80] =	vst v41  }
0x15d: {  	v44 =	vbroadcast v21, $0xF;
	[tilespmem:$0x1FE90] =	vst v42  }
0x15e: {  	v45 =	vbroadcast v21, $0xC;
	[tilespmem:$0x1FEA0] =	vst v43  }
0x15f: {  	v0 =	vbroadcast v21, $0xD;
	[tilespmem:$0x1FEB0] =	vst v44  }
0x160: {  	[tilespmem:$0x1FEC0] =	vst v45;
	v46 =	vbroadcast v16, $0x2  }
0x161: {  	[tilespmem:$0x1FED0] =	vst v0;
	v47 =	vbroadcast v16, $0x6  }
0x162: {  	v48 =	vbroadcast v16, $0xA;
	[tilespmem:$0x1FEE0] =	vst v46  }
0x163: {  	v49 =	vbroadcast v16, $0xE;
	[tilespmem:$0x1FEF0] =	vst v47  }
0x164: {  	v50 =	vbroadcast v16, $0x3;
	[tilespmem:$0x1FF00] =	vst v48  }
0x165: {  	v51 =	vbroadcast v16, $0x7;
	[tilespmem:$0x1FF10] =	vst v49  }
0x166: {  	v52 =	vbroadcast v16, $0xB;
	[tilespmem:$0x1FF20] =	vst v50  }
0x167: {  	v53 =	vbroadcast v16, $0xF;
	[tilespmem:$0x1FF30] =	vst v51  }
0x168: {  	v54 =	vbroadcast v16, $0x0;
	[tilespmem:$0x1FF40] =	vst v52  }
0x169: {  	v55 =	vbroadcast v16, $0x4;
	[tilespmem:$0x1FF50] =	vst v53  }
0x16a: {  	v56 =	vbroadcast v16, $0x8;
	[tilespmem:$0x1FF60] =	vst v54  }
0x16b: {  	v18 =	vld [tilespmem:$0x11B0];
	v57 =	vbroadcast v16, $0xC;
	[tilespmem:$0x1FF70] =	vst v55  }
0x16c: {  	v58 =	vbroadcast v16, $0x1;
	[tilespmem:$0x1FF80] =	vst v56  }
0x16d: {  	v59 =	vbroadcast v16, $0x5;
	[tilespmem:$0x1FF90] =	vst v57  }
0x16e: {  	v60 =	vbroadcast v16, $0x9;
	[tilespmem:$0x1FFA0] =	vst v58  }
0x16f: {  	v61 =	vbroadcast v16, $0xD;
	[tilespmem:$0x1FFB0] =	vst v59  }
0x170: {  	v62 =	vbroadcast v18, $0x0;
	[tilespmem:$0x1FFC0] =	vst v60  }
0x171: {  	v63 =	vbroadcast v18, $0x1;
	[tilespmem:$0x1FFD0] =	vst v61  }
0x172: {  	s23 =	simm.s32 $0xFFFFFFFE;
	[tilespmem:$0x1FFE0] =	vst v62  }
0x173: {  	s24 =	simm.s32 $0x0;
	s25 =	simm.s32 $0x0;
	s26 =	simm.s32 $0x0;
	[tilespmem:$0x1FFF0] =	vst v63  }
.LBB2_2:
0x174: {  	v2 =	vld [tilespmem:$0x1EEE0]  }
0x175: {  	v1 =	vld [tilespmem:$0x1EEF0]  }
0x176: {  	v3 =	vld [tilespmem:$0x1EF00]  }
0x177: {  	v4 =	vld [tilespmem:$0x1EF20]  }
0x178: {  	v5 =	vld [tilespmem:$0x1EF30]  }
0x179: {  	v8 =	vld [tilespmem:$0x1EF60]  }
0x17a: {  	v9 =	vld [tilespmem:$0x1EF70]  }
0x17b: {  	v11 =	vld [tilespmem:$0x1EF10]  }
0x17c: {  	v6 =	vld [tilespmem:$0x1EF40]  }
0x17d: {  	v10 =	vld [tilespmem:$0x1EF80]  }
0x17e: {  	v53 =	vld [tilespmem:$0x1EFA0]  }
0x17f: {  	v54 =	vld [tilespmem:$0x1EFB0]  }
0x180: {  	v7 =	vld [tilespmem:$0x1EF50]  }
0x181: {  	v51 =	vld [tilespmem:$0x1EF90]  }
0x182: {  	v55 =	vld [tilespmem:$0x1EFC0]  }
0x183: {  	v56 =	vld [tilespmem:$0x1EFD0]  }
0x184: {  	v57 =	vld [tilespmem:$0x1EFE0]  }
0x185: {  	s28 =	sand.u32 $0x60, s24;
	s29 =	sand.u32 $0xE00, s26;
	v58 =	vld [tilespmem:$0x1EFF0]  }
0x186: {  	v39 =	vld [tilespmem:$0x1F300];
	s28 =	sor.u32 s28, s29  }
0x187: {  	v21 =	vld [tilespmem:s28+$0x0]  }
0x188: {  	v22 =	vld [tilespmem:s28+$0x80]  }
0x189: {  	v20 =	vld [tilespmem:s28+$0x100]  }
0x18a: {  	v59 =	vld [tilespmem:$0x1F000]  }
0x18b: {  	v61 =	vld [tilespmem:$0x1F020]  }
0x18c: {  	v62 =	vld [tilespmem:$0x1F030]  }
0x18d: {  	s30 =	sand.u32 $0x3, s25;
	v42 =	vld [tilespmem:$0x1F310];
	v23 =	vmul.f32 v21, v2  }
0x18e: {  	v12 =	vld [tilespmem:$0x1F060];
	s29 =	sshll.u32 s30, $0x5;
	v24 =	vmul.f32 v22, v1;
	v25 =	vmul.f32 v20, v3  }
0x18f: {  	v13 =	vld [tilespmem:$0x1F070];
	s30 =	sadd.s32 s29, s26;
	v14 =	vmul.f32 v21, v4;
	v26 =	vmul.f32 v22, v5  }
0x190: {  	v47 =	vld [tilespmem:$0x1F050];
	s29 =	sor.u32 $0x180, s30;
	v27 =	vmul.f32 v21, v8;
	v28 =	vmul.f32 v22, v9  }
0x191: {  	v19 =	vld [tilespmem:s29+$0x0];
	v16 =	vmul.f32 v20, v6;
	v17 =	vmul.f32 v20, v10  }
0x192: {  	v60 =	vld [tilespmem:$0x1F010];
	v18 =	vmul.f32 v21, v53;
	v29 =	vmul.f32 v22, v54  }
0x193: {  	v63 =	vld [tilespmem:$0x1F040];
	v37 =	vmul.f32 v21, v57;
	v38 =	vmul.f32 v22, v58  }
0x194: {  	v34 =	vmul.f32 v20, v55;
	v23 =	vadd.f32 v24, v23;
	v24 =	vadd.f32 v26, v14;
	v14 =	vld [tilespmem:$0x1F080]  }
0x195: {  	v40 =	vmul.f32 v20, v59;
	v27 =	vadd.f32 v28, v27;
	v28 =	vadd.f32 v38, v37;
	v37 =	vld [tilespmem:$0x1F0D0]  }
0x196: {  	v41 =	vmul.f32 v21, v61;
	v48 =	vmul.f32 v19, v47;
	v47 =	vld [tilespmem:$0x1F120]  }
0x197: {  	v30 =	vmul.f32 v22, v62;
	v23 =	vadd.f32 v25, v23;
	v24 =	vadd.f32 v16, v24;
	v16 =	vld [tilespmem:$0x1F0A0]  }
0x198: {  	v15 =	vmul.f32 v19, v11;
	v27 =	vadd.f32 v17, v27;
	v25 =	vadd.f32 v29, v18;
	v17 =	vld [tilespmem:$0x1F0B0]  }
0x199: {  	v44 =	vmul.f32 v20, v63;
	v33 =	vmul.f32 v19, v51;
	v18 =	vld [tilespmem:$0x1F0C0]  }
0x19a: {  	v36 =	vmul.f32 v19, v56;
	v23 =	vadd.f32 v15, v23;
	v25 =	vadd.f32 v34, v25;
	v15 =	vld [tilespmem:$0x1F090]  }
0x19b: {  	v32 =	vmul.f32 v19, v7;
	v29 =	vadd.f32 v30, v41;
	v35 =	vadd.f32 v33, v27;
	v34 =	vld [tilespmem:$0x1F320]  }
0x19c: {  	v31 =	vmul.f32 v21, v12;
	v27 =	vadd.f32 v40, v28;
	v40 =	vld [tilespmem:$0x1F0E0];
	v25 =	vadd.f32 v36, v25  }
0x19d: {  	v24 =	vadd.f32 v32, v24;
	v32 =	vmul.f32 v22, v13;
	v29 =	vadd.f32 v44, v29;
	v44 =	vld [tilespmem:$0x1F340]  }
0x19e: {  	v25 =	vadd.f32 v25, v42;
	v42 =	vld [tilespmem:$0x1F0F0]  }
0x19f: {  	v45 =	vmul.f32 v20, v14;
	v26 =	vadd.f32 v35, v39;
	v31 =	vadd.f32 v32, v31;
	v39 =	vld [tilespmem:$0x1F330]  }
0x1a0: {  	v43 =	vmul.f32 v19, v60;
	v35 =	vadd.f32 v48, v29;
	v48 =	vmul.f32 v21, v47;
	v47 =	vld [tilespmem:$0x1F180]  }
0x1a1: {  	v46 =	vmul.f32 v21, v16;
	v33 =	vmul.f32 v22, v17;
	v31 =	vadd.f32 v45, v31;
	v45 =	vld [tilespmem:$0x1F100]  }
0x1a2: {  	v49 =	vmul.f32 v19, v15;
	v41 =	vmul.f32 v21, v40;
	v40 =	vld [tilespmem:$0x1F160]  }
0x1a3: {  	v27 =	vadd.f32 v43, v27;
	v43 =	vmul.f32 v22, v42;
	v42 =	vld [tilespmem:$0x1F170]  }
0x1a4: {  	v50 =	vmul.f32 v20, v18;
	v28 =	vadd.f32 v33, v46;
	v36 =	vadd.f32 v49, v31;
	v49 =	vld [tilespmem:$0x1F130]  }
0x1a5: {  	v34 =	vadd.f32 v27, v34;
	v31 =	vadd.f32 v35, v39;
	v39 =	vld [tilespmem:$0x1F350]  }
0x1a6: {  	v38 =	vmul.f32 v19, v37;
	v28 =	vadd.f32 v50, v28;
	v27 =	vadd.f32 v43, v41;
	v43 =	vld [tilespmem:$0x1F110]  }
0x1a7: {  	v29 =	vadd.f32 v36, v44;
	v46 =	vmul.f32 v20, v45;
	v45 =	vld [tilespmem:$0x1F140]  }
0x1a8: {  	v28 =	vadd.f32 v38, v28;
	v41 =	vmul.f32 v21, v40;
	v40 =	vld [tilespmem:$0x1F1B0];
	v36 =	vmul.f32 v22, v42  }
0x1a9: {  	v50 =	vmul.f32 v22, v49;
	v49 =	vld [tilespmem:$0x1F1A0]  }
0x1aa: {  	v35 =	vadd.f32 v28, v39;
	v28 =	vadd.f32 v36, v41;
	v41 =	vld [tilespmem:$0x1F150]  }
0x1ab: {  	v44 =	vmul.f32 v19, v43;
	v43 =	vld [tilespmem:$0x1F190]  }
0x1ac: {  	v27 =	vadd.f32 v46, v27;
	v46 =	vmul.f32 v20, v45;
	v45 =	vld [tilespmem:$0x1F1C0]  }
0x1ad: {  	v32 =	vadd.f32 v50, v48;
	v48 =	vmul.f32 v20, v47;
	v47 =	vld [tilespmem:$0x1F360]  }
0x1ae: {  	v50 =	vmul.f32 v21, v49;
	v49 =	vld [tilespmem:$0x1F1D0]  }
0x1af: {  	v42 =	vmul.f32 v19, v41;
	v41 =	vld [tilespmem:$0x1F1E0]  }
0x1b0: {  	v37 =	vmul.f32 v22, v40;
	v27 =	vadd.f32 v44, v27;
	v44 =	vmul.f32 v19, v43;
	v43 =	vld [tilespmem:$0x1F1F0]  }
0x1b1: {  	v32 =	vadd.f32 v46, v32;
	v40 =	vld [tilespmem:$0x1F370]  }
0x1b2: {  	v30 =	vadd.f32 v37, v50;
	v46 =	vmul.f32 v20, v45;
	v38 =	vadd.f32 v27, v47;
	v47 =	vld [tilespmem:$0x1F200]  }
0x1b3: {  	v28 =	vadd.f32 v48, v28;
	v50 =	vmul.f32 v19, v49;
	v49 =	vld [tilespmem:$0x1F220]  }
0x1b4: {  	v45 =	vld [tilespmem:$0x1F380];
	v30 =	vadd.f32 v46, v30;
	v48 =	vadd.f32 v42, v32  }
0x1b5: {  	v28 =	vadd.f32 v44, v28;
	v42 =	vmul.f32 v21, v41;
	v44 =	vmul.f32 v22, v43  }
0x1b6: {  	v43 =	vld [tilespmem:$0x1F230]  }
0x1b7: {  	v46 =	vadd.f32 v50, v30;
	v27 =	vadd.f32 v44, v42;
	v42 =	vld [tilespmem:$0x1F390]  }
0x1b8: {  	v33 =	vadd.f32 v48, v40;
	v48 =	vmul.f32 v20, v47;
	v50 =	vmul.f32 v21, v49;
	v49 =	vld [tilespmem:$0x1F290]  }
0x1b9: {  	v37 =	vadd.f32 v28, v45;
	v45 =	vld [tilespmem:$0x1F240]  }
0x1ba: {  	v27 =	vadd.f32 v48, v27;
	v48 =	vld [tilespmem:$0x1F270]  }
0x1bb: {  	v44 =	vmul.f32 v22, v43;
	v43 =	vld [tilespmem:$0x1F2A0]  }
0x1bc: {  	v36 =	vadd.f32 v46, v42;
	v46 =	vld [tilespmem:$0x1F260]  }
0x1bd: {  	v28 =	vadd.f32 v44, v50;
	v50 =	vmul.f32 v21, v49;
	v49 =	vld [tilespmem:$0x1F250];
	_ =	sdelay $0x1  }
0x1be: {  	v52 =	vld [tilespmem:$0x1F2E0]  }
0x1bf: {  	v0 =	vld [tilespmem:$0x1F2F0];
	v39 =	vmul.f32 v20, v45;
	v41 =	vmul.f32 v22, v43  }
0x1c0: {  	v45 =	vld [tilespmem:$0x1F280];
	v40 =	vmul.f32 v22, v48;
	v47 =	vmul.f32 v21, v46  }
0x1c1: {  	v44 =	vld [tilespmem:$0x1F210];
	v28 =	vadd.f32 v39, v28;
	v32 =	vadd.f32 v41, v50;
	v50 =	vmul.f32 v19, v49  }
0x1c2: {  	v30 =	vadd.f32 v40, v47;
	v47 =	vld [tilespmem:$0x1F2B0]  }
0x1c3: {  	v28 =	vadd.f32 v50, v28;
	v50 =	vld [tilespmem:$0x1F3B0]  }
0x1c4: {  	v43 =	vld [tilespmem:$0x1F2C0]  }
0x1c5: {  	v46 =	vmul.f32 v20, v45;
	v45 =	vld [tilespmem:$0x1F2D0];
	_ =	sdelay $0x1  }
0x1c6: {  	v23 =	vadd.f32 v23, v52;
	v24 =	vadd.f32 v24, v0;
	v48 =	vmul.f32 v20, v47;
	v47 =	vld [tilespmem:$0x1F3A0]  }
0x1c7: {  	v0 =	vshrl.u32 v31, $0x10;
	v42 =	vmul.f32 v19, v44;
	v39 =	vadd.f32 v28, v50;
	v28 =	vld [tilespmem:$0x1F3C0]  }
0x1c8: {  	v49 =	vshrl.u32 v23, $0x10;
	v44 =	vmul.f32 v19, v43;
	v30 =	vadd.f32 v46, v30  }
0x1c9: {  	v27 =	vadd.f32 v42, v27;
	v43 =	vld [tilespmem:$0x1F3D0];
	v46 =	vmul.f32 v19, v45;
	v32 =	vadd.f32 v48, v32  }
0x1ca: {  	v45 =	vshrl.u32 v26, $0x10;
	v30 =	vadd.f32 v44, v30;
	v44 =	vshrl.u32 v24, $0x10  }
0x1cb: {  	v50 =	vshrl.u32 v34, $0x10;
	v48 =	vadd.f32 v46, v32;
	v32 =	vand.u32 $0x1, v49  }
0x1cc: {  	v46 =	vand.u32 $0x1, v45;
	v40 =	vadd.f32 v27, v47;
	v41 =	vadd.f32 v30, v28  }
0x1cd: {  	v23 =	vadd.s32 v32, v23;
	v27 =	vand.u32 $0x1, v44;
	v26 =	vadd.s32 v46, v26  }
0x1ce: {  	v47 =	vshrl.u32 v25, $0x10;
	v46 =	vshrl.u32 v35, $0x10;
	v42 =	vadd.f32 v48, v43  }
0x1cf: {  	v23 =	vadd.s32 $0x7FFF, v23;
	v24 =	vadd.s32 v27, v24;
	v48 =	vadd.s32 $0x7FFF, v26  }
0x1d0: {  	v28 =	vand.u32 $0x1, v47;
	v43 =	vshrl.u32 v29, $0x10;
	v47 =	vshrl.u32 v38, $0x10  }
0x1d1: {  	v23 =	vand.u32 $0xFFFF0000, v23;
	v24 =	vadd.s32 $0x7FFF, v24;
	v26 =	vand.u32 $0xFFFF0000, v48  }
0x1d2: {  	v49 =	vadd.s32 v28, v25;
	v25 =	vand.u32 $0x1, v50;
	v45 =	vand.u32 $0x1, v43  }
0x1d3: {  	v30 =	vand.u32 $0x1, v47;
	v27 =	vand.u32 $0xFFFF0000, v24;
	v24 =	vadd.s32 $0x7FFF, v49;
	v49 =	vld [tilespmem:$0x1F3E0]  }
0x1d4: {  	v32 =	vadd.s32 v25, v34;
	v34 =	vand.u32 $0x1, v0;
	v30 =	vadd.s32 v30, v38;
	v38 =	vld [tilespmem:$0x1F3F0]  }
0x1d5: {  	v48 =	vshrl.u32 v33, $0x10;
	v28 =	vand.u32 $0xFFFF0000, v24;
	v25 =	vadd.s32 v34, v31  }
0x1d6: {  	v24 =	vadd.s32 $0x7FFF, v32;
	v44 =	vadd.s32 $0x7FFF, v25;
	v25 =	vadd.s32 v45, v29;
	v45 =	vld [tilespmem:$0x1F4E0]  }
0x1d7: {  	v31 =	vand.u32 $0x1, v48;
	v48 =	vld [tilespmem:$0x1F4F0];
	v32 =	vand.u32 $0xFFFF0000, v24;
	v29 =	vand.u32 $0x1, v46  }
0x1d8: {  	v31 =	vadd.s32 v31, v33;
	v24 =	vand.u32 $0xFFFF0000, v44;
	v44 =	vshrl.u32 v37, $0x10  }
0x1d9: {  	v33 =	vand.u32 $0x1, v44;
	v44 =	vld [tilespmem:$0x1F5E0];
	v50 =	vmul.f32 v23, v49;
	v43 =	vmul.f32 v27, v38  }
0x1da: {  	v47 =	vshrl.u32 v36, $0x10;
	v25 =	vadd.s32 $0x7FFF, v25;
	v29 =	vadd.s32 v29, v35  }
0x1db: {  	v25 =	vand.u32 $0xFFFF0000, v25;
	v34 =	vadd.f32 v43, v50;
	v46 =	vmul.f32 v26, v45  }
0x1dc: {  	v33 =	vadd.s32 v33, v37;
	v49 =	vmul.f32 v28, v48;
	v50 =	vand.u32 $0x1, v47;
	v47 =	vld [tilespmem:$0x1F5F0]  }
0x1dd: {  	v33 =	vadd.s32 $0x7FFF, v33;
	v43 =	vshrl.u32 v40, $0x10;
	v34 =	vadd.f32 v34, v46  }
0x1de: {  	v36 =	vadd.s32 v50, v36;
	v45 =	vmul.f32 v32, v44;
	v46 =	vand.u32 $0x1, v43;
	v43 =	vld [tilespmem:$0x1F6E0]  }
0x1df: {  	v37 =	vadd.s32 v46, v40;
	v46 =	vld [tilespmem:$0x1F6F0];
	v34 =	vadd.f32 v34, v49;
	v49 =	vadd.s32 $0x7FFF, v36  }
0x1e0: {  	v50 =	vshrl.u32 v39, $0x10;
	v37 =	vadd.s32 $0x7FFF, v37;
	v36 =	vand.u32 $0xFFFF0000, v49;
	v49 =	vld [tilespmem:$0x1F400]  }
0x1e1: {  	v48 =	vmul.f32 v24, v47;
	v34 =	vadd.f32 v34, v45;
	v45 =	vand.u32 $0x1, v50  }
0x1e2: {  	v35 =	vand.u32 $0xFFFF0000, v33;
	v33 =	vand.u32 $0xFFFF0000, v37;
	v37 =	vadd.s32 v45, v39;
	v45 =	vld [tilespmem:$0x1F410]  }
0x1e3: {  	v29 =	vadd.s32 $0x7FFF, v29;
	v44 =	vmul.f32 v25, v43;
	v34 =	vadd.f32 v34, v48  }
0x1e4: {  	v29 =	vand.u32 $0xFFFF0000, v29  }
0x1e5: {  	v47 =	vmul.f32 v29, v46;
	v38 =	vadd.f32 v34, v44;
	v50 =	vmul.f32 v23, v49;
	v49 =	vld [tilespmem:$0x1F500]  }
0x1e6: {  	v44 =	vld [tilespmem:$0x1F7F0]  }
0x1e7: {  	v46 =	vmul.f32 v27, v45;
	v38 =	vadd.f32 v38, v47;
	v47 =	vld [tilespmem:$0x1F7E0];
	_ =	sdelay $0x1  }
0x1e8: {  	v31 =	vadd.s32 $0x7FFF, v31;
	v48 =	vadd.s32 $0x7FFF, v37;
	v37 =	vadd.f32 v46, v50;
	v46 =	vld [tilespmem:$0x1F510]  }
0x1e9: {  	v30 =	vadd.s32 $0x7FFF, v30;
	v31 =	vand.u32 $0xFFFF0000, v31;
	v50 =	vmul.f32 v26, v49;
	v49 =	vld [tilespmem:$0x1F8E0]  }
0x1ea: {  	v30 =	vand.u32 $0xFFFF0000, v30;
	v45 =	vmul.f32 v31, v44;
	v44 =	vld [tilespmem:$0x1F600]  }
0x1eb: {  	v34 =	vand.u32 $0xFFFF0000, v48;
	v48 =	vmul.f32 v30, v47;
	_ =	sdelay $0x1  }
0x1ec: {  	v40 =	vadd.f32 v37, v50;
	v38 =	vadd.f32 v38, v48;
	v47 =	vmul.f32 v28, v46  }
0x1ed: {  	v50 =	vmul.f32 v35, v49;
	v49 =	vld [tilespmem:$0x1F610]  }
0x1ee: {  	v38 =	vadd.f32 v38, v45;
	v40 =	vadd.f32 v40, v47;
	v45 =	vmul.f32 v32, v44;
	v47 =	vld [tilespmem:$0x1F8F0]  }
0x1ef: {  	v43 =	vshrl.u32 v41, $0x10  }
0x1f0: {  	v43 =	vand.u32 $0x1, v43;
	v40 =	vadd.f32 v40, v45;
	v45 =	vld [tilespmem:$0x1F9E0]  }
0x1f1: {  	v41 =	vadd.s32 v43, v41  }
0x1f2: {  	v48 =	vadd.s32 $0x7FFF, v41;
	v38 =	vadd.f32 v38, v50;
	v50 =	vmul.f32 v24, v49  }
0x1f3: {  	v37 =	vand.u32 $0xFFFF0000, v48;
	v48 =	vmul.f32 v36, v47;
	v47 =	vld [tilespmem:$0x1F700]  }
0x1f4: {  	v46 =	vshrl.u32 v42, $0x10;
	v40 =	vadd.f32 v40, v50;
	v50 =	vld [tilespmem:$0x1F430]  }
0x1f5: {  	v43 =	vand.u32 $0x1, v46;
	v38 =	vadd.f32 v38, v48;
	v46 =	vmul.f32 v33, v45;
	v48 =	vld [tilespmem:$0x1F420];
	_ =	sdelay $0x1  }
0x1f6: {  	v39 =	vadd.f32 v38, v46;
	v38 =	vld [tilespmem:$0x1F9F0];
	_ =	sdelay $0x1  }
0x1f7: {  	v41 =	vmul.f32 v25, v47;
	v47 =	vld [tilespmem:$0x1F520]  }
0x1f8: {  	v42 =	vadd.s32 v43, v42;
	v44 =	vmul.f32 v27, v50;
	v49 =	vmul.f32 v23, v48  }
0x1f9: {  	v42 =	vadd.s32 $0x7FFF, v42  }
0x1fa: {  	v45 =	vmul.f32 v34, v38;
	v38 =	vand.u32 $0xFFFF0000, v42;
	v42 =	vadd.f32 v44, v49;
	v49 =	vld [tilespmem:$0x1F800]  }
0x1fb: {  	v40 =	vadd.f32 v40, v41;
	v41 =	vld [tilespmem:$0x1F710]  }
0x1fc: {  	v48 =	vmul.f32 v26, v47;
	v47 =	vld [tilespmem:$0x1F530];
	_ =	sdelay $0x2  }
0x1fd: {  	v50 =	vmul.f32 v30, v49;
	v49 =	vld [tilespmem:$0x1F450]  }
0x1fe: {  	v46 =	vmul.f32 v29, v41;
	v42 =	vadd.f32 v42, v48;
	v48 =	vld [tilespmem:$0x1F440]  }
0x1ff: {  	v43 =	vmul.f32 v28, v47;
	v47 =	vld [tilespmem:$0x1F620]  }
0x200: {  	v40 =	vadd.f32 v40, v46;
	_ =	sdelay $0x1  }
0x201: {  	v40 =	vadd.f32 v40, v50;
	v50 =	vmul.f32 v27, v49;
	v49 =	vld [tilespmem:$0x1F540];
	_ =	sdelay $0x1  }
0x202: {  	v41 =	vmul.f32 v23, v48;
	v48 =	vmul.f32 v32, v47;
	v47 =	vld [tilespmem:$0x1F630];
	_ =	sdelay $0x1  }
0x203: {  	v46 =	vld [tilespmem:$0x1F810]  }
0x204: {  	v42 =	vadd.f32 v42, v43;
	v41 =	vadd.f32 v50, v41;
	v50 =	vmul.f32 v26, v49;
	v49 =	vld [tilespmem:$0x1F550];
	_ =	sdelay $0x1  }
0x205: {  	v42 =	vadd.f32 v42, v48;
	v48 =	vmul.f32 v24, v47;
	v47 =	vld [tilespmem:$0x1F720]  }
0x206: {  	v39 =	vadd.f32 v39, v45;
	v45 =	vld [tilespmem:$0x1F900]  }
0x207: {  	v44 =	vmul.f32 v31, v46;
	v46 =	vld [tilespmem:$0x1FAE0]  }
0x208: {  	v41 =	vadd.f32 v41, v50;
	v50 =	vmul.f32 v28, v49;
	v49 =	vld [tilespmem:$0x1F640]  }
0x209: {  	v42 =	vadd.f32 v42, v48;
	v48 =	vld [tilespmem:$0x1F910]  }
0x20a: {  	v43 =	vmul.f32 v25, v47;
	v47 =	vld [tilespmem:$0x1F730];
	_ =	sdelay $0x1  }
0x20b: {  	v45 =	vmul.f32 v35, v45;
	v46 =	vmul.f32 v37, v46  }
0x20c: {  	v40 =	vadd.f32 v40, v44;
	v41 =	vadd.f32 v41, v50;
	v50 =	vmul.f32 v32, v49;
	v49 =	vld [tilespmem:$0x1F650]  }
0x20d: {  	v39 =	vadd.f32 v39, v46;
	v46 =	vld [tilespmem:$0x1FAF0]  }
0x20e: {  	v40 =	vadd.f32 v40, v45;
	v45 =	vmul.f32 v36, v48;
	v48 =	vmul.f32 v29, v47;
	v47 =	vld [tilespmem:$0x1F820];
	_ =	sdelay $0x2  }
0x20f: {  	v42 =	vadd.f32 v42, v43;
	v41 =	vadd.f32 v41, v50;
	v50 =	vmul.f32 v24, v49;
	v49 =	vld [tilespmem:$0x1F740]  }
0x210: {  	v46 =	vmul.f32 v38, v46  }
0x211: {  	v42 =	vadd.f32 v42, v48;
	v48 =	vmul.f32 v30, v47;
	v47 =	vld [tilespmem:$0x1F830]  }
0x212: {  	v39 =	vadd.f32 v39, v46;
	v46 =	vld [tilespmem:$0x1FBE0]  }
0x213: {  	v40 =	vadd.f32 v40, v45;
	v45 =	vld [tilespmem:$0x1FA00]  }
0x214: {  	v41 =	vadd.f32 v41, v50;
	v50 =	vmul.f32 v25, v49;
	v49 =	vld [tilespmem:$0x1F750]  }
0x215: {  	v42 =	vadd.f32 v42, v48;
	v48 =	vld [tilespmem:$0x1FA10]  }
0x216: {  	v43 =	vmul.f32 v31, v47;
	v47 =	vld [tilespmem:$0x1F920];
	_ =	sdelay $0x1  }
0x217: {  	v45 =	vmul.f32 v33, v45  }
0x218: {  	v41 =	vadd.f32 v41, v50;
	v50 =	vmul.f32 v29, v49;
	v49 =	vld [tilespmem:$0x1F840]  }
0x219: {  	v39 =	vadd.f32 v39, v46;
	v40 =	vadd.f32 v40, v45  }
0x21a: {  	v46 =	vld [tilespmem:$0x1FB00];
	v45 =	vmul.f32 v34, v48;
	v42 =	vadd.f32 v42, v43;
	v48 =	vmul.f32 v35, v47  }
0x21b: {  	v47 =	vld [tilespmem:$0x1FB10]  }
0x21c: {  	v42 =	vadd.f32 v42, v48;
	v48 =	vld [tilespmem:$0x1F930]  }
0x21d: {  	v41 =	vadd.f32 v41, v50;
	v50 =	vmul.f32 v30, v49;
	v49 =	vld [tilespmem:$0x1F850];
	_ =	sdelay $0x2  }
0x21e: {  	v40 =	vadd.f32 v40, v45;
	v45 =	vmul.f32 v37, v46;
	v46 =	vmul.f32 v38, v47;
	v47 =	vld [tilespmem:$0x1F460]  }
0x21f: {  	v43 =	vmul.f32 v36, v48;
	v48 =	vld [tilespmem:$0x1F470]  }
0x220: {  	v41 =	vadd.f32 v41, v50;
	v50 =	vmul.f32 v31, v49;
	v49 =	vld [tilespmem:$0x1F940];
	_ =	sdelay $0x3  }
0x221: {  	v40 =	vadd.f32 v40, v45;
	v45 =	vmul.f32 v23, v47;
	v47 =	vmul.f32 v27, v48  }
0x222: {  	v41 =	vadd.f32 v41, v50;
	v50 =	vmul.f32 v35, v49;
	v49 =	vld [tilespmem:$0x1F950]  }
0x223: {  	v45 =	vadd.f32 v47, v45;
	v47 =	vld [tilespmem:$0x1F560]  }
0x224: {  	v44 =	vld [tilespmem:$0x1FA20];
	_ =	sdelay $0x2  }
0x225: {  	v41 =	vadd.f32 v41, v50;
	v50 =	vmul.f32 v36, v49;
	v49 =	vld [tilespmem:$0x1FA40]  }
0x226: {  	v48 =	vmul.f32 v26, v47;
	v47 =	vld [tilespmem:$0x1F570]  }
0x227: {  	v44 =	vmul.f32 v33, v44;
	v42 =	vadd.f32 v42, v43;
	_ =	sdelay $0x1  }
0x228: {  	v42 =	vadd.f32 v42, v44;
	v44 =	vadd.f32 v45, v48;
	v48 =	vld [tilespmem:$0x1FA30]  }
0x229: {  	v41 =	vadd.f32 v41, v50;
	v50 =	vld [tilespmem:$0x1FBF0];
	v43 =	vmul.f32 v33, v49  }
0x22a: {  	v45 =	vmul.f32 v28, v47;
	v47 =	vld [tilespmem:$0x1F660]  }
0x22b: {  	v41 =	vadd.f32 v41, v43;
	v43 =	vld [tilespmem:$0x1FA50]  }
0x22c: {  	v44 =	vadd.f32 v44, v45;
	v45 =	vld [tilespmem:$0x1F670]  }
0x22d: {  	v49 =	vld [tilespmem:$0x1FB20];
	_ =	sdelay $0x1  }
0x22e: {  	v40 =	vadd.f32 v40, v46;
	v46 =	vmul.f32 v34, v48;
	v48 =	vmul.f32 v32, v47;
	v47 =	vld [tilespmem:$0x1F480];
	_ =	sdelay $0x1  }
0x22f: {  	v43 =	vmul.f32 v34, v43;
	v44 =	vadd.f32 v44, v48;
	v45 =	vmul.f32 v24, v45  }
0x230: {  	v40 =	vadd.f32 v40, v50;
	v50 =	vmul.f32 v37, v49;
	v49 =	vld [tilespmem:$0x1F490]  }
0x231: {  	v41 =	vadd.f32 v41, v43;
	v43 =	vadd.f32 v44, v45;
	v45 =	vld [tilespmem:$0x1FB40]  }
0x232: {  	v48 =	vmul.f32 v23, v47;
	v47 =	vld [tilespmem:$0x1F580]  }
0x233: {  	v42 =	vadd.f32 v42, v46;
	_ =	sdelay $0x1  }
0x234: {  	v42 =	vadd.f32 v42, v50;
	v50 =	vmul.f32 v27, v49;
	_ =	sdelay $0x1  }
0x235: {  	v46 =	vadd.f32 v50, v48;
	v45 =	vmul.f32 v37, v45;
	v47 =	vmul.f32 v26, v47  }
0x236: {  	v49 =	vld [tilespmem:$0x1F770]  }
0x237: {  	v41 =	vadd.f32 v41, v45;
	v45 =	vadd.f32 v46, v47;
	v46 =	vld [tilespmem:$0x1F590]  }
0x238: {  	v44 =	vld [tilespmem:$0x1F760];
	_ =	sdelay $0x2  }
0x239: {  	v48 =	vld [tilespmem:$0x1FB30]  }
0x23a: {  	v50 =	vmul.f32 v29, v49;
	v49 =	vld [tilespmem:$0x1F860];
	v46 =	vmul.f32 v28, v46  }
0x23b: {  	v44 =	vmul.f32 v25, v44;
	v47 =	vld [tilespmem:$0x1FB50]  }
0x23c: {  	v45 =	vadd.f32 v45, v46;
	v46 =	vld [tilespmem:$0x1F680]  }
0x23d: {  	v43 =	vadd.f32 v43, v44;
	_ =	sdelay $0x1  }
0x23e: {  	v48 =	vmul.f32 v38, v48;
	v43 =	vadd.f32 v43, v50;
	v50 =	vmul.f32 v30, v49;
	v49 =	vld [tilespmem:$0x1F870]  }
0x23f: {  	v47 =	vmul.f32 v38, v47  }
0x240: {  	v42 =	vadd.f32 v42, v48;
	v48 =	vmul.f32 v32, v46  }
0x241: {  	v47 =	vadd.f32 v41, v47;
	v41 =	vld [tilespmem:$0x1FC00]  }
0x242: {  	v45 =	vadd.f32 v45, v48;
	v48 =	vld [tilespmem:$0x1FC10]  }
0x243: {  	v43 =	vadd.f32 v43, v50;
	v50 =	vmul.f32 v31, v49;
	v49 =	vld [tilespmem:$0x1F960];
	_ =	sdelay $0x1  }
0x244: {  	v46 =	vld [tilespmem:$0x1F690];
	_ =	sdelay $0x1  }
0x245: {  	v41 =	vadd.f32 v42, v41;
	v42 =	vadd.f32 v47, v48;
	v48 =	vld [tilespmem:$0x1F780]  }
0x246: {  	v43 =	vadd.f32 v43, v50;
	v50 =	vmul.f32 v35, v49;
	v49 =	vld [tilespmem:$0x1F4A0];
	_ =	sdelay $0x1  }
0x247: {  	v46 =	vmul.f32 v24, v46;
	v47 =	vld [tilespmem:$0x1F970]  }
0x248: {  	v43 =	vadd.f32 v43, v50;
	v50 =	vld [tilespmem:$0x1F4B0]  }
0x249: {  	v45 =	vadd.f32 v45, v46;
	v46 =	vmul.f32 v25, v48  }
0x24a: {  	v44 =	vmul.f32 v23, v49;
	v49 =	vld [tilespmem:$0x1F4D0]  }
0x24b: {  	v45 =	vadd.f32 v45, v46;
	v46 =	vld [tilespmem:$0x1F4C0]  }
0x24c: {  	v47 =	vmul.f32 v36, v47  }
0x24d: {  	v48 =	vmul.f32 v27, v50;
	v50 =	vld [tilespmem:$0x1F790]  }
0x24e: {  	v43 =	vadd.f32 v43, v47;
	v47 =	vld [tilespmem:$0x1F5C0];
	_ =	sdelay $0x1  }
0x24f: {  	v49 =	vmul.f32 v27, v49;
	v44 =	vadd.f32 v48, v44;
	v48 =	vld [tilespmem:$0x1F5A0];
	v46 =	vmul.f32 v23, v46;
	_ =	sdelay $0x1  }
0x250: {  	v50 =	vmul.f32 v29, v50;
	v46 =	vadd.f32 v49, v46;
	v49 =	vld [tilespmem:$0x1F5B0]  }
0x251: {  	v47 =	vmul.f32 v26, v47  }
0x252: {  	v45 =	vadd.f32 v45, v50;
	v50 =	vld [tilespmem:$0x1F880]  }
0x253: {  	v48 =	vmul.f32 v26, v48;
	v46 =	vadd.f32 v46, v47;
	v47 =	vld [tilespmem:$0x1F5D0];
	_ =	sdelay $0x1  }
0x254: {  	v44 =	vadd.f32 v44, v48;
	v48 =	vmul.f32 v28, v49;
	_ =	sdelay $0x1  }
0x255: {  	v49 =	vmul.f32 v30, v50;
	v44 =	vadd.f32 v44, v48;
	v48 =	vld [tilespmem:$0x1F6A0]  }
0x256: {  	v47 =	vmul.f32 v28, v47  }
0x257: {  	v45 =	vadd.f32 v45, v49;
	v49 =	vld [tilespmem:$0x1F890]  }
0x258: {  	v46 =	vadd.f32 v46, v47;
	v47 =	vld [tilespmem:$0x1F6C0]  }
0x259: {  	v50 =	vld [tilespmem:$0x1FA60]  }
0x25a: {  	v48 =	vmul.f32 v32, v48;
	_ =	sdelay $0x1  }
0x25b: {  	v49 =	vmul.f32 v31, v49;
	v44 =	vadd.f32 v44, v48;
	v48 =	vld [tilespmem:$0x1F6B0]  }
0x25c: {  	v47 =	vmul.f32 v32, v47  }
0x25d: {  	v50 =	vmul.f32 v33, v50;
	v45 =	vadd.f32 v45, v49;
	v49 =	vld [tilespmem:$0x1F7A0]  }
0x25e: {  	v46 =	vadd.f32 v46, v47;
	v47 =	vld [tilespmem:$0x1F6D0]  }
0x25f: {  	v43 =	vadd.f32 v43, v50;
	v50 =	vld [tilespmem:$0x1F980]  }
0x260: {  	v48 =	vmul.f32 v24, v48;
	_ =	sdelay $0x1  }
0x261: {  	v44 =	vadd.f32 v44, v48;
	v48 =	vmul.f32 v25, v49  }
0x262: {  	v47 =	vmul.f32 v24, v47  }
0x263: {  	v49 =	vmul.f32 v35, v50;
	v44 =	vadd.f32 v44, v48;
	v48 =	vld [tilespmem:$0x1F7B0]  }
0x264: {  	v46 =	vadd.f32 v46, v47;
	v47 =	vld [tilespmem:$0x1F7C0]  }
0x265: {  	v45 =	vadd.f32 v45, v49;
	v49 =	vld [tilespmem:$0x1F990];
	_ =	sdelay $0x1  }
0x266: {  	v50 =	vld [tilespmem:$0x1FA70]  }
0x267: {  	v48 =	vmul.f32 v29, v48  }
0x268: {  	v47 =	vmul.f32 v25, v47  }
0x269: {  	v49 =	vmul.f32 v36, v49;
	v44 =	vadd.f32 v44, v48;
	v48 =	vld [tilespmem:$0x1F8A0]  }
0x26a: {  	v46 =	vadd.f32 v46, v47;
	v47 =	vld [tilespmem:$0x1F7D0]  }
0x26b: {  	v50 =	vmul.f32 v34, v50;
	v45 =	vadd.f32 v45, v49;
	v49 =	vld [tilespmem:$0x1F8B0];
	_ =	sdelay $0x1  }
0x26c: {  	v43 =	vadd.f32 v43, v50;
	v50 =	vld [tilespmem:$0x1FA80]  }
0x26d: {  	v48 =	vmul.f32 v30, v48  }
0x26e: {  	v47 =	vmul.f32 v29, v47  }
0x26f: {  	v44 =	vadd.f32 v44, v48;
	v48 =	vmul.f32 v31, v49  }
0x270: {  	v46 =	vadd.f32 v46, v47;
	v47 =	vld [tilespmem:$0x1F8C0]  }
0x271: {  	v49 =	vmul.f32 v33, v50;
	v44 =	vadd.f32 v44, v48;
	v48 =	vld [tilespmem:$0x1F9A0];
	_ =	sdelay $0x1  }
0x272: {  	v45 =	vadd.f32 v45, v49;
	v49 =	vld [tilespmem:$0x1FA90];
	_ =	sdelay $0x1  }
0x273: {  	v47 =	vmul.f32 v30, v47  }
0x274: {  	v48 =	vmul.f32 v35, v48  }
0x275: {  	v46 =	vadd.f32 v46, v47;
	v47 =	vld [tilespmem:$0x1F8D0]  }
0x276: {  	v49 =	vmul.f32 v34, v49;
	v44 =	vadd.f32 v44, v48;
	v48 =	vld [tilespmem:$0x1F9B0];
	_ =	sdelay $0x1  }
0x277: {  	v45 =	vadd.f32 v45, v49;
	v49 =	vld [tilespmem:$0x1FAA0];
	_ =	sdelay $0x1  }
0x278: {  	v47 =	vmul.f32 v31, v47  }
0x279: {  	v48 =	vmul.f32 v36, v48  }
0x27a: {  	v46 =	vadd.f32 v46, v47;
	v47 =	vld [tilespmem:$0x1F9C0]  }
0x27b: {  	v50 =	vld [tilespmem:$0x1FB60];
	v44 =	vadd.f32 v44, v48;
	v48 =	vmul.f32 v33, v49;
	_ =	sdelay $0x1  }
0x27c: {  	v44 =	vadd.f32 v44, v48;
	v48 =	vld [tilespmem:$0x1FAB0];
	_ =	sdelay $0x1  }
0x27d: {  	v47 =	vmul.f32 v35, v47  }
0x27e: {  	v50 =	vmul.f32 v37, v50  }
0x27f: {  	v46 =	vadd.f32 v46, v47;
	v47 =	vld [tilespmem:$0x1F9D0]  }
0x280: {  	v43 =	vadd.f32 v43, v50;
	v50 =	vld [tilespmem:$0x1FB80];
	v48 =	vmul.f32 v34, v48;
	_ =	sdelay $0x1  }
0x281: {  	v44 =	vadd.f32 v44, v48;
	v48 =	vld [tilespmem:$0x1FBA0];
	_ =	sdelay $0x1  }
0x282: {  	v0 =	vld [tilespmem:$0x1FBB0];
	v47 =	vmul.f32 v36, v47  }
0x283: {  	v49 =	vmul.f32 v37, v50;
	v50 =	vld [tilespmem:$0x1FB70]  }
0x284: {  	v46 =	vadd.f32 v46, v47;
	v47 =	vld [tilespmem:$0x1FAC0]  }
0x285: {  	v48 =	vmul.f32 v37, v48;
	_ =	sdelay $0x1  }
0x286: {  	v44 =	vadd.f32 v44, v48;
	v48 =	vmul.f32 v38, v0;
	v0 =	vld [tilespmem:$0x1FC20]  }
0x287: {  	v45 =	vadd.f32 v45, v49;
	v49 =	vld [tilespmem:$0x1FB90];
	v50 =	vmul.f32 v38, v50  }
0x288: {  	v47 =	vmul.f32 v33, v47  }
0x289: {  	v43 =	vadd.f32 v43, v50  }
0x28a: {  	v46 =	vadd.f32 v46, v47;
	v47 =	vld [tilespmem:$0x1FAD0]  }
0x28b: {  	v43 =	vadd.f32 v43, v0;
	v0 =	vld [tilespmem:$0x1FC30]  }
0x28c: {  	v49 =	vmul.f32 v38, v49;
	v50 =	vld [tilespmem:$0x1FBC0];
	_ =	sdelay $0x1  }
0x28d: {  	v45 =	vadd.f32 v45, v49  }
0x28e: {  	v47 =	vmul.f32 v34, v47  }
0x28f: {  	v45 =	vadd.f32 v45, v0;
	v0 =	vld [tilespmem:$0x1FC40]  }
0x290: {  	v46 =	vadd.f32 v46, v47;
	v47 =	vmul.f32 v37, v50;
	v50 =	vld [tilespmem:$0x1FBD0];
	_ =	sdelay $0x1  }
0x291: {  	v44 =	vadd.f32 v44, v48;
	_ =	sdelay $0x1  }
0x292: {  	v44 =	vadd.f32 v44, v0;
	v0 =	vld [tilespmem:$0x1FC50]  }
0x293: {  	v49 =	vmax.f32 v39, v40;
	v46 =	vadd.f32 v46, v47;
	v47 =	vmul.f32 v38, v50  }
0x294: {  	v48 =	vmax.f32 v49, v41  }
0x295: {  	v46 =	vadd.f32 v46, v47;
	v47 =	vmax.f32 v48, v42  }
0x296: {  	v47 =	vmax.f32 v47, v43  }
0x297: {  	v47 =	vmax.f32 v47, v45;
	v46 =	vadd.f32 v46, v0  }
0x298: {  	v47 =	vmax.f32 v47, v44  }
0x299: {  	v47 =	vmax.f32 v47, v46  }
0x29a: {  	v0 =	vsub.f32 v40, v47;
	_ =	sdelay $0x1  }
0x29b: {  	v49 =	vmul.f32 $1.442695020e+00, v0;
	v0 =	vld [tilespmem:$0x1FC60]  }
0x29c: {  	v48 =	vsub.f32 v39, v47;
	_ =	sdelay $0x1  }
0x29d: {  	v48 =	vmul.f32 $1.442695020e+00, v48;
	_ =	sdelay $0x1  }
0x29e: {  	(erf) = vpow2.f32 v48;
	v48 =	vmul.f32 v23, v0;
	v0 =	vld [tilespmem:$0x1FC80];
	_ =	sdelay $0x4  }
0x29f: {  	(erf) = vpow2.f32 v49;
	v49 =	vmul.f32 v27, v0;
	v0 =	vld [tilespmem:$0x1FC70];
	_ =	sdelay $0x4  }
0x2a0: {  	v23 =	vmul.f32 v23, v0;
	v0 =	vld [tilespmem:$0x1FC90];
	_ =	sdelay $0x4  }
0x2a1: {  	v27 =	vmul.f32 v27, v0;
	v0 =	vld [tilespmem:$0x1FCA0];
	_ =	sdelay $0x4  }
0x2a2: {  	v48 =	vadd.f32 v49, v48;
	v49 =	vmul.f32 v26, v0;
	v0 =	vld [tilespmem:$0x1FCC0]  }
0x2a3: {  	v50 =	vld [tilespmem:$0x1FCB0];
	_ =	sdelay $0x3  }
0x2a4: {  	v23 =	vadd.f32 v27, v23;
	v27 =	vadd.f32 v48, v49;
	v48 =	vmul.f32 v28, v0;
	v0 =	vld [tilespmem:$0x1FCD0]  }
0x2a5: {  	v26 =	vmul.f32 v26, v50;
	v50 =	vld [tilespmem:$0x1FCF0]  }
0x2a6: {  	v49 =	vld [tilespmem:$0x1FCE0];
	_ =	sdelay $0x2  }
0x2a7: {  	v23 =	vadd.f32 v23, v26;
	v26 =	vmul.f32 v28, v0;
	v0 =	vld [tilespmem:$0x1FD00]  }
0x2a8: {  	v27 =	vadd.f32 v27, v48;
	v48 =	vpop (erf)  }
0x2a9: {  	v28 =	vmul.f32 v32, v49;
	v23 =	vadd.f32 v23, v26;
	v26 =	vmul.f32 v32, v50;
	v32 =	vpop (erf);
	v50 =	vld [tilespmem:$0x1FD20]  }
0x2aa: {  	v32 =	vadd.f32 v32, v48;
	v48 =	vld [tilespmem:$0x1FD10];
	_ =	sdelay $0x1  }
0x2ab: {  	v27 =	vadd.f32 v27, v28;
	v28 =	vmul.f32 v24, v0;
	v0 =	vld [tilespmem:$0x1FD30];
	_ =	sdelay $0x1  }
0x2ac: {  	v23 =	vadd.f32 v23, v26  }
0x2ad: {  	v27 =	vadd.f32 v27, v28;
	v28 =	vmul.f32 v25, v50;
	v24 =	vmul.f32 v24, v48  }
0x2ae: {  	v49 =	vsub.f32 v41, v47;
	v50 =	vld [tilespmem:$0x1FD50]  }
0x2af: {  	v23 =	vadd.f32 v23, v24;
	v24 =	vmul.f32 v25, v0;
	v25 =	vadd.f32 v27, v28;
	v28 =	vld [tilespmem:$0x1FD40];
	_ =	sdelay $0x1  }
0x2b0: {  	v26 =	vmul.f32 $1.442695020e+00, v49;
	v48 =	vsub.f32 v42, v47;
	_ =	sdelay $0x1  }
0x2b1: {  	(erf) = vpow2.f32 v26;
	v49 =	vmul.f32 $1.442695020e+00, v48;
	v48 =	vld [tilespmem:$0x1FD70]  }
0x2b2: {  	v23 =	vadd.f32 v23, v24;
	v24 =	vmul.f32 v29, v50;
	v26 =	vmul.f32 v29, v28;
	v29 =	vld [tilespmem:$0x1FD60];
	_ =	sdelay $0x3  }
0x2b3: {  	v50 =	vld [tilespmem:$0x1FD80];
	v23 =	vadd.f32 v23, v24  }
0x2b4: {  	v24 =	vmul.f32 v30, v48;
	v25 =	vadd.f32 v25, v26;
	v26 =	vmul.f32 v30, v29;
	v30 =	vld [tilespmem:$0x1FD90];
	_ =	sdelay $0x2  }
0x2b5: {  	v0 =	vsub.f32 v43, v47;
	v48 =	vld [tilespmem:$0x1FDA0]  }
0x2b6: {  	(erf) = vpow2.f32 v49;
	v25 =	vadd.f32 v25, v26;
	v26 =	vmul.f32 v31, v50;
	v50 =	vld [tilespmem:$0x1FDB0]  }
0x2b7: {  	v49 =	vmul.f32 $1.442695020e+00, v0;
	v23 =	vadd.f32 v23, v24;
	v24 =	vmul.f32 v31, v30;
	v30 =	vld [tilespmem:$0x1FDC0]  }
0x2b8: {  	v0 =	vsub.f32 v45, v47;
	v31 =	vld [tilespmem:$0x1FDD0]  }
0x2b9: {  	(erf) = vpow2.f32 v49  }
0x2ba: {  	v49 =	vmul.f32 $1.442695020e+00, v0;
	v25 =	vadd.f32 v25, v26;
	v26 =	vmul.f32 v35, v48  }
0x2bb: {  	v23 =	vadd.f32 v23, v24;
	v24 =	vmul.f32 v35, v50  }
0x2bc: {  	(erf) = vpow2.f32 v49;
	v49 =	vld [tilespmem:$0x1FDF0];
	v25 =	vadd.f32 v25, v26  }
0x2bd: {  	v23 =	vadd.f32 v23, v24;
	v26 =	vmul.f32 v36, v30;
	v24 =	vmul.f32 v36, v31;
	v36 =	vld [tilespmem:$0x1FDE0];
	_ =	sdelay $0x1  }
0x2be: {  	v0 =	vsub.f32 v44, v47;
	_ =	sdelay $0x1  }
0x2bf: {  	v48 =	vsub.f32 v46, v47;
	v35 =	vmul.f32 $1.442695020e+00, v0;
	v50 =	vld [tilespmem:$0x1FE00];
	v25 =	vadd.f32 v25, v26  }
0x2c0: {  	v23 =	vadd.f32 v23, v24;
	v24 =	vmul.f32 v33, v49;
	v26 =	vmul.f32 v33, v36;
	v33 =	vld [tilespmem:$0x1FE10]  }
0x2c1: {  	v28 =	vmul.f32 $1.442695020e+00, v48;
	v48 =	vld [tilespmem:$0x1FE30]  }
0x2c2: {  	v0 =	vpop (erf);
	(erf) = vpow2.f32 v35;
	v35 =	vld [tilespmem:$0x1FE20]  }
0x2c3: {  	v27 =	vadd.f32 v32, v0;
	v0 =	vld [tilespmem:$0x1FE50]  }
0x2c4: {  	v25 =	vadd.f32 v25, v26;
	v26 =	vmul.f32 v34, v50;
	v50 =	vld [tilespmem:$0x1FE40]  }
0x2c5: {  	v23 =	vadd.f32 v23, v24;
	v24 =	vmul.f32 v34, v33  }
0x2c6: {  	v36 =	vpop (erf);
	(erf) = vpow2.f32 v28;
	v25 =	vadd.f32 v25, v26  }
0x2c7: {  	v26 =	vmul.f32 v37, v35;
	v35 =	vld [tilespmem:$0x1FE70];
	v23 =	vadd.f32 v23, v24;
	v24 =	vmul.f32 v37, v48  }
0x2c8: {  	v28 =	vmul.f32 v38, v0;
	v27 =	vadd.f32 v27, v36;
	v34 =	vld [tilespmem:$0x1FE60]  }
0x2c9: {  	v49 =	vpop (erf);
	v25 =	vadd.f32 v25, v26;
	v23 =	vadd.f32 v23, v24;
	v24 =	vmul.f32 v38, v50  }
0x2ca: {  	v26 =	vadd.f32 v27, v49  }
0x2cb: {  	v32 =	vpop (erf);
	v24 =	vadd.f32 v25, v24;
	v23 =	vadd.f32 v23, v28  }
0x2cc: {  	v33 =	vadd.f32 v26, v32  }
0x2cd: {  	v24 =	vadd.f32 v24, v34;
	v23 =	vadd.f32 v23, v35  }
0x2ce: {  	v36 =	vpop (erf)  }
0x2cf: {  	v25 =	vadd.f32 v33, v36;
	v37 =	vmax.f32 v24, v23  }
0x2d0: {  	v38 =	vpop (erf);
	v24 =	vsub.f32 v24, v37  }
0x2d1: {  	v25 =	vadd.f32 v25, v38;
	v23 =	vsub.f32 v23, v37  }
0x2d2: {  	v24 =	vmul.f32 $1.442695020e+00, v24  }
0x2d3: {  	(erf) = vrcp.f32 v25;
	v23 =	vmul.f32 $1.442695020e+00, v23  }
0x2d4: {  	vm0 =	veq.f32 v46, v47;
	v46 =	vimm.s32 $0x0;
	(erf) = vpow2.f32 v24  }
0x2d5: {  	vm14 =	veq.f32 v44, v47;
	v26 =	vld [tilespmem:s28+$0x90];
	(erf) = vpow2.f32 v23;
	v23 =	vsel vm0, $0x7, v46  }
0x2d6: {  	vm15 =	veq.f32 v45, v47;
	v24 =	vld [tilespmem:s28+$0x10];
	v23 =	vsel vm14, $0x6, v23  }
0x2d7: {  	vm4 =	veq.f32 v43, v47;
	v23 =	vsel vm15, $0x5, v23  }
0x2d8: {  	vm5 =	veq.f32 v42, v47;
	vm6 =	veq.f32 v41, v47;
	v23 =	vsel vm4, $0x4, v23  }
0x2d9: {  	s30 =	sadd.s32 $0x10, s30;
	vm7 =	veq.f32 v40, v47;
	vm8 =	veq.f32 v39, v47;
	v23 =	vsel vm5, $0x3, v23  }
0x2da: {  	s30 =	sor.u32 $0x180, s30;
	v5 =	vmul.f32 v26, v5;
	v9 =	vmul.f32 v26, v9;
	v23 =	vsel vm6, $0x2, v23  }
0x2db: {  	v25 =	vld [tilespmem:s30+$0x0];
	v4 =	vmul.f32 v24, v4;
	v8 =	vmul.f32 v24, v8;
	v23 =	vsel vm7, $0x1, v23  }
0x2dc: {  	v28 =	vpop (erf);
	v0 =	vmul.f32 v24, v2;
	v2 =	vmul.f32 v26, v1;
	v48 =	vsel vm8, $0x0, v23;
	v23 =	vld [tilespmem:s28+$0x110]  }
0x2dd: {  	v47 =	vmul.f32 v24, v53;
	v39 =	vadd.f32 v5, v4;
	v41 =	vadd.f32 v9, v8;
	v29 =	vpop (erf)  }
0x2de: {  	v4 =	vmul.f32 v26, v58;
	v8 =	vmul.f32 v26, v62;
	v31 =	vshll.u32 v48, $0x2;
	v30 =	vpop (erf)  }
0x2df: {  	v27 =	vshll.u32 v48, $0x4;
	v50 =	vand.u32 $0x7C, v31;
	v49 =	vadd.f32 v30, v29  }
0x2e0: {  	v5 =	vld [tilespmem:$0x1F300];
	v48 =	vmul.f32 v26, v54;
	v36 =	vor.u32 $0x80, v50;
	v50 =	vmul.f32 v25, v51  }
0x2e1: {  	v9 =	vld [tilespmem:$0x1F310];
	(erf) = vrcp.f32 v49;
	v3 =	vmul.f32 v23, v3  }
0x2e2: {  	v58 =	vld [tilespmem:$0x1F320];
	v43 =	vadd.f32 v48, v47;
	v49 =	vmul.f32 v25, v7;
	v51 =	vmul.f32 v23, v55  }
0x2e3: {  	v37 =	vadd.f32 v2, v0;
	v55 =	vmul.f32 v25, v56;
	v56 =	vld [tilespmem:$0x1F2F0];
	v7 =	vmul.f32 v24, v61  }
0x2e4: {  	v11 =	vmul.f32 v25, v11;
	v46 =	vmul.f32 v23, v10;
	v61 =	vld [tilespmem:$0x1F0D0];
	v54 =	vadd.f32 v51, v43  }
0x2e5: {  	v57 =	vmul.f32 v24, v57;
	v37 =	vadd.f32 v3, v37;
	v43 =	vadd.f32 v8, v7;
	v8 =	vld [tilespmem:$0x1F340]  }
0x2e6: {  	v45 =	vmul.f32 v23, v6;
	v41 =	vadd.f32 v46, v41;
	v40 =	vadd.f32 v55, v54;
	v54 =	vld [tilespmem:$0x1F050]  }
0x2e7: {  	v38 =	vadd.f32 v11, v37;
	v11 =	vmul.f32 v26, v13;
	v13 =	vmul.f32 v23, v63;
	v63 =	vld [tilespmem:$0x1F330]  }
0x2e8: {  	v10 =	vmul.f32 v24, v12;
	v39 =	vadd.f32 v45, v39;
	v53 =	vadd.f32 v50, v41;
	v50 =	vld [tilespmem:$0x1F170]  }
0x2e9: {  	v45 =	vadd.f32 v38, v52;
	v38 =	vadd.f32 v4, v57;
	v4 =	vld [tilespmem:$0x1F0E0]  }
0x2ea: {  	v6 =	vmul.f32 v23, v59;
	v14 =	vmul.f32 v23, v14;
	v46 =	vadd.f32 v11, v10;
	v10 =	vld [tilespmem:$0x1F100]  }
0x2eb: {  	v52 =	vadd.f32 v49, v39;
	v39 =	vadd.f32 v53, v5;
	v53 =	vmul.f32 v26, v17;
	v17 =	vld [tilespmem:$0x1F160]  }
0x2ec: {  	v38 =	vadd.f32 v6, v38;
	v6 =	vld [tilespmem:$0x1F0F0]  }
0x2ed: {  	v12 =	vmul.f32 v25, v60;
	v46 =	vadd.f32 v14, v46;
	v14 =	vld [tilespmem:$0x1F130]  }
0x2ee: {  	v42 =	vadd.f32 v52, v56;
	v52 =	vmul.f32 v24, v16;
	v16 =	vld [tilespmem:$0x1F350]  }
0x2ef: {  	v56 =	vmul.f32 v25, v15;
	v41 =	vadd.f32 v12, v38;
	v12 =	vld [tilespmem:$0x1F120]  }
0x2f0: {  	v48 =	vadd.f32 v53, v52;
	v53 =	vld [tilespmem:$0x1F110]  }
0x2f1: {  	v59 =	vadd.f32 v56, v46;
	v56 =	vld [tilespmem:$0x1F140]  }
0x2f2: {  	v5 =	vmul.f32 v24, v4;
	v4 =	vld [tilespmem:$0x1F150]  }
0x2f3: {  	v11 =	vmul.f32 v23, v10;
	v10 =	vld [tilespmem:$0x1F360]  }
0x2f4: {  	v57 =	vmul.f32 v23, v18;
	v18 =	vmul.f32 v24, v17;
	v17 =	vld [tilespmem:$0x1F1F0]  }
0x2f5: {  	v41 =	vadd.f32 v41, v58;
	v58 =	vld [tilespmem:$0x1F180]  }
0x2f6: {  	v51 =	vadd.f32 v59, v8;
	v8 =	vld [tilespmem:$0x1F1C0]  }
0x2f7: {  	v62 =	vmul.f32 v25, v61;
	v60 =	vadd.f32 v57, v48;
	v7 =	vmul.f32 v26, v6;
	v6 =	vld [tilespmem:$0x1F190]  }
0x2f8: {  	v43 =	vadd.f32 v13, v43;
	v55 =	vmul.f32 v25, v54;
	v15 =	vmul.f32 v26, v14;
	v14 =	vld [tilespmem:$0x1F370]  }
0x2f9: {  	v40 =	vadd.f32 v40, v9;
	v9 =	vadd.f32 v62, v60;
	v60 =	vld [tilespmem:$0x1F1A0]  }
0x2fa: {  	v43 =	vadd.f32 v55, v43;
	v62 =	vld [tilespmem:$0x1F1B0]  }
0x2fb: {  	v52 =	vmul.f32 v26, v50;
	v13 =	vmul.f32 v24, v12;
	v12 =	vld [tilespmem:$0x1F1D0]  }
0x2fc: {  	v48 =	vadd.f32 v43, v63;
	v43 =	vadd.f32 v7, v5;
	v5 =	vmul.f32 v25, v4;
	v4 =	vld [tilespmem:$0x1F390]  }
0x2fd: {  	v44 =	vadd.f32 v52, v18;
	v18 =	vmul.f32 v26, v17;
	v17 =	vld [tilespmem:$0x1F210]  }
0x2fe: {  	v57 =	vmul.f32 v23, v56;
	v47 =	vadd.f32 v15, v13;
	v15 =	vld [tilespmem:$0x1F1E0]  }
0x2ff: {  	v35 =	vor.u32 $0x4, v27;
	v34 =	vor.u32 $0x8, v27;
	v59 =	vmul.f32 v23, v58;
	v58 =	vld [tilespmem:$0x1F380]  }
0x300: {  	v54 =	vadd.f32 v9, v16;
	v61 =	vmul.f32 v24, v60;
	v47 =	vadd.f32 v57, v47;
	v60 =	vld [tilespmem:$0x1F200]  }
0x301: {  	v7 =	vmul.f32 v25, v6;
	v63 =	vmul.f32 v26, v62;
	v44 =	vadd.f32 v59, v44;
	v62 =	vld [tilespmem:$0x1F220]  }
0x302: {  	v0 =	vshrl.u32 v39, $0x10;
	v43 =	vadd.f32 v11, v43;
	v11 =	vadd.f32 v5, v47;
	v5 =	vld [tilespmem:$0x1F230]  }
0x303: {  	v9 =	vmul.f32 v23, v8;
	v46 =	vadd.f32 v63, v61;
	v44 =	vadd.f32 v7, v44;
	v7 =	vld [tilespmem:$0x1F240]  }
0x304: {  	v2 =	vshrl.u32 v40, $0x10;
	v55 =	vmul.f32 v25, v53;
	v16 =	vmul.f32 v24, v15;
	v15 =	vld [tilespmem:$0x1F2A0]  }
0x305: {  	v1 =	vand.u32 $0x1, v0;
	v13 =	vmul.f32 v25, v12;
	v46 =	vadd.f32 v9, v46;
	v9 =	vld [tilespmem:$0x1F260]  }
0x306: {  	v39 =	vadd.s32 v1, v39;
	v43 =	vadd.f32 v55, v43;
	v49 =	vadd.f32 v11, v14;
	v11 =	vld [tilespmem:$0x1F270]  }
0x307: {  	v3 =	vand.u32 $0x1, v2;
	v39 =	vadd.s32 $0x7FFF, v39;
	v59 =	vadd.f32 v13, v46;
	v13 =	vld [tilespmem:$0x1F290]  }
0x308: {  	v56 =	vadd.f32 v43, v10;
	v63 =	vmul.f32 v24, v62;
	v6 =	vmul.f32 v26, v5;
	v5 =	vld [tilespmem:$0x1F2B0]  }
0x309: {  	v43 =	vadd.f32 v18, v16;
	v61 =	vmul.f32 v23, v60;
	v8 =	vmul.f32 v23, v7;
	v7 =	vld [tilespmem:$0x1F250]  }
0x30a: {  	v53 =	vshrl.u32 v42, $0x10;
	v57 =	vadd.f32 v44, v58;
	v44 =	vadd.f32 v6, v63;
	v63 =	vld [tilespmem:$0x1F280]  }
0x30b: {  	v18 =	vmul.f32 v25, v17;
	v43 =	vadd.f32 v61, v43;
	v10 =	vmul.f32 v24, v9;
	v9 =	vld [tilespmem:$0x1F2C0]  }
0x30c: {  	v16 =	vmul.f32 v26, v15;
	v15 =	vshrl.u32 v45, $0x10;
	v12 =	vmul.f32 v26, v11;
	v11 =	vld [tilespmem:$0x1F2D0]  }
0x30d: {  	v55 =	vor.u32 $0xD, v27;
	v43 =	vadd.f32 v18, v43;
	v18 =	vand.u32 $0x1, v15  }
0x30e: {  	v59 =	vadd.f32 v59, v4;
	v50 =	vadd.s32 v18, v45;
	v14 =	vmul.f32 v24, v13  }
0x30f: {  	v46 =	vadd.f32 v12, v10;
	v44 =	vadd.f32 v8, v44;
	v13 =	vld [tilespmem:$0x1F3A0];
	v6 =	vmul.f32 v23, v5  }
0x310: {  	v8 =	vmul.f32 v25, v7;
	v47 =	vadd.f32 v16, v14;
	v4 =	vmul.f32 v23, v63  }
0x311: {  	v5 =	vshrl.u32 v41, $0x10;
	v10 =	vmul.f32 v25, v9;
	v12 =	vmul.f32 v25, v11  }
0x312: {  	v44 =	vadd.f32 v8, v44;
	v9 =	vshrl.u32 v51, $0x10;
	v47 =	vadd.f32 v6, v47  }
0x313: {  	v6 =	vshrl.u32 v48, $0x10;
	v11 =	vand.u32 $0x1, v9;
	v46 =	vadd.f32 v4, v46  }
0x314: {  	v16 =	vld [tilespmem:$0x1F3B0];
	v60 =	vadd.f32 v43, v13;
	v43 =	vadd.s32 $0x7FFF, v50;
	v50 =	vand.u32 $0xFFFF0000, v39  }
0x315: {  	v4 =	vadd.s32 v3, v40;
	v40 =	vand.u32 $0x1, v5;
	v8 =	vand.u32 $0x1, v6  }
0x316: {  	v13 =	vshrl.u32 v54, $0x10;
	v14 =	vadd.f32 v12, v47;
	v43 =	vand.u32 $0xFFFF0000, v43  }
0x317: {  	v17 =	vld [tilespmem:$0x1F3C0];
	v39 =	vadd.s32 $0x7FFF, v4;
	v7 =	vadd.s32 v40, v41;
	v40 =	vadd.s32 v8, v48  }
0x318: {  	v12 =	vadd.s32 v11, v51;
	v8 =	vshrl.u32 v57, $0x10;
	v46 =	vadd.f32 v10, v46  }
0x319: {  	v9 =	vld [tilespmem:$0x1F4E0];
	v61 =	vadd.f32 v44, v16;
	v44 =	vand.u32 $0x1, v53;
	v10 =	vadd.s32 $0x7FFF, v40  }
0x31a: {  	v40 =	vand.u32 $0x1, v13;
	v13 =	vshrl.u32 v59, $0x10;
	v42 =	vadd.s32 v44, v42  }
0x31b: {  	v47 =	vld [tilespmem:$0x1F3D0];
	v44 =	vand.u32 $0xFFFF0000, v39;
	v39 =	vadd.s32 $0x7FFF, v7;
	v41 =	vand.u32 $0xFFFF0000, v10  }
0x31c: {  	v4 =	vld [tilespmem:$0x1F3F0];
	v15 =	vadd.s32 v40, v54;
	v62 =	vadd.f32 v46, v17;
	v42 =	vadd.s32 $0x7FFF, v42  }
0x31d: {  	v54 =	vld [tilespmem:$0x1F3E0];
	v45 =	vand.u32 $0xFFFF0000, v39;
	v39 =	vadd.s32 $0x7FFF, v12;
	v17 =	vshrl.u32 v49, $0x10  }
0x31e: {  	v35 =	vld.idx.msk [tilespmem:v35+s13+$0x0], $0xffff;
	v10 =	vmul.f32 v50, v9;
	v12 =	vand.u32 $0x1, v8;
	v9 =	vshrl.u32 v61, $0x10  }
0x31f: {  	v34 =	vld.idx.msk [tilespmem:v34+s13+$0x0], $0xffff;
	v53 =	vand.u32 $0xFFFF0000, v42;
	v42 =	vand.u32 $0xFFFF0000, v39;
	v39 =	vadd.s32 $0x7FFF, v15  }
0x320: {  	v36 =	vld.idx.msk [tilespmem:v36+s13+$0x0], $0xffff;
	v18 =	vand.u32 $0x1, v17;
	v63 =	vadd.f32 v14, v47;
	v14 =	vshrl.u32 v56, $0x10  }
0x321: {  	v17 =	vand.u32 $0x1, v13;
	v5 =	vmul.f32 v53, v4;
	v16 =	vand.u32 $0x1, v14;
	v14 =	vld [tilespmem:$0x1F4F0]  }
0x322: {  	v55 =	vld.idx.msk [tilespmem:v55+s13+$0x0], $0xffff;
	v46 =	vand.u32 $0xFFFF0000, v39;
	v40 =	vadd.s32 v16, v56;
	v56 =	vmul.f32 v43, v54  }
0x323: {  	v7 =	vadd.s32 v18, v49;
	v18 =	vshrl.u32 v60, $0x10;
	v16 =	vadd.s32 v12, v57;
	v57 =	vld [tilespmem:$0x1F5E0]  }
0x324: {  	v13 =	vld [tilespmem:$0x1F6F0];
	v11 =	vadd.s32 $0x7FFF, v7;
	v49 =	vand.u32 $0x1, v18;
	v48 =	vadd.f32 v5, v56  }
0x325: {  	v49 =	vadd.s32 v49, v60;
	v12 =	vand.u32 $0x1, v9;
	v6 =	vadd.s32 $0x7FFF, v40;
	v5 =	vld [tilespmem:$0x1F5F0]  }
0x326: {  	v40 =	vadd.s32 v17, v59;
	v17 =	vld [tilespmem:$0x1F410];
	v51 =	vadd.f32 v48, v10;
	v15 =	vmul.f32 v44, v14  }
0x327: {  	v39 =	vadd.s32 $0x7FFF, v16;
	v8 =	vadd.s32 $0x7FFF, v49;
	v7 =	vadd.s32 $0x7FFF, v40;
	v10 =	vld [tilespmem:$0x1F6E0]  }
0x328: {  	v40 =	vadd.s32 v12, v61;
	v61 =	vld [tilespmem:$0x1F7E0];
	v4 =	vmul.f32 v45, v57;
	v51 =	vadd.f32 v51, v15  }
0x329: {  	v54 =	vand.u32 $0xFFFF0000, v39;
	v39 =	vand.u32 $0xFFFF0000, v8;
	v8 =	vld [tilespmem:$0x1F7F0]  }
0x32a: {  	v47 =	vand.u32 $0xFFFF0000, v6;
	v15 =	vld [tilespmem:$0x1F400];
	v6 =	vmul.f32 v41, v5;
	v51 =	vadd.f32 v51, v4  }
0x32b: {  	v12 =	vld [tilespmem:$0x1F8E0]  }
0x32c: {  	v48 =	vand.u32 $0xFFFF0000, v11;
	v11 =	vmul.f32 v42, v10;
	v51 =	vadd.f32 v51, v6;
	v6 =	vld [tilespmem:$0x1F500]  }
0x32d: {  	v18 =	vmul.f32 v53, v17;
	v17 =	vld [tilespmem:$0x1F8F0]  }
0x32e: {  	v14 =	vmul.f32 v46, v13;
	v5 =	vshrl.u32 v62, $0x10;
	v10 =	vld [tilespmem:$0x1F510];
	v51 =	vadd.f32 v51, v11  }
0x32f: {  	v60 =	vand.u32 $0x1, v5;
	v5 =	vld [tilespmem:$0x1F9E0];
	v16 =	vmul.f32 v43, v15  }
0x330: {  	v49 =	vand.u32 $0xFFFF0000, v7;
	v4 =	vmul.f32 v47, v61;
	v51 =	vadd.f32 v51, v14;
	v14 =	vld [tilespmem:$0x1F600]  }
0x331: {  	v60 =	vadd.s32 v60, v62;
	v62 =	vld [tilespmem:$0x1F610];
	v57 =	vadd.f32 v18, v16;
	v7 =	vmul.f32 v50, v6  }
0x332: {  	v9 =	vmul.f32 v48, v8;
	v18 =	vmul.f32 v49, v17;
	v17 =	vld [tilespmem:$0x1F520];
	v51 =	vadd.f32 v51, v4  }
0x333: {  	v11 =	vmul.f32 v44, v10;
	v57 =	vadd.f32 v57, v7;
	v7 =	vld [tilespmem:$0x1F700]  }
0x334: {  	v13 =	vmul.f32 v54, v12;
	v56 =	vadd.f32 v51, v9;
	v9 =	vld [tilespmem:$0x1F420]  }
0x335: {  	v57 =	vadd.f32 v57, v11;
	v15 =	vmul.f32 v45, v14;
	v11 =	vld [tilespmem:$0x1F430]  }
0x336: {  	v14 =	vld [tilespmem:$0x1F710];
	v56 =	vadd.f32 v56, v13  }
0x337: {  	v4 =	vmul.f32 v41, v62;
	v13 =	vld [tilespmem:$0x1F9F0];
	v57 =	vadd.f32 v57, v15  }
0x338: {  	v6 =	vmul.f32 v39, v5;
	v56 =	vadd.f32 v56, v18;
	v18 =	vmul.f32 v50, v17;
	v17 =	vld [tilespmem:$0x1F540]  }
0x339: {  	v40 =	vadd.s32 $0x7FFF, v40;
	v57 =	vadd.f32 v57, v4;
	v4 =	vld [tilespmem:$0x1F800]  }
0x33a: {  	v8 =	vmul.f32 v42, v7;
	v10 =	vmul.f32 v43, v9;
	v61 =	vadd.f32 v56, v6;
	v6 =	vld [tilespmem:$0x1F810]  }
0x33b: {  	v40 =	vand.u32 $0xFFFF0000, v40;
	v12 =	vmul.f32 v53, v11;
	v15 =	vmul.f32 v46, v14;
	v14 =	vld [tilespmem:$0x1FAE0]  }
0x33c: {  	v60 =	vadd.s32 $0x7FFF, v60;
	v16 =	vshrl.u32 v63, $0x10;
	v57 =	vadd.f32 v57, v8;
	v8 =	vld [tilespmem:$0x1F530]  }
0x33d: {  	v51 =	vand.u32 $0xFFFF0000, v60;
	v60 =	vand.u32 $0x1, v16;
	v16 =	vadd.f32 v12, v10;
	v10 =	vld [tilespmem:$0x1F440]  }
0x33e: {  	v0 =	vmul.f32 v40, v13;
	v12 =	vld [tilespmem:$0x1F450]  }
0x33f: {  	v60 =	vadd.s32 v60, v63;
	v57 =	vadd.f32 v57, v15;
	v15 =	vld [tilespmem:$0x1F620]  }
0x340: {  	v60 =	vadd.s32 $0x7FFF, v60;
	v0 =	vadd.f32 v61, v0;
	v61 =	vld [tilespmem:$0x1F730]  }
0x341: {  	v56 =	vand.u32 $0xFFFF0000, v60;
	v5 =	vmul.f32 v47, v4;
	v4 =	vld [tilespmem:$0x1F900]  }
0x342: {  	v60 =	vadd.f32 v16, v18;
	v18 =	vmul.f32 v50, v17;
	v17 =	vld [tilespmem:$0x1FAF0];
	v9 =	vmul.f32 v44, v8  }
0x343: {  	v7 =	vmul.f32 v48, v6;
	v6 =	vld [tilespmem:$0x1F630];
	v57 =	vadd.f32 v57, v5  }
0x344: {  	v11 =	vmul.f32 v43, v10;
	v13 =	vmul.f32 v53, v12;
	v60 =	vadd.f32 v60, v9;
	v9 =	vld [tilespmem:$0x1F550]  }
0x345: {  	v16 =	vmul.f32 v45, v15;
	v15 =	vld [tilespmem:$0x1F640]  }
0x346: {  	v57 =	vadd.f32 v57, v7;
	v59 =	vadd.f32 v13, v11;
	v5 =	vmul.f32 v54, v4;
	v11 =	vld [tilespmem:$0x1F720]  }
0x347: {  	v13 =	vld [tilespmem:$0x1F910]  }
0x348: {  	v60 =	vadd.f32 v60, v16;
	v7 =	vmul.f32 v41, v6;
	v57 =	vadd.f32 v57, v5;
	v5 =	vld [tilespmem:$0x1F650]  }
0x349: {  	v8 =	vadd.f32 v59, v18;
	v18 =	vmul.f32 v56, v17;
	v17 =	vld [tilespmem:$0x1F750]  }
0x34a: {  	v60 =	vadd.f32 v60, v7;
	v7 =	vld [tilespmem:$0x1FA00]  }
0x34b: {  	v1 =	vmul.f32 v51, v14;
	v10 =	vmul.f32 v44, v9;
	v9 =	vld [tilespmem:$0x1F820]  }
0x34c: {  	v16 =	vmul.f32 v45, v15;
	v15 =	vld [tilespmem:$0x1FA10]  }
0x34d: {  	v0 =	vadd.f32 v0, v1;
	v12 =	vmul.f32 v42, v11;
	v11 =	vld [tilespmem:$0x1F740]  }
0x34e: {  	v4 =	vmul.f32 v46, v61;
	v14 =	vmul.f32 v49, v13;
	v13 =	vld [tilespmem:$0x1F830]  }
0x34f: {  	v0 =	vadd.f32 v0, v18;
	v1 =	vadd.f32 v8, v10;
	v6 =	vmul.f32 v41, v5;
	v5 =	vld [tilespmem:$0x1F920]  }
0x350: {  	v57 =	vadd.f32 v57, v14;
	v18 =	vmul.f32 v46, v17;
	v17 =	vld [tilespmem:$0x1F460];
	v8 =	vmul.f32 v39, v7  }
0x351: {  	v60 =	vadd.f32 v60, v12;
	v1 =	vadd.f32 v1, v16;
	v16 =	vmul.f32 v40, v15;
	v15 =	vld [tilespmem:$0x1F850]  }
0x352: {  	v62 =	vadd.f32 v57, v8;
	v57 =	vld [tilespmem:$0x1FBE0]  }
0x353: {  	v60 =	vadd.f32 v60, v4;
	v10 =	vmul.f32 v47, v9;
	v8 =	vld [tilespmem:$0x1F840]  }
0x354: {  	v1 =	vadd.f32 v1, v6;
	v12 =	vmul.f32 v42, v11;
	v14 =	vmul.f32 v48, v13;
	v13 =	vld [tilespmem:$0x1F930]  }
0x355: {  	v60 =	vadd.f32 v60, v10;
	v10 =	vld [tilespmem:$0x1FB00]  }
0x356: {  	v1 =	vadd.f32 v1, v12;
	v12 =	vld [tilespmem:$0x1FB10]  }
0x357: {  	v7 =	vadd.f32 v62, v16;
	v62 =	vld [tilespmem:$0x1F890]  }
0x358: {  	v6 =	vmul.f32 v54, v5;
	v4 =	vadd.f32 v60, v14;
	v16 =	vmul.f32 v48, v15;
	v15 =	vld [tilespmem:$0x1F570]  }
0x359: {  	v1 =	vadd.f32 v1, v18;
	v18 =	vmul.f32 v43, v17;
	v17 =	vld [tilespmem:$0x1FA30]  }
0x35a: {  	v57 =	vadd.f32 v0, v57;
	v9 =	vmul.f32 v47, v8;
	v0 =	vadd.f32 v4, v6;
	v6 =	vld [tilespmem:$0x1F470]  }
0x35b: {  	v14 =	vmul.f32 v49, v13;
	v13 =	vld [tilespmem:$0x1F950];
	v11 =	vmul.f32 v51, v10  }
0x35c: {  	v1 =	vadd.f32 v1, v9;
	v9 =	vld [tilespmem:$0x1FA20]  }
0x35d: {  	v61 =	vadd.f32 v7, v11;
	v7 =	vld [tilespmem:$0x1F940]  }
0x35e: {  	v11 =	vld [tilespmem:$0x1F560]  }
0x35f: {  	v1 =	vadd.f32 v1, v16;
	v16 =	vmul.f32 v44, v15;
	v15 =	vld [tilespmem:$0x1F670]  }
0x360: {  	v63 =	vmul.f32 v56, v12;
	v2 =	vmul.f32 v53, v6;
	v6 =	vld [tilespmem:$0x1FA40]  }
0x361: {  	v0 =	vadd.f32 v0, v14;
	v14 =	vmul.f32 v49, v13;
	v13 =	vld [tilespmem:$0x1FA50]  }
0x362: {  	v61 =	vadd.f32 v61, v63;
	v10 =	vmul.f32 v39, v9;
	v9 =	vld [tilespmem:$0x1F660]  }
0x363: {  	v63 =	vld [tilespmem:$0x1FC10];
	v2 =	vadd.f32 v2, v18;
	v8 =	vmul.f32 v54, v7;
	v12 =	vmul.f32 v50, v11  }
0x364: {  	v11 =	vld [tilespmem:$0x1FB20]  }
0x365: {  	v1 =	vadd.f32 v1, v8;
	v2 =	vadd.f32 v2, v12;
	v8 =	vld [tilespmem:$0x1FBF0]  }
0x366: {  	v18 =	vmul.f32 v40, v17;
	v17 =	vld [tilespmem:$0x1F480];
	v0 =	vadd.f32 v0, v10  }
0x367: {  	v7 =	vmul.f32 v39, v6;
	v6 =	vld [tilespmem:$0x1F490];
	v2 =	vadd.f32 v2, v16;
	v10 =	vmul.f32 v45, v9  }
0x368: {  	v0 =	vadd.f32 v0, v18;
	v16 =	vmul.f32 v41, v15;
	v15 =	vld [tilespmem:$0x1F770]  }
0x369: {  	v1 =	vadd.f32 v1, v14;
	v12 =	vmul.f32 v51, v11;
	v2 =	vadd.f32 v2, v10;
	v10 =	vld [tilespmem:$0x1FB40]  }
0x36a: {  	v59 =	vadd.f32 v61, v8;
	v8 =	vld [tilespmem:$0x1F760]  }
0x36b: {  	v14 =	vmul.f32 v40, v13;
	v1 =	vadd.f32 v1, v7;
	v0 =	vadd.f32 v0, v12;
	v12 =	vld [tilespmem:$0x1F580]  }
0x36c: {  	v18 =	vmul.f32 v43, v17;
	v17 =	vld [tilespmem:$0x1F590]  }
0x36d: {  	v1 =	vadd.f32 v1, v14;
	v14 =	vld [tilespmem:$0x1FB30]  }
0x36e: {  	v7 =	vmul.f32 v53, v6;
	v6 =	vld.idx.msk [tilespmem:v27+s13+$0x0], $0xffff  }
0x36f: {  	v11 =	vmul.f32 v51, v10;
	v10 =	vld [tilespmem:$0x1F860]  }
0x370: {  	v61 =	vadd.f32 v7, v18;
	v9 =	vmul.f32 v42, v8;
	v13 =	vmul.f32 v50, v12;
	v8 =	vld [tilespmem:$0x1FB50]  }
0x371: {  	v2 =	vadd.f32 v2, v16;
	v18 =	vmul.f32 v44, v17;
	v17 =	vld [tilespmem:$0x1FC00]  }
0x372: {  	v16 =	vmul.f32 v46, v15;
	v15 =	vld [tilespmem:$0x1F870];
	v3 =	vmul.f32 v56, v14;
	v61 =	vadd.f32 v61, v13  }
0x373: {  	v1 =	vadd.f32 v1, v11;
	v2 =	vadd.f32 v2, v9;
	v13 =	vld [tilespmem:$0x1F680]  }
0x374: {  	v0 =	vadd.f32 v0, v3;
	v12 =	vadd.f32 v61, v18;
	v61 =	vld [tilespmem:$0x1F690]  }
0x375: {  	v2 =	vadd.f32 v2, v16;
	v11 =	vmul.f32 v47, v10;
	v10 =	vld [tilespmem:$0x1F970];
	v9 =	vmul.f32 v56, v8  }
0x376: {  	v60 =	vadd.f32 v0, v17;
	v17 =	vld [tilespmem:$0x1F4D0]  }
0x377: {  	v16 =	vmul.f32 v48, v15;
	v2 =	vadd.f32 v2, v11;
	v1 =	vadd.f32 v1, v9;
	v9 =	vld [tilespmem:$0x1F960]  }
0x378: {  	v14 =	vmul.f32 v45, v13;
	v13 =	vld [tilespmem:$0x1F4A0]  }
0x379: {  	v8 =	vadd.f32 v2, v16;
	v16 =	vld [tilespmem:$0x1F4C0]  }
0x37a: {  	v18 =	vadd.f32 v12, v14;
	v12 =	vld [tilespmem:$0x1F780]  }
0x37b: {  	v14 =	vld [tilespmem:$0x1F4B0]  }
0x37c: {  	v3 =	vmul.f32 v41, v61;
	v61 =	vadd.f32 v1, v63;
	v63 =	vld [tilespmem:$0x1F5A0]  }
0x37d: {  	v11 =	vmul.f32 v49, v10;
	v10 =	vld [tilespmem:$0x1F5C0]  }
0x37e: {  	v4 =	vmul.f32 v53, v17;
	v17 =	vld [tilespmem:$0x1F6A0]  }
0x37f: {  	v0 =	vadd.f32 v18, v3;
	v18 =	vld [tilespmem:$0x1F790]  }
0x380: {  	v2 =	vmul.f32 v54, v9;
	v3 =	vmul.f32 v42, v12;
	v12 =	vld [tilespmem:$0x1F880]  }
0x381: {  	v15 =	vmul.f32 v53, v14;
	v14 =	vld [tilespmem:$0x1F5D0]  }
0x382: {  	v1 =	vadd.f32 v8, v2;
	v8 =	vld [tilespmem:$0x1F7D0]  }
0x383: {  	v2 =	vmul.f32 v43, v13;
	v9 =	vmul.f32 v50, v63;
	v63 =	vld [tilespmem:$0x1FB70]  }
0x384: {  	v1 =	vadd.f32 v1, v11;
	v11 =	vld [tilespmem:$0x1F5B0]  }
0x385: {  	v0 =	vadd.f32 v0, v3;
	v3 =	vmul.f32 v43, v16;
	v2 =	vadd.f32 v15, v2;
	v15 =	vld [tilespmem:$0x1FA60]  }
0x386: {  	v5 =	vmul.f32 v46, v18;
	v18 =	vld [tilespmem:$0x1F6C0]  }
0x387: {  	v3 =	vadd.f32 v4, v3;
	v4 =	vmul.f32 v50, v10;
	v10 =	vld [tilespmem:$0x1F6B0]  }
0x388: {  	v0 =	vadd.f32 v0, v5;
	v2 =	vadd.f32 v2, v9;
	v13 =	vmul.f32 v47, v12;
	v12 =	vld [tilespmem:$0x1F7A0]  }
0x389: {  	v9 =	vmul.f32 v48, v62;
	v62 =	vor.u32 $0x6, v27;
	v5 =	vmul.f32 v44, v11;
	v11 =	vld [tilespmem:$0x1F6D0]  }
0x38a: {  	v3 =	vadd.f32 v3, v4;
	v4 =	vmul.f32 v44, v14;
	v0 =	vadd.f32 v0, v13;
	v13 =	vld [tilespmem:$0x1F980]  }
0x38b: {  	v16 =	vmul.f32 v39, v15;
	v15 =	vld [tilespmem:$0x1F7C0]  }
0x38c: {  	v3 =	vadd.f32 v3, v4;
	v4 =	vmul.f32 v45, v18;
	v18 =	vld [tilespmem:$0x1F7B0]  }
0x38d: {  	v1 =	vadd.f32 v1, v16;
	v16 =	vld [tilespmem:$0x1FA70]  }
0x38e: {  	v2 =	vadd.f32 v2, v5;
	v5 =	vmul.f32 v45, v17;
	v0 =	vadd.f32 v0, v9;
	v9 =	vld [tilespmem:$0x1F990]  }
0x38f: {  	v62 =	vld.idx.msk [tilespmem:v62+s13+$0x0], $0xffff;
	v3 =	vadd.f32 v3, v4  }
0x390: {  	v2 =	vadd.f32 v2, v5;
	v5 =	vmul.f32 v41, v10;
	v4 =	vmul.f32 v41, v11;
	v11 =	vld [tilespmem:$0x1F8A0]  }
0x391: {  	v14 =	vmul.f32 v54, v13;
	v13 =	vld [tilespmem:$0x1F8B0]  }
0x392: {  	v2 =	vadd.f32 v2, v5;
	v5 =	vmul.f32 v42, v12;
	v12 =	vld [tilespmem:$0x1F8C0]  }
0x393: {  	v0 =	vadd.f32 v0, v14;
	v14 =	vld [tilespmem:$0x1FA80]  }
0x394: {  	v3 =	vadd.f32 v3, v4;
	v4 =	vmul.f32 v42, v15;
	v17 =	vmul.f32 v40, v16;
	v16 =	vld [tilespmem:$0x1F8D0]  }
0x395: {  	v10 =	vmul.f32 v49, v9;
	v9 =	vld [tilespmem:$0x1F9A0];
	v2 =	vadd.f32 v2, v5;
	v5 =	vmul.f32 v46, v18  }
0x396: {  	v3 =	vadd.f32 v3, v4;
	v4 =	vmul.f32 v46, v8;
	v1 =	vadd.f32 v1, v17;
	v17 =	vld [tilespmem:$0x1FB60]  }
0x397: {  	v0 =	vadd.f32 v0, v10;
	v10 =	vld [tilespmem:$0x1F9C0];
	v2 =	vadd.f32 v2, v5;
	v5 =	vmul.f32 v47, v11  }
0x398: {  	v32 =	vor.u32 $0xC, v27;
	v11 =	vld [tilespmem:$0x1FA90];
	v3 =	vadd.f32 v3, v4  }
0x399: {  	v4 =	vmul.f32 v47, v12;
	v2 =	vadd.f32 v2, v5;
	v5 =	vmul.f32 v48, v13;
	v13 =	vld [tilespmem:$0x1F9B0]  }
0x39a: {  	v15 =	vmul.f32 v39, v14;
	v14 =	vld [tilespmem:$0x1F9D0]  }
0x39b: {  	v3 =	vadd.f32 v3, v4;
	v4 =	vmul.f32 v48, v16;
	v16 =	vld [tilespmem:$0x1FB80]  }
0x39c: {  	v0 =	vadd.f32 v0, v15;
	v15 =	vld [tilespmem:$0x1FAA0]  }
0x39d: {  	v2 =	vadd.f32 v2, v5;
	v5 =	vmul.f32 v54, v9;
	v9 =	vmul.f32 v56, v63;
	v63 =	vld.idx.msk [tilespmem:v32+s13+$0x0], $0xffff  }
0x39e: {  	v18 =	vmul.f32 v51, v17;
	v3 =	vadd.f32 v3, v4;
	v4 =	vmul.f32 v54, v10;
	v10 =	vld [tilespmem:$0x1FAB0]  }
0x39f: {  	v12 =	vmul.f32 v40, v11;
	v11 =	vld [tilespmem:$0x1FAD0]  }
0x3a0: {  	v33 =	vadd.s32 $0x81, v31;
	v1 =	vadd.f32 v1, v18;
	v18 =	vld [tilespmem:$0x1FAC0]  }
0x3a1: {  	v37 =	vor.u32 $0x1, v27;
	v2 =	vadd.f32 v2, v5;
	v0 =	vadd.f32 v0, v12;
	v12 =	vld [tilespmem:$0x1FB90]  }
0x3a2: {  	v5 =	vmul.f32 v49, v13;
	v3 =	vadd.f32 v3, v4;
	v4 =	vmul.f32 v49, v14;
	v14 =	vld [tilespmem:$0x1FBA0]  }
0x3a3: {  	v38 =	vor.u32 $0x5, v27;
	v52 =	vor.u32 $0x9, v27;
	v17 =	vmul.f32 v51, v16;
	v16 =	vld [tilespmem:$0x1FBB0]  }
0x3a4: {  	v1 =	vadd.f32 v1, v9;
	v9 =	vld [tilespmem:$0x1FC20];
	v2 =	vadd.f32 v2, v5;
	v5 =	vmul.f32 v39, v15  }
0x3a5: {  	v58 =	vadd.s32 $0x82, v31;
	v3 =	vadd.f32 v3, v4;
	v15 =	vld [tilespmem:$0x1FBC0];
	v4 =	vmul.f32 v39, v18  }
0x3a6: {  	v0 =	vadd.f32 v0, v17;
	v17 =	vld [tilespmem:$0x1FBD0];
	v2 =	vadd.f32 v2, v5;
	v5 =	vmul.f32 v40, v10  }
0x3a7: {  	v18 =	vmax.f32 v57, v59;
	v13 =	vmul.f32 v56, v12;
	v12 =	vld [tilespmem:$0x1FC30];
	v3 =	vadd.f32 v3, v4  }
0x3a8: {  	v4 =	vmul.f32 v40, v11;
	v2 =	vadd.f32 v2, v5;
	v5 =	vmul.f32 v51, v14;
	v14 =	vld [tilespmem:$0x1FC40]  }
0x3a9: {  	v6 =	vmul.f32 v6, v21;
	v32 =	vadd.f32 v1, v9;
	v11 =	vmax.f32 v18, v60;
	v1 =	vld.idx.msk [tilespmem:v52+s13+$0x0], $0xffff  }
0x3aa: {  	v52 =	vmul.f32 v62, v22;
	v62 =	vld [tilespmem:$0x1FC60];
	v3 =	vadd.f32 v3, v4;
	v4 =	vmul.f32 v51, v15  }
0x3ab: {  	v0 =	vadd.f32 v0, v13;
	v2 =	vadd.f32 v2, v5;
	v5 =	vmul.f32 v56, v16;
	v16 =	vld [tilespmem:$0x1FC50]  }
0x3ac: {  	v18 =	vor.u32 $0xA, v27;
	v9 =	vld [tilespmem:$0x1FC70];
	v3 =	vadd.f32 v3, v4;
	v4 =	vmul.f32 v56, v17  }
0x3ad: {  	v10 =	vadd.f32 v2, v5;
	v5 =	vld.idx.msk [tilespmem:v33+s13+$0x0], $0xffff;
	v33 =	vadd.f32 v0, v12;
	v2 =	vmax.f32 v11, v61  }
0x3ae: {  	v15 =	vmax.f32 v2, v32;
	v2 =	vld.idx.msk [tilespmem:v38+s13+$0x0], $0xffff;
	v13 =	vadd.f32 v3, v4;
	v4 =	vor.u32 $0x2, v27  }
0x3af: {  	v3 =	vld.idx.msk [tilespmem:v37+s13+$0x0], $0xffff;
	v37 =	vadd.f32 v10, v14;
	v17 =	vmax.f32 v15, v33;
	v15 =	vor.u32 $0x7, v27  }
0x3b0: {  	v35 =	vmul.f32 v35, v22;
	v6 =	vadd.f32 v6, v36;
	v10 =	vld [tilespmem:$0x1FC90];
	v38 =	vadd.f32 v13, v16  }
0x3b1: {  	v12 =	vadd.s32 $0x83, v31;
	v36 =	vld.idx.msk [tilespmem:v18+s13+$0x0], $0xffff;
	v18 =	vpop (erf);
	v1 =	vmul.f32 v1, v20;
	v0 =	vmax.f32 v17, v37  }
0x3b2: {  	v7 =	vmul.f32 v18, v29;
	v13 =	vor.u32 $0x3, v27;
	v31 =	vmax.f32 v0, v38;
	v0 =	vld.idx.msk [tilespmem:v58+s13+$0x0], $0xffff  }
0x3b3: {  	v30 =	vmul.f32 v18, v30;
	v18 =	vmul.f32 v55, v19;
	v16 =	vor.u32 $0xB, v27;
	v4 =	vld.idx.msk [tilespmem:v4+s13+$0x0], $0xffff  }
0x3b4: {  	v6 =	vadd.f32 v35, v6;
	v28 =	vmul.f32 v28, v7;
	v3 =	vmul.f32 v3, v21;
	v15 =	vld.idx.msk [tilespmem:v15+s13+$0x0], $0xffff  }
0x3b5: {  	v11 =	vimm.s32 $0x0;
	v2 =	vmul.f32 v2, v22;
	v7 =	vmul.f32 v53, v10;
	v10 =	vld [tilespmem:$0x1FD30]  }
0x3b6: {  	v55 =	vmul.f32 v36, v20;
	v14 =	vsub.f32 v57, v31;
	v3 =	vadd.f32 v3, v5;
	v5 =	vld.idx.msk [tilespmem:v12+s13+$0x0], $0xffff  }
0x3b7: {  	v17 =	vsub.f32 v59, v31;
	vm9 =	veq.f32 v38, v31;
	vm1 =	veq.f32 v37, v31;
	v13 =	vld.idx.msk [tilespmem:v13+s13+$0x0], $0xffff  }
0x3b8: {  	vm10 =	veq.f32 v33, v31;
	vm11 =	veq.f32 v32, v31;
	v8 =	vmul.f32 $1.442695020e+00, v14;
	v16 =	vld.idx.msk [tilespmem:v16+s13+$0x0], $0xffff  }
0x3b9: {  	v14 =	vmul.f32 $1.442695020e+00, v17;
	v17 =	vmul.f32 v63, v19;
	v63 =	vld [tilespmem:$0x1FC80];
	v2 =	vadd.f32 v2, v3  }
0x3ba: {  	vm12 =	veq.f32 v61, v31;
	v4 =	vmul.f32 v4, v21;
	v3 =	vmul.f32 v15, v22;
	v15 =	vld [tilespmem:$0x1FCB0]  }
0x3bb: {  	v12 =	vmul.f32 v34, v20;
	v1 =	vadd.f32 v1, v2;
	v2 =	vmul.f32 v43, v62;
	v62 =	vld [tilespmem:$0x1FD10]  }
0x3bc: {  	(erf) = vpow2.f32 v8;
	v35 =	vmul.f32 v13, v21;
	v0 =	vadd.f32 v4, v0;
	v13 =	vld [tilespmem:$0x1FCA0]  }
0x3bd: {  	v6 =	vadd.f32 v12, v6;
	(erf) = vpow2.f32 v14;
	v29 =	vadd.f32 v18, v1;
	v18 =	vld [tilespmem:$0x1FCC0]  }
0x3be: {  	vm13 =	veq.f32 v60, v31;
	v1 =	vadd.f32 v35, v5;
	v0 =	vadd.f32 v52, v0;
	v52 =	vld [tilespmem:$0x1FCE0]  }
0x3bf: {  	vm14 =	veq.f32 v59, v31;
	vm15 =	veq.f32 v57, v31;
	v4 =	vmul.f32 v50, v15;
	v15 =	vld [tilespmem:$0x1FD50]  }
0x3c0: {  	v34 =	vadd.f32 v17, v6;
	v1 =	vadd.f32 v3, v1;
	v3 =	vmul.f32 v43, v9;
	v43 =	vld [tilespmem:$0x1FCD0]  }
0x3c1: {  	v17 =	vsub.f32 v60, v31;
	v6 =	vmul.f32 v53, v63;
	v35 =	vadd.f32 v55, v0;
	v55 =	vld [tilespmem:$0x1FCF0]  }
0x3c2: {  	v58 =	vmul.f32 v16, v20;
	v53 =	vsub.f32 v61, v31;
	v63 =	vsub.f32 v32, v31;
	v9 =	vld [tilespmem:$0x1FD20]  }
0x3c3: {  	v12 =	vadd.f32 v6, v2;
	v5 =	vmul.f32 v41, v62;
	v62 =	vld [tilespmem:$0x1FE20];
	v2 =	vmul.f32 v50, v13  }
0x3c4: {  	v29 =	vmul.f32 v28, v29;
	v36 =	vadd.f32 v58, v1;
	v3 =	vadd.f32 v7, v3;
	v58 =	vld [tilespmem:$0x1FD00]  }
0x3c5: {  	v50 =	vmul.f32 $1.442695020e+00, v17;
	v13 =	vld [tilespmem:$0x1FD40];
	v14 =	vpop (erf);
	v0 =	vadd.f32 v12, v2;
	v2 =	vmul.f32 v44, v18  }
0x3c6: {  	v17 =	vor.u32 $0xF, v27;
	v16 =	vpop (erf);
	v18 =	vld [tilespmem:$0x1FD70];
	v3 =	vadd.f32 v3, v4;
	v4 =	vmul.f32 v44, v43  }
0x3c7: {  	v1 =	vadd.f32 v16, v14;
	v16 =	vld [tilespmem:$0x1FD60];
	v0 =	vadd.f32 v0, v2;
	v2 =	vmul.f32 v45, v52  }
0x3c8: {  	(erf) = vpow2.f32 v50;
	v6 =	vmul.f32 v45, v55;
	v43 =	vld [tilespmem:$0x1FD90];
	v3 =	vadd.f32 v3, v4  }
0x3c9: {  	v0 =	vadd.f32 v0, v2;
	v2 =	vmul.f32 v41, v58;
	v4 =	vmul.f32 $1.442695020e+00, v53;
	v41 =	vld [tilespmem:$0x1FD80]  }
0x3ca: {  	v12 =	vmul.f32 $1.442695020e+00, v63;
	v14 =	vor.u32 $0xE, v27;
	v27 =	vsub.f32 v33, v31;
	v58 =	vld [tilespmem:$0x1FE10]  }
0x3cb: {  	v3 =	vadd.f32 v3, v6;
	(erf) = vpow2.f32 v4;
	v6 =	vmul.f32 v46, v15;
	v15 =	vld [tilespmem:$0x1FEC0]  }
0x3cc: {  	v0 =	vadd.f32 v0, v2;
	v2 =	vmul.f32 v42, v9;
	(erf) = vpow2.f32 v12;
	v12 =	vld [tilespmem:$0x1FE90]  }
0x3cd: {  	v7 =	vmul.f32 $1.442695020e+00, v27;
	v4 =	vmul.f32 v42, v10;
	v3 =	vadd.f32 v3, v5;
	v5 =	vld.idx.msk [tilespmem:v17+s13+$0x0], $0xffff  }
0x3ce: {  	v50 =	vsub.f32 v38, v31;
	v0 =	vadd.f32 v0, v2;
	v2 =	vmul.f32 v46, v13;
	v17 =	vld [tilespmem:$0x1FE30]  }
0x3cf: {  	v8 =	vmul.f32 v48, v43;
	(erf) = vpow2.f32 v7;
	v13 =	vld [tilespmem:$0x1FEA0];
	v3 =	vadd.f32 v3, v4  }
0x3d0: {  	v44 =	vld [tilespmem:$0x1FDA0];
	v7 =	vmul.f32 $1.442695020e+00, v50;
	v0 =	vadd.f32 v0, v2;
	v2 =	vmul.f32 v47, v16  }
0x3d1: {  	v9 =	vmul.f32 v40, v58;
	v4 =	vld.idx.msk [tilespmem:v14+s13+$0x0], $0xffff;
	v57 =	vmul.f32 v21, v15;
	v3 =	vadd.f32 v3, v6  }
0x3d2: {  	v45 =	vld [tilespmem:$0x1FDB0];
	v6 =	vmul.f32 v47, v18;
	v0 =	vadd.f32 v0, v2;
	v2 =	vmul.f32 v48, v41  }
0x3d3: {  	v42 =	vsub.f32 v37, v31;
	v46 =	vpop (erf);
	v47 =	vld [tilespmem:$0x1FDC0];
	v16 =	vmul.f32 v22, v12;
	v5 =	vmul.f32 v5, v19  }
0x3d4: {  	v27 =	vld [tilespmem:$0x1FE40];
	v1 =	vadd.f32 v1, v46;
	v10 =	vmul.f32 v51, v17;
	v46 =	vmul.f32 v21, v13  }
0x3d5: {  	v48 =	vld [tilespmem:$0x1FDD0];
	v3 =	vadd.f32 v3, v6;
	v0 =	vadd.f32 v0, v2;
	v2 =	vmul.f32 v54, v44  }
0x3d6: {  	v52 =	vld [tilespmem:$0x1FDE0];
	v6 =	vmul.f32 $1.442695020e+00, v42;
	v4 =	vmul.f32 v4, v19;
	v5 =	vadd.f32 v5, v36  }
0x3d7: {  	v53 =	vld [tilespmem:$0x1FDF0];
	v63 =	vpop (erf);
	v3 =	vadd.f32 v3, v8;
	v8 =	vmul.f32 v54, v45;
	v0 =	vadd.f32 v0, v2  }
0x3d8: {  	v17 =	vld [tilespmem:$0x1FEE0];
	(erf) = vpow2.f32 v6;
	v1 =	vadd.f32 v1, v63;
	v2 =	vmul.f32 v49, v47  }
0x3d9: {  	v54 =	vld [tilespmem:$0x1FE00];
	(erf) = vpow2.f32 v7;
	v7 =	vmul.f32 v56, v27;
	v3 =	vadd.f32 v3, v8  }
0x3da: {  	v18 =	vpop (erf);
	v0 =	vadd.f32 v0, v2;
	v2 =	vmul.f32 v49, v48;
	v49 =	vsel vm9, $0x7, v11;
	v11 =	vld [tilespmem:$0x1FE80]  }
0x3db: {  	v4 =	vadd.f32 v4, v35;
	v5 =	vmul.f32 v28, v5;
	v1 =	vadd.f32 v1, v18;
	v18 =	vld [tilespmem:$0x1FEF0]  }
0x3dc: {  	v37 =	vpop (erf);
	v8 =	vmul.f32 v39, v53;
	v2 =	vadd.f32 v3, v2;
	v3 =	vmul.f32 v39, v52  }
0x3dd: {  	v38 =	vmul.f32 v20, v17;
	v6 =	vsel vm1, $0x6, v49;
	v1 =	vadd.f32 v1, v37  }
0x3de: {  	v33 =	vld [tilespmem:$0x1FE50];
	v6 =	vsel vm10, $0x5, v6;
	v0 =	vadd.f32 v0, v3;
	v3 =	vmul.f32 v40, v54  }
0x3df: {  	v6 =	vsel vm11, $0x4, v6;
	v2 =	vadd.f32 v2, v8;
	v55 =	vmul.f32 v21, v11  }
0x3e0: {  	v14 =	vld [tilespmem:$0x1FEB0];
	v42 =	vmul.f32 v19, v18;
	v0 =	vadd.f32 v0, v3;
	v3 =	vmul.f32 v51, v62  }
0x3e1: {  	v39 =	vld [tilespmem:$0x1FE60];
	v6 =	vsel vm12, $0x3, v6;
	v2 =	vadd.f32 v2, v9;
	v43 =	vpop (erf);
	v8 =	vadd.f32 v16, v55  }
0x3e2: {  	v40 =	vld [tilespmem:$0x1FE70];
	v6 =	vsel vm13, $0x2, v6;
	v1 =	vadd.f32 v1, v43;
	v0 =	vadd.f32 v0, v3  }
0x3e3: {  	v45 =	vpop (erf);
	v2 =	vadd.f32 v2, v10;
	v10 =	vmul.f32 v56, v33;
	v41 =	vadd.f32 v38, v8  }
0x3e4: {  	v6 =	vsel vm14, $0x1, v6;
	v43 =	vld [tilespmem:$0x1FF30];
	v1 =	vadd.f32 v1, v45;
	v0 =	vadd.f32 v0, v7  }
0x3e5: {  	v6 =	vsel vm15, $0x0, v6;
	v16 =	vld [tilespmem:$0x1FED0];
	v2 =	vadd.f32 v2, v10;
	v3 =	vadd.f32 v42, v41  }
0x3e6: {  	v45 =	vld [tilespmem:$0x1FF60];
	(erf) = vrcp.f32 v1;
	v1 =	vshll.u32 v6, $0x2;
	v6 =	vshll.u32 v6, $0x4  }
0x3e7: {  	v48 =	vmul.f32 v22, v14;
	v41 =	vld [tilespmem:$0x1FF00];
	v0 =	vadd.f32 v0, v39;
	v2 =	vadd.f32 v2, v40  }
0x3e8: {  	v4 =	vmul.f32 v28, v4;
	v42 =	vld [tilespmem:$0x1FF20];
	v51 =	vand.u32 $0x7C, v1;
	v54 =	vor.u32 $0x4, v6  }
0x3e9: {  	v59 =	vor.u32 $0xC, v6;
	v7 =	vor.u32 $0x80, v51;
	v51 =	vld [tilespmem:$0x1FFC0];
	v44 =	vmax.f32 v0, v2  }
0x3ea: {  	v60 =	vadd.s32 $0x81, v1;
	v0 =	vsub.f32 v0, v44;
	v2 =	vsub.f32 v2, v44;
	v44 =	vld [tilespmem:$0x1FF40]  }
0x3eb: {  	v52 =	vmul.f32 v28, v34;
	v28 =	vmul.f32 v26, v12;
	v62 =	vor.u32 $0x1, v6;
	v34 =	vld.idx.msk [tilespmem:v6+s13+$0x0], $0xffff  }
0x3ec: {  	v63 =	vor.u32 $0x5, v6;
	v47 =	vmul.f32 $1.442695020e+00, v2;
	v2 =	vadd.f32 v48, v46;
	v46 =	vld [tilespmem:$0x1FF70]  }
0x3ed: {  	v53 =	vmul.f32 v19, v43;
	v21 =	vmul.f32 v21, v16;
	v9 =	vld.idx.msk [tilespmem:v54+s13+$0x0], $0xffff  }
0x3ee: {  	v56 =	vor.u32 $0x8, v6;
	v37 =	vmul.f32 v25, v43;
	v58 =	vmul.f32 v22, v45;
	v10 =	vld.idx.msk [tilespmem:v59+s13+$0x0], $0xffff  }
0x3ef: {  	v40 =	vmul.f32 v24, v16;
	v49 =	vadd.f32 v3, v41;
	v50 =	vmul.f32 v20, v42;
	v8 =	vld.idx.msk [tilespmem:v60+s13+$0x0], $0xffff  }
0x3f0: {  	v3 =	vadd.f32 v58, v57;
	v57 =	vor.u32 $0xD, v6;
	v0 =	vmul.f32 $1.442695020e+00, v0;
	v35 =	vld.idx.msk [tilespmem:v62+s13+$0x0], $0xffff  }
0x3f1: {  	v58 =	vadd.s32 $0x82, v1;
	v1 =	vadd.s32 $0x83, v1;
	v59 =	vor.u32 $0x2, v6;
	v60 =	vld.idx.msk [tilespmem:v63+s13+$0x0], $0xffff  }
0x3f2: {  	v62 =	vor.u32 $0x3, v6;
	v7 =	vld.idx.msk [tilespmem:v7+s13+$0x0], $0xffff;
	(erf) = vpow2.f32 v0;
	v0 =	vmul.f32 v30, v49  }
0x3f3: {  	v2 =	vadd.f32 v50, v2;
	v49 =	vld [tilespmem:$0x1FFA0];
	(erf) = vpow2.f32 v47;
	v63 =	vmul.f32 v34, v24  }
0x3f4: {  	v50 =	vld [tilespmem:$0x1FFB0];
	v27 =	vadd.f32 v52, v0;
	v34 =	vmul.f32 v25, v18;
	v61 =	vmul.f32 v20, v46  }
0x3f5: {  	v47 =	vld [tilespmem:$0x1FF80];
	v55 =	vadd.f32 v53, v2;
	v35 =	vmul.f32 v35, v24;
	v9 =	vmul.f32 v9, v26  }
0x3f6: {  	v32 =	vld.idx.msk [tilespmem:v58+s13+$0x0], $0xffff;
	v58 =	vor.u32 $0xB, v6;
	v60 =	vmul.f32 v60, v26;
	v10 =	vmul.f32 v10, v25  }
0x3f7: {  	v43 =	vmul.f32 v23, v46;
	v0 =	vadd.f32 v55, v44;
	v55 =	vor.u32 $0x9, v6  }
0x3f8: {  	v2 =	vld.idx.msk [tilespmem:v56+s13+$0x0], $0xffff;
	v7 =	vadd.f32 v63, v7;
	v63 =	vor.u32 $0xE, v6;
	v22 =	vmul.f32 v22, v49  }
0x3f9: {  	v48 =	vld [tilespmem:$0x1FF90];
	v3 =	vadd.f32 v61, v3;
	v20 =	vmul.f32 v20, v50;
	v61 =	vor.u32 $0x6, v6  }
0x3fa: {  	v31 =	vpop (erf);
	v39 =	vld.idx.msk [tilespmem:v59+s13+$0x0], $0xffff;
	v59 =	vadd.f32 v35, v8;
	v56 =	vmul.f32 v19, v47;
	v0 =	vmul.f32 v30, v0  }
0x3fb: {  	v52 =	vld [tilespmem:$0x1FFD0];
	v19 =	vmul.f32 v19, v51;
	v7 =	vadd.f32 v9, v7;
	v21 =	vadd.f32 v22, v21;
	v33 =	vpop (erf)  }
0x3fc: {  	v46 =	vmul.f32 v25, v47;
	v3 =	vadd.f32 v56, v3;
	v0 =	vadd.f32 v29, v0;
	v29 =	vld.idx.msk [tilespmem:v55+s13+$0x0], $0xffff;
	v36 =	vpop (erf)  }
0x3fd: {  	v2 =	vmul.f32 v2, v23;
	v20 =	vadd.f32 v20, v21;
	v8 =	vld.idx.msk [tilespmem:v63+s13+$0x0], $0xffff;
	v54 =	vadd.f32 v36, v33  }
0x3fe: {  	v47 =	vmul.f32 v25, v51;
	v56 =	vor.u32 $0x7, v6;
	v3 =	vadd.f32 v3, v48;
	v22 =	vld.idx.msk [tilespmem:v61+s13+$0x0], $0xffff  }
0x3ff: {  	v2 =	vadd.f32 v2, v7;
	v61 =	vld.idx.msk [tilespmem:v62+s13+$0x0], $0xffff;
	v19 =	vadd.f32 v19, v20;
	(erf) = vrcp.f32 v54  }
0x400: {  	v63 =	vmul.f32 v24, v11;
	v20 =	vld.idx.msk [tilespmem:v57+s13+$0x0], $0xffff;
	v57 =	vor.u32 $0xA, v6;
	v3 =	vmul.f32 v30, v3  }
0x401: {  	v6 =	vor.u32 $0xF, v6;
	v19 =	vadd.f32 v19, v52;
	v54 =	vmul.f32 v39, v24  }
0x402: {  	v1 =	vld.idx.msk [tilespmem:v1+s13+$0x0], $0xffff;
	v39 =	vmul.f32 v26, v45;
	v3 =	vadd.f32 v4, v3;
	v29 =	vmul.f32 v29, v23  }
0x403: {  	v38 =	vld.idx.msk [tilespmem:v56+s13+$0x0], $0xffff;
	v4 =	vadd.f32 v60, v59;
	v8 =	vmul.f32 v8, v25;
	v19 =	vmul.f32 v30, v19  }
0x404: {  	v2 =	vadd.f32 v10, v2;
	v56 =	vmul.f32 v61, v24;
	v22 =	vmul.f32 v22, v26  }
0x405: {  	v30 =	vmul.f32 v26, v14;
	v53 =	vld.idx.msk [tilespmem:v57+s13+$0x0], $0xffff;
	v4 =	vadd.f32 v29, v4;
	v57 =	vadd.f32 v54, v32  }
0x406: {  	v55 =	vld.idx.msk [tilespmem:v58+s13+$0x0], $0xffff;
	v58 =	vmul.f32 v20, v25;
	v29 =	vmul.f32 v24, v13;
	v20 =	vadd.f32 v28, v63  }
0x407: {  	v51 =	vld [tilespmem:$0x1FF10];
	v32 =	vmul.f32 v23, v42;
	v42 =	vmul.f32 v26, v49;
	v5 =	vadd.f32 v5, v19  }
0x408: {  	v54 =	vld [tilespmem:$0x1FF50];
	v1 =	vadd.f32 v56, v1;
	v59 =	vmul.f32 v38, v26;
	v7 =	vadd.f32 v30, v29;
	v9 =	vpop (erf)  }
0x409: {  	v6 =	vld.idx.msk [tilespmem:v6+s13+$0x0], $0xffff;
	v60 =	vadd.f32 v22, v57;
	v4 =	vadd.f32 v58, v4;
	v62 =	vmul.f32 v9, v33  }
0x40a: {  	v1 =	vadd.f32 v59, v1;
	v35 =	vadd.f32 v32, v7;
	v61 =	vmul.f32 v53, v23  }
0x40b: {  	v7 =	vadd.f32 v42, v40;
	v19 =	vmul.f32 v31, v62;
	v31 =	vmul.f32 v23, v17  }
0x40c: {  	v53 =	vadd.f32 v27, v51;
	v10 =	vadd.f32 v61, v60;
	v62 =	vmul.f32 v55, v23  }
0x40d: {  	v38 =	vmul.f32 v24, v15;
	v0 =	vadd.f32 v0, v54;
	v33 =	vadd.f32 v31, v20  }
0x40e: {  	v6 =	vmul.f32 v6, v25;
	v8 =	vadd.f32 v8, v10;
	v1 =	vadd.f32 v62, v1  }
0x40f: {  	v20 =	vadd.f32 v39, v38;
	v10 =	vadd.f32 v34, v33  }
0x410: {  	v45 =	vmul.f32 v23, v50;
	v1 =	vadd.f32 v6, v1;
	v6 =	vadd.f32 v37, v35  }
0x411: {  	v9 =	vmul.f32 v9, v36;
	v20 =	vadd.f32 v43, v20;
	v10 =	vadd.f32 v10, v41  }
0x412: {  	v7 =	vadd.f32 v45, v7;
	v55 =	vld [tilespmem:$0x1FFE0];
	v6 =	vadd.f32 v6, v44  }
0x413: {  	v60 =	vld [tilespmem:$0x1FFF0];
	v2 =	vmul.f32 v19, v2;
	v49 =	vadd.f32 v46, v20;
	v10 =	vmul.f32 v9, v10  }
0x414: {  	v50 =	vadd.f32 v47, v7;
	v4 =	vmul.f32 v19, v4;
	v6 =	vmul.f32 v9, v6  }
0x415: {  	v2 =	vadd.f32 v2, v10;
	v10 =	vadd.f32 v49, v48  }
0x416: {  	v4 =	vadd.f32 v4, v6;
	v6 =	vadd.f32 v50, v52  }
0x417: {  	[tilespmem:s28+$0x1200] =	vst v53;
	v56 =	vmul.f32 v19, v8;
	v3 =	vadd.f32 v3, v55;
	v57 =	vmul.f32 v9, v10  }
0x418: {  	s23 =	sadd.s32 $0x2, s23;
	[tilespmem:s28+$0x1280] =	vst v0;
	v5 =	vadd.f32 v5, v60;
	v58 =	vmul.f32 v19, v1;
	v59 =	vmul.f32 v9, v6  }
0x419: {  	p0 =	slt.u32 s23, $0x3E;
	[tilespmem:s28+$0x1300] =	vst v3;
	v2 =	vadd.f32 v2, v51;
	v61 =	vadd.f32 v56, v57  }
.Ltmp0:
0x41a: {  	[tilespmem:s29+$0x1200] =	vst v5;
	v62 =	vadd.f32 v4, v54;
	v0 =	vadd.f32 v58, v59;
	(pc) =	sbr.rel @p0 .LBB2_2-.Ltmp0, $4  }
0x41b: {  	[tilespmem:s28+$0x1210] =	vst v2;
	v63 =	vadd.f32 v61, v55  }
0x41c: {  	[tilespmem:s28+$0x1290] =	vst v62;
	v0 =	vadd.f32 v0, v60  }
0x41d: {  	[tilespmem:s28+$0x1310] =	vst v63  }
0x41e: {  	s25 =	sadd.s32 $0x1, s25;
	s24 =	sadd.s32 $0x20, s24;
	s26 =	sadd.s32 $0x80, s26;
	[tilespmem:s30+$0x1200] =	vst v0  }
0x41f: {  	s23 =	simm.s32 $0x1200  }
0x420: {  	[hbm4b:s8+s3] =	stream.linear.scatter [tilespmem:s23], [sflag:$0x1], $0x80, $0x38;
	[tilespmem:$0x2200] =	vst v63  }
0x421: {  	s25 =	sadd.s32 $0x40, s8;
	s24 =	simm.s32 $0x1400  }
0x422: {  	[hbm4b:s25+s3] =	stream.linear.scatter [tilespmem:s24], [sflag:$0x1], $0x80, $0x38;
	[tilespmem:$0x2200] =	vst v63  }
0x423: {  	s26 =	sadd.s32 $0x80, s8;
	s28 =	simm.s32 $0x1600  }
0x424: {  	[hbm4b:s26+s3] =	stream.linear.scatter [tilespmem:s28], [sflag:$0x1], $0x80, $0x38;
	[tilespmem:$0x2200] =	vst v63  }
0x425: {  	s29 =	sadd.s32 $0xC0, s8;
	s30 =	simm.s32 $0x1800  }
0x426: {  	[hbm4b:s29+s3] =	stream.linear.scatter [tilespmem:s30], [sflag:$0x1], $0x80, $0x38;
	[tilespmem:$0x2200] =	vst v63  }
0x427: {  	s24 =	sadd.s32 $0x100, s8;
	s25 =	simm.s32 $0x1A00  }
0x428: {  	[hbm4b:s24+s3] =	stream.linear.scatter [tilespmem:s25], [sflag:$0x1], $0x80, $0x38;
	[tilespmem:$0x2200] =	vst v63  }
0x429: {  	s26 =	sadd.s32 $0x140, s8;
	s28 =	simm.s32 $0x1C00  }
0x42a: {  	[hbm4b:s26+s3] =	stream.linear.scatter [tilespmem:s28], [sflag:$0x1], $0x80, $0x38;
	[tilespmem:$0x2200] =	vst v63  }
0x42b: {  	s29 =	sadd.s32 $0x180, s8;
	s30 =	simm.s32 $0x1E00  }
0x42c: {  	[hbm4b:s29+s3] =	stream.linear.scatter [tilespmem:s30], [sflag:$0x1], $0x80, $0x38;
	[tilespmem:$0x2200] =	vst v63  }
0x42d: {  	s25 =	sadd.s32 $0x1C0, s8;
	s26 =	simm.s32 $0x2000  }
0x42e: {  	[hbm4b:s25+s3] =	stream.linear.scatter [tilespmem:s26], [sflag:$0x1], $0x80, $0x38;
	[tilespmem:$0x2200] =	vst v63  }
0x42f: {  	_ =	swait.ge [sflag:s14], $0x400  }
0x430: {  	[sflag:s14] =	ssyncset.done $0x0  }
0x431: {  	s28 =	simm.s32 $0x1280;
	[sflag:s14] =	ssyncadd.s32 $0xFFFFFC00  }
0x432: {  	[hbm4b:s9+s3] =	stream.linear.scatter [tilespmem:s28], [sflag:$0x1], $0x80, $0x38;
	[tilespmem:$0x2200] =	vst v63  }
0x433: {  	s29 =	sadd.s32 $0x40, s9;
	s30 =	simm.s32 $0x1480  }
0x434: {  	[hbm4b:s29+s3] =	stream.linear.scatter [tilespmem:s30], [sflag:$0x1], $0x80, $0x38;
	[tilespmem:$0x2200] =	vst v63  }
0x435: {  	s24 =	sadd.s32 $0x80, s9;
	s25 =	simm.s32 $0x1680  }
0x436: {  	[hbm4b:s24+s3] =	stream.linear.scatter [tilespmem:s25], [sflag:$0x1], $0x80, $0x38;
	[tilespmem:$0x2200] =	vst v63  }
0x437: {  	s26 =	sadd.s32 $0xC0, s9;
	s28 =	simm.s32 $0x1880  }
0x438: {  	[hbm4b:s26+s3] =	stream.linear.scatter [tilespmem:s28], [sflag:$0x1], $0x80, $0x38;
	[tilespmem:$0x2200] =	vst v63  }
0x439: {  	s29 =	sadd.s32 $0x100, s9;
	s30 =	simm.s32 $0x1A80  }
0x43a: {  	[hbm4b:s29+s3] =	stream.linear.scatter [tilespmem:s30], [sflag:$0x1], $0x80, $0x38;
	[tilespmem:$0x2200] =	vst v63  }
0x43b: {  	s24 =	sadd.s32 $0x140, s9;
	s25 =	simm.s32 $0x1C80  }
0x43c: {  	[hbm4b:s24+s3] =	stream.linear.scatter [tilespmem:s25], [sflag:$0x1], $0x80, $0x38;
	[tilespmem:$0x2200] =	vst v63  }
0x43d: {  	s26 =	sadd.s32 $0x180, s9;
	s28 =	simm.s32 $0x1E80  }
0x43e: {  	[hbm4b:s26+s3] =	stream.linear.scatter [tilespmem:s28], [sflag:$0x1], $0x80, $0x38;
	[tilespmem:$0x2200] =	vst v63  }
0x43f: {  	s29 =	sadd.s32 $0x1C0, s9;
	s30 =	simm.s32 $0x2080  }
0x440: {  	[hbm4b:s29+s3] =	stream.linear.scatter [tilespmem:s30], [sflag:$0x1], $0x80, $0x38;
	[tilespmem:$0x2200] =	vst v63  }
0x441: {  	_ =	swait.ge [sflag:s14], $0x400  }
0x442: {  	[sflag:s14] =	ssyncset.done $0x0  }
0x443: {  	s25 =	simm.s32 $0x1300;
	[sflag:s14] =	ssyncadd.s32 $0xFFFFFC00  }
0x444: {  	[hbm4b:s10+s3] =	stream.linear.scatter [tilespmem:s25], [sflag:$0x1], $0x80, $0x38;
	[tilespmem:$0x2200] =	vst v63  }
0x445: {  	s26 =	sadd.s32 $0x40, s10;
	s28 =	simm.s32 $0x1500  }
0x446: {  	[hbm4b:s26+s3] =	stream.linear.scatter [tilespmem:s28], [sflag:$0x1], $0x80, $0x38;
	[tilespmem:$0x2200] =	vst v63  }
0x447: {  	s29 =	sadd.s32 $0x80, s10;
	s30 =	simm.s32 $0x1700  }
0x448: {  	[hbm4b:s29+s3] =	stream.linear.scatter [tilespmem:s30], [sflag:$0x1], $0x80, $0x38;
	[tilespmem:$0x2200] =	vst v63  }
0x449: {  	s24 =	sadd.s32 $0xC0, s10;
	s25 =	simm.s32 $0x1900  }
0x44a: {  	[hbm4b:s24+s3] =	stream.linear.scatter [tilespmem:s25], [sflag:$0x1], $0x80, $0x38;
	[tilespmem:$0x2200] =	vst v63  }
0x44b: {  	s26 =	sadd.s32 $0x100, s10;
	s28 =	simm.s32 $0x1B00  }
0x44c: {  	[hbm4b:s26+s3] =	stream.linear.scatter [tilespmem:s28], [sflag:$0x1], $0x80, $0x38;
	[tilespmem:$0x2200] =	vst v63  }
0x44d: {  	s29 =	sadd.s32 $0x140, s10;
	s30 =	simm.s32 $0x1D00  }
0x44e: {  	[hbm4b:s29+s3] =	stream.linear.scatter [tilespmem:s30], [sflag:$0x1], $0x80, $0x38;
	[tilespmem:$0x2200] =	vst v63  }
0x44f: {  	s24 =	sadd.s32 $0x180, s10;
	s25 =	simm.s32 $0x1F00  }
0x450: {  	[hbm4b:s24+s3] =	stream.linear.scatter [tilespmem:s25], [sflag:$0x1], $0x80, $0x38;
	[tilespmem:$0x2200] =	vst v63  }
0x451: {  	s26 =	sadd.s32 $0x1C0, s10;
	s28 =	simm.s32 $0x2100  }
0x452: {  	[hbm4b:s26+s3] =	stream.linear.scatter [tilespmem:s28], [sflag:$0x1], $0x80, $0x38;
	[tilespmem:$0x2200] =	vst v63  }
0x453: {  	_ =	swait.ge [sflag:s14], $0x400  }
0x454: {  	[sflag:s14] =	ssyncset.done $0x0  }
0x455: {  	s29 =	simm.s32 $0x1380;
	[sflag:s14] =	ssyncadd.s32 $0xFFFFFC00  }
0x456: {  	[hbm4b:s11+s3] =	stream.linear.scatter [tilespmem:s29], [sflag:$0x1], $0x80, $0x38;
	[tilespmem:$0x2200] =	vst v63  }
0x457: {  	s30 =	sadd.s32 $0x40, s11  }
0x458: {  	[hbm4b:s30+s3] =	stream.linear.scatter [tilespmem:s31], [sflag:$0x1], $0x80, $0x38;
	[tilespmem:$0x2200] =	vst v63  }
0x459: {  	s24 =	sadd.s32 $0x80, s11  }
0x45a: {  	[hbm4b:s24+s3] =	stream.linear.scatter [tilespmem:s0], [sflag:$0x1], $0x80, $0x38;
	[tilespmem:$0x2200] =	vst v63  }
0x45b: {  	s25 =	sadd.s32 $0xC0, s11  }
0x45c: {  	[hbm4b:s25+s3] =	stream.linear.scatter [tilespmem:s2], [sflag:$0x1], $0x80, $0x38;
	[tilespmem:$0x2200] =	vst v63  }
0x45d: {  	s26 =	sadd.s32 $0x100, s11  }
0x45e: {  	[hbm4b:s26+s3] =	stream.linear.scatter [tilespmem:s1], [sflag:$0x1], $0x80, $0x38;
	[tilespmem:$0x2200] =	vst v63  }
0x45f: {  	s22 =	sadd.s32 $0x1, s22;
	s28 =	sadd.s32 $0x140, s11  }
0x460: {  	[hbm4b:s28+s3] =	stream.linear.scatter [tilespmem:s16], [sflag:$0x1], $0x80, $0x38;
	[tilespmem:$0x2200] =	vst v63  }
0x461: {  	p0 =	sne.s32 s22, s12;
	s29 =	sadd.s32 $0x180, s11  }
0x462: {  	[hbm4b:s29+s3] =	stream.linear.scatter [tilespmem:s18], [sflag:$0x1], $0x80, $0x38;
	[tilespmem:$0x2200] =	vst v63  }
.Ltmp1:
0x463: {  	s30 =	sadd.s32 $0x1C0, s11;
	(pc) =	sbr.rel @p0 .LBB2_1-.Ltmp1, $4  }
0x464: {  	[hbm4b:s30+s3] =	stream.linear.scatter [tilespmem:s20], [sflag:$0x1], $0x80, $0x38;
	[tilespmem:$0x2200] =	vst v63  }
0x465: {  	_ =	swait.ge [sflag:s14], $0x400  }
0x466: {  	[sflag:s14] =	ssyncset.done $0x0  }
0x467: {  	[sflag:s14] =	ssyncadd.s32 $0xFFFFFC00  }
0x468: {  	_ =	sfence.sel $0x180000  }
0x469: {  	[bflag:$0x0] =	sbarrier.arrive $0xFFFF  }
0x46a: {  	_ =	strace $0x90000047  }
0x46b: {  	s0 =	stileid.u32;
	[bflag:$0x2] =	sbarrier.arrive $0xFFFF  }
0x46c: {  	p0 =	sne.s32 s0, $0x0;
	s0 =	rddreg [dreg:$0x3]  }
0x46d: {  	s0 =	sadd.s32 @!p0 $0x100000, s0  }
0x46e: {  	[sflag:s0] =	ssyncadd.tile.s32 @!p0 $0x1;
	_ =	shalt  }
.Lfunc_end2:
_tile_overlayer_lowered:
.L_overlay_start_2:
0x46f: {  	(tag) =	ssettag $0x2  }
0x470: {  	s0 =	rddreg [dreg:$0x0];
	s2 =	stileid.u32  }
0x471: {  	s1 =	rddreg [dreg:$0x1];
	p0 =	sne.s32 s2, $0x0  }
0x472: {  	s3 =	rddreg [dreg:$0x2];
	[bflag:$0x3] =	sbarrier.arrive $0xFFFF;
	s2 =	simm.s32 @!p0 $0x1C01  }
0x473: {  	[timem:s3], [sflag:s2] =	dma.local @!p0 [hbm:s0], s1  }
0x474: {  	s0 =	simm.s32 @!p0 $0x1  }
0x475: {  	_ =	swait.ge @!p0 [sflag:s0], s1  }
0x476: {  	s1 =	ssub.s32 @!p0 $0x0, s1;
	[sflag:s0] =	ssyncset.done @!p0 $0x0  }
0x477: {  	[sflag:s0] =	ssyncadd.s32 @!p0 s1  }
0x478: {  	[bflag:$0x3] =	sbarrier.arrive $0xFFFF  }
0x479: {  	_ =	shalt  }

</sc_bundles>
